<compile_context>
chip_gen: v7x
topology: tpu7x:2x2x1
jax: 0.10.2.dev20260603
libtpu: 0.0.44.dev20260713+nightly
codegen_flags: <defaults>
</compile_context>

<pallas_src>
import functools

import jax
import jax.numpy as jnp
from jax import lax
from jax.experimental import pallas as pl
from jax.experimental.pallas import tpu as pltpu
from jax.experimental.pallas import tpu_sc as plsc

N = 10000
E = 320000
G = 64
F = 128
M = 16
H1 = 640
NW = 32
EPW = E // NW
CH = 80
NCH = EPW // CH
NP = 10240
NPT = NP // 16
BN = 2000
BE = 1280
EPS = 1e-5


def _silu(x):
    return x * jax.nn.sigmoid(x)


def _ln(x, g, b):
    mu = jnp.mean(x, axis=-1, keepdims=True)
    var = jnp.mean((x - mu) ** 2, axis=-1, keepdims=True)
    return (x - mu) * jax.lax.rsqrt(var + EPS) * g + b


def _sc_mesh():
    return plsc.VectorSubcoreMesh(core_axis_name="c", subcore_axis_name="s")


_SC_PARAMS = pltpu.CompilerParams(needs_layout_passes=False)



def _reldist(posx, posy, posz, src, dst):

    @functools.partial(
        pl.kernel,
        out_type=jax.ShapeDtypeStruct((E,), jnp.float32),
        mesh=_sc_mesh(),
        compiler_params=_SC_PARAMS,
        scratch_types=[
            pltpu.VMEM((N,), jnp.float32),
            pltpu.VMEM((N,), jnp.float32),
            pltpu.VMEM((N,), jnp.float32),
            pltpu.VMEM((EPW,), jnp.int32),
            pltpu.VMEM((EPW,), jnp.int32),
            pltpu.VMEM((EPW,), jnp.float32),
        ],
    )
    def k(px_h, py_h, pz_h, s_h, d_h, rel_h, px, py, pz, sv, dv, rv):
        wid = lax.axis_index("s") * 2 + lax.axis_index("c")
        base = wid * EPW
        pltpu.sync_copy(px_h, px)
        pltpu.sync_copy(py_h, py)
        pltpu.sync_copy(pz_h, pz)
        pltpu.sync_copy(s_h.at[pl.ds(base, EPW)], sv)
        pltpu.sync_copy(d_h.at[pl.ds(base, EPW)], dv)

        @pl.loop(0, EPW // 16)
        def _(i):
            o = i * 16
            si = sv[pl.ds(o, 16)]
            di = dv[pl.ds(o, 16)]
            ax = plsc.load_gather(px, [si]) - plsc.load_gather(px, [di])
            ay = plsc.load_gather(py, [si]) - plsc.load_gather(py, [di])
            az = plsc.load_gather(pz, [si]) - plsc.load_gather(pz, [di])
            rv[pl.ds(o, 16)] = ax * ax + ay * ay + az * az

        pltpu.sync_copy(rv, rel_h.at[pl.ds(base, EPW)])

    return k(posx, posy, posz, src, dst)


def _gather2(feats, src, dst):

    @functools.partial(
        pl.kernel,
        out_type=jax.ShapeDtypeStruct((E, 2 * F), jnp.float32),
        mesh=_sc_mesh(),
        compiler_params=_SC_PARAMS,
        scratch_types=[
            pltpu.VMEM((CH,), jnp.int32),
            pltpu.VMEM((CH,), jnp.int32),
            pltpu.VMEM((CH,), jnp.int32),
            pltpu.VMEM((CH,), jnp.int32),
            pltpu.VMEM((CH, F), jnp.float32),
            pltpu.VMEM((CH, F), jnp.float32),
            pltpu.VMEM((CH, F), jnp.float32),
            pltpu.VMEM((CH, F), jnp.float32),
        ] + [pltpu.SemaphoreType.DMA] * 8,
    )
    def k(f_h, s_h, d_h, xc_h, is0, is1, id0, id1, rs0, rs1, rd0, rd1,
          sgs0, sgs1, sgd0, sgd1, sws0, sws1, swd0, swd1):
        wid = lax.axis_index("s") * 2 + lax.axis_index("c")
        base = wid * EPW
        isb, idb = (is0, is1), (id0, id1)
        rsb, rdb = (rs0, rs1), (rd0, rd1)
        sg_s, sg_d = (sgs0, sgs1), (sgd0, sgd1)
        sw_s, sw_d = (sws0, sws1), (swd0, swd1)

        def start_gather(c, b):
            off = base + c * CH
            pltpu.sync_copy(s_h.at[pl.ds(off, CH)], isb[b])
            pltpu.sync_copy(d_h.at[pl.ds(off, CH)], idb[b])
            pltpu.async_copy(f_h.at[isb[b]], rsb[b], sg_s[b])
            pltpu.async_copy(f_h.at[idb[b]], rdb[b], sg_d[b])

        def wait_gather(b):
            pltpu.make_async_copy(f_h.at[isb[b]], rsb[b], sg_s[b]).wait()
            pltpu.make_async_copy(f_h.at[idb[b]], rdb[b], sg_d[b]).wait()

        def start_wb(c, b):
            off = base + c * CH
            pltpu.async_copy(rdb[b], xc_h.at[pl.ds(off, CH), pl.ds(0, F)],
                             sw_d[b])
            pltpu.async_copy(rsb[b], xc_h.at[pl.ds(off, CH), pl.ds(F, F)],
                             sw_s[b])

        def wait_wb(b):
            pltpu.make_async_copy(rdb[b],
                                  xc_h.at[pl.ds(base, CH), pl.ds(0, F)],
                                  sw_d[b]).wait()
            pltpu.make_async_copy(rsb[b],
                                  xc_h.at[pl.ds(base, CH), pl.ds(F, F)],
                                  sw_s[b]).wait()

        start_gather(0, 0)

        @pl.loop(0, NCH - 1, step=2)
        def _(kk):
            @pl.when(kk > 0)
            def _():
                wait_wb(1)
            start_gather(kk + 1, 1)
            wait_gather(0)
            start_wb(kk, 0)
            wait_wb(0)
            start_gather(kk + 2, 0)
            wait_gather(1)
            start_wb(kk + 1, 1)

        wait_gather(0)
        start_wb(NCH - 1, 0)
        wait_wb(1)
        wait_wb(0)

    return k(feats, src, dst)


def _scatter_sum(m, dst, zeros_nm):

    @functools.partial(
        pl.kernel,
        out_type=jax.ShapeDtypeStruct((2, NP, M), jnp.float32),
        mesh=_sc_mesh(),
        compiler_params=pltpu.CompilerParams(needs_layout_passes=False,
                                             use_tc_tiling_on_sc=False),
        scratch_types=[
            pltpu.VMEM_SHARED((NP, M), jnp.float32),
            pltpu.VMEM((CH,), jnp.int32),
            pltpu.VMEM((CH, M), jnp.float32),
        ],
    )
    def k(m_h, d_h, z_h, out_h, shared, idx, rows):
        c = lax.axis_index("c")
        s = lax.axis_index("s")
        pltpu.sync_copy(z_h.at[pl.ds(s * NPT, NPT)],
                        shared.at[pl.ds(s * NPT, NPT)])
        plsc.subcore_barrier()
        base = (s * 2 + c) * EPW

        @pl.loop(0, NCH)
        def _(kk):
            off = base + kk * CH
            pltpu.sync_copy(d_h.at[pl.ds(off, CH)], idx)
            pltpu.sync_copy(m_h.at[pl.ds(off, CH)], rows)
            pltpu.sync_copy(rows, shared.at[idx], add=True)

        plsc.subcore_barrier()
        pltpu.sync_copy(shared.at[pl.ds(s * NPT, NPT)],
                        out_h.at[c, pl.ds(s * NPT, NPT)])

    return k(m, dst, zeros_nm)



def _pre_call(ids4, tabs4, w1s4, b1, w2, b2, w3, b3):
    def body(a_r, r_r, h_r, ar_r, ta, tr, th, tar, wa, wr, wh, war,
             b1_r, w2_r, b2_r, w3_r, b3_r, o_r):
        iot = lax.broadcasted_iota(jnp.int32, (1, 16), 1)
        z = jnp.zeros((BN, 2 * F), jnp.float32) + b1_r[...]
        for idr, tb, wk in ((a_r, ta, wa), (r_r, tr, wr),
                           (h_r, th, wh), (ar_r, tar, war)):
            oh = (idr[...] == iot).astype(jnp.float32)
            e = jnp.dot(oh, tb[...], preferred_element_type=jnp.float32)
            z = z + jnp.dot(e, wk[...], preferred_element_type=jnp.float32)
        f = _silu(z)
        f = _silu(jnp.dot(f, w2_r[...], preferred_element_type=jnp.float32)
                  + b2_r[...])
        f = _silu(jnp.dot(f, w3_r[...], preferred_element_type=jnp.float32)
                  + b3_r[...])
        o_r[...] = f

    full = lambda w: pl.BlockSpec(w.shape, lambda i: tuple(0 for _ in w.shape))
    idspec = pl.BlockSpec((BN, 1), lambda i: (i, 0))
    args = list(tabs4) + list(w1s4) + [b1, w2, b2, w3, b3]
    return pl.pallas_call(
        body,
        grid=(N // BN,),
        in_specs=[idspec] * 4 + [full(w) for w in args],
        out_specs=pl.BlockSpec((BN, F), lambda i: (i, 0)),
        out_shape=jax.ShapeDtypeStruct((N, F), jnp.float32),
    )(*ids4, *args)


def _edge_call(xy, rel2, wxy, wtail, w2, b2, g1, bb1):
    def body(xy_r, rel_r, wxy_r, wt_r,
             w2_r, b2_r, g_r, b_r, o_r):
        r = rel_r[...]
        isc = jnp.float32(2.0) ** (
            -lax.broadcasted_iota(jnp.int32, (1, 16), 1).astype(jnp.float32))
        xs = r * isc
        u = xs * jnp.float32(2.0 ** -8)
        u2 = u * u
        s = u * (1.0 + u2 * (-1.0 / 6.0 + u2 * (1.0 / 120.0
                                                + u2 * (-1.0 / 5040.0))))
        c = 1.0 + u2 * (-0.5 + u2 * (1.0 / 24.0 + u2 * (-1.0 / 720.0
                                                        + u2 * (1.0 / 40320.0))))
        for _ in range(8):
            s, c = 2.0 * s * c, (c - s) * (c + s)
        tail = jnp.concatenate(
            [s, c, r, jnp.ones((BE, 1), jnp.float32)],
            axis=1).astype(jnp.bfloat16)
        m1 = (jnp.dot(xy_r[...].astype(jnp.bfloat16), wxy_r[...],
                      preferred_element_type=jnp.float32)
              + jnp.dot(tail, wt_r[...], preferred_element_type=jnp.float32))
        m1 = _silu(m1)
        m2 = _silu(jnp.dot(m1.astype(jnp.bfloat16), w2_r[...],
                           preferred_element_type=jnp.float32) + b2_r[...])
        o_r[...] = _ln(m2, g_r[...], b_r[...])

    full = lambda w: pl.BlockSpec(w.shape, lambda i: tuple(0 for _ in w.shape))
    ws_list = [wxy, wtail, w2, b2, g1, bb1]
    return pl.pallas_call(
        body,
        grid=(E // BE,),
        in_specs=[pl.BlockSpec((BE, 2 * F), lambda i: (i, 0)),
                  pl.BlockSpec((BE, 1), lambda i: (i, 0))]
                 + [full(w) for w in ws_list],
        out_specs=pl.BlockSpec((BE, M), lambda i: (i, 0)),
        out_shape=jax.ShapeDtypeStruct((E, M), jnp.float32),
    )(xy, rel2, *ws_list)


def _node_call(feats, ms0, ms1, en2_g, en2_b, nn1_g, nn1_b,
               w1h, w1m, b1, w2, b2, nn2_g, nn2_b):
    def body(f_r, m0_r, m1_r, eg_r, eb_r, ng_r, nb_r, w1h_r, w1m_r, b1_r,
             w2_r, b2_r, g2_r, b2g_r, o_r):
        f = f_r[...]
        mi = _ln(m0_r[...] + m1_r[...], eg_r[...], eb_r[...])
        h = _ln(f, ng_r[...], nb_r[...])
        n1 = _silu(jnp.dot(h, w1h_r[...], preferred_element_type=jnp.float32)
                   + jnp.dot(mi, w1m_r[...], preferred_element_type=jnp.float32)
                   + b1_r[...])
        h2 = jnp.dot(n1, w2_r[...], preferred_element_type=jnp.float32) + b2_r[...]
        o_r[...] = f + _ln(h2, g2_r[...], b2g_r[...])

    full = lambda w: pl.BlockSpec(w.shape, lambda i: tuple(0 for _ in w.shape))
    ws_list = [en2_g, en2_b, nn1_g, nn1_b, w1h, w1m, b1, w2, b2, nn2_g, nn2_b]
    return pl.pallas_call(
        body,
        grid=(N // BN,),
        in_specs=[pl.BlockSpec((BN, F), lambda i: (i, 0)),
                  pl.BlockSpec((BN, M), lambda i: (i, 0)),
                  pl.BlockSpec((BN, M), lambda i: (i, 0))]
                 + [full(w) for w in ws_list],
        out_specs=pl.BlockSpec((BN, F), lambda i: (i, 0)),
        out_shape=jax.ShapeDtypeStruct((N, F), jnp.float32),
    )(feats, ms0, ms1, *ws_list)


def _post_call(featcat, batch3, w1, b1, w2, b2, w3, b3):
    def body(x_r, bt_r, w1_r, b1_r, w2_r, b2_r, w3_r, b3_r, o_r, acc_s, acc_c):
        i = pl.program_id(0)
        h = _silu(jnp.dot(x_r[...], w1_r[...], preferred_element_type=jnp.float32)
                  + b1_r[...])
        h = _silu(jnp.dot(h, w2_r[...], preferred_element_type=jnp.float32)
                  + b2_r[...])
        h = _silu(jnp.dot(h, w3_r[...], preferred_element_type=jnp.float32)
                  + b3_r[...])
        brow = bt_r[...].reshape(1, BN)
        oh = (lax.broadcasted_iota(jnp.int32, (G, 1), 0) == brow
              ).astype(jnp.float32)
        s_blk = jnp.dot(oh, h, preferred_element_type=jnp.float32)
        c_blk = jnp.dot(oh, jnp.ones((BN, F), jnp.float32),
                        preferred_element_type=jnp.float32)

        @pl.when(i == 0)
        def _():
            acc_s[...] = s_blk
            acc_c[...] = c_blk

        @pl.when(i > 0)
        def _():
            acc_s[...] += s_blk
            acc_c[...] += c_blk

        @pl.when(i == pl.num_programs(0) - 1)
        def _():
            o_r[...] = acc_s[...] / jnp.maximum(acc_c[...], 1.0)

    full = lambda w: pl.BlockSpec(w.shape, lambda i: tuple(0 for _ in w.shape))
    ws_list = [w1, b1, w2, b2, w3, b3]
    return pl.pallas_call(
        body,
        grid=(N // BN,),
        in_specs=[pl.BlockSpec((BN, 4 * F), lambda i: (i, 0)),
                  pl.BlockSpec((1, 1, BN), lambda i: (i, 0, 0))]
                 + [full(w) for w in ws_list],
        out_specs=pl.BlockSpec((G, F), lambda i: (0, 0)),
        out_shape=jax.ShapeDtypeStruct((G, F), jnp.float32),
        scratch_shapes=[pltpu.VMEM((G, F), jnp.float32),
                        pltpu.VMEM((G, F), jnp.float32)],
    )(featcat, batch3, *ws_list)



def kernel(atom_ids, ring_ids, hybr_ids, arom_ids, pos, edge_index, batch, params):
    p = params
    src = edge_index[0].astype(jnp.int32)
    dst = edge_index[1].astype(jnp.int32)
    posx = pos[:, 0]
    posy = pos[:, 1]
    posz = pos[:, 2]

    ids4 = [a.reshape(N, 1).astype(jnp.int32)
            for a in (atom_ids, ring_ids, hybr_ids, arom_ids)]
    tabs4 = [jnp.pad(p[k], ((0, 16 - p[k].shape[0]), (0, 0)))
             for k in ('atom_em', 'ring_em', 'hybr_em', 'arom_em')]
    w1s4 = [p['pre_w1'][i * F:(i + 1) * F] for i in range(4)]

    f0 = _pre_call(ids4, tabs4, w1s4,
                   p['pre_b1'].reshape(1, -1), p['pre_w2'],
                   p['pre_b2'].reshape(1, -1), p['pre_w3'],
                   p['pre_b3'].reshape(1, -1))

    rel = _reldist(posx, posy, posz, src, dst)
    rel2 = rel.reshape(E, 1)
    zeros_nm = jnp.zeros((NP, M), jnp.float32)

    feats = f0
    feat_list = [f0]
    for l in range(3):
        kp = p['kernels'][l]
        W1 = kp['e_w1']
        pad_o = lambda w: jnp.pad(w, ((0, 0), (0, H1 - W1.shape[1])))
        w1a = pad_o(W1[0:128])
        w1b = pad_o(W1[128:256])
        ws = pad_o(W1[256:272])
        wc = pad_o(W1[272:288])
        wr = pad_o(W1[288:289])
        b1 = jnp.pad(kp['e_b1'], (0, H1 - W1.shape[1])).reshape(1, H1)
        w2 = jnp.pad(kp['e_w2'], ((0, H1 - W1.shape[1]), (0, 0)))
        nw1 = kp['n_w1']

        xy = _gather2(feats, src, dst)
        wxy = jnp.concatenate([w1a, w1b], axis=0).astype(jnp.bfloat16)
        wtail = jnp.concatenate([ws, wc, wr, b1],
                                axis=0).astype(jnp.bfloat16)
        m = _edge_call(xy, rel2, wxy, wtail, w2.astype(jnp.bfloat16),
                       kp['e_b2'].reshape(1, M),
                       kp['en1_g'].reshape(1, M), kp['en1_b'].reshape(1, M))
        msum = _scatter_sum(m, dst, zeros_nm)
        feats = _node_call(feats, msum[0, :N], msum[1, :N],
                           kp['en2_g'].reshape(1, M), kp['en2_b'].reshape(1, M),
                           kp['nn1_g'].reshape(1, F), kp['nn1_b'].reshape(1, F),
                           nw1[:F], nw1[F:], kp['n_b1'].reshape(1, -1),
                           kp['n_w2'], kp['n_b2'].reshape(1, -1),
                           kp['nn2_g'].reshape(1, F), kp['nn2_b'].reshape(1, F))
        feat_list.append(feats)

    featcat = jnp.concatenate(feat_list, axis=1)
    batch3 = batch.astype(jnp.int32).reshape(N // BN, 1, BN)
    return _post_call(featcat, batch3,
                      p['post_w1'], p['post_b1'].reshape(1, -1),
                      p['post_w2'], p['post_b2'].reshape(1, -1),
                      p['post_w3'], p['post_b3'].reshape(1, -1))

# --- scband reference (transcript-rebuilt; emitter-appended) ---
"""Pipeline reference for scband-graph-transformer-55972013802259 (READ-ONLY COPY).

The authoritative reference and input builder live on the scoring server;
editing this copy changes nothing except your own understanding.
"""

import jax, jax.numpy as jnp
import numpy as np

N = 10000
E = 320000
N_GRAPHS = 64
KERNEL_DIM = 128
M_DIM = 16
EMB_DIM = 128
N_KERNELS = 3
POS_DIM = 3
FOURIER = 16
EDGE_IN = 2 * KERNEL_DIM + 2 * FOURIER + 1  # 289


def _linear(key, din, dout):
    w = jax.random.normal(key, (din, dout), dtype=jnp.float32) * (1.0 / np.sqrt(din))
    b = jnp.zeros((dout,), dtype=jnp.float32)
    return w, b


def layer_norm(x, g, b, eps=1e-5):
    mu = jnp.mean(x, axis=-1, keepdims=True)
    var = jnp.var(x, axis=-1, keepdims=True)
    return (x - mu) / jnp.sqrt(var + eps) * g + b


def fourier_encode_dist(x, num_encodings=FOURIER):
    x = x[..., None]  # [E,1,1]
    scales = 2.0 ** jnp.arange(num_encodings, dtype=x.dtype)
    xs = x / scales
    out = jnp.concatenate([jnp.sin(xs), jnp.cos(xs)], axis=-1)
    out = jnp.concatenate([out, x], axis=-1)  # [E,1,2F+1]
    return out


def egnn_sparse3d(x, edge_index, p):
    coors = x[:, :POS_DIM]
    feats = x[:, POS_DIM:]
    src = edge_index[0]
    dst = edge_index[1]
    rel_coors = coors[src] - coors[dst]
    rel_dist = jnp.sum(rel_coors ** 2, axis=-1, keepdims=True)  # [E,1]
    edge_attr = fourier_encode_dist(rel_dist)[:, 0, :]  # [E,33]
    x_i = feats[dst]
    x_j = feats[src]
    m = jnp.concatenate([x_i, x_j, edge_attr], axis=-1)
    m = jax.nn.silu(m @ p['e_w1'] + p['e_b1'])
    m = jax.nn.silu(m @ p['e_w2'] + p['e_b2'])
    m = layer_norm(m, p['en1_g'], p['en1_b'])
    m_i = jax.ops.segment_sum(m, dst, num_segments=feats.shape[0])
    m_i = layer_norm(m_i, p['en2_g'], p['en2_b'])
    h = layer_norm(feats, p['nn1_g'], p['nn1_b'])
    h = jnp.concatenate([h, m_i], axis=-1)
    h = jax.nn.silu(h @ p['n_w1'] + p['n_b1'])
    h = h @ p['n_w2'] + p['n_b2']
    h = layer_norm(h, p['nn2_g'], p['nn2_b'])
    h = feats + h
    return jnp.concatenate([coors, h], axis=-1)


def forward(atom_ids, ring_ids, hybr_ids, arom_ids, pos, edge_index, batch, params):
    emb = jnp.concatenate([
        params['atom_em'][atom_ids],
        params['ring_em'][ring_ids],
        params['hybr_em'][hybr_ids],
        params['arom_em'][arom_ids],
    ], axis=-1)  # [N, 512]
    f = jax.nn.silu(emb @ params['pre_w1'] + params['pre_b1'])
    f = jax.nn.silu(f @ params['pre_w2'] + params['pre_b2'])
    f = jax.nn.silu(f @ params['pre_w3'] + params['pre_b3'])  # [N, 128]
    feature_list = [f]
    x = jnp.concatenate([pos, f], axis=-1)  # [N, 131]
    for i in range(N_KERNELS):
        x = egnn_sparse3d(x, edge_index, params['kernels'][i])
        feature_list.append(x[:, POS_DIM:])
    feats = jnp.concatenate(feature_list, axis=-1)  # [N, 512]
    h = jax.nn.silu(feats @ params['post_w1'] + params['post_b1'])
    h = jax.nn.silu(h @ params['post_w2'] + params['post_b2'])
    h = jax.nn.silu(h @ params['post_w3'] + params['post_b3'])  # [N, 128]
    sums = jax.ops.segment_sum(h, batch, num_segments=N_GRAPHS)
    counts = jax.ops.segment_sum(jnp.ones((h.shape[0],), dtype=h.dtype), batch, num_segments=N_GRAPHS)
    pooled = sums / jnp.clip(counts, 1.0)[:, None]  # [B, 128]
    return pooled


def setup_inputs(seed: int = 0):
    key = jax.random.key(seed)
    ks = jax.random.split(key, 48)
    atom_ids = jax.random.randint(ks[0], (N,), 0, 10)
    ring_ids = jax.random.randint(ks[1], (N,), 0, 2)
    hybr_ids = jax.random.randint(ks[2], (N,), 0, 4)
    arom_ids = jax.random.randint(ks[3], (N,), 0, 2)
    pos = jax.random.normal(ks[4], (N, 3), dtype=jnp.float32)
    edge_index = jax.random.randint(ks[5], (2, E), 0, N)
    batch = jnp.sort(jax.random.randint(ks[6], (N,), 0, N_GRAPHS))
    params = {}
    params['atom_em'] = jax.random.normal(ks[7], (10, EMB_DIM), dtype=jnp.float32) * 0.02
    params['ring_em'] = jax.random.normal(ks[8], (2, EMB_DIM), dtype=jnp.float32) * 0.02
    params['hybr_em'] = jax.random.normal(ks[9], (4, EMB_DIM), dtype=jnp.float32) * 0.02
    params['arom_em'] = jax.random.normal(ks[10], (2, EMB_DIM), dtype=jnp.float32) * 0.02
    params['pre_w1'], params['pre_b1'] = _linear(ks[11], 4 * EMB_DIM, 2 * KERNEL_DIM)
    params['pre_w2'], params['pre_b2'] = _linear(ks[12], 2 * KERNEL_DIM, KERNEL_DIM)
    params['pre_w3'], params['pre_b3'] = _linear(ks[13], KERNEL_DIM, KERNEL_DIM)
    kernels = []
    kidx = 14
    for i in range(N_KERNELS):
        p = {}
        p['e_w1'], p['e_b1'] = _linear(ks[kidx], EDGE_IN, EDGE_IN * 2)
        p['e_w2'], p['e_b2'] = _linear(ks[kidx + 1], EDGE_IN * 2, M_DIM)
        p['n_w1'], p['n_b1'] = _linear(ks[kidx + 2], KERNEL_DIM + M_DIM, KERNEL_DIM * 2)
        p['n_w2'], p['n_b2'] = _linear(ks[kidx + 3], KERNEL_DIM * 2, KERNEL_DIM)
        p['en1_g'] = jnp.ones((M_DIM,), dtype=jnp.float32)
        p['en1_b'] = jnp.zeros((M_DIM,), dtype=jnp.float32)
        p['en2_g'] = jnp.ones((M_DIM,), dtype=jnp.float32)
        p['en2_b'] = jnp.zeros((M_DIM,), dtype=jnp.float32)
        p['nn1_g'] = jnp.ones((KERNEL_DIM,), dtype=jnp.float32)
        p['nn1_b'] = jnp.zeros((KERNEL_DIM,), dtype=jnp.float32)
        p['nn2_g'] = jnp.ones((KERNEL_DIM,), dtype=jnp.float32)
        p['nn2_b'] = jnp.zeros((KERNEL_DIM,), dtype=jnp.float32)
        kernels.append(p)
        kidx += 4
    params['kernels'] = kernels
    params['post_w1'], params['post_b1'] = _linear(ks[kidx], KERNEL_DIM * (N_KERNELS + 1), KERNEL_DIM)
    params['post_w2'], params['post_b2'] = _linear(ks[kidx + 1], KERNEL_DIM, KERNEL_DIM)
    params['post_w3'], params['post_b3'] = _linear(ks[kidx + 2], KERNEL_DIM, KERNEL_DIM)
    return {'atom_ids': atom_ids, 'ring_ids': ring_ids, 'hybr_ids': hybr_ids, 'arom_ids': arom_ids,
            'pos': pos, 'edge_index': edge_index, 'batch': batch, 'params': params}


def reference(atom_ids, ring_ids, hybr_ids, arom_ids, pos, edge_index, batch, params):
    return forward(atom_ids, ring_ids, hybr_ids, arom_ids, pos, edge_index, batch, params)

if __name__ == "__main__":
    import jax
    _d = setup_inputs()
    print(jax.jit(kernel)(*tuple(_d.values())))

</pallas_src>

<mosaic_0001>
#map = affine_map<(d0, d1) -> (0, 0)>
#map1 = affine_map<(d0, d1) -> (0)>
module attributes {stable_mosaic.version = 14 : i64} {
  func.func @k(%arg0: i32, %arg1: i32, %arg2: memref<10000x128xf32, #tpu.memory_space<hbm>>, %arg3: memref<320000xi32, #tpu.memory_space<hbm>>, %arg4: memref<320000xi32, #tpu.memory_space<hbm>>, %arg5: memref<320000x256xf32, #tpu.memory_space<hbm>>, %arg6: memref<80xi32, #tpu.memory_space<vmem>>, %arg7: memref<80xi32, #tpu.memory_space<vmem>>, %arg8: memref<80xi32, #tpu.memory_space<vmem>>, %arg9: memref<80xi32, #tpu.memory_space<vmem>>, %arg10: memref<80x128xf32, #tpu.memory_space<vmem>>, %arg11: memref<80x128xf32, #tpu.memory_space<vmem>>, %arg12: memref<80x128xf32, #tpu.memory_space<vmem>>, %arg13: memref<80x128xf32, #tpu.memory_space<vmem>>, %arg14: memref<!tpu.dma_semaphore, #tpu.memory_space<semaphore_mem>>, %arg15: memref<!tpu.dma_semaphore, #tpu.memory_space<semaphore_mem>>, %arg16: memref<!tpu.dma_semaphore, #tpu.memory_space<semaphore_mem>>, %arg17: memref<!tpu.dma_semaphore, #tpu.memory_space<semaphore_mem>>, %arg18: memref<!tpu.dma_semaphore, #tpu.memory_space<semaphore_mem>>, %arg19: memref<!tpu.dma_semaphore, #tpu.memory_space<semaphore_mem>>, %arg20: memref<!tpu.dma_semaphore, #tpu.memory_space<semaphore_mem>>, %arg21: memref<!tpu.dma_semaphore, #tpu.memory_space<semaphore_mem>>) attributes {dimension_semantics = [#tpu.dimension_semantics<core_parallel>, #tpu.dimension_semantics<subcore_parallel>], iteration_bounds = array<i64: 2, 16>, scalar_prefetch = 0 : i64, scratch_operands = 16 : i64, tpu.core_type = #tpu.core_type<sc_vector_subcore>, window_params = [{transform_indices = #map}, {transform_indices = #map1}, {transform_indices = #map1}, {transform_indices = #map}]} {
    %mul3A = arith.constant 2 : i32
    %mul3A_0 = arith.muli %arg1, %mul3A : i32
    %add3A = arith.addi %mul3A_0, %arg0 : i32
    %mul3A_1 = arith.constant 10000 : i32
    %mul3A_2 = arith.muli %add3A, %mul3A_1 : i32
    %add3A_3 = arith.constant 0 : i32
    %add3A_4 = arith.addi %mul3A_2, %add3A_3 : i32
    "tpu.region"() ({
      %run_scoped3A = tpu.sem_alloc : memref<!tpu.dma_semaphore, #tpu.memory_space<semaphore_mem>>
      %dma_start3A_45 = tpu.memref_slice %arg3[%add3A_4] : memref<320000xi32, #tpu.memory_space<hbm>> -> memref<80xi32, #tpu.memory_space<hbm>>
      %dma_start3A_46 = tpu.memref_slice %arg3[%add3A_4] : memref<320000xi32, #tpu.memory_space<hbm>> -> memref<80xi32, #tpu.memory_space<hbm>>
      tpu.enqueue_dma source(%dma_start3A_46 : memref<80xi32, #tpu.memory_space<hbm>>) target(%arg6 : memref<80xi32, #tpu.memory_space<vmem>>) target_semaphore(%run_scoped3A : memref<!tpu.dma_semaphore, #tpu.memory_space<semaphore_mem>>)
      %dma_wait3A_47 = tpu.memref_slice %arg3[%add3A_4] : memref<320000xi32, #tpu.memory_space<hbm>> -> memref<80xi32, #tpu.memory_space<hbm>>
      %dma_wait3A_48 = tpu.memref_slice %arg3[%add3A_4] : memref<320000xi32, #tpu.memory_space<hbm>> -> memref<80xi32, #tpu.memory_space<hbm>>
      tpu.wait_dma2 semaphore(%run_scoped3A : memref<!tpu.dma_semaphore, #tpu.memory_space<semaphore_mem>>) src(%dma_wait3A_48 : memref<80xi32, #tpu.memory_space<hbm>>) dst(%arg6 : memref<80xi32, #tpu.memory_space<vmem>>)
      tpu.yield
    }) : () -> ()
    "tpu.region"() ({
      %run_scoped3A = tpu.sem_alloc : memref<!tpu.dma_semaphore, #tpu.memory_space<semaphore_mem>>
      %dma_start3A_45 = tpu.memref_slice %arg4[%add3A_4] : memref<320000xi32, #tpu.memory_space<hbm>> -> memref<80xi32, #tpu.memory_space<hbm>>
      %dma_start3A_46 = tpu.memref_slice %arg4[%add3A_4] : memref<320000xi32, #tpu.memory_space<hbm>> -> memref<80xi32, #tpu.memory_space<hbm>>
      tpu.enqueue_dma source(%dma_start3A_46 : memref<80xi32, #tpu.memory_space<hbm>>) target(%arg8 : memref<80xi32, #tpu.memory_space<vmem>>) target_semaphore(%run_scoped3A : memref<!tpu.dma_semaphore, #tpu.memory_space<semaphore_mem>>)
      %dma_wait3A_47 = tpu.memref_slice %arg4[%add3A_4] : memref<320000xi32, #tpu.memory_space<hbm>> -> memref<80xi32, #tpu.memory_space<hbm>>
      %dma_wait3A_48 = tpu.memref_slice %arg4[%add3A_4] : memref<320000xi32, #tpu.memory_space<hbm>> -> memref<80xi32, #tpu.memory_space<hbm>>
      tpu.wait_dma2 semaphore(%run_scoped3A : memref<!tpu.dma_semaphore, #tpu.memory_space<semaphore_mem>>) src(%dma_wait3A_48 : memref<80xi32, #tpu.memory_space<hbm>>) dst(%arg8 : memref<80xi32, #tpu.memory_space<vmem>>)
      tpu.yield
    }) : () -> ()
    %dma_start3A = arith.constant 0 : i32
    %dma_start3A_5 = arith.constant 0 : i32
    %dma_start3A_6 = tpu.memref_slice %arg2[%dma_start3A, %dma_start3A_5] : memref<10000x128xf32, #tpu.memory_space<hbm>> -> memref<10000x128xf32, #tpu.memory_space<hbm>>
    tpu.enqueue_indirect_dma source(%dma_start3A_6 : memref<10000x128xf32, #tpu.memory_space<hbm>>) target(%arg10 : memref<80x128xf32, #tpu.memory_space<vmem>>) offsets(%arg6 : memref<80xi32, #tpu.memory_space<vmem>>) semaphore(%arg14 : memref<!tpu.dma_semaphore, #tpu.memory_space<semaphore_mem>>)
    %dma_start3A_7 = arith.constant 0 : i32
    %dma_start3A_8 = arith.constant 0 : i32
    %dma_start3A_9 = tpu.memref_slice %arg2[%dma_start3A_7, %dma_start3A_8] : memref<10000x128xf32, #tpu.memory_space<hbm>> -> memref<10000x128xf32, #tpu.memory_space<hbm>>
    tpu.enqueue_indirect_dma source(%dma_start3A_9 : memref<10000x128xf32, #tpu.memory_space<hbm>>) target(%arg12 : memref<80x128xf32, #tpu.memory_space<vmem>>) offsets(%arg8 : memref<80xi32, #tpu.memory_space<vmem>>) semaphore(%arg16 : memref<!tpu.dma_semaphore, #tpu.memory_space<semaphore_mem>>)
    %scan3A = arith.constant 0 : i32
    %scan3A_10 = arith.constant 62 : i32
    %scan3A_11 = arith.addi %scan3A, %scan3A_10 : i32
    %scan3A_12 = arith.constant 1 : i32
    scf.for %scan3A_45 = %scan3A to %scan3A_11 step %scan3A_12  : i32 {
      %mul3A_46 = arith.constant 2 : i32
      %mul3A_47 = arith.muli %scan3A_45, %mul3A_46 : i32
      %add3A_48 = arith.constant 0 : i32
      %add3A_49 = arith.addi %add3A_48, %mul3A_47 : i32
      %gt3A = arith.constant 0 : i32
      %gt3A_50 = arith.cmpi sgt, %add3A_49, %gt3A : i32
      %convert_element_type3A = arith.extui %gt3A_50 : i1 to i32
      %cond3A = arith.constant 0 : i32
      %cond3A_51 = arith.cmpi ne, %convert_element_type3A, %cond3A : i32
      scf.if %cond3A_51 {
        %dma_wait3A_118 = arith.constant 0 : i32
        %dma_wait3A_119 = tpu.memref_slice %arg5[%mul3A_2, %dma_wait3A_118] : memref<320000x256xf32, #tpu.memory_space<hbm>> -> memref<80x128xf32, #tpu.memory_space<hbm>>
        %dma_wait3A_120 = arith.constant 0 : i32
        %dma_wait3A_121 = tpu.memref_slice %arg5[%mul3A_2, %dma_wait3A_120] : memref<320000x256xf32, #tpu.memory_space<hbm>> -> memref<80x128xf32, #tpu.memory_space<hbm>>
        tpu.wait_dma2 semaphore(%arg21 : memref<!tpu.dma_semaphore, #tpu.memory_space<semaphore_mem>>) src(%arg13 : memref<80x128xf32, #tpu.memory_space<vmem>>) dst(%dma_wait3A_121 : memref<80x128xf32, #tpu.memory_space<hbm>>)
        %dma_wait3A_122 = arith.constant 128 : i32
        %dma_wait3A_123 = tpu.memref_slice %arg5[%mul3A_2, %dma_wait3A_122] : memref<320000x256xf32, #tpu.memory_space<hbm>> -> memref<80x128xf32, #tpu.memory_space<hbm>>
        %dma_wait3A_124 = arith.constant 128 : i32
        %dma_wait3A_125 = tpu.memref_slice %arg5[%mul3A_2, %dma_wait3A_124] : memref<320000x256xf32, #tpu.memory_space<hbm>> -> memref<80x128xf32, #tpu.memory_space<hbm>>
        tpu.wait_dma2 semaphore(%arg19 : memref<!tpu.dma_semaphore, #tpu.memory_space<semaphore_mem>>) src(%arg11 : memref<80x128xf32, #tpu.memory_space<vmem>>) dst(%dma_wait3A_125 : memref<80x128xf32, #tpu.memory_space<hbm>>)
      } else {
      }
      %add3A_52 = arith.constant 1 : i32
      %add3A_53 = arith.addi %add3A_49, %add3A_52 : i32
      %mul3A_54 = arith.constant 80 : i32
      %mul3A_55 = arith.muli %add3A_53, %mul3A_54 : i32
      %add3A_56 = arith.addi %mul3A_2, %mul3A_55 : i32
      "tpu.region"() ({
        %run_scoped3A = tpu.sem_alloc : memref<!tpu.dma_semaphore, #tpu.memory_space<semaphore_mem>>
        %dma_start3A_118 = tpu.memref_slice %arg3[%add3A_56] : memref<320000xi32, #tpu.memory_space<hbm>> -> memref<80xi32, #tpu.memory_space<hbm>>
        %dma_start3A_119 = tpu.memref_slice %arg3[%add3A_56] : memref<320000xi32, #tpu.memory_space<hbm>> -> memref<80xi32, #tpu.memory_space<hbm>>
        tpu.enqueue_dma source(%dma_start3A_119 : memref<80xi32, #tpu.memory_space<hbm>>) target(%arg7 : memref<80xi32, #tpu.memory_space<vmem>>) target_semaphore(%run_scoped3A : memref<!tpu.dma_semaphore, #tpu.memory_space<semaphore_mem>>)
        %dma_wait3A_120 = tpu.memref_slice %arg3[%add3A_56] : memref<320000xi32, #tpu.memory_space<hbm>> -> memref<80xi32, #tpu.memory_space<hbm>>
        %dma_wait3A_121 = tpu.memref_slice %arg3[%add3A_56] : memref<320000xi32, #tpu.memory_space<hbm>> -> memref<80xi32, #tpu.memory_space<hbm>>
        tpu.wait_dma2 semaphore(%run_scoped3A : memref<!tpu.dma_semaphore, #tpu.memory_space<semaphore_mem>>) src(%dma_wait3A_121 : memref<80xi32, #tpu.memory_space<hbm>>) dst(%arg7 : memref<80xi32, #tpu.memory_space<vmem>>)
        tpu.yield
      }) : () -> ()
      "tpu.region"() ({
        %run_scoped3A = tpu.sem_alloc : memref<!tpu.dma_semaphore, #tpu.memory_space<semaphore_mem>>
        %dma_start3A_118 = tpu.memref_slice %arg4[%add3A_56] : memref<320000xi32, #tpu.memory_space<hbm>> -> memref<80xi32, #tpu.memory_space<hbm>>
        %dma_start3A_119 = tpu.memref_slice %arg4[%add3A_56] : memref<320000xi32, #tpu.memory_space<hbm>> -> memref<80xi32, #tpu.memory_space<hbm>>
        tpu.enqueue_dma source(%dma_start3A_119 : memref<80xi32, #tpu.memory_space<hbm>>) target(%arg9 : memref<80xi32, #tpu.memory_space<vmem>>) target_semaphore(%run_scoped3A : memref<!tpu.dma_semaphore, #tpu.memory_space<semaphore_mem>>)
        %dma_wait3A_120 = tpu.memref_slice %arg4[%add3A_56] : memref<320000xi32, #tpu.memory_space<hbm>> -> memref<80xi32, #tpu.memory_space<hbm>>
        %dma_wait3A_121 = tpu.memref_slice %arg4[%add3A_56] : memref<320000xi32, #tpu.memory_space<hbm>> -> memref<80xi32, #tpu.memory_space<hbm>>
        tpu.wait_dma2 semaphore(%run_scoped3A : memref<!tpu.dma_semaphore, #tpu.memory_space<semaphore_mem>>) src(%dma_wait3A_121 : memref<80xi32, #tpu.memory_space<hbm>>) dst(%arg9 : memref<80xi32, #tpu.memory_space<vmem>>)
        tpu.yield
      }) : () -> ()
      %dma_start3A_57 = arith.constant 0 : i32
      %dma_start3A_58 = arith.constant 0 : i32
      %dma_start3A_59 = tpu.memref_slice %arg2[%dma_start3A_57, %dma_start3A_58] : memref<10000x128xf32, #tpu.memory_space<hbm>> -> memref<10000x128xf32, #tpu.memory_space<hbm>>
      tpu.enqueue_indirect_dma source(%dma_start3A_59 : memref<10000x128xf32, #tpu.memory_space<hbm>>) target(%arg11 : memref<80x128xf32, #tpu.memory_space<vmem>>) offsets(%arg7 : memref<80xi32, #tpu.memory_space<vmem>>) semaphore(%arg15 : memref<!tpu.dma_semaphore, #tpu.memory_space<semaphore_mem>>)
      %dma_start3A_60 = arith.constant 0 : i32
      %dma_start3A_61 = arith.constant 0 : i32
      %dma_start3A_62 = tpu.memref_slice %arg2[%dma_start3A_60, %dma_start3A_61] : memref<10000x128xf32, #tpu.memory_space<hbm>> -> memref<10000x128xf32, #tpu.memory_space<hbm>>
      tpu.enqueue_indirect_dma source(%dma_start3A_62 : memref<10000x128xf32, #tpu.memory_space<hbm>>) target(%arg13 : memref<80x128xf32, #tpu.memory_space<vmem>>) offsets(%arg9 : memref<80xi32, #tpu.memory_space<vmem>>) semaphore(%arg17 : memref<!tpu.dma_semaphore, #tpu.memory_space<semaphore_mem>>)
      %dma_wait3A_63 = arith.constant 0 : i32
      %dma_wait3A_64 = arith.constant 0 : i32
      %dma_wait3A_65 = tpu.memref_slice %arg2[%dma_wait3A_63, %dma_wait3A_64] : memref<10000x128xf32, #tpu.memory_space<hbm>> -> memref<10000x128xf32, #tpu.memory_space<hbm>>
      tpu.wait_indirect_dma semaphore(%arg14 : memref<!tpu.dma_semaphore, #tpu.memory_space<semaphore_mem>>) src(%dma_wait3A_65 : memref<10000x128xf32, #tpu.memory_space<hbm>>) dst(%arg10 : memref<80x128xf32, #tpu.memory_space<vmem>>)
      %dma_wait3A_66 = arith.constant 0 : i32
      %dma_wait3A_67 = arith.constant 0 : i32
      %dma_wait3A_68 = tpu.memref_slice %arg2[%dma_wait3A_66, %dma_wait3A_67] : memref<10000x128xf32, #tpu.memory_space<hbm>> -> memref<10000x128xf32, #tpu.memory_space<hbm>>
      tpu.wait_indirect_dma semaphore(%arg16 : memref<!tpu.dma_semaphore, #tpu.memory_space<semaphore_mem>>) src(%dma_wait3A_68 : memref<10000x128xf32, #tpu.memory_space<hbm>>) dst(%arg12 : memref<80x128xf32, #tpu.memory_space<vmem>>)
      %mul3A_69 = arith.constant 80 : i32
      %mul3A_70 = arith.muli %add3A_49, %mul3A_69 : i32
      %add3A_71 = arith.addi %mul3A_2, %mul3A_70 : i32
      %dma_start3A_72 = arith.constant 0 : i32
      %dma_start3A_73 = tpu.memref_slice %arg5[%add3A_71, %dma_start3A_72] : memref<320000x256xf32, #tpu.memory_space<hbm>> -> memref<80x128xf32, #tpu.memory_space<hbm>>
      %dma_start3A_74 = arith.constant 0 : i32
      %dma_start3A_75 = tpu.memref_slice %arg5[%add3A_71, %dma_start3A_74] : memref<320000x256xf32, #tpu.memory_space<hbm>> -> memref<80x128xf32, #tpu.memory_space<hbm>>
      tpu.enqueue_dma source(%arg12 : memref<80x128xf32, #tpu.memory_space<vmem>>) target(%dma_start3A_75 : memref<80x128xf32, #tpu.memory_space<hbm>>) target_semaphore(%arg20 : memref<!tpu.dma_semaphore, #tpu.memory_space<semaphore_mem>>)
      %dma_start3A_76 = arith.constant 128 : i32
      %dma_start3A_77 = tpu.memref_slice %arg5[%add3A_71, %dma_start3A_76] : memref<320000x256xf32, #tpu.memory_space<hbm>> -> memref<80x128xf32, #tpu.memory_space<hbm>>
      %dma_start3A_78 = arith.constant 128 : i32
      %dma_start3A_79 = tpu.memref_slice %arg5[%add3A_71, %dma_start3A_78] : memref<320000x256xf32, #tpu.memory_space<hbm>> -> memref<80x128xf32, #tpu.memory_space<hbm>>
      tpu.enqueue_dma source(%arg10 : memref<80x128xf32, #tpu.memory_space<vmem>>) target(%dma_start3A_79 : memref<80x128xf32, #tpu.memory_space<hbm>>) target_semaphore(%arg18 : memref<!tpu.dma_semaphore, #tpu.memory_space<semaphore_mem>>)
      %dma_wait3A_80 = arith.constant 0 : i32
      %dma_wait3A_81 = tpu.memref_slice %arg5[%mul3A_2, %dma_wait3A_80] : memref<320000x256xf32, #tpu.memory_space<hbm>> -> memref<80x128xf32, #tpu.memory_space<hbm>>
      %dma_wait3A_82 = arith.constant 0 : i32
      %dma_wait3A_83 = tpu.memref_slice %arg5[%mul3A_2, %dma_wait3A_82] : memref<320000x256xf32, #tpu.memory_space<hbm>> -> memref<80x128xf32, #tpu.memory_space<hbm>>
      tpu.wait_dma2 semaphore(%arg20 : memref<!tpu.dma_semaphore, #tpu.memory_space<semaphore_mem>>) src(%arg12 : memref<80x128xf32, #tpu.memory_space<vmem>>) dst(%dma_wait3A_83 : memref<80x128xf32, #tpu.memory_space<hbm>>)
      %dma_wait3A_84 = arith.constant 128 : i32
      %dma_wait3A_85 = tpu.memref_slice %arg5[%mul3A_2, %dma_wait3A_84] : memref<320000x256xf32, #tpu.memory_space<hbm>> -> memref<80x128xf32, #tpu.memory_space<hbm>>
      %dma_wait3A_86 = arith.constant 128 : i32
      %dma_wait3A_87 = tpu.memref_slice %arg5[%mul3A_2, %dma_wait3A_86] : memref<320000x256xf32, #tpu.memory_space<hbm>> -> memref<80x128xf32, #tpu.memory_space<hbm>>
      tpu.wait_dma2 semaphore(%arg18 : memref<!tpu.dma_semaphore, #tpu.memory_space<semaphore_mem>>) src(%arg10 : memref<80x128xf32, #tpu.memory_space<vmem>>) dst(%dma_wait3A_87 : memref<80x128xf32, #tpu.memory_space<hbm>>)
      %add3A_88 = arith.constant 2 : i32
      %add3A_89 = arith.addi %add3A_49, %add3A_88 : i32
      %mul3A_90 = arith.constant 80 : i32
      %mul3A_91 = arith.muli %add3A_89, %mul3A_90 : i32
      %add3A_92 = arith.addi %mul3A_2, %mul3A_91 : i32
      "tpu.region"() ({
        %run_scoped3A = tpu.sem_alloc : memref<!tpu.dma_semaphore, #tpu.memory_space<semaphore_mem>>
        %dma_start3A_118 = tpu.memref_slice %arg3[%add3A_92] : memref<320000xi32, #tpu.memory_space<hbm>> -> memref<80xi32, #tpu.memory_space<hbm>>
        %dma_start3A_119 = tpu.memref_slice %arg3[%add3A_92] : memref<320000xi32, #tpu.memory_space<hbm>> -> memref<80xi32, #tpu.memory_space<hbm>>
        tpu.enqueue_dma source(%dma_start3A_119 : memref<80xi32, #tpu.memory_space<hbm>>) target(%arg6 : memref<80xi32, #tpu.memory_space<vmem>>) target_semaphore(%run_scoped3A : memref<!tpu.dma_semaphore, #tpu.memory_space<semaphore_mem>>)
        %dma_wait3A_120 = tpu.memref_slice %arg3[%add3A_92] : memref<320000xi32, #tpu.memory_space<hbm>> -> memref<80xi32, #tpu.memory_space<hbm>>
        %dma_wait3A_121 = tpu.memref_slice %arg3[%add3A_92] : memref<320000xi32, #tpu.memory_space<hbm>> -> memref<80xi32, #tpu.memory_space<hbm>>
        tpu.wait_dma2 semaphore(%run_scoped3A : memref<!tpu.dma_semaphore, #tpu.memory_space<semaphore_mem>>) src(%dma_wait3A_121 : memref<80xi32, #tpu.memory_space<hbm>>) dst(%arg6 : memref<80xi32, #tpu.memory_space<vmem>>)
        tpu.yield
      }) : () -> ()
      "tpu.region"() ({
        %run_scoped3A = tpu.sem_alloc : memref<!tpu.dma_semaphore, #tpu.memory_space<semaphore_mem>>
        %dma_start3A_118 = tpu.memref_slice %arg4[%add3A_92] : memref<320000xi32, #tpu.memory_space<hbm>> -> memref<80xi32, #tpu.memory_space<hbm>>
        %dma_start3A_119 = tpu.memref_slice %arg4[%add3A_92] : memref<320000xi32, #tpu.memory_space<hbm>> -> memref<80xi32, #tpu.memory_space<hbm>>
        tpu.enqueue_dma source(%dma_start3A_119 : memref<80xi32, #tpu.memory_space<hbm>>) target(%arg8 : memref<80xi32, #tpu.memory_space<vmem>>) target_semaphore(%run_scoped3A : memref<!tpu.dma_semaphore, #tpu.memory_space<semaphore_mem>>)
        %dma_wait3A_120 = tpu.memref_slice %arg4[%add3A_92] : memref<320000xi32, #tpu.memory_space<hbm>> -> memref<80xi32, #tpu.memory_space<hbm>>
        %dma_wait3A_121 = tpu.memref_slice %arg4[%add3A_92] : memref<320000xi32, #tpu.memory_space<hbm>> -> memref<80xi32, #tpu.memory_space<hbm>>
        tpu.wait_dma2 semaphore(%run_scoped3A : memref<!tpu.dma_semaphore, #tpu.memory_space<semaphore_mem>>) src(%dma_wait3A_121 : memref<80xi32, #tpu.memory_space<hbm>>) dst(%arg8 : memref<80xi32, #tpu.memory_space<vmem>>)
        tpu.yield
      }) : () -> ()
      %dma_start3A_93 = arith.constant 0 : i32
      %dma_start3A_94 = arith.constant 0 : i32
      %dma_start3A_95 = tpu.memref_slice %arg2[%dma_start3A_93, %dma_start3A_94] : memref<10000x128xf32, #tpu.memory_space<hbm>> -> memref<10000x128xf32, #tpu.memory_space<hbm>>
      tpu.enqueue_indirect_dma source(%dma_start3A_95 : memref<10000x128xf32, #tpu.memory_space<hbm>>) target(%arg10 : memref<80x128xf32, #tpu.memory_space<vmem>>) offsets(%arg6 : memref<80xi32, #tpu.memory_space<vmem>>) semaphore(%arg14 : memref<!tpu.dma_semaphore, #tpu.memory_space<semaphore_mem>>)
      %dma_start3A_96 = arith.constant 0 : i32
      %dma_start3A_97 = arith.constant 0 : i32
      %dma_start3A_98 = tpu.memref_slice %arg2[%dma_start3A_96, %dma_start3A_97] : memref<10000x128xf32, #tpu.memory_space<hbm>> -> memref<10000x128xf32, #tpu.memory_space<hbm>>
      tpu.enqueue_indirect_dma source(%dma_start3A_98 : memref<10000x128xf32, #tpu.memory_space<hbm>>) target(%arg12 : memref<80x128xf32, #tpu.memory_space<vmem>>) offsets(%arg8 : memref<80xi32, #tpu.memory_space<vmem>>) semaphore(%arg16 : memref<!tpu.dma_semaphore, #tpu.memory_space<semaphore_mem>>)
      %dma_wait3A_99 = arith.constant 0 : i32
      %dma_wait3A_100 = arith.constant 0 : i32
      %dma_wait3A_101 = tpu.memref_slice %arg2[%dma_wait3A_99, %dma_wait3A_100] : memref<10000x128xf32, #tpu.memory_space<hbm>> -> memref<10000x128xf32, #tpu.memory_space<hbm>>
      tpu.wait_indirect_dma semaphore(%arg15 : memref<!tpu.dma_semaphore, #tpu.memory_space<semaphore_mem>>) src(%dma_wait3A_101 : memref<10000x128xf32, #tpu.memory_space<hbm>>) dst(%arg11 : memref<80x128xf32, #tpu.memory_space<vmem>>)
      %dma_wait3A_102 = arith.constant 0 : i32
      %dma_wait3A_103 = arith.constant 0 : i32
      %dma_wait3A_104 = tpu.memref_slice %arg2[%dma_wait3A_102, %dma_wait3A_103] : memref<10000x128xf32, #tpu.memory_space<hbm>> -> memref<10000x128xf32, #tpu.memory_space<hbm>>
      tpu.wait_indirect_dma semaphore(%arg17 : memref<!tpu.dma_semaphore, #tpu.memory_space<semaphore_mem>>) src(%dma_wait3A_104 : memref<10000x128xf32, #tpu.memory_space<hbm>>) dst(%arg13 : memref<80x128xf32, #tpu.memory_space<vmem>>)
      %add3A_105 = arith.constant 1 : i32
      %add3A_106 = arith.addi %add3A_49, %add3A_105 : i32
      %mul3A_107 = arith.constant 80 : i32
      %mul3A_108 = arith.muli %add3A_106, %mul3A_107 : i32
      %add3A_109 = arith.addi %mul3A_2, %mul3A_108 : i32
      %dma_start3A_110 = arith.constant 0 : i32
      %dma_start3A_111 = tpu.memref_slice %arg5[%add3A_109, %dma_start3A_110] : memref<320000x256xf32, #tpu.memory_space<hbm>> -> memref<80x128xf32, #tpu.memory_space<hbm>>
      %dma_start3A_112 = arith.constant 0 : i32
      %dma_start3A_113 = tpu.memref_slice %arg5[%add3A_109, %dma_start3A_112] : memref<320000x256xf32, #tpu.memory_space<hbm>> -> memref<80x128xf32, #tpu.memory_space<hbm>>
      tpu.enqueue_dma source(%arg13 : memref<80x128xf32, #tpu.memory_space<vmem>>) target(%dma_start3A_113 : memref<80x128xf32, #tpu.memory_space<hbm>>) target_semaphore(%arg21 : memref<!tpu.dma_semaphore, #tpu.memory_space<semaphore_mem>>)
      %dma_start3A_114 = arith.constant 128 : i32
      %dma_start3A_115 = tpu.memref_slice %arg5[%add3A_109, %dma_start3A_114] : memref<320000x256xf32, #tpu.memory_space<hbm>> -> memref<80x128xf32, #tpu.memory_space<hbm>>
      %dma_start3A_116 = arith.constant 128 : i32
      %dma_start3A_117 = tpu.memref_slice %arg5[%add3A_109, %dma_start3A_116] : memref<320000x256xf32, #tpu.memory_space<hbm>> -> memref<80x128xf32, #tpu.memory_space<hbm>>
      tpu.enqueue_dma source(%arg11 : memref<80x128xf32, #tpu.memory_space<vmem>>) target(%dma_start3A_117 : memref<80x128xf32, #tpu.memory_space<hbm>>) target_semaphore(%arg19 : memref<!tpu.dma_semaphore, #tpu.memory_space<semaphore_mem>>)
    }
    %scan3A_13 = arith.constant 62 : i32
    %dma_wait3A = arith.constant 0 : i32
    %dma_wait3A_14 = arith.constant 0 : i32
    %dma_wait3A_15 = tpu.memref_slice %arg2[%dma_wait3A, %dma_wait3A_14] : memref<10000x128xf32, #tpu.memory_space<hbm>> -> memref<10000x128xf32, #tpu.memory_space<hbm>>
    tpu.wait_indirect_dma semaphore(%arg14 : memref<!tpu.dma_semaphore, #tpu.memory_space<semaphore_mem>>) src(%dma_wait3A_15 : memref<10000x128xf32, #tpu.memory_space<hbm>>) dst(%arg10 : memref<80x128xf32, #tpu.memory_space<vmem>>)
    %dma_wait3A_16 = arith.constant 0 : i32
    %dma_wait3A_17 = arith.constant 0 : i32
    %dma_wait3A_18 = tpu.memref_slice %arg2[%dma_wait3A_16, %dma_wait3A_17] : memref<10000x128xf32, #tpu.memory_space<hbm>> -> memref<10000x128xf32, #tpu.memory_space<hbm>>
    tpu.wait_indirect_dma semaphore(%arg16 : memref<!tpu.dma_semaphore, #tpu.memory_space<semaphore_mem>>) src(%dma_wait3A_18 : memref<10000x128xf32, #tpu.memory_space<hbm>>) dst(%arg12 : memref<80x128xf32, #tpu.memory_space<vmem>>)
    %add3A_19 = arith.constant 9920 : i32
    %add3A_20 = arith.addi %mul3A_2, %add3A_19 : i32
    %dma_start3A_21 = arith.constant 0 : i32
    %dma_start3A_22 = tpu.memref_slice %arg5[%add3A_20, %dma_start3A_21] : memref<320000x256xf32, #tpu.memory_space<hbm>> -> memref<80x128xf32, #tpu.memory_space<hbm>>
    %dma_start3A_23 = arith.constant 0 : i32
    %dma_start3A_24 = tpu.memref_slice %arg5[%add3A_20, %dma_start3A_23] : memref<320000x256xf32, #tpu.memory_space<hbm>> -> memref<80x128xf32, #tpu.memory_space<hbm>>
    tpu.enqueue_dma source(%arg12 : memref<80x128xf32, #tpu.memory_space<vmem>>) target(%dma_start3A_24 : memref<80x128xf32, #tpu.memory_space<hbm>>) target_semaphore(%arg20 : memref<!tpu.dma_semaphore, #tpu.memory_space<semaphore_mem>>)
    %dma_start3A_25 = arith.constant 128 : i32
    %dma_start3A_26 = tpu.memref_slice %arg5[%add3A_20, %dma_start3A_25] : memref<320000x256xf32, #tpu.memory_space<hbm>> -> memref<80x128xf32, #tpu.memory_space<hbm>>
    %dma_start3A_27 = arith.constant 128 : i32
    %dma_start3A_28 = tpu.memref_slice %arg5[%add3A_20, %dma_start3A_27] : memref<320000x256xf32, #tpu.memory_space<hbm>> -> memref<80x128xf32, #tpu.memory_space<hbm>>
    tpu.enqueue_dma source(%arg10 : memref<80x128xf32, #tpu.memory_space<vmem>>) target(%dma_start3A_28 : memref<80x128xf32, #tpu.memory_space<hbm>>) target_semaphore(%arg18 : memref<!tpu.dma_semaphore, #tpu.memory_space<semaphore_mem>>)
    %dma_wait3A_29 = arith.constant 0 : i32
    %dma_wait3A_30 = tpu.memref_slice %arg5[%mul3A_2, %dma_wait3A_29] : memref<320000x256xf32, #tpu.memory_space<hbm>> -> memref<80x128xf32, #tpu.memory_space<hbm>>
    %dma_wait3A_31 = arith.constant 0 : i32
    %dma_wait3A_32 = tpu.memref_slice %arg5[%mul3A_2, %dma_wait3A_31] : memref<320000x256xf32, #tpu.memory_space<hbm>> -> memref<80x128xf32, #tpu.memory_space<hbm>>
    tpu.wait_dma2 semaphore(%arg21 : memref<!tpu.dma_semaphore, #tpu.memory_space<semaphore_mem>>) src(%arg13 : memref<80x128xf32, #tpu.memory_space<vmem>>) dst(%dma_wait3A_32 : memref<80x128xf32, #tpu.memory_space<hbm>>)
    %dma_wait3A_33 = arith.constant 128 : i32
    %dma_wait3A_34 = tpu.memref_slice %arg5[%mul3A_2, %dma_wait3A_33] : memref<320000x256xf32, #tpu.memory_space<hbm>> -> memref<80x128xf32, #tpu.memory_space<hbm>>
    %dma_wait3A_35 = arith.constant 128 : i32
    %dma_wait3A_36 = tpu.memref_slice %arg5[%mul3A_2, %dma_wait3A_35] : memref<320000x256xf32, #tpu.memory_space<hbm>> -> memref<80x128xf32, #tpu.memory_space<hbm>>
    tpu.wait_dma2 semaphore(%arg19 : memref<!tpu.dma_semaphore, #tpu.memory_space<semaphore_mem>>) src(%arg11 : memref<80x128xf32, #tpu.memory_space<vmem>>) dst(%dma_wait3A_36 : memref<80x128xf32, #tpu.memory_space<hbm>>)
    %dma_wait3A_37 = arith.constant 0 : i32
    %dma_wait3A_38 = tpu.memref_slice %arg5[%mul3A_2, %dma_wait3A_37] : memref<320000x256xf32, #tpu.memory_space<hbm>> -> memref<80x128xf32, #tpu.memory_space<hbm>>
    %dma_wait3A_39 = arith.constant 0 : i32
    %dma_wait3A_40 = tpu.memref_slice %arg5[%mul3A_2, %dma_wait3A_39] : memref<320000x256xf32, #tpu.memory_space<hbm>> -> memref<80x128xf32, #tpu.memory_space<hbm>>
    tpu.wait_dma2 semaphore(%arg20 : memref<!tpu.dma_semaphore, #tpu.memory_space<semaphore_mem>>) src(%arg12 : memref<80x128xf32, #tpu.memory_space<vmem>>) dst(%dma_wait3A_40 : memref<80x128xf32, #tpu.memory_space<hbm>>)
    %dma_wait3A_41 = arith.constant 128 : i32
    %dma_wait3A_42 = tpu.memref_slice %arg5[%mul3A_2, %dma_wait3A_41] : memref<320000x256xf32, #tpu.memory_space<hbm>> -> memref<80x128xf32, #tpu.memory_space<hbm>>
    %dma_wait3A_43 = arith.constant 128 : i32
    %dma_wait3A_44 = tpu.memref_slice %arg5[%mul3A_2, %dma_wait3A_43] : memref<320000x256xf32, #tpu.memory_space<hbm>> -> memref<80x128xf32, #tpu.memory_space<hbm>>
    tpu.wait_dma2 semaphore(%arg18 : memref<!tpu.dma_semaphore, #tpu.memory_space<semaphore_mem>>) src(%arg10 : memref<80x128xf32, #tpu.memory_space<vmem>>) dst(%dma_wait3A_44 : memref<80x128xf32, #tpu.memory_space<hbm>>)
    return
  }
}

#map = affine_map<(d0, d1) -> (0)>
module attributes {stable_mosaic.version = 14 : i64} {
  func.func @k(%arg0: i32, %arg1: i32, %arg2: memref<10000xf32, #tpu.memory_space<hbm>>, %arg3: memref<10000xf32, #tpu.memory_space<hbm>>, %arg4: memref<10000xf32, #tpu.memory_space<hbm>>, %arg5: memref<320000xi32, #tpu.memory_space<hbm>>, %arg6: memref<320000xi32, #tpu.memory_space<hbm>>, %arg7: memref<320000xf32, #tpu.memory_space<hbm>>, %arg8: memref<10000xf32, #tpu.memory_space<vmem>>, %arg9: memref<10000xf32, #tpu.memory_space<vmem>>, %arg10: memref<10000xf32, #tpu.memory_space<vmem>>, %arg11: memref<10000xi32, #tpu.memory_space<vmem>>, %arg12: memref<10000xi32, #tpu.memory_space<vmem>>, %arg13: memref<10000xf32, #tpu.memory_space<vmem>>) attributes {dimension_semantics = [#tpu.dimension_semantics<core_parallel>, #tpu.dimension_semantics<subcore_parallel>], iteration_bounds = array<i64: 2, 16>, scalar_prefetch = 0 : i64, scratch_operands = 6 : i64, tpu.core_type = #tpu.core_type<sc_vector_subcore>, window_params = [{transform_indices = #map}, {transform_indices = #map}, {transform_indices = #map}, {transform_indices = #map}, {transform_indices = #map}, {transform_indices = #map}]} {
    %mul3A = arith.constant 2 : i32
    %mul3A_0 = arith.muli %arg1, %mul3A : i32
    %add3A = arith.addi %mul3A_0, %arg0 : i32
    %mul3A_1 = arith.constant 10000 : i32
    %mul3A_2 = arith.muli %add3A, %mul3A_1 : i32
    "tpu.region"() ({
      %run_scoped3A = tpu.sem_alloc : memref<!tpu.dma_semaphore, #tpu.memory_space<semaphore_mem>>
      tpu.enqueue_dma source(%arg2 : memref<10000xf32, #tpu.memory_space<hbm>>) target(%arg8 : memref<10000xf32, #tpu.memory_space<vmem>>) target_semaphore(%run_scoped3A : memref<!tpu.dma_semaphore, #tpu.memory_space<semaphore_mem>>)
      tpu.wait_dma2 semaphore(%run_scoped3A : memref<!tpu.dma_semaphore, #tpu.memory_space<semaphore_mem>>) src(%arg2 : memref<10000xf32, #tpu.memory_space<hbm>>) dst(%arg8 : memref<10000xf32, #tpu.memory_space<vmem>>)
      tpu.yield
    }) : () -> ()
    "tpu.region"() ({
      %run_scoped3A = tpu.sem_alloc : memref<!tpu.dma_semaphore, #tpu.memory_space<semaphore_mem>>
      tpu.enqueue_dma source(%arg3 : memref<10000xf32, #tpu.memory_space<hbm>>) target(%arg9 : memref<10000xf32, #tpu.memory_space<vmem>>) target_semaphore(%run_scoped3A : memref<!tpu.dma_semaphore, #tpu.memory_space<semaphore_mem>>)
      tpu.wait_dma2 semaphore(%run_scoped3A : memref<!tpu.dma_semaphore, #tpu.memory_space<semaphore_mem>>) src(%arg3 : memref<10000xf32, #tpu.memory_space<hbm>>) dst(%arg9 : memref<10000xf32, #tpu.memory_space<vmem>>)
      tpu.yield
    }) : () -> ()
    "tpu.region"() ({
      %run_scoped3A = tpu.sem_alloc : memref<!tpu.dma_semaphore, #tpu.memory_space<semaphore_mem>>
      tpu.enqueue_dma source(%arg4 : memref<10000xf32, #tpu.memory_space<hbm>>) target(%arg10 : memref<10000xf32, #tpu.memory_space<vmem>>) target_semaphore(%run_scoped3A : memref<!tpu.dma_semaphore, #tpu.memory_space<semaphore_mem>>)
      tpu.wait_dma2 semaphore(%run_scoped3A : memref<!tpu.dma_semaphore, #tpu.memory_space<semaphore_mem>>) src(%arg4 : memref<10000xf32, #tpu.memory_space<hbm>>) dst(%arg10 : memref<10000xf32, #tpu.memory_space<vmem>>)
      tpu.yield
    }) : () -> ()
    "tpu.region"() ({
      %run_scoped3A = tpu.sem_alloc : memref<!tpu.dma_semaphore, #tpu.memory_space<semaphore_mem>>
      %dma_start3A = tpu.memref_slice %arg5[%mul3A_2] : memref<320000xi32, #tpu.memory_space<hbm>> -> memref<10000xi32, #tpu.memory_space<hbm>>
      %dma_start3A_7 = tpu.memref_slice %arg5[%mul3A_2] : memref<320000xi32, #tpu.memory_space<hbm>> -> memref<10000xi32, #tpu.memory_space<hbm>>
      tpu.enqueue_dma source(%dma_start3A_7 : memref<10000xi32, #tpu.memory_space<hbm>>) target(%arg11 : memref<10000xi32, #tpu.memory_space<vmem>>) target_semaphore(%run_scoped3A : memref<!tpu.dma_semaphore, #tpu.memory_space<semaphore_mem>>)
      %dma_wait3A = tpu.memref_slice %arg5[%mul3A_2] : memref<320000xi32, #tpu.memory_space<hbm>> -> memref<10000xi32, #tpu.memory_space<hbm>>
      %dma_wait3A_8 = tpu.memref_slice %arg5[%mul3A_2] : memref<320000xi32, #tpu.memory_space<hbm>> -> memref<10000xi32, #tpu.memory_space<hbm>>
      tpu.wait_dma2 semaphore(%run_scoped3A : memref<!tpu.dma_semaphore, #tpu.memory_space<semaphore_mem>>) src(%dma_wait3A_8 : memref<10000xi32, #tpu.memory_space<hbm>>) dst(%arg11 : memref<10000xi32, #tpu.memory_space<vmem>>)
      tpu.yield
    }) : () -> ()
    "tpu.region"() ({
      %run_scoped3A = tpu.sem_alloc : memref<!tpu.dma_semaphore, #tpu.memory_space<semaphore_mem>>
      %dma_start3A = tpu.memref_slice %arg6[%mul3A_2] : memref<320000xi32, #tpu.memory_space<hbm>> -> memref<10000xi32, #tpu.memory_space<hbm>>
      %dma_start3A_7 = tpu.memref_slice %arg6[%mul3A_2] : memref<320000xi32, #tpu.memory_space<hbm>> -> memref<10000xi32, #tpu.memory_space<hbm>>
      tpu.enqueue_dma source(%dma_start3A_7 : memref<10000xi32, #tpu.memory_space<hbm>>) target(%arg12 : memref<10000xi32, #tpu.memory_space<vmem>>) target_semaphore(%run_scoped3A : memref<!tpu.dma_semaphore, #tpu.memory_space<semaphore_mem>>)
      %dma_wait3A = tpu.memref_slice %arg6[%mul3A_2] : memref<320000xi32, #tpu.memory_space<hbm>> -> memref<10000xi32, #tpu.memory_space<hbm>>
      %dma_wait3A_8 = tpu.memref_slice %arg6[%mul3A_2] : memref<320000xi32, #tpu.memory_space<hbm>> -> memref<10000xi32, #tpu.memory_space<hbm>>
      tpu.wait_dma2 semaphore(%run_scoped3A : memref<!tpu.dma_semaphore, #tpu.memory_space<semaphore_mem>>) src(%dma_wait3A_8 : memref<10000xi32, #tpu.memory_space<hbm>>) dst(%arg12 : memref<10000xi32, #tpu.memory_space<vmem>>)
      tpu.yield
    }) : () -> ()
    %scan3A = arith.constant 0 : i32
    %scan3A_3 = arith.constant 625 : i32
    %scan3A_4 = arith.addi %scan3A, %scan3A_3 : i32
    %scan3A_5 = arith.constant 1 : i32
    scf.for %scan3A_7 = %scan3A to %scan3A_4 step %scan3A_5  : i32 {
      %mul3A_8 = arith.constant 1 : i32
      %mul3A_9 = arith.muli %scan3A_7, %mul3A_8 : i32
      %add3A_10 = arith.constant 0 : i32
      %add3A_11 = arith.addi %add3A_10, %mul3A_9 : i32
      %mul3A_12 = arith.constant 16 : i32
      %mul3A_13 = arith.muli %add3A_11, %mul3A_12 : i32
      %get3A = arith.index_cast %mul3A_13 : i32 to index
      %get3A_14 = tpu.vector_load %arg11[%get3A] {strides = array<i32>} : memref<10000xi32, #tpu.memory_space<vmem>>, vector<16xi32>,
      %get3A_15 = arith.index_cast %mul3A_13 : i32 to index
      %get3A_16 = tpu.vector_load %arg12[%get3A_15] {strides = array<i32>} : memref<10000xi32, #tpu.memory_space<vmem>>, vector<16xi32>,
      %gather3A = tpu.vector_load_idx %arg8[%get3A_14] : memref<10000xf32, #tpu.memory_space<vmem>>[vector<16xi32>], vector<16xf32>,
      %gather3A_17 = tpu.vector_load_idx %arg8[%get3A_16] : memref<10000xf32, #tpu.memory_space<vmem>>[vector<16xi32>], vector<16xf32>,
      %sub3A = arith.subf %gather3A, %gather3A_17 : vector<16xf32>
      %gather3A_18 = tpu.vector_load_idx %arg9[%get3A_14] : memref<10000xf32, #tpu.memory_space<vmem>>[vector<16xi32>], vector<16xf32>,
      %gather3A_19 = tpu.vector_load_idx %arg9[%get3A_16] : memref<10000xf32, #tpu.memory_space<vmem>>[vector<16xi32>], vector<16xf32>,
      %sub3A_20 = arith.subf %gather3A_18, %gather3A_19 : vector<16xf32>
      %gather3A_21 = tpu.vector_load_idx %arg10[%get3A_14] : memref<10000xf32, #tpu.memory_space<vmem>>[vector<16xi32>], vector<16xf32>,
      %gather3A_22 = tpu.vector_load_idx %arg10[%get3A_16] : memref<10000xf32, #tpu.memory_space<vmem>>[vector<16xi32>], vector<16xf32>,
      %sub3A_23 = arith.subf %gather3A_21, %gather3A_22 : vector<16xf32>
      %mul3A_24 = arith.mulf %sub3A, %sub3A : vector<16xf32>
      %mul3A_25 = arith.mulf %sub3A_20, %sub3A_20 : vector<16xf32>
      %add3A_26 = arith.addf %mul3A_24, %mul3A_25 : vector<16xf32>
      %mul3A_27 = arith.mulf %sub3A_23, %sub3A_23 : vector<16xf32>
      %add3A_28 = arith.addf %add3A_26, %mul3A_27 : vector<16xf32>
      %swap3A = arith.index_cast %mul3A_13 : i32 to index
      %swap3A_29 = tpu.vector_load %arg13[%swap3A] {strides = array<i32>} : memref<10000xf32, #tpu.memory_space<vmem>>, vector<16xf32>,
      tpu.vector_store %arg13[%swap3A], %add3A_28 {strides = array<i32>} : memref<10000xf32, #tpu.memory_space<vmem>>, vector<16xf32>,
    }
    %scan3A_6 = arith.constant 625 : i32
    "tpu.region"() ({
      %run_scoped3A = tpu.sem_alloc : memref<!tpu.dma_semaphore, #tpu.memory_space<semaphore_mem>>
      %dma_start3A = tpu.memref_slice %arg7[%mul3A_2] : memref<320000xf32, #tpu.memory_space<hbm>> -> memref<10000xf32, #tpu.memory_space<hbm>>
      %dma_start3A_7 = tpu.memref_slice %arg7[%mul3A_2] : memref<320000xf32, #tpu.memory_space<hbm>> -> memref<10000xf32, #tpu.memory_space<hbm>>
      tpu.enqueue_dma source(%arg13 : memref<10000xf32, #tpu.memory_space<vmem>>) target(%dma_start3A_7 : memref<10000xf32, #tpu.memory_space<hbm>>) target_semaphore(%run_scoped3A : memref<!tpu.dma_semaphore, #tpu.memory_space<semaphore_mem>>)
      %dma_wait3A = tpu.memref_slice %arg7[%mul3A_2] : memref<320000xf32, #tpu.memory_space<hbm>> -> memref<10000xf32, #tpu.memory_space<hbm>>
      %dma_wait3A_8 = tpu.memref_slice %arg7[%mul3A_2] : memref<320000xf32, #tpu.memory_space<hbm>> -> memref<10000xf32, #tpu.memory_space<hbm>>
      tpu.wait_dma2 semaphore(%run_scoped3A : memref<!tpu.dma_semaphore, #tpu.memory_space<semaphore_mem>>) src(%arg13 : memref<10000xf32, #tpu.memory_space<vmem>>) dst(%dma_wait3A_8 : memref<10000xf32, #tpu.memory_space<hbm>>)
      tpu.yield
    }) : () -> ()
    return
  }
}

#map = affine_map<(d0, d1) -> (0, 0)>
#map1 = affine_map<(d0, d1) -> (0)>
#map2 = affine_map<(d0, d1) -> (0, 0, 0)>
module attributes {stable_mosaic.version = 14 : i64} {
  func.func @k(%arg0: i32, %arg1: i32, %arg2: memref<320000x16xf32, #tpu.memory_space<hbm>>, %arg3: memref<320000xi32, #tpu.memory_space<hbm>>, %arg4: memref<10240x16xf32, #tpu.memory_space<hbm>>, %arg5: memref<2x10240x16xf32, #tpu.memory_space<hbm>>, %arg6: memref<10240x16xf32, #tpu.memory_space<vmem_shared>>, %arg7: memref<80xi32, #tpu.memory_space<vmem>>, %arg8: memref<80x16xf32, #tpu.memory_space<vmem>>) attributes {dimension_semantics = [#tpu.dimension_semantics<core_parallel>, #tpu.dimension_semantics<subcore_parallel>], iteration_bounds = array<i64: 2, 16>, scalar_prefetch = 0 : i64, scratch_operands = 3 : i64, tpu.core_type = #tpu.core_type<sc_vector_subcore>, window_params = [{transform_indices = #map}, {transform_indices = #map1}, {transform_indices = #map}, {transform_indices = #map2}]} {
    %mul3A = arith.constant 640 : i32
    %mul3A_0 = arith.muli %arg1, %mul3A : i32
    %mul3A_1 = arith.constant 640 : i32
    %mul3A_2 = arith.muli %arg1, %mul3A_1 : i32
    "tpu.region"() ({
      %run_scoped3A = tpu.sem_alloc : memref<!tpu.dma_semaphore, #tpu.memory_space<semaphore_mem>>
      %dma_start3A = arith.constant 0 : i32
      %dma_start3A_16 = tpu.memref_slice %arg6[%mul3A_2, %dma_start3A] : memref<10240x16xf32, #tpu.memory_space<vmem_shared>> -> memref<640x16xf32, #tpu.memory_space<vmem_shared>>
      %dma_start3A_17 = arith.constant 0 : i32
      %dma_start3A_18 = tpu.memref_slice %arg4[%mul3A_0, %dma_start3A_17] : memref<10240x16xf32, #tpu.memory_space<hbm>> -> memref<640x16xf32, #tpu.memory_space<hbm>>
      tpu.enqueue_dma source(%dma_start3A_18 : memref<640x16xf32, #tpu.memory_space<hbm>>) target(%dma_start3A_16 : memref<640x16xf32, #tpu.memory_space<vmem_shared>>) target_semaphore(%run_scoped3A : memref<!tpu.dma_semaphore, #tpu.memory_space<semaphore_mem>>)
      %dma_wait3A = arith.constant 0 : i32
      %dma_wait3A_19 = tpu.memref_slice %arg6[%mul3A_2, %dma_wait3A] : memref<10240x16xf32, #tpu.memory_space<vmem_shared>> -> memref<640x16xf32, #tpu.memory_space<vmem_shared>>
      %dma_wait3A_20 = arith.constant 0 : i32
      %dma_wait3A_21 = tpu.memref_slice %arg4[%mul3A_0, %dma_wait3A_20] : memref<10240x16xf32, #tpu.memory_space<hbm>> -> memref<640x16xf32, #tpu.memory_space<hbm>>
      tpu.wait_dma2 semaphore(%run_scoped3A : memref<!tpu.dma_semaphore, #tpu.memory_space<semaphore_mem>>) src(%dma_wait3A_21 : memref<640x16xf32, #tpu.memory_space<hbm>>) dst(%dma_wait3A_19 : memref<640x16xf32, #tpu.memory_space<vmem_shared>>)
      tpu.yield
    }) : () -> ()
    %barrier3A = arith.constant 0 : index
    tpu.barrier barrier_id(%barrier3A)
    %mul3A_3 = arith.constant 2 : i32
    %mul3A_4 = arith.muli %arg1, %mul3A_3 : i32
    %add3A = arith.addi %mul3A_4, %arg0 : i32
    %mul3A_5 = arith.constant 10000 : i32
    %mul3A_6 = arith.muli %add3A, %mul3A_5 : i32
    %scan3A = arith.constant 0 : i32
    %scan3A_7 = arith.constant 125 : i32
    %scan3A_8 = arith.addi %scan3A, %scan3A_7 : i32
    %scan3A_9 = arith.constant 1 : i32
    scf.for %scan3A_16 = %scan3A to %scan3A_8 step %scan3A_9  : i32 {
      %mul3A_17 = arith.constant 1 : i32
      %mul3A_18 = arith.muli %scan3A_16, %mul3A_17 : i32
      %add3A_19 = arith.constant 0 : i32
      %add3A_20 = arith.addi %add3A_19, %mul3A_18 : i32
      %mul3A_21 = arith.constant 80 : i32
      %mul3A_22 = arith.muli %add3A_20, %mul3A_21 : i32
      %add3A_23 = arith.addi %mul3A_6, %mul3A_22 : i32
      "tpu.region"() ({
        %run_scoped3A = tpu.sem_alloc : memref<!tpu.dma_semaphore, #tpu.memory_space<semaphore_mem>>
        %dma_start3A = tpu.memref_slice %arg3[%add3A_23] : memref<320000xi32, #tpu.memory_space<hbm>> -> memref<80xi32, #tpu.memory_space<hbm>>
        %dma_start3A_24 = tpu.memref_slice %arg3[%add3A_23] : memref<320000xi32, #tpu.memory_space<hbm>> -> memref<80xi32, #tpu.memory_space<hbm>>
        tpu.enqueue_dma source(%dma_start3A_24 : memref<80xi32, #tpu.memory_space<hbm>>) target(%arg7 : memref<80xi32, #tpu.memory_space<vmem>>) target_semaphore(%run_scoped3A : memref<!tpu.dma_semaphore, #tpu.memory_space<semaphore_mem>>)
        %dma_wait3A = tpu.memref_slice %arg3[%add3A_23] : memref<320000xi32, #tpu.memory_space<hbm>> -> memref<80xi32, #tpu.memory_space<hbm>>
        %dma_wait3A_25 = tpu.memref_slice %arg3[%add3A_23] : memref<320000xi32, #tpu.memory_space<hbm>> -> memref<80xi32, #tpu.memory_space<hbm>>
        tpu.wait_dma2 semaphore(%run_scoped3A : memref<!tpu.dma_semaphore, #tpu.memory_space<semaphore_mem>>) src(%dma_wait3A_25 : memref<80xi32, #tpu.memory_space<hbm>>) dst(%arg7 : memref<80xi32, #tpu.memory_space<vmem>>)
        tpu.yield
      }) : () -> ()
      "tpu.region"() ({
        %run_scoped3A = tpu.sem_alloc : memref<!tpu.dma_semaphore, #tpu.memory_space<semaphore_mem>>
        %dma_start3A = arith.constant 0 : i32
        %dma_start3A_24 = tpu.memref_slice %arg2[%add3A_23, %dma_start3A] : memref<320000x16xf32, #tpu.memory_space<hbm>> -> memref<80x16xf32, #tpu.memory_space<hbm>>
        %dma_start3A_25 = arith.constant 0 : i32
        %dma_start3A_26 = tpu.memref_slice %arg2[%add3A_23, %dma_start3A_25] : memref<320000x16xf32, #tpu.memory_space<hbm>> -> memref<80x16xf32, #tpu.memory_space<hbm>>
        tpu.enqueue_dma source(%dma_start3A_26 : memref<80x16xf32, #tpu.memory_space<hbm>>) target(%arg8 : memref<80x16xf32, #tpu.memory_space<vmem>>) target_semaphore(%run_scoped3A : memref<!tpu.dma_semaphore, #tpu.memory_space<semaphore_mem>>)
        %dma_wait3A = arith.constant 0 : i32
        %dma_wait3A_27 = tpu.memref_slice %arg2[%add3A_23, %dma_wait3A] : memref<320000x16xf32, #tpu.memory_space<hbm>> -> memref<80x16xf32, #tpu.memory_space<hbm>>
        %dma_wait3A_28 = arith.constant 0 : i32
        %dma_wait3A_29 = tpu.memref_slice %arg2[%add3A_23, %dma_wait3A_28] : memref<320000x16xf32, #tpu.memory_space<hbm>> -> memref<80x16xf32, #tpu.memory_space<hbm>>
        tpu.wait_dma2 semaphore(%run_scoped3A : memref<!tpu.dma_semaphore, #tpu.memory_space<semaphore_mem>>) src(%dma_wait3A_29 : memref<80x16xf32, #tpu.memory_space<hbm>>) dst(%arg8 : memref<80x16xf32, #tpu.memory_space<vmem>>)
        tpu.yield
      }) : () -> ()
      "tpu.region"() ({
        %run_scoped3A = tpu.sem_alloc : memref<!tpu.dma_semaphore, #tpu.memory_space<semaphore_mem>>
        %dma_start3A = arith.constant 0 : i32
        %dma_start3A_24 = arith.constant 0 : i32
        %dma_start3A_25 = tpu.memref_slice %arg6[%dma_start3A, %dma_start3A_24] : memref<10240x16xf32, #tpu.memory_space<vmem_shared>> -> memref<10240x16xf32, #tpu.memory_space<vmem_shared>>
        tpu.enqueue_indirect_dma source(%arg8 : memref<80x16xf32, #tpu.memory_space<vmem>>) target(%dma_start3A_25 : memref<10240x16xf32, #tpu.memory_space<vmem_shared>>) offsets(%arg7 : memref<80xi32, #tpu.memory_space<vmem>>) semaphore(%run_scoped3A : memref<!tpu.dma_semaphore, #tpu.memory_space<semaphore_mem>>) {add = true}
        %dma_wait3A = arith.constant 0 : i32
        %dma_wait3A_26 = arith.constant 0 : i32
        %dma_wait3A_27 = tpu.memref_slice %arg6[%dma_wait3A, %dma_wait3A_26] : memref<10240x16xf32, #tpu.memory_space<vmem_shared>> -> memref<10240x16xf32, #tpu.memory_space<vmem_shared>>
        tpu.wait_indirect_dma semaphore(%run_scoped3A : memref<!tpu.dma_semaphore, #tpu.memory_space<semaphore_mem>>) src(%arg8 : memref<80x16xf32, #tpu.memory_space<vmem>>) dst(%dma_wait3A_27 : memref<10240x16xf32, #tpu.memory_space<vmem_shared>>)
        tpu.yield
      }) : () -> ()
    }
    %scan3A_10 = arith.constant 125 : i32
    %barrier3A_11 = arith.constant 0 : index
    tpu.barrier barrier_id(%barrier3A_11)
    %mul3A_12 = arith.constant 640 : i32
    %mul3A_13 = arith.muli %arg1, %mul3A_12 : i32
    %mul3A_14 = arith.constant 640 : i32
    %mul3A_15 = arith.muli %arg1, %mul3A_14 : i32
    "tpu.region"() ({
      %run_scoped3A = tpu.sem_alloc : memref<!tpu.dma_semaphore, #tpu.memory_space<semaphore_mem>>
      %dma_start3A = arith.constant 0 : i32
      %dma_start3A_16 = tpu.memref_slice %arg5[%arg0, %mul3A_15, %dma_start3A] : memref<2x10240x16xf32, #tpu.memory_space<hbm>> -> memref<1x640x16xf32, #tpu.memory_space<hbm>>
      %dma_start3A_17 = tpu.memref_squeeze %dma_start3A_16 : memref<1x640x16xf32, #tpu.memory_space<hbm>> -> memref<640x16xf32, #tpu.memory_space<hbm>>
      %dma_start3A_18 = arith.constant 0 : i32
      %dma_start3A_19 = tpu.memref_slice %arg6[%mul3A_13, %dma_start3A_18] : memref<10240x16xf32, #tpu.memory_space<vmem_shared>> -> memref<640x16xf32, #tpu.memory_space<vmem_shared>>
      tpu.enqueue_dma source(%dma_start3A_19 : memref<640x16xf32, #tpu.memory_space<vmem_shared>>) target(%dma_start3A_17 : memref<640x16xf32, #tpu.memory_space<hbm>>) target_semaphore(%run_scoped3A : memref<!tpu.dma_semaphore, #tpu.memory_space<semaphore_mem>>)
      %dma_wait3A = arith.constant 0 : i32
      %dma_wait3A_20 = tpu.memref_slice %arg5[%arg0, %mul3A_15, %dma_wait3A] : memref<2x10240x16xf32, #tpu.memory_space<hbm>> -> memref<1x640x16xf32, #tpu.memory_space<hbm>>
      %dma_wait3A_21 = tpu.memref_squeeze %dma_wait3A_20 : memref<1x640x16xf32, #tpu.memory_space<hbm>> -> memref<640x16xf32, #tpu.memory_space<hbm>>
      %dma_wait3A_22 = arith.constant 0 : i32
      %dma_wait3A_23 = tpu.memref_slice %arg6[%mul3A_13, %dma_wait3A_22] : memref<10240x16xf32, #tpu.memory_space<vmem_shared>> -> memref<640x16xf32, #tpu.memory_space<vmem_shared>>
      tpu.wait_dma2 semaphore(%run_scoped3A : memref<!tpu.dma_semaphore, #tpu.memory_space<semaphore_mem>>) src(%dma_wait3A_23 : memref<640x16xf32, #tpu.memory_space<vmem_shared>>) dst(%dma_wait3A_21 : memref<640x16xf32, #tpu.memory_space<hbm>>)
      tpu.yield
    }) : () -> ()
    return
  }
}

#map = affine_map<(d0, d1) -> (0, 0)>
#map1 = affine_map<(d0, d1) -> (0)>
module attributes {stable_mosaic.version = 14 : i64} {
  func.func @k(%arg0: i32, %arg1: i32, %arg2: memref<10000x128xf32, #tpu.memory_space<hbm>>, %arg3: memref<320000xi32, #tpu.memory_space<hbm>>, %arg4: memref<320000xi32, #tpu.memory_space<hbm>>, %arg5: memref<320000x256xf32, #tpu.memory_space<hbm>>, %arg6: memref<80xi32, #tpu.memory_space<vmem>>, %arg7: memref<80xi32, #tpu.memory_space<vmem>>, %arg8: memref<80xi32, #tpu.memory_space<vmem>>, %arg9: memref<80xi32, #tpu.memory_space<vmem>>, %arg10: memref<80x128xf32, #tpu.memory_space<vmem>>, %arg11: memref<80x128xf32, #tpu.memory_space<vmem>>, %arg12: memref<80x128xf32, #tpu.memory_space<vmem>>, %arg13: memref<80x128xf32, #tpu.memory_space<vmem>>, %arg14: memref<!tpu.dma_semaphore, #tpu.memory_space<semaphore_mem>>, %arg15: memref<!tpu.dma_semaphore, #tpu.memory_space<semaphore_mem>>, %arg16: memref<!tpu.dma_semaphore, #tpu.memory_space<semaphore_mem>>, %arg17: memref<!tpu.dma_semaphore, #tpu.memory_space<semaphore_mem>>, %arg18: memref<!tpu.dma_semaphore, #tpu.memory_space<semaphore_mem>>, %arg19: memref<!tpu.dma_semaphore, #tpu.memory_space<semaphore_mem>>, %arg20: memref<!tpu.dma_semaphore, #tpu.memory_space<semaphore_mem>>, %arg21: memref<!tpu.dma_semaphore, #tpu.memory_space<semaphore_mem>>) attributes {dimension_semantics = [#tpu.dimension_semantics<core_parallel>, #tpu.dimension_semantics<subcore_parallel>], iteration_bounds = array<i64: 2, 16>, scalar_prefetch = 0 : i64, scratch_operands = 16 : i64, tpu.core_type = #tpu.core_type<sc_vector_subcore>, window_params = [{transform_indices = #map}, {transform_indices = #map1}, {transform_indices = #map1}, {transform_indices = #map}]} {
    %mul3A = arith.constant 2 : i32
    %mul3A_0 = arith.muli %arg1, %mul3A : i32
    %add3A = arith.addi %mul3A_0, %arg0 : i32
    %mul3A_1 = arith.constant 10000 : i32
    %mul3A_2 = arith.muli %add3A, %mul3A_1 : i32
    %add3A_3 = arith.constant 0 : i32
    %add3A_4 = arith.addi %mul3A_2, %add3A_3 : i32
    "tpu.region"() ({
      %run_scoped3A = tpu.sem_alloc : memref<!tpu.dma_semaphore, #tpu.memory_space<semaphore_mem>>
      %dma_start3A_45 = tpu.memref_slice %arg3[%add3A_4] : memref<320000xi32, #tpu.memory_space<hbm>> -> memref<80xi32, #tpu.memory_space<hbm>>
      %dma_start3A_46 = tpu.memref_slice %arg3[%add3A_4] : memref<320000xi32, #tpu.memory_space<hbm>> -> memref<80xi32, #tpu.memory_space<hbm>>
      tpu.enqueue_dma source(%dma_start3A_46 : memref<80xi32, #tpu.memory_space<hbm>>) target(%arg6 : memref<80xi32, #tpu.memory_space<vmem>>) target_semaphore(%run_scoped3A : memref<!tpu.dma_semaphore, #tpu.memory_space<semaphore_mem>>)
      %dma_wait3A_47 = tpu.memref_slice %arg3[%add3A_4] : memref<320000xi32, #tpu.memory_space<hbm>> -> memref<80xi32, #tpu.memory_space<hbm>>
      %dma_wait3A_48 = tpu.memref_slice %arg3[%add3A_4] : memref<320000xi32, #tpu.memory_space<hbm>> -> memref<80xi32, #tpu.memory_space<hbm>>
      tpu.wait_dma2 semaphore(%run_scoped3A : memref<!tpu.dma_semaphore, #tpu.memory_space<semaphore_mem>>) src(%dma_wait3A_48 : memref<80xi32, #tpu.memory_space<hbm>>) dst(%arg6 : memref<80xi32, #tpu.memory_space<vmem>>)
      tpu.yield
    }) : () -> ()
    "tpu.region"() ({
      %run_scoped3A = tpu.sem_alloc : memref<!tpu.dma_semaphore, #tpu.memory_space<semaphore_mem>>
      %dma_start3A_45 = tpu.memref_slice %arg4[%add3A_4] : memref<320000xi32, #tpu.memory_space<hbm>> -> memref<80xi32, #tpu.memory_space<hbm>>
      %dma_start3A_46 = tpu.memref_slice %arg4[%add3A_4] : memref<320000xi32, #tpu.memory_space<hbm>> -> memref<80xi32, #tpu.memory_space<hbm>>
      tpu.enqueue_dma source(%dma_start3A_46 : memref<80xi32, #tpu.memory_space<hbm>>) target(%arg8 : memref<80xi32, #tpu.memory_space<vmem>>) target_semaphore(%run_scoped3A : memref<!tpu.dma_semaphore, #tpu.memory_space<semaphore_mem>>)
      %dma_wait3A_47 = tpu.memref_slice %arg4[%add3A_4] : memref<320000xi32, #tpu.memory_space<hbm>> -> memref<80xi32, #tpu.memory_space<hbm>>
      %dma_wait3A_48 = tpu.memref_slice %arg4[%add3A_4] : memref<320000xi32, #tpu.memory_space<hbm>> -> memref<80xi32, #tpu.memory_space<hbm>>
      tpu.wait_dma2 semaphore(%run_scoped3A : memref<!tpu.dma_semaphore, #tpu.memory_space<semaphore_mem>>) src(%dma_wait3A_48 : memref<80xi32, #tpu.memory_space<hbm>>) dst(%arg8 : memref<80xi32, #tpu.memory_space<vmem>>)
      tpu.yield
    }) : () -> ()
    %dma_start3A = arith.constant 0 : i32
    %dma_start3A_5 = arith.constant 0 : i32
    %dma_start3A_6 = tpu.memref_slice %arg2[%dma_start3A, %dma_start3A_5] : memref<10000x128xf32, #tpu.memory_space<hbm>> -> memref<10000x128xf32, #tpu.memory_space<hbm>>
    tpu.enqueue_indirect_dma source(%dma_start3A_6 : memref<10000x128xf32, #tpu.memory_space<hbm>>) target(%arg10 : memref<80x128xf32, #tpu.memory_space<vmem>>) offsets(%arg6 : memref<80xi32, #tpu.memory_space<vmem>>) semaphore(%arg14 : memref<!tpu.dma_semaphore, #tpu.memory_space<semaphore_mem>>)
    %dma_start3A_7 = arith.constant 0 : i32
    %dma_start3A_8 = arith.constant 0 : i32
    %dma_start3A_9 = tpu.memref_slice %arg2[%dma_start3A_7, %dma_start3A_8] : memref<10000x128xf32, #tpu.memory_space<hbm>> -> memref<10000x128xf32, #tpu.memory_space<hbm>>
    tpu.enqueue_indirect_dma source(%dma_start3A_9 : memref<10000x128xf32, #tpu.memory_space<hbm>>) target(%arg12 : memref<80x128xf32, #tpu.memory_space<vmem>>) offsets(%arg8 : memref<80xi32, #tpu.memory_space<vmem>>) semaphore(%arg16 : memref<!tpu.dma_semaphore, #tpu.memory_space<semaphore_mem>>)
    %scan3A = arith.constant 0 : i32
    %scan3A_10 = arith.constant 62 : i32
    %scan3A_11 = arith.addi %scan3A, %scan3A_10 : i32
    %scan3A_12 = arith.constant 1 : i32
    scf.for %scan3A_45 = %scan3A to %scan3A_11 step %scan3A_12  : i32 {
      %mul3A_46 = arith.constant 2 : i32
      %mul3A_47 = arith.muli %scan3A_45, %mul3A_46 : i32
      %add3A_48 = arith.constant 0 : i32
      %add3A_49 = arith.addi %add3A_48, %mul3A_47 : i32
      %gt3A = arith.constant 0 : i32
      %gt3A_50 = arith.cmpi sgt, %add3A_49, %gt3A : i32
      %convert_element_type3A = arith.extui %gt3A_50 : i1 to i32
      %cond3A = arith.constant 0 : i32
      %cond3A_51 = arith.cmpi ne, %convert_element_type3A, %cond3A : i32
      scf.if %cond3A_51 {
        %dma_wait3A_118 = arith.constant 0 : i32
        %dma_wait3A_119 = tpu.memref_slice %arg5[%mul3A_2, %dma_wait3A_118] : memref<320000x256xf32, #tpu.memory_space<hbm>> -> memref<80x128xf32, #tpu.memory_space<hbm>>
        %dma_wait3A_120 = arith.constant 0 : i32
        %dma_wait3A_121 = tpu.memref_slice %arg5[%mul3A_2, %dma_wait3A_120] : memref<320000x256xf32, #tpu.memory_space<hbm>> -> memref<80x128xf32, #tpu.memory_space<hbm>>
        tpu.wait_dma2 semaphore(%arg21 : memref<!tpu.dma_semaphore, #tpu.memory_space<semaphore_mem>>) src(%arg13 : memref<80x128xf32, #tpu.memory_space<vmem>>) dst(%dma_wait3A_121 : memref<80x128xf32, #tpu.memory_space<hbm>>)
        %dma_wait3A_122 = arith.constant 128 : i32
        %dma_wait3A_123 = tpu.memref_slice %arg5[%mul3A_2, %dma_wait3A_122] : memref<320000x256xf32, #tpu.memory_space<hbm>> -> memref<80x128xf32, #tpu.memory_space<hbm>>
        %dma_wait3A_124 = arith.constant 128 : i32
        %dma_wait3A_125 = tpu.memref_slice %arg5[%mul3A_2, %dma_wait3A_124] : memref<320000x256xf32, #tpu.memory_space<hbm>> -> memref<80x128xf32, #tpu.memory_space<hbm>>
        tpu.wait_dma2 semaphore(%arg19 : memref<!tpu.dma_semaphore, #tpu.memory_space<semaphore_mem>>) src(%arg11 : memref<80x128xf32, #tpu.memory_space<vmem>>) dst(%dma_wait3A_125 : memref<80x128xf32, #tpu.memory_space<hbm>>)
      } else {
      }
      %add3A_52 = arith.constant 1 : i32
      %add3A_53 = arith.addi %add3A_49, %add3A_52 : i32
      %mul3A_54 = arith.constant 80 : i32
      %mul3A_55 = arith.muli %add3A_53, %mul3A_54 : i32
      %add3A_56 = arith.addi %mul3A_2, %mul3A_55 : i32
      "tpu.region"() ({
        %run_scoped3A = tpu.sem_alloc : memref<!tpu.dma_semaphore, #tpu.memory_space<semaphore_mem>>
        %dma_start3A_118 = tpu.memref_slice %arg3[%add3A_56] : memref<320000xi32, #tpu.memory_space<hbm>> -> memref<80xi32, #tpu.memory_space<hbm>>
        %dma_start3A_119 = tpu.memref_slice %arg3[%add3A_56] : memref<320000xi32, #tpu.memory_space<hbm>> -> memref<80xi32, #tpu.memory_space<hbm>>
        tpu.enqueue_dma source(%dma_start3A_119 : memref<80xi32, #tpu.memory_space<hbm>>) target(%arg7 : memref<80xi32, #tpu.memory_space<vmem>>) target_semaphore(%run_scoped3A : memref<!tpu.dma_semaphore, #tpu.memory_space<semaphore_mem>>)
        %dma_wait3A_120 = tpu.memref_slice %arg3[%add3A_56] : memref<320000xi32, #tpu.memory_space<hbm>> -> memref<80xi32, #tpu.memory_space<hbm>>
        %dma_wait3A_121 = tpu.memref_slice %arg3[%add3A_56] : memref<320000xi32, #tpu.memory_space<hbm>> -> memref<80xi32, #tpu.memory_space<hbm>>
        tpu.wait_dma2 semaphore(%run_scoped3A : memref<!tpu.dma_semaphore, #tpu.memory_space<semaphore_mem>>) src(%dma_wait3A_121 : memref<80xi32, #tpu.memory_space<hbm>>) dst(%arg7 : memref<80xi32, #tpu.memory_space<vmem>>)
        tpu.yield
      }) : () -> ()
      "tpu.region"() ({
        %run_scoped3A = tpu.sem_alloc : memref<!tpu.dma_semaphore, #tpu.memory_space<semaphore_mem>>
        %dma_start3A_118 = tpu.memref_slice %arg4[%add3A_56] : memref<320000xi32, #tpu.memory_space<hbm>> -> memref<80xi32, #tpu.memory_space<hbm>>
        %dma_start3A_119 = tpu.memref_slice %arg4[%add3A_56] : memref<320000xi32, #tpu.memory_space<hbm>> -> memref<80xi32, #tpu.memory_space<hbm>>
        tpu.enqueue_dma source(%dma_start3A_119 : memref<80xi32, #tpu.memory_space<hbm>>) target(%arg9 : memref<80xi32, #tpu.memory_space<vmem>>) target_semaphore(%run_scoped3A : memref<!tpu.dma_semaphore, #tpu.memory_space<semaphore_mem>>)
        %dma_wait3A_120 = tpu.memref_slice %arg4[%add3A_56] : memref<320000xi32, #tpu.memory_space<hbm>> -> memref<80xi32, #tpu.memory_space<hbm>>
        %dma_wait3A_121 = tpu.memref_slice %arg4[%add3A_56] : memref<320000xi32, #tpu.memory_space<hbm>> -> memref<80xi32, #tpu.memory_space<hbm>>
        tpu.wait_dma2 semaphore(%run_scoped3A : memref<!tpu.dma_semaphore, #tpu.memory_space<semaphore_mem>>) src(%dma_wait3A_121 : memref<80xi32, #tpu.memory_space<hbm>>) dst(%arg9 : memref<80xi32, #tpu.memory_space<vmem>>)
        tpu.yield
      }) : () -> ()
      %dma_start3A_57 = arith.constant 0 : i32
      %dma_start3A_58 = arith.constant 0 : i32
      %dma_start3A_59 = tpu.memref_slice %arg2[%dma_start3A_57, %dma_start3A_58] : memref<10000x128xf32, #tpu.memory_space<hbm>> -> memref<10000x128xf32, #tpu.memory_space<hbm>>
      tpu.enqueue_indirect_dma source(%dma_start3A_59 : memref<10000x128xf32, #tpu.memory_space<hbm>>) target(%arg11 : memref<80x128xf32, #tpu.memory_space<vmem>>) offsets(%arg7 : memref<80xi32, #tpu.memory_space<vmem>>) semaphore(%arg15 : memref<!tpu.dma_semaphore, #tpu.memory_space<semaphore_mem>>)
      %dma_start3A_60 = arith.constant 0 : i32
      %dma_start3A_61 = arith.constant 0 : i32
      %dma_start3A_62 = tpu.memref_slice %arg2[%dma_start3A_60, %dma_start3A_61] : memref<10000x128xf32, #tpu.memory_space<hbm>> -> memref<10000x128xf32, #tpu.memory_space<hbm>>
      tpu.enqueue_indirect_dma source(%dma_start3A_62 : memref<10000x128xf32, #tpu.memory_space<hbm>>) target(%arg13 : memref<80x128xf32, #tpu.memory_space<vmem>>) offsets(%arg9 : memref<80xi32, #tpu.memory_space<vmem>>) semaphore(%arg17 : memref<!tpu.dma_semaphore, #tpu.memory_space<semaphore_mem>>)
      %dma_wait3A_63 = arith.constant 0 : i32
      %dma_wait3A_64 = arith.constant 0 : i32
      %dma_wait3A_65 = tpu.memref_slice %arg2[%dma_wait3A_63, %dma_wait3A_64] : memref<10000x128xf32, #tpu.memory_space<hbm>> -> memref<10000x128xf32, #tpu.memory_space<hbm>>
      tpu.wait_indirect_dma semaphore(%arg14 : memref<!tpu.dma_semaphore, #tpu.memory_space<semaphore_mem>>) src(%dma_wait3A_65 : memref<10000x128xf32, #tpu.memory_space<hbm>>) dst(%arg10 : memref<80x128xf32, #tpu.memory_space<vmem>>)
      %dma_wait3A_66 = arith.constant 0 : i32
      %dma_wait3A_67 = arith.constant 0 : i32
      %dma_wait3A_68 = tpu.memref_slice %arg2[%dma_wait3A_66, %dma_wait3A_67] : memref<10000x128xf32, #tpu.memory_space<hbm>> -> memref<10000x128xf32, #tpu.memory_space<hbm>>
      tpu.wait_indirect_dma semaphore(%arg16 : memref<!tpu.dma_semaphore, #tpu.memory_space<semaphore_mem>>) src(%dma_wait3A_68 : memref<10000x128xf32, #tpu.memory_space<hbm>>) dst(%arg12 : memref<80x128xf32, #tpu.memory_space<vmem>>)
      %mul3A_69 = arith.constant 80 : i32
      %mul3A_70 = arith.muli %add3A_49, %mul3A_69 : i32
      %add3A_71 = arith.addi %mul3A_2, %mul3A_70 : i32
      %dma_start3A_72 = arith.constant 0 : i32
      %dma_start3A_73 = tpu.memref_slice %arg5[%add3A_71, %dma_start3A_72] : memref<320000x256xf32, #tpu.memory_space<hbm>> -> memref<80x128xf32, #tpu.memory_space<hbm>>
      %dma_start3A_74 = arith.constant 0 : i32
      %dma_start3A_75 = tpu.memref_slice %arg5[%add3A_71, %dma_start3A_74] : memref<320000x256xf32, #tpu.memory_space<hbm>> -> memref<80x128xf32, #tpu.memory_space<hbm>>
      tpu.enqueue_dma source(%arg12 : memref<80x128xf32, #tpu.memory_space<vmem>>) target(%dma_start3A_75 : memref<80x128xf32, #tpu.memory_space<hbm>>) target_semaphore(%arg20 : memref<!tpu.dma_semaphore, #tpu.memory_space<semaphore_mem>>)
      %dma_start3A_76 = arith.constant 128 : i32
      %dma_start3A_77 = tpu.memref_slice %arg5[%add3A_71, %dma_start3A_76] : memref<320000x256xf32, #tpu.memory_space<hbm>> -> memref<80x128xf32, #tpu.memory_space<hbm>>
      %dma_start3A_78 = arith.constant 128 : i32
      %dma_start3A_79 = tpu.memref_slice %arg5[%add3A_71, %dma_start3A_78] : memref<320000x256xf32, #tpu.memory_space<hbm>> -> memref<80x128xf32, #tpu.memory_space<hbm>>
      tpu.enqueue_dma source(%arg10 : memref<80x128xf32, #tpu.memory_space<vmem>>) target(%dma_start3A_79 : memref<80x128xf32, #tpu.memory_space<hbm>>) target_semaphore(%arg18 : memref<!tpu.dma_semaphore, #tpu.memory_space<semaphore_mem>>)
      %dma_wait3A_80 = arith.constant 0 : i32
      %dma_wait3A_81 = tpu.memref_slice %arg5[%mul3A_2, %dma_wait3A_80] : memref<320000x256xf32, #tpu.memory_space<hbm>> -> memref<80x128xf32, #tpu.memory_space<hbm>>
      %dma_wait3A_82 = arith.constant 0 : i32
      %dma_wait3A_83 = tpu.memref_slice %arg5[%mul3A_2, %dma_wait3A_82] : memref<320000x256xf32, #tpu.memory_space<hbm>> -> memref<80x128xf32, #tpu.memory_space<hbm>>
      tpu.wait_dma2 semaphore(%arg20 : memref<!tpu.dma_semaphore, #tpu.memory_space<semaphore_mem>>) src(%arg12 : memref<80x128xf32, #tpu.memory_space<vmem>>) dst(%dma_wait3A_83 : memref<80x128xf32, #tpu.memory_space<hbm>>)
      %dma_wait3A_84 = arith.constant 128 : i32
      %dma_wait3A_85 = tpu.memref_slice %arg5[%mul3A_2, %dma_wait3A_84] : memref<320000x256xf32, #tpu.memory_space<hbm>> -> memref<80x128xf32, #tpu.memory_space<hbm>>
      %dma_wait3A_86 = arith.constant 128 : i32
      %dma_wait3A_87 = tpu.memref_slice %arg5[%mul3A_2, %dma_wait3A_86] : memref<320000x256xf32, #tpu.memory_space<hbm>> -> memref<80x128xf32, #tpu.memory_space<hbm>>
      tpu.wait_dma2 semaphore(%arg18 : memref<!tpu.dma_semaphore, #tpu.memory_space<semaphore_mem>>) src(%arg10 : memref<80x128xf32, #tpu.memory_space<vmem>>) dst(%dma_wait3A_87 : memref<80x128xf32, #tpu.memory_space<hbm>>)
      %add3A_88 = arith.constant 2 : i32
      %add3A_89 = arith.addi %add3A_49, %add3A_88 : i32
      %mul3A_90 = arith.constant 80 : i32
      %mul3A_91 = arith.muli %add3A_89, %mul3A_90 : i32
      %add3A_92 = arith.addi %mul3A_2, %mul3A_91 : i32
      "tpu.region"() ({
        %run_scoped3A = tpu.sem_alloc : memref<!tpu.dma_semaphore, #tpu.memory_space<semaphore_mem>>
        %dma_start3A_118 = tpu.memref_slice %arg3[%add3A_92] : memref<320000xi32, #tpu.memory_space<hbm>> -> memref<80xi32, #tpu.memory_space<hbm>>
        %dma_start3A_119 = tpu.memref_slice %arg3[%add3A_92] : memref<320000xi32, #tpu.memory_space<hbm>> -> memref<80xi32, #tpu.memory_space<hbm>>
        tpu.enqueue_dma source(%dma_start3A_119 : memref<80xi32, #tpu.memory_space<hbm>>) target(%arg6 : memref<80xi32, #tpu.memory_space<vmem>>) target_semaphore(%run_scoped3A : memref<!tpu.dma_semaphore, #tpu.memory_space<semaphore_mem>>)
        %dma_wait3A_120 = tpu.memref_slice %arg3[%add3A_92] : memref<320000xi32, #tpu.memory_space<hbm>> -> memref<80xi32, #tpu.memory_space<hbm>>
        %dma_wait3A_121 = tpu.memref_slice %arg3[%add3A_92] : memref<320000xi32, #tpu.memory_space<hbm>> -> memref<80xi32, #tpu.memory_space<hbm>>
        tpu.wait_dma2 semaphore(%run_scoped3A : memref<!tpu.dma_semaphore, #tpu.memory_space<semaphore_mem>>) src(%dma_wait3A_121 : memref<80xi32, #tpu.memory_space<hbm>>) dst(%arg6 : memref<80xi32, #tpu.memory_space<vmem>>)
        tpu.yield
      }) : () -> ()
      "tpu.region"() ({
        %run_scoped3A = tpu.sem_alloc : memref<!tpu.dma_semaphore, #tpu.memory_space<semaphore_mem>>
        %dma_start3A_118 = tpu.memref_slice %arg4[%add3A_92] : memref<320000xi32, #tpu.memory_space<hbm>> -> memref<80xi32, #tpu.memory_space<hbm>>
        %dma_start3A_119 = tpu.memref_slice %arg4[%add3A_92] : memref<320000xi32, #tpu.memory_space<hbm>> -> memref<80xi32, #tpu.memory_space<hbm>>
        tpu.enqueue_dma source(%dma_start3A_119 : memref<80xi32, #tpu.memory_space<hbm>>) target(%arg8 : memref<80xi32, #tpu.memory_space<vmem>>) target_semaphore(%run_scoped3A : memref<!tpu.dma_semaphore, #tpu.memory_space<semaphore_mem>>)
        %dma_wait3A_120 = tpu.memref_slice %arg4[%add3A_92] : memref<320000xi32, #tpu.memory_space<hbm>> -> memref<80xi32, #tpu.memory_space<hbm>>
        %dma_wait3A_121 = tpu.memref_slice %arg4[%add3A_92] : memref<320000xi32, #tpu.memory_space<hbm>> -> memref<80xi32, #tpu.memory_space<hbm>>
        tpu.wait_dma2 semaphore(%run_scoped3A : memref<!tpu.dma_semaphore, #tpu.memory_space<semaphore_mem>>) src(%dma_wait3A_121 : memref<80xi32, #tpu.memory_space<hbm>>) dst(%arg8 : memref<80xi32, #tpu.memory_space<vmem>>)
        tpu.yield
      }) : () -> ()
      %dma_start3A_93 = arith.constant 0 : i32
      %dma_start3A_94 = arith.constant 0 : i32
      %dma_start3A_95 = tpu.memref_slice %arg2[%dma_start3A_93, %dma_start3A_94] : memref<10000x128xf32, #tpu.memory_space<hbm>> -> memref<10000x128xf32, #tpu.memory_space<hbm>>
      tpu.enqueue_indirect_dma source(%dma_start3A_95 : memref<10000x128xf32, #tpu.memory_space<hbm>>) target(%arg10 : memref<80x128xf32, #tpu.memory_space<vmem>>) offsets(%arg6 : memref<80xi32, #tpu.memory_space<vmem>>) semaphore(%arg14 : memref<!tpu.dma_semaphore, #tpu.memory_space<semaphore_mem>>)
      %dma_start3A_96 = arith.constant 0 : i32
      %dma_start3A_97 = arith.constant 0 : i32
      %dma_start3A_98 = tpu.memref_slice %arg2[%dma_start3A_96, %dma_start3A_97] : memref<10000x128xf32, #tpu.memory_space<hbm>> -> memref<10000x128xf32, #tpu.memory_space<hbm>>
      tpu.enqueue_indirect_dma source(%dma_start3A_98 : memref<10000x128xf32, #tpu.memory_space<hbm>>) target(%arg12 : memref<80x128xf32, #tpu.memory_space<vmem>>) offsets(%arg8 : memref<80xi32, #tpu.memory_space<vmem>>) semaphore(%arg16 : memref<!tpu.dma_semaphore, #tpu.memory_space<semaphore_mem>>)
      %dma_wait3A_99 = arith.constant 0 : i32
      %dma_wait3A_100 = arith.constant 0 : i32
      %dma_wait3A_101 = tpu.memref_slice %arg2[%dma_wait3A_99, %dma_wait3A_100] : memref<10000x128xf32, #tpu.memory_space<hbm>> -> memref<10000x128xf32, #tpu.memory_space<hbm>>
      tpu.wait_indirect_dma semaphore(%arg15 : memref<!tpu.dma_semaphore, #tpu.memory_space<semaphore_mem>>) src(%dma_wait3A_101 : memref<10000x128xf32, #tpu.memory_space<hbm>>) dst(%arg11 : memref<80x128xf32, #tpu.memory_space<vmem>>)
      %dma_wait3A_102 = arith.constant 0 : i32
      %dma_wait3A_103 = arith.constant 0 : i32
      %dma_wait3A_104 = tpu.memref_slice %arg2[%dma_wait3A_102, %dma_wait3A_103] : memref<10000x128xf32, #tpu.memory_space<hbm>> -> memref<10000x128xf32, #tpu.memory_space<hbm>>
      tpu.wait_indirect_dma semaphore(%arg17 : memref<!tpu.dma_semaphore, #tpu.memory_space<semaphore_mem>>) src(%dma_wait3A_104 : memref<10000x128xf32, #tpu.memory_space<hbm>>) dst(%arg13 : memref<80x128xf32, #tpu.memory_space<vmem>>)
      %add3A_105 = arith.constant 1 : i32
      %add3A_106 = arith.addi %add3A_49, %add3A_105 : i32
      %mul3A_107 = arith.constant 80 : i32
      %mul3A_108 = arith.muli %add3A_106, %mul3A_107 : i32
      %add3A_109 = arith.addi %mul3A_2, %mul3A_108 : i32
      %dma_start3A_110 = arith.constant 0 : i32
      %dma_start3A_111 = tpu.memref_slice %arg5[%add3A_109, %dma_start3A_110] : memref<320000x256xf32, #tpu.memory_space<hbm>> -> memref<80x128xf32, #tpu.memory_space<hbm>>
      %dma_start3A_112 = arith.constant 0 : i32
      %dma_start3A_113 = tpu.memref_slice %arg5[%add3A_109, %dma_start3A_112] : memref<320000x256xf32, #tpu.memory_space<hbm>> -> memref<80x128xf32, #tpu.memory_space<hbm>>
      tpu.enqueue_dma source(%arg13 : memref<80x128xf32, #tpu.memory_space<vmem>>) target(%dma_start3A_113 : memref<80x128xf32, #tpu.memory_space<hbm>>) target_semaphore(%arg21 : memref<!tpu.dma_semaphore, #tpu.memory_space<semaphore_mem>>)
      %dma_start3A_114 = arith.constant 128 : i32
      %dma_start3A_115 = tpu.memref_slice %arg5[%add3A_109, %dma_start3A_114] : memref<320000x256xf32, #tpu.memory_space<hbm>> -> memref<80x128xf32, #tpu.memory_space<hbm>>
      %dma_start3A_116 = arith.constant 128 : i32
      %dma_start3A_117 = tpu.memref_slice %arg5[%add3A_109, %dma_start3A_116] : memref<320000x256xf32, #tpu.memory_space<hbm>> -> memref<80x128xf32, #tpu.memory_space<hbm>>
      tpu.enqueue_dma source(%arg11 : memref<80x128xf32, #tpu.memory_space<vmem>>) target(%dma_start3A_117 : memref<80x128xf32, #tpu.memory_space<hbm>>) target_semaphore(%arg19 : memref<!tpu.dma_semaphore, #tpu.memory_space<semaphore_mem>>)
    }
    %scan3A_13 = arith.constant 62 : i32
    %dma_wait3A = arith.constant 0 : i32
    %dma_wait3A_14 = arith.constant 0 : i32
    %dma_wait3A_15 = tpu.memref_slice %arg2[%dma_wait3A, %dma_wait3A_14] : memref<10000x128xf32, #tpu.memory_space<hbm>> -> memref<10000x128xf32, #tpu.memory_space<hbm>>
    tpu.wait_indirect_dma semaphore(%arg14 : memref<!tpu.dma_semaphore, #tpu.memory_space<semaphore_mem>>) src(%dma_wait3A_15 : memref<10000x128xf32, #tpu.memory_space<hbm>>) dst(%arg10 : memref<80x128xf32, #tpu.memory_space<vmem>>)
    %dma_wait3A_16 = arith.constant 0 : i32
    %dma_wait3A_17 = arith.constant 0 : i32
    %dma_wait3A_18 = tpu.memref_slice %arg2[%dma_wait3A_16, %dma_wait3A_17] : memref<10000x128xf32, #tpu.memory_space<hbm>> -> memref<10000x128xf32, #tpu.memory_space<hbm>>
    tpu.wait_indirect_dma semaphore(%arg16 : memref<!tpu.dma_semaphore, #tpu.memory_space<semaphore_mem>>) src(%dma_wait3A_18 : memref<10000x128xf32, #tpu.memory_space<hbm>>) dst(%arg12 : memref<80x128xf32, #tpu.memory_space<vmem>>)
    %add3A_19 = arith.constant 9920 : i32
    %add3A_20 = arith.addi %mul3A_2, %add3A_19 : i32
    %dma_start3A_21 = arith.constant 0 : i32
    %dma_start3A_22 = tpu.memref_slice %arg5[%add3A_20, %dma_start3A_21] : memref<320000x256xf32, #tpu.memory_space<hbm>> -> memref<80x128xf32, #tpu.memory_space<hbm>>
    %dma_start3A_23 = arith.constant 0 : i32
    %dma_start3A_24 = tpu.memref_slice %arg5[%add3A_20, %dma_start3A_23] : memref<320000x256xf32, #tpu.memory_space<hbm>> -> memref<80x128xf32, #tpu.memory_space<hbm>>
    tpu.enqueue_dma source(%arg12 : memref<80x128xf32, #tpu.memory_space<vmem>>) target(%dma_start3A_24 : memref<80x128xf32, #tpu.memory_space<hbm>>) target_semaphore(%arg20 : memref<!tpu.dma_semaphore, #tpu.memory_space<semaphore_mem>>)
    %dma_start3A_25 = arith.constant 128 : i32
    %dma_start3A_26 = tpu.memref_slice %arg5[%add3A_20, %dma_start3A_25] : memref<320000x256xf32, #tpu.memory_space<hbm>> -> memref<80x128xf32, #tpu.memory_space<hbm>>
    %dma_start3A_27 = arith.constant 128 : i32
    %dma_start3A_28 = tpu.memref_slice %arg5[%add3A_20, %dma_start3A_27] : memref<320000x256xf32, #tpu.memory_space<hbm>> -> memref<80x128xf32, #tpu.memory_space<hbm>>
    tpu.enqueue_dma source(%arg10 : memref<80x128xf32, #tpu.memory_space<vmem>>) target(%dma_start3A_28 : memref<80x128xf32, #tpu.memory_space<hbm>>) target_semaphore(%arg18 : memref<!tpu.dma_semaphore, #tpu.memory_space<semaphore_mem>>)
    %dma_wait3A_29 = arith.constant 0 : i32
    %dma_wait3A_30 = tpu.memref_slice %arg5[%mul3A_2, %dma_wait3A_29] : memref<320000x256xf32, #tpu.memory_space<hbm>> -> memref<80x128xf32, #tpu.memory_space<hbm>>
    %dma_wait3A_31 = arith.constant 0 : i32
    %dma_wait3A_32 = tpu.memref_slice %arg5[%mul3A_2, %dma_wait3A_31] : memref<320000x256xf32, #tpu.memory_space<hbm>> -> memref<80x128xf32, #tpu.memory_space<hbm>>
    tpu.wait_dma2 semaphore(%arg21 : memref<!tpu.dma_semaphore, #tpu.memory_space<semaphore_mem>>) src(%arg13 : memref<80x128xf32, #tpu.memory_space<vmem>>) dst(%dma_wait3A_32 : memref<80x128xf32, #tpu.memory_space<hbm>>)
    %dma_wait3A_33 = arith.constant 128 : i32
    %dma_wait3A_34 = tpu.memref_slice %arg5[%mul3A_2, %dma_wait3A_33] : memref<320000x256xf32, #tpu.memory_space<hbm>> -> memref<80x128xf32, #tpu.memory_space<hbm>>
    %dma_wait3A_35 = arith.constant 128 : i32
    %dma_wait3A_36 = tpu.memref_slice %arg5[%mul3A_2, %dma_wait3A_35] : memref<320000x256xf32, #tpu.memory_space<hbm>> -> memref<80x128xf32, #tpu.memory_space<hbm>>
    tpu.wait_dma2 semaphore(%arg19 : memref<!tpu.dma_semaphore, #tpu.memory_space<semaphore_mem>>) src(%arg11 : memref<80x128xf32, #tpu.memory_space<vmem>>) dst(%dma_wait3A_36 : memref<80x128xf32, #tpu.memory_space<hbm>>)
    %dma_wait3A_37 = arith.constant 0 : i32
    %dma_wait3A_38 = tpu.memref_slice %arg5[%mul3A_2, %dma_wait3A_37] : memref<320000x256xf32, #tpu.memory_space<hbm>> -> memref<80x128xf32, #tpu.memory_space<hbm>>
    %dma_wait3A_39 = arith.constant 0 : i32
    %dma_wait3A_40 = tpu.memref_slice %arg5[%mul3A_2, %dma_wait3A_39] : memref<320000x256xf32, #tpu.memory_space<hbm>> -> memref<80x128xf32, #tpu.memory_space<hbm>>
    tpu.wait_dma2 semaphore(%arg20 : memref<!tpu.dma_semaphore, #tpu.memory_space<semaphore_mem>>) src(%arg12 : memref<80x128xf32, #tpu.memory_space<vmem>>) dst(%dma_wait3A_40 : memref<80x128xf32, #tpu.memory_space<hbm>>)
    %dma_wait3A_41 = arith.constant 128 : i32
    %dma_wait3A_42 = tpu.memref_slice %arg5[%mul3A_2, %dma_wait3A_41] : memref<320000x256xf32, #tpu.memory_space<hbm>> -> memref<80x128xf32, #tpu.memory_space<hbm>>
    %dma_wait3A_43 = arith.constant 128 : i32
    %dma_wait3A_44 = tpu.memref_slice %arg5[%mul3A_2, %dma_wait3A_43] : memref<320000x256xf32, #tpu.memory_space<hbm>> -> memref<80x128xf32, #tpu.memory_space<hbm>>
    tpu.wait_dma2 semaphore(%arg18 : memref<!tpu.dma_semaphore, #tpu.memory_space<semaphore_mem>>) src(%arg10 : memref<80x128xf32, #tpu.memory_space<vmem>>) dst(%dma_wait3A_44 : memref<80x128xf32, #tpu.memory_space<hbm>>)
    return
  }
}

#map = affine_map<(d0, d1) -> (0, 0)>
#map1 = affine_map<(d0, d1) -> (0)>
#map2 = affine_map<(d0, d1) -> (0, 0, 0)>
module attributes {stable_mosaic.version = 14 : i64} {
  func.func @k(%arg0: i32, %arg1: i32, %arg2: memref<320000x16xf32, #tpu.memory_space<hbm>>, %arg3: memref<320000xi32, #tpu.memory_space<hbm>>, %arg4: memref<10240x16xf32, #tpu.memory_space<hbm>>, %arg5: memref<2x10240x16xf32, #tpu.memory_space<hbm>>, %arg6: memref<10240x16xf32, #tpu.memory_space<vmem_shared>>, %arg7: memref<80xi32, #tpu.memory_space<vmem>>, %arg8: memref<80x16xf32, #tpu.memory_space<vmem>>) attributes {dimension_semantics = [#tpu.dimension_semantics<core_parallel>, #tpu.dimension_semantics<subcore_parallel>], iteration_bounds = array<i64: 2, 16>, scalar_prefetch = 0 : i64, scratch_operands = 3 : i64, tpu.core_type = #tpu.core_type<sc_vector_subcore>, window_params = [{transform_indices = #map}, {transform_indices = #map1}, {transform_indices = #map}, {transform_indices = #map2}]} {
    %mul3A = arith.constant 640 : i32
    %mul3A_0 = arith.muli %arg1, %mul3A : i32
    %mul3A_1 = arith.constant 640 : i32
    %mul3A_2 = arith.muli %arg1, %mul3A_1 : i32
    "tpu.region"() ({
      %run_scoped3A = tpu.sem_alloc : memref<!tpu.dma_semaphore, #tpu.memory_space<semaphore_mem>>
      %dma_start3A = arith.constant 0 : i32
      %dma_start3A_16 = tpu.memref_slice %arg6[%mul3A_2, %dma_start3A] : memref<10240x16xf32, #tpu.memory_space<vmem_shared>> -> memref<640x16xf32, #tpu.memory_space<vmem_shared>>
      %dma_start3A_17 = arith.constant 0 : i32
      %dma_start3A_18 = tpu.memref_slice %arg4[%mul3A_0, %dma_start3A_17] : memref<10240x16xf32, #tpu.memory_space<hbm>> -> memref<640x16xf32, #tpu.memory_space<hbm>>
      tpu.enqueue_dma source(%dma_start3A_18 : memref<640x16xf32, #tpu.memory_space<hbm>>) target(%dma_start3A_16 : memref<640x16xf32, #tpu.memory_space<vmem_shared>>) target_semaphore(%run_scoped3A : memref<!tpu.dma_semaphore, #tpu.memory_space<semaphore_mem>>)
      %dma_wait3A = arith.constant 0 : i32
      %dma_wait3A_19 = tpu.memref_slice %arg6[%mul3A_2, %dma_wait3A] : memref<10240x16xf32, #tpu.memory_space<vmem_shared>> -> memref<640x16xf32, #tpu.memory_space<vmem_shared>>
      %dma_wait3A_20 = arith.constant 0 : i32
      %dma_wait3A_21 = tpu.memref_slice %arg4[%mul3A_0, %dma_wait3A_20] : memref<10240x16xf32, #tpu.memory_space<hbm>> -> memref<640x16xf32, #tpu.memory_space<hbm>>
      tpu.wait_dma2 semaphore(%run_scoped3A : memref<!tpu.dma_semaphore, #tpu.memory_space<semaphore_mem>>) src(%dma_wait3A_21 : memref<640x16xf32, #tpu.memory_space<hbm>>) dst(%dma_wait3A_19 : memref<640x16xf32, #tpu.memory_space<vmem_shared>>)
      tpu.yield
    }) : () -> ()
    %barrier3A = arith.constant 0 : index
    tpu.barrier barrier_id(%barrier3A)
    %mul3A_3 = arith.constant 2 : i32
    %mul3A_4 = arith.muli %arg1, %mul3A_3 : i32
    %add3A = arith.addi %mul3A_4, %arg0 : i32
    %mul3A_5 = arith.constant 10000 : i32
    %mul3A_6 = arith.muli %add3A, %mul3A_5 : i32
    %scan3A = arith.constant 0 : i32
    %scan3A_7 = arith.constant 125 : i32
    %scan3A_8 = arith.addi %scan3A, %scan3A_7 : i32
    %scan3A_9 = arith.constant 1 : i32
    scf.for %scan3A_16 = %scan3A to %scan3A_8 step %scan3A_9  : i32 {
      %mul3A_17 = arith.constant 1 : i32
      %mul3A_18 = arith.muli %scan3A_16, %mul3A_17 : i32
      %add3A_19 = arith.constant 0 : i32
      %add3A_20 = arith.addi %add3A_19, %mul3A_18 : i32
      %mul3A_21 = arith.constant 80 : i32
      %mul3A_22 = arith.muli %add3A_20, %mul3A_21 : i32
      %add3A_23 = arith.addi %mul3A_6, %mul3A_22 : i32
      "tpu.region"() ({
        %run_scoped3A = tpu.sem_alloc : memref<!tpu.dma_semaphore, #tpu.memory_space<semaphore_mem>>
        %dma_start3A = tpu.memref_slice %arg3[%add3A_23] : memref<320000xi32, #tpu.memory_space<hbm>> -> memref<80xi32, #tpu.memory_space<hbm>>
        %dma_start3A_24 = tpu.memref_slice %arg3[%add3A_23] : memref<320000xi32, #tpu.memory_space<hbm>> -> memref<80xi32, #tpu.memory_space<hbm>>
        tpu.enqueue_dma source(%dma_start3A_24 : memref<80xi32, #tpu.memory_space<hbm>>) target(%arg7 : memref<80xi32, #tpu.memory_space<vmem>>) target_semaphore(%run_scoped3A : memref<!tpu.dma_semaphore, #tpu.memory_space<semaphore_mem>>)
        %dma_wait3A = tpu.memref_slice %arg3[%add3A_23] : memref<320000xi32, #tpu.memory_space<hbm>> -> memref<80xi32, #tpu.memory_space<hbm>>
        %dma_wait3A_25 = tpu.memref_slice %arg3[%add3A_23] : memref<320000xi32, #tpu.memory_space<hbm>> -> memref<80xi32, #tpu.memory_space<hbm>>
        tpu.wait_dma2 semaphore(%run_scoped3A : memref<!tpu.dma_semaphore, #tpu.memory_space<semaphore_mem>>) src(%dma_wait3A_25 : memref<80xi32, #tpu.memory_space<hbm>>) dst(%arg7 : memref<80xi32, #tpu.memory_space<vmem>>)
        tpu.yield
      }) : () -> ()
      "tpu.region"() ({
        %run_scoped3A = tpu.sem_alloc : memref<!tpu.dma_semaphore, #tpu.memory_space<semaphore_mem>>
        %dma_start3A = arith.constant 0 : i32
        %dma_start3A_24 = tpu.memref_slice %arg2[%add3A_23, %dma_start3A] : memref<320000x16xf32, #tpu.memory_space<hbm>> -> memref<80x16xf32, #tpu.memory_space<hbm>>
        %dma_start3A_25 = arith.constant 0 : i32
        %dma_start3A_26 = tpu.memref_slice %arg2[%add3A_23, %dma_start3A_25] : memref<320000x16xf32, #tpu.memory_space<hbm>> -> memref<80x16xf32, #tpu.memory_space<hbm>>
        tpu.enqueue_dma source(%dma_start3A_26 : memref<80x16xf32, #tpu.memory_space<hbm>>) target(%arg8 : memref<80x16xf32, #tpu.memory_space<vmem>>) target_semaphore(%run_scoped3A : memref<!tpu.dma_semaphore, #tpu.memory_space<semaphore_mem>>)
        %dma_wait3A = arith.constant 0 : i32
        %dma_wait3A_27 = tpu.memref_slice %arg2[%add3A_23, %dma_wait3A] : memref<320000x16xf32, #tpu.memory_space<hbm>> -> memref<80x16xf32, #tpu.memory_space<hbm>>
        %dma_wait3A_28 = arith.constant 0 : i32
        %dma_wait3A_29 = tpu.memref_slice %arg2[%add3A_23, %dma_wait3A_28] : memref<320000x16xf32, #tpu.memory_space<hbm>> -> memref<80x16xf32, #tpu.memory_space<hbm>>
        tpu.wait_dma2 semaphore(%run_scoped3A : memref<!tpu.dma_semaphore, #tpu.memory_space<semaphore_mem>>) src(%dma_wait3A_29 : memref<80x16xf32, #tpu.memory_space<hbm>>) dst(%arg8 : memref<80x16xf32, #tpu.memory_space<vmem>>)
        tpu.yield
      }) : () -> ()
      "tpu.region"() ({
        %run_scoped3A = tpu.sem_alloc : memref<!tpu.dma_semaphore, #tpu.memory_space<semaphore_mem>>
        %dma_start3A = arith.constant 0 : i32
        %dma_start3A_24 = arith.constant 0 : i32
        %dma_start3A_25 = tpu.memref_slice %arg6[%dma_start3A, %dma_start3A_24] : memref<10240x16xf32, #tpu.memory_space<vmem_shared>> -> memref<10240x16xf32, #tpu.memory_space<vmem_shared>>
        tpu.enqueue_indirect_dma source(%arg8 : memref<80x16xf32, #tpu.memory_space<vmem>>) target(%dma_start3A_25 : memref<10240x16xf32, #tpu.memory_space<vmem_shared>>) offsets(%arg7 : memref<80xi32, #tpu.memory_space<vmem>>) semaphore(%run_scoped3A : memref<!tpu.dma_semaphore, #tpu.memory_space<semaphore_mem>>) {add = true}
        %dma_wait3A = arith.constant 0 : i32
        %dma_wait3A_26 = arith.constant 0 : i32
        %dma_wait3A_27 = tpu.memref_slice %arg6[%dma_wait3A, %dma_wait3A_26] : memref<10240x16xf32, #tpu.memory_space<vmem_shared>> -> memref<10240x16xf32, #tpu.memory_space<vmem_shared>>
        tpu.wait_indirect_dma semaphore(%run_scoped3A : memref<!tpu.dma_semaphore, #tpu.memory_space<semaphore_mem>>) src(%arg8 : memref<80x16xf32, #tpu.memory_space<vmem>>) dst(%dma_wait3A_27 : memref<10240x16xf32, #tpu.memory_space<vmem_shared>>)
        tpu.yield
      }) : () -> ()
    }
    %scan3A_10 = arith.constant 125 : i32
    %barrier3A_11 = arith.constant 0 : index
    tpu.barrier barrier_id(%barrier3A_11)
    %mul3A_12 = arith.constant 640 : i32
    %mul3A_13 = arith.muli %arg1, %mul3A_12 : i32
    %mul3A_14 = arith.constant 640 : i32
    %mul3A_15 = arith.muli %arg1, %mul3A_14 : i32
    "tpu.region"() ({
      %run_scoped3A = tpu.sem_alloc : memref<!tpu.dma_semaphore, #tpu.memory_space<semaphore_mem>>
      %dma_start3A = arith.constant 0 : i32
      %dma_start3A_16 = tpu.memref_slice %arg5[%arg0, %mul3A_15, %dma_start3A] : memref<2x10240x16xf32, #tpu.memory_space<hbm>> -> memref<1x640x16xf32, #tpu.memory_space<hbm>>
      %dma_start3A_17 = tpu.memref_squeeze %dma_start3A_16 : memref<1x640x16xf32, #tpu.memory_space<hbm>> -> memref<640x16xf32, #tpu.memory_space<hbm>>
      %dma_start3A_18 = arith.constant 0 : i32
      %dma_start3A_19 = tpu.memref_slice %arg6[%mul3A_13, %dma_start3A_18] : memref<10240x16xf32, #tpu.memory_space<vmem_shared>> -> memref<640x16xf32, #tpu.memory_space<vmem_shared>>
      tpu.enqueue_dma source(%dma_start3A_19 : memref<640x16xf32, #tpu.memory_space<vmem_shared>>) target(%dma_start3A_17 : memref<640x16xf32, #tpu.memory_space<hbm>>) target_semaphore(%run_scoped3A : memref<!tpu.dma_semaphore, #tpu.memory_space<semaphore_mem>>)
      %dma_wait3A = arith.constant 0 : i32
      %dma_wait3A_20 = tpu.memref_slice %arg5[%arg0, %mul3A_15, %dma_wait3A] : memref<2x10240x16xf32, #tpu.memory_space<hbm>> -> memref<1x640x16xf32, #tpu.memory_space<hbm>>
      %dma_wait3A_21 = tpu.memref_squeeze %dma_wait3A_20 : memref<1x640x16xf32, #tpu.memory_space<hbm>> -> memref<640x16xf32, #tpu.memory_space<hbm>>
      %dma_wait3A_22 = arith.constant 0 : i32
      %dma_wait3A_23 = tpu.memref_slice %arg6[%mul3A_13, %dma_wait3A_22] : memref<10240x16xf32, #tpu.memory_space<vmem_shared>> -> memref<640x16xf32, #tpu.memory_space<vmem_shared>>
      tpu.wait_dma2 semaphore(%run_scoped3A : memref<!tpu.dma_semaphore, #tpu.memory_space<semaphore_mem>>) src(%dma_wait3A_23 : memref<640x16xf32, #tpu.memory_space<vmem_shared>>) dst(%dma_wait3A_21 : memref<640x16xf32, #tpu.memory_space<hbm>>)
      tpu.yield
    }) : () -> ()
    return
  }
}

#map = affine_map<(d0, d1) -> (0, 0)>
#map1 = affine_map<(d0, d1) -> (0)>
module attributes {stable_mosaic.version = 14 : i64} {
  func.func @k(%arg0: i32, %arg1: i32, %arg2: memref<10000x128xf32, #tpu.memory_space<hbm>>, %arg3: memref<320000xi32, #tpu.memory_space<hbm>>, %arg4: memref<320000xi32, #tpu.memory_space<hbm>>, %arg5: memref<320000x256xf32, #tpu.memory_space<hbm>>, %arg6: memref<80xi32, #tpu.memory_space<vmem>>, %arg7: memref<80xi32, #tpu.memory_space<vmem>>, %arg8: memref<80xi32, #tpu.memory_space<vmem>>, %arg9: memref<80xi32, #tpu.memory_space<vmem>>, %arg10: memref<80x128xf32, #tpu.memory_space<vmem>>, %arg11: memref<80x128xf32, #tpu.memory_space<vmem>>, %arg12: memref<80x128xf32, #tpu.memory_space<vmem>>, %arg13: memref<80x128xf32, #tpu.memory_space<vmem>>, %arg14: memref<!tpu.dma_semaphore, #tpu.memory_space<semaphore_mem>>, %arg15: memref<!tpu.dma_semaphore, #tpu.memory_space<semaphore_mem>>, %arg16: memref<!tpu.dma_semaphore, #tpu.memory_space<semaphore_mem>>, %arg17: memref<!tpu.dma_semaphore, #tpu.memory_space<semaphore_mem>>, %arg18: memref<!tpu.dma_semaphore, #tpu.memory_space<semaphore_mem>>, %arg19: memref<!tpu.dma_semaphore, #tpu.memory_space<semaphore_mem>>, %arg20: memref<!tpu.dma_semaphore, #tpu.memory_space<semaphore_mem>>, %arg21: memref<!tpu.dma_semaphore, #tpu.memory_space<semaphore_mem>>) attributes {dimension_semantics = [#tpu.dimension_semantics<core_parallel>, #tpu.dimension_semantics<subcore_parallel>], iteration_bounds = array<i64: 2, 16>, scalar_prefetch = 0 : i64, scratch_operands = 16 : i64, tpu.core_type = #tpu.core_type<sc_vector_subcore>, window_params = [{transform_indices = #map}, {transform_indices = #map1}, {transform_indices = #map1}, {transform_indices = #map}]} {
    %mul3A = arith.constant 2 : i32
    %mul3A_0 = arith.muli %arg1, %mul3A : i32
    %add3A = arith.addi %mul3A_0, %arg0 : i32
    %mul3A_1 = arith.constant 10000 : i32
    %mul3A_2 = arith.muli %add3A, %mul3A_1 : i32
    %add3A_3 = arith.constant 0 : i32
    %add3A_4 = arith.addi %mul3A_2, %add3A_3 : i32
    "tpu.region"() ({
      %run_scoped3A = tpu.sem_alloc : memref<!tpu.dma_semaphore, #tpu.memory_space<semaphore_mem>>
      %dma_start3A_45 = tpu.memref_slice %arg3[%add3A_4] : memref<320000xi32, #tpu.memory_space<hbm>> -> memref<80xi32, #tpu.memory_space<hbm>>
      %dma_start3A_46 = tpu.memref_slice %arg3[%add3A_4] : memref<320000xi32, #tpu.memory_space<hbm>> -> memref<80xi32, #tpu.memory_space<hbm>>
      tpu.enqueue_dma source(%dma_start3A_46 : memref<80xi32, #tpu.memory_space<hbm>>) target(%arg6 : memref<80xi32, #tpu.memory_space<vmem>>) target_semaphore(%run_scoped3A : memref<!tpu.dma_semaphore, #tpu.memory_space<semaphore_mem>>)
      %dma_wait3A_47 = tpu.memref_slice %arg3[%add3A_4] : memref<320000xi32, #tpu.memory_space<hbm>> -> memref<80xi32, #tpu.memory_space<hbm>>
      %dma_wait3A_48 = tpu.memref_slice %arg3[%add3A_4] : memref<320000xi32, #tpu.memory_space<hbm>> -> memref<80xi32, #tpu.memory_space<hbm>>
      tpu.wait_dma2 semaphore(%run_scoped3A : memref<!tpu.dma_semaphore, #tpu.memory_space<semaphore_mem>>) src(%dma_wait3A_48 : memref<80xi32, #tpu.memory_space<hbm>>) dst(%arg6 : memref<80xi32, #tpu.memory_space<vmem>>)
      tpu.yield
    }) : () -> ()
    "tpu.region"() ({
      %run_scoped3A = tpu.sem_alloc : memref<!tpu.dma_semaphore, #tpu.memory_space<semaphore_mem>>
      %dma_start3A_45 = tpu.memref_slice %arg4[%add3A_4] : memref<320000xi32, #tpu.memory_space<hbm>> -> memref<80xi32, #tpu.memory_space<hbm>>
      %dma_start3A_46 = tpu.memref_slice %arg4[%add3A_4] : memref<320000xi32, #tpu.memory_space<hbm>> -> memref<80xi32, #tpu.memory_space<hbm>>
      tpu.enqueue_dma source(%dma_start3A_46 : memref<80xi32, #tpu.memory_space<hbm>>) target(%arg8 : memref<80xi32, #tpu.memory_space<vmem>>) target_semaphore(%run_scoped3A : memref<!tpu.dma_semaphore, #tpu.memory_space<semaphore_mem>>)
      %dma_wait3A_47 = tpu.memref_slice %arg4[%add3A_4] : memref<320000xi32, #tpu.memory_space<hbm>> -> memref<80xi32, #tpu.memory_space<hbm>>
      %dma_wait3A_48 = tpu.memref_slice %arg4[%add3A_4] : memref<320000xi32, #tpu.memory_space<hbm>> -> memref<80xi32, #tpu.memory_space<hbm>>
      tpu.wait_dma2 semaphore(%run_scoped3A : memref<!tpu.dma_semaphore, #tpu.memory_space<semaphore_mem>>) src(%dma_wait3A_48 : memref<80xi32, #tpu.memory_space<hbm>>) dst(%arg8 : memref<80xi32, #tpu.memory_space<vmem>>)
      tpu.yield
    }) : () -> ()
    %dma_start3A = arith.constant 0 : i32
    %dma_start3A_5 = arith.constant 0 : i32
    %dma_start3A_6 = tpu.memref_slice %arg2[%dma_start3A, %dma_start3A_5] : memref<10000x128xf32, #tpu.memory_space<hbm>> -> memref<10000x128xf32, #tpu.memory_space<hbm>>
    tpu.enqueue_indirect_dma source(%dma_start3A_6 : memref<10000x128xf32, #tpu.memory_space<hbm>>) target(%arg10 : memref<80x128xf32, #tpu.memory_space<vmem>>) offsets(%arg6 : memref<80xi32, #tpu.memory_space<vmem>>) semaphore(%arg14 : memref<!tpu.dma_semaphore, #tpu.memory_space<semaphore_mem>>)
    %dma_start3A_7 = arith.constant 0 : i32
    %dma_start3A_8 = arith.constant 0 : i32
    %dma_start3A_9 = tpu.memref_slice %arg2[%dma_start3A_7, %dma_start3A_8] : memref<10000x128xf32, #tpu.memory_space<hbm>> -> memref<10000x128xf32, #tpu.memory_space<hbm>>
    tpu.enqueue_indirect_dma source(%dma_start3A_9 : memref<10000x128xf32, #tpu.memory_space<hbm>>) target(%arg12 : memref<80x128xf32, #tpu.memory_space<vmem>>) offsets(%arg8 : memref<80xi32, #tpu.memory_space<vmem>>) semaphore(%arg16 : memref<!tpu.dma_semaphore, #tpu.memory_space<semaphore_mem>>)
    %scan3A = arith.constant 0 : i32
    %scan3A_10 = arith.constant 62 : i32
    %scan3A_11 = arith.addi %scan3A, %scan3A_10 : i32
    %scan3A_12 = arith.constant 1 : i32
    scf.for %scan3A_45 = %scan3A to %scan3A_11 step %scan3A_12  : i32 {
      %mul3A_46 = arith.constant 2 : i32
      %mul3A_47 = arith.muli %scan3A_45, %mul3A_46 : i32
      %add3A_48 = arith.constant 0 : i32
      %add3A_49 = arith.addi %add3A_48, %mul3A_47 : i32
      %gt3A = arith.constant 0 : i32
      %gt3A_50 = arith.cmpi sgt, %add3A_49, %gt3A : i32
      %convert_element_type3A = arith.extui %gt3A_50 : i1 to i32
      %cond3A = arith.constant 0 : i32
      %cond3A_51 = arith.cmpi ne, %convert_element_type3A, %cond3A : i32
      scf.if %cond3A_51 {
        %dma_wait3A_118 = arith.constant 0 : i32
        %dma_wait3A_119 = tpu.memref_slice %arg5[%mul3A_2, %dma_wait3A_118] : memref<320000x256xf32, #tpu.memory_space<hbm>> -> memref<80x128xf32, #tpu.memory_space<hbm>>
        %dma_wait3A_120 = arith.constant 0 : i32
        %dma_wait3A_121 = tpu.memref_slice %arg5[%mul3A_2, %dma_wait3A_120] : memref<320000x256xf32, #tpu.memory_space<hbm>> -> memref<80x128xf32, #tpu.memory_space<hbm>>
        tpu.wait_dma2 semaphore(%arg21 : memref<!tpu.dma_semaphore, #tpu.memory_space<semaphore_mem>>) src(%arg13 : memref<80x128xf32, #tpu.memory_space<vmem>>) dst(%dma_wait3A_121 : memref<80x128xf32, #tpu.memory_space<hbm>>)
        %dma_wait3A_122 = arith.constant 128 : i32
        %dma_wait3A_123 = tpu.memref_slice %arg5[%mul3A_2, %dma_wait3A_122] : memref<320000x256xf32, #tpu.memory_space<hbm>> -> memref<80x128xf32, #tpu.memory_space<hbm>>
        %dma_wait3A_124 = arith.constant 128 : i32
        %dma_wait3A_125 = tpu.memref_slice %arg5[%mul3A_2, %dma_wait3A_124] : memref<320000x256xf32, #tpu.memory_space<hbm>> -> memref<80x128xf32, #tpu.memory_space<hbm>>
        tpu.wait_dma2 semaphore(%arg19 : memref<!tpu.dma_semaphore, #tpu.memory_space<semaphore_mem>>) src(%arg11 : memref<80x128xf32, #tpu.memory_space<vmem>>) dst(%dma_wait3A_125 : memref<80x128xf32, #tpu.memory_space<hbm>>)
      } else {
      }
      %add3A_52 = arith.constant 1 : i32
      %add3A_53 = arith.addi %add3A_49, %add3A_52 : i32
      %mul3A_54 = arith.constant 80 : i32
      %mul3A_55 = arith.muli %add3A_53, %mul3A_54 : i32
      %add3A_56 = arith.addi %mul3A_2, %mul3A_55 : i32
      "tpu.region"() ({
        %run_scoped3A = tpu.sem_alloc : memref<!tpu.dma_semaphore, #tpu.memory_space<semaphore_mem>>
        %dma_start3A_118 = tpu.memref_slice %arg3[%add3A_56] : memref<320000xi32, #tpu.memory_space<hbm>> -> memref<80xi32, #tpu.memory_space<hbm>>
        %dma_start3A_119 = tpu.memref_slice %arg3[%add3A_56] : memref<320000xi32, #tpu.memory_space<hbm>> -> memref<80xi32, #tpu.memory_space<hbm>>
        tpu.enqueue_dma source(%dma_start3A_119 : memref<80xi32, #tpu.memory_space<hbm>>) target(%arg7 : memref<80xi32, #tpu.memory_space<vmem>>) target_semaphore(%run_scoped3A : memref<!tpu.dma_semaphore, #tpu.memory_space<semaphore_mem>>)
        %dma_wait3A_120 = tpu.memref_slice %arg3[%add3A_56] : memref<320000xi32, #tpu.memory_space<hbm>> -> memref<80xi32, #tpu.memory_space<hbm>>
        %dma_wait3A_121 = tpu.memref_slice %arg3[%add3A_56] : memref<320000xi32, #tpu.memory_space<hbm>> -> memref<80xi32, #tpu.memory_space<hbm>>
        tpu.wait_dma2 semaphore(%run_scoped3A : memref<!tpu.dma_semaphore, #tpu.memory_space<semaphore_mem>>) src(%dma_wait3A_121 : memref<80xi32, #tpu.memory_space<hbm>>) dst(%arg7 : memref<80xi32, #tpu.memory_space<vmem>>)
        tpu.yield
      }) : () -> ()
      "tpu.region"() ({
        %run_scoped3A = tpu.sem_alloc : memref<!tpu.dma_semaphore, #tpu.memory_space<semaphore_mem>>
        %dma_start3A_118 = tpu.memref_slice %arg4[%add3A_56] : memref<320000xi32, #tpu.memory_space<hbm>> -> memref<80xi32, #tpu.memory_space<hbm>>
        %dma_start3A_119 = tpu.memref_slice %arg4[%add3A_56] : memref<320000xi32, #tpu.memory_space<hbm>> -> memref<80xi32, #tpu.memory_space<hbm>>
        tpu.enqueue_dma source(%dma_start3A_119 : memref<80xi32, #tpu.memory_space<hbm>>) target(%arg9 : memref<80xi32, #tpu.memory_space<vmem>>) target_semaphore(%run_scoped3A : memref<!tpu.dma_semaphore, #tpu.memory_space<semaphore_mem>>)
        %dma_wait3A_120 = tpu.memref_slice %arg4[%add3A_56] : memref<320000xi32, #tpu.memory_space<hbm>> -> memref<80xi32, #tpu.memory_space<hbm>>
        %dma_wait3A_121 = tpu.memref_slice %arg4[%add3A_56] : memref<320000xi32, #tpu.memory_space<hbm>> -> memref<80xi32, #tpu.memory_space<hbm>>
        tpu.wait_dma2 semaphore(%run_scoped3A : memref<!tpu.dma_semaphore, #tpu.memory_space<semaphore_mem>>) src(%dma_wait3A_121 : memref<80xi32, #tpu.memory_space<hbm>>) dst(%arg9 : memref<80xi32, #tpu.memory_space<vmem>>)
        tpu.yield
      }) : () -> ()
      %dma_start3A_57 = arith.constant 0 : i32
      %dma_start3A_58 = arith.constant 0 : i32
      %dma_start3A_59 = tpu.memref_slice %arg2[%dma_start3A_57, %dma_start3A_58] : memref<10000x128xf32, #tpu.memory_space<hbm>> -> memref<10000x128xf32, #tpu.memory_space<hbm>>
      tpu.enqueue_indirect_dma source(%dma_start3A_59 : memref<10000x128xf32, #tpu.memory_space<hbm>>) target(%arg11 : memref<80x128xf32, #tpu.memory_space<vmem>>) offsets(%arg7 : memref<80xi32, #tpu.memory_space<vmem>>) semaphore(%arg15 : memref<!tpu.dma_semaphore, #tpu.memory_space<semaphore_mem>>)
      %dma_start3A_60 = arith.constant 0 : i32
      %dma_start3A_61 = arith.constant 0 : i32
      %dma_start3A_62 = tpu.memref_slice %arg2[%dma_start3A_60, %dma_start3A_61] : memref<10000x128xf32, #tpu.memory_space<hbm>> -> memref<10000x128xf32, #tpu.memory_space<hbm>>
      tpu.enqueue_indirect_dma source(%dma_start3A_62 : memref<10000x128xf32, #tpu.memory_space<hbm>>) target(%arg13 : memref<80x128xf32, #tpu.memory_space<vmem>>) offsets(%arg9 : memref<80xi32, #tpu.memory_space<vmem>>) semaphore(%arg17 : memref<!tpu.dma_semaphore, #tpu.memory_space<semaphore_mem>>)
      %dma_wait3A_63 = arith.constant 0 : i32
      %dma_wait3A_64 = arith.constant 0 : i32
      %dma_wait3A_65 = tpu.memref_slice %arg2[%dma_wait3A_63, %dma_wait3A_64] : memref<10000x128xf32, #tpu.memory_space<hbm>> -> memref<10000x128xf32, #tpu.memory_space<hbm>>
      tpu.wait_indirect_dma semaphore(%arg14 : memref<!tpu.dma_semaphore, #tpu.memory_space<semaphore_mem>>) src(%dma_wait3A_65 : memref<10000x128xf32, #tpu.memory_space<hbm>>) dst(%arg10 : memref<80x128xf32, #tpu.memory_space<vmem>>)
      %dma_wait3A_66 = arith.constant 0 : i32
      %dma_wait3A_67 = arith.constant 0 : i32
      %dma_wait3A_68 = tpu.memref_slice %arg2[%dma_wait3A_66, %dma_wait3A_67] : memref<10000x128xf32, #tpu.memory_space<hbm>> -> memref<10000x128xf32, #tpu.memory_space<hbm>>
      tpu.wait_indirect_dma semaphore(%arg16 : memref<!tpu.dma_semaphore, #tpu.memory_space<semaphore_mem>>) src(%dma_wait3A_68 : memref<10000x128xf32, #tpu.memory_space<hbm>>) dst(%arg12 : memref<80x128xf32, #tpu.memory_space<vmem>>)
      %mul3A_69 = arith.constant 80 : i32
      %mul3A_70 = arith.muli %add3A_49, %mul3A_69 : i32
      %add3A_71 = arith.addi %mul3A_2, %mul3A_70 : i32
      %dma_start3A_72 = arith.constant 0 : i32
      %dma_start3A_73 = tpu.memref_slice %arg5[%add3A_71, %dma_start3A_72] : memref<320000x256xf32, #tpu.memory_space<hbm>> -> memref<80x128xf32, #tpu.memory_space<hbm>>
      %dma_start3A_74 = arith.constant 0 : i32
      %dma_start3A_75 = tpu.memref_slice %arg5[%add3A_71, %dma_start3A_74] : memref<320000x256xf32, #tpu.memory_space<hbm>> -> memref<80x128xf32, #tpu.memory_space<hbm>>
      tpu.enqueue_dma source(%arg12 : memref<80x128xf32, #tpu.memory_space<vmem>>) target(%dma_start3A_75 : memref<80x128xf32, #tpu.memory_space<hbm>>) target_semaphore(%arg20 : memref<!tpu.dma_semaphore, #tpu.memory_space<semaphore_mem>>)
      %dma_start3A_76 = arith.constant 128 : i32
      %dma_start3A_77 = tpu.memref_slice %arg5[%add3A_71, %dma_start3A_76] : memref<320000x256xf32, #tpu.memory_space<hbm>> -> memref<80x128xf32, #tpu.memory_space<hbm>>
      %dma_start3A_78 = arith.constant 128 : i32
      %dma_start3A_79 = tpu.memref_slice %arg5[%add3A_71, %dma_start3A_78] : memref<320000x256xf32, #tpu.memory_space<hbm>> -> memref<80x128xf32, #tpu.memory_space<hbm>>
      tpu.enqueue_dma source(%arg10 : memref<80x128xf32, #tpu.memory_space<vmem>>) target(%dma_start3A_79 : memref<80x128xf32, #tpu.memory_space<hbm>>) target_semaphore(%arg18 : memref<!tpu.dma_semaphore, #tpu.memory_space<semaphore_mem>>)
      %dma_wait3A_80 = arith.constant 0 : i32
      %dma_wait3A_81 = tpu.memref_slice %arg5[%mul3A_2, %dma_wait3A_80] : memref<320000x256xf32, #tpu.memory_space<hbm>> -> memref<80x128xf32, #tpu.memory_space<hbm>>
      %dma_wait3A_82 = arith.constant 0 : i32
      %dma_wait3A_83 = tpu.memref_slice %arg5[%mul3A_2, %dma_wait3A_82] : memref<320000x256xf32, #tpu.memory_space<hbm>> -> memref<80x128xf32, #tpu.memory_space<hbm>>
      tpu.wait_dma2 semaphore(%arg20 : memref<!tpu.dma_semaphore, #tpu.memory_space<semaphore_mem>>) src(%arg12 : memref<80x128xf32, #tpu.memory_space<vmem>>) dst(%dma_wait3A_83 : memref<80x128xf32, #tpu.memory_space<hbm>>)
      %dma_wait3A_84 = arith.constant 128 : i32
      %dma_wait3A_85 = tpu.memref_slice %arg5[%mul3A_2, %dma_wait3A_84] : memref<320000x256xf32, #tpu.memory_space<hbm>> -> memref<80x128xf32, #tpu.memory_space<hbm>>
      %dma_wait3A_86 = arith.constant 128 : i32
      %dma_wait3A_87 = tpu.memref_slice %arg5[%mul3A_2, %dma_wait3A_86] : memref<320000x256xf32, #tpu.memory_space<hbm>> -> memref<80x128xf32, #tpu.memory_space<hbm>>
      tpu.wait_dma2 semaphore(%arg18 : memref<!tpu.dma_semaphore, #tpu.memory_space<semaphore_mem>>) src(%arg10 : memref<80x128xf32, #tpu.memory_space<vmem>>) dst(%dma_wait3A_87 : memref<80x128xf32, #tpu.memory_space<hbm>>)
      %add3A_88 = arith.constant 2 : i32
      %add3A_89 = arith.addi %add3A_49, %add3A_88 : i32
      %mul3A_90 = arith.constant 80 : i32
      %mul3A_91 = arith.muli %add3A_89, %mul3A_90 : i32
      %add3A_92 = arith.addi %mul3A_2, %mul3A_91 : i32
      "tpu.region"() ({
        %run_scoped3A = tpu.sem_alloc : memref<!tpu.dma_semaphore, #tpu.memory_space<semaphore_mem>>
        %dma_start3A_118 = tpu.memref_slice %arg3[%add3A_92] : memref<320000xi32, #tpu.memory_space<hbm>> -> memref<80xi32, #tpu.memory_space<hbm>>
        %dma_start3A_119 = tpu.memref_slice %arg3[%add3A_92] : memref<320000xi32, #tpu.memory_space<hbm>> -> memref<80xi32, #tpu.memory_space<hbm>>
        tpu.enqueue_dma source(%dma_start3A_119 : memref<80xi32, #tpu.memory_space<hbm>>) target(%arg6 : memref<80xi32, #tpu.memory_space<vmem>>) target_semaphore(%run_scoped3A : memref<!tpu.dma_semaphore, #tpu.memory_space<semaphore_mem>>)
        %dma_wait3A_120 = tpu.memref_slice %arg3[%add3A_92] : memref<320000xi32, #tpu.memory_space<hbm>> -> memref<80xi32, #tpu.memory_space<hbm>>
        %dma_wait3A_121 = tpu.memref_slice %arg3[%add3A_92] : memref<320000xi32, #tpu.memory_space<hbm>> -> memref<80xi32, #tpu.memory_space<hbm>>
        tpu.wait_dma2 semaphore(%run_scoped3A : memref<!tpu.dma_semaphore, #tpu.memory_space<semaphore_mem>>) src(%dma_wait3A_121 : memref<80xi32, #tpu.memory_space<hbm>>) dst(%arg6 : memref<80xi32, #tpu.memory_space<vmem>>)
        tpu.yield
      }) : () -> ()
      "tpu.region"() ({
        %run_scoped3A = tpu.sem_alloc : memref<!tpu.dma_semaphore, #tpu.memory_space<semaphore_mem>>
        %dma_start3A_118 = tpu.memref_slice %arg4[%add3A_92] : memref<320000xi32, #tpu.memory_space<hbm>> -> memref<80xi32, #tpu.memory_space<hbm>>
        %dma_start3A_119 = tpu.memref_slice %arg4[%add3A_92] : memref<320000xi32, #tpu.memory_space<hbm>> -> memref<80xi32, #tpu.memory_space<hbm>>
        tpu.enqueue_dma source(%dma_start3A_119 : memref<80xi32, #tpu.memory_space<hbm>>) target(%arg8 : memref<80xi32, #tpu.memory_space<vmem>>) target_semaphore(%run_scoped3A : memref<!tpu.dma_semaphore, #tpu.memory_space<semaphore_mem>>)
        %dma_wait3A_120 = tpu.memref_slice %arg4[%add3A_92] : memref<320000xi32, #tpu.memory_space<hbm>> -> memref<80xi32, #tpu.memory_space<hbm>>
        %dma_wait3A_121 = tpu.memref_slice %arg4[%add3A_92] : memref<320000xi32, #tpu.memory_space<hbm>> -> memref<80xi32, #tpu.memory_space<hbm>>
        tpu.wait_dma2 semaphore(%run_scoped3A : memref<!tpu.dma_semaphore, #tpu.memory_space<semaphore_mem>>) src(%dma_wait3A_121 : memref<80xi32, #tpu.memory_space<hbm>>) dst(%arg8 : memref<80xi32, #tpu.memory_space<vmem>>)
        tpu.yield
      }) : () -> ()
      %dma_start3A_93 = arith.constant 0 : i32
      %dma_start3A_94 = arith.constant 0 : i32
      %dma_start3A_95 = tpu.memref_slice %arg2[%dma_start3A_93, %dma_start3A_94] : memref<10000x128xf32, #tpu.memory_space<hbm>> -> memref<10000x128xf32, #tpu.memory_space<hbm>>
      tpu.enqueue_indirect_dma source(%dma_start3A_95 : memref<10000x128xf32, #tpu.memory_space<hbm>>) target(%arg10 : memref<80x128xf32, #tpu.memory_space<vmem>>) offsets(%arg6 : memref<80xi32, #tpu.memory_space<vmem>>) semaphore(%arg14 : memref<!tpu.dma_semaphore, #tpu.memory_space<semaphore_mem>>)
      %dma_start3A_96 = arith.constant 0 : i32
      %dma_start3A_97 = arith.constant 0 : i32
      %dma_start3A_98 = tpu.memref_slice %arg2[%dma_start3A_96, %dma_start3A_97] : memref<10000x128xf32, #tpu.memory_space<hbm>> -> memref<10000x128xf32, #tpu.memory_space<hbm>>
      tpu.enqueue_indirect_dma source(%dma_start3A_98 : memref<10000x128xf32, #tpu.memory_space<hbm>>) target(%arg12 : memref<80x128xf32, #tpu.memory_space<vmem>>) offsets(%arg8 : memref<80xi32, #tpu.memory_space<vmem>>) semaphore(%arg16 : memref<!tpu.dma_semaphore, #tpu.memory_space<semaphore_mem>>)
      %dma_wait3A_99 = arith.constant 0 : i32
      %dma_wait3A_100 = arith.constant 0 : i32
      %dma_wait3A_101 = tpu.memref_slice %arg2[%dma_wait3A_99, %dma_wait3A_100] : memref<10000x128xf32, #tpu.memory_space<hbm>> -> memref<10000x128xf32, #tpu.memory_space<hbm>>
      tpu.wait_indirect_dma semaphore(%arg15 : memref<!tpu.dma_semaphore, #tpu.memory_space<semaphore_mem>>) src(%dma_wait3A_101 : memref<10000x128xf32, #tpu.memory_space<hbm>>) dst(%arg11 : memref<80x128xf32, #tpu.memory_space<vmem>>)
      %dma_wait3A_102 = arith.constant 0 : i32
      %dma_wait3A_103 = arith.constant 0 : i32
      %dma_wait3A_104 = tpu.memref_slice %arg2[%dma_wait3A_102, %dma_wait3A_103] : memref<10000x128xf32, #tpu.memory_space<hbm>> -> memref<10000x128xf32, #tpu.memory_space<hbm>>
      tpu.wait_indirect_dma semaphore(%arg17 : memref<!tpu.dma_semaphore, #tpu.memory_space<semaphore_mem>>) src(%dma_wait3A_104 : memref<10000x128xf32, #tpu.memory_space<hbm>>) dst(%arg13 : memref<80x128xf32, #tpu.memory_space<vmem>>)
      %add3A_105 = arith.constant 1 : i32
      %add3A_106 = arith.addi %add3A_49, %add3A_105 : i32
      %mul3A_107 = arith.constant 80 : i32
      %mul3A_108 = arith.muli %add3A_106, %mul3A_107 : i32
      %add3A_109 = arith.addi %mul3A_2, %mul3A_108 : i32
      %dma_start3A_110 = arith.constant 0 : i32
      %dma_start3A_111 = tpu.memref_slice %arg5[%add3A_109, %dma_start3A_110] : memref<320000x256xf32, #tpu.memory_space<hbm>> -> memref<80x128xf32, #tpu.memory_space<hbm>>
      %dma_start3A_112 = arith.constant 0 : i32
      %dma_start3A_113 = tpu.memref_slice %arg5[%add3A_109, %dma_start3A_112] : memref<320000x256xf32, #tpu.memory_space<hbm>> -> memref<80x128xf32, #tpu.memory_space<hbm>>
      tpu.enqueue_dma source(%arg13 : memref<80x128xf32, #tpu.memory_space<vmem>>) target(%dma_start3A_113 : memref<80x128xf32, #tpu.memory_space<hbm>>) target_semaphore(%arg21 : memref<!tpu.dma_semaphore, #tpu.memory_space<semaphore_mem>>)
      %dma_start3A_114 = arith.constant 128 : i32
      %dma_start3A_115 = tpu.memref_slice %arg5[%add3A_109, %dma_start3A_114] : memref<320000x256xf32, #tpu.memory_space<hbm>> -> memref<80x128xf32, #tpu.memory_space<hbm>>
      %dma_start3A_116 = arith.constant 128 : i32
      %dma_start3A_117 = tpu.memref_slice %arg5[%add3A_109, %dma_start3A_116] : memref<320000x256xf32, #tpu.memory_space<hbm>> -> memref<80x128xf32, #tpu.memory_space<hbm>>
      tpu.enqueue_dma source(%arg11 : memref<80x128xf32, #tpu.memory_space<vmem>>) target(%dma_start3A_117 : memref<80x128xf32, #tpu.memory_space<hbm>>) target_semaphore(%arg19 : memref<!tpu.dma_semaphore, #tpu.memory_space<semaphore_mem>>)
    }
    %scan3A_13 = arith.constant 62 : i32
    %dma_wait3A = arith.constant 0 : i32
    %dma_wait3A_14 = arith.constant 0 : i32
    %dma_wait3A_15 = tpu.memref_slice %arg2[%dma_wait3A, %dma_wait3A_14] : memref<10000x128xf32, #tpu.memory_space<hbm>> -> memref<10000x128xf32, #tpu.memory_space<hbm>>
    tpu.wait_indirect_dma semaphore(%arg14 : memref<!tpu.dma_semaphore, #tpu.memory_space<semaphore_mem>>) src(%dma_wait3A_15 : memref<10000x128xf32, #tpu.memory_space<hbm>>) dst(%arg10 : memref<80x128xf32, #tpu.memory_space<vmem>>)
    %dma_wait3A_16 = arith.constant 0 : i32
    %dma_wait3A_17 = arith.constant 0 : i32
    %dma_wait3A_18 = tpu.memref_slice %arg2[%dma_wait3A_16, %dma_wait3A_17] : memref<10000x128xf32, #tpu.memory_space<hbm>> -> memref<10000x128xf32, #tpu.memory_space<hbm>>
    tpu.wait_indirect_dma semaphore(%arg16 : memref<!tpu.dma_semaphore, #tpu.memory_space<semaphore_mem>>) src(%dma_wait3A_18 : memref<10000x128xf32, #tpu.memory_space<hbm>>) dst(%arg12 : memref<80x128xf32, #tpu.memory_space<vmem>>)
    %add3A_19 = arith.constant 9920 : i32
    %add3A_20 = arith.addi %mul3A_2, %add3A_19 : i32
    %dma_start3A_21 = arith.constant 0 : i32
    %dma_start3A_22 = tpu.memref_slice %arg5[%add3A_20, %dma_start3A_21] : memref<320000x256xf32, #tpu.memory_space<hbm>> -> memref<80x128xf32, #tpu.memory_space<hbm>>
    %dma_start3A_23 = arith.constant 0 : i32
    %dma_start3A_24 = tpu.memref_slice %arg5[%add3A_20, %dma_start3A_23] : memref<320000x256xf32, #tpu.memory_space<hbm>> -> memref<80x128xf32, #tpu.memory_space<hbm>>
    tpu.enqueue_dma source(%arg12 : memref<80x128xf32, #tpu.memory_space<vmem>>) target(%dma_start3A_24 : memref<80x128xf32, #tpu.memory_space<hbm>>) target_semaphore(%arg20 : memref<!tpu.dma_semaphore, #tpu.memory_space<semaphore_mem>>)
    %dma_start3A_25 = arith.constant 128 : i32
    %dma_start3A_26 = tpu.memref_slice %arg5[%add3A_20, %dma_start3A_25] : memref<320000x256xf32, #tpu.memory_space<hbm>> -> memref<80x128xf32, #tpu.memory_space<hbm>>
    %dma_start3A_27 = arith.constant 128 : i32
    %dma_start3A_28 = tpu.memref_slice %arg5[%add3A_20, %dma_start3A_27] : memref<320000x256xf32, #tpu.memory_space<hbm>> -> memref<80x128xf32, #tpu.memory_space<hbm>>
    tpu.enqueue_dma source(%arg10 : memref<80x128xf32, #tpu.memory_space<vmem>>) target(%dma_start3A_28 : memref<80x128xf32, #tpu.memory_space<hbm>>) target_semaphore(%arg18 : memref<!tpu.dma_semaphore, #tpu.memory_space<semaphore_mem>>)
    %dma_wait3A_29 = arith.constant 0 : i32
    %dma_wait3A_30 = tpu.memref_slice %arg5[%mul3A_2, %dma_wait3A_29] : memref<320000x256xf32, #tpu.memory_space<hbm>> -> memref<80x128xf32, #tpu.memory_space<hbm>>
    %dma_wait3A_31 = arith.constant 0 : i32
    %dma_wait3A_32 = tpu.memref_slice %arg5[%mul3A_2, %dma_wait3A_31] : memref<320000x256xf32, #tpu.memory_space<hbm>> -> memref<80x128xf32, #tpu.memory_space<hbm>>
    tpu.wait_dma2 semaphore(%arg21 : memref<!tpu.dma_semaphore, #tpu.memory_space<semaphore_mem>>) src(%arg13 : memref<80x128xf32, #tpu.memory_space<vmem>>) dst(%dma_wait3A_32 : memref<80x128xf32, #tpu.memory_space<hbm>>)
    %dma_wait3A_33 = arith.constant 128 : i32
    %dma_wait3A_34 = tpu.memref_slice %arg5[%mul3A_2, %dma_wait3A_33] : memref<320000x256xf32, #tpu.memory_space<hbm>> -> memref<80x128xf32, #tpu.memory_space<hbm>>
    %dma_wait3A_35 = arith.constant 128 : i32
    %dma_wait3A_36 = tpu.memref_slice %arg5[%mul3A_2, %dma_wait3A_35] : memref<320000x256xf32, #tpu.memory_space<hbm>> -> memref<80x128xf32, #tpu.memory_space<hbm>>
    tpu.wait_dma2 semaphore(%arg19 : memref<!tpu.dma_semaphore, #tpu.memory_space<semaphore_mem>>) src(%arg11 : memref<80x128xf32, #tpu.memory_space<vmem>>) dst(%dma_wait3A_36 : memref<80x128xf32, #tpu.memory_space<hbm>>)
    %dma_wait3A_37 = arith.constant 0 : i32
    %dma_wait3A_38 = tpu.memref_slice %arg5[%mul3A_2, %dma_wait3A_37] : memref<320000x256xf32, #tpu.memory_space<hbm>> -> memref<80x128xf32, #tpu.memory_space<hbm>>
    %dma_wait3A_39 = arith.constant 0 : i32
    %dma_wait3A_40 = tpu.memref_slice %arg5[%mul3A_2, %dma_wait3A_39] : memref<320000x256xf32, #tpu.memory_space<hbm>> -> memref<80x128xf32, #tpu.memory_space<hbm>>
    tpu.wait_dma2 semaphore(%arg20 : memref<!tpu.dma_semaphore, #tpu.memory_space<semaphore_mem>>) src(%arg12 : memref<80x128xf32, #tpu.memory_space<vmem>>) dst(%dma_wait3A_40 : memref<80x128xf32, #tpu.memory_space<hbm>>)
    %dma_wait3A_41 = arith.constant 128 : i32
    %dma_wait3A_42 = tpu.memref_slice %arg5[%mul3A_2, %dma_wait3A_41] : memref<320000x256xf32, #tpu.memory_space<hbm>> -> memref<80x128xf32, #tpu.memory_space<hbm>>
    %dma_wait3A_43 = arith.constant 128 : i32
    %dma_wait3A_44 = tpu.memref_slice %arg5[%mul3A_2, %dma_wait3A_43] : memref<320000x256xf32, #tpu.memory_space<hbm>> -> memref<80x128xf32, #tpu.memory_space<hbm>>
    tpu.wait_dma2 semaphore(%arg18 : memref<!tpu.dma_semaphore, #tpu.memory_space<semaphore_mem>>) src(%arg10 : memref<80x128xf32, #tpu.memory_space<vmem>>) dst(%dma_wait3A_44 : memref<80x128xf32, #tpu.memory_space<hbm>>)
    return
  }
}

#map = affine_map<(d0, d1) -> (0, 0)>
#map1 = affine_map<(d0, d1) -> (0)>
#map2 = affine_map<(d0, d1) -> (0, 0, 0)>
module attributes {stable_mosaic.version = 14 : i64} {
  func.func @k(%arg0: i32, %arg1: i32, %arg2: memref<320000x16xf32, #tpu.memory_space<hbm>>, %arg3: memref<320000xi32, #tpu.memory_space<hbm>>, %arg4: memref<10240x16xf32, #tpu.memory_space<hbm>>, %arg5: memref<2x10240x16xf32, #tpu.memory_space<hbm>>, %arg6: memref<10240x16xf32, #tpu.memory_space<vmem_shared>>, %arg7: memref<80xi32, #tpu.memory_space<vmem>>, %arg8: memref<80x16xf32, #tpu.memory_space<vmem>>) attributes {dimension_semantics = [#tpu.dimension_semantics<core_parallel>, #tpu.dimension_semantics<subcore_parallel>], iteration_bounds = array<i64: 2, 16>, scalar_prefetch = 0 : i64, scratch_operands = 3 : i64, tpu.core_type = #tpu.core_type<sc_vector_subcore>, window_params = [{transform_indices = #map}, {transform_indices = #map1}, {transform_indices = #map}, {transform_indices = #map2}]} {
    %mul3A = arith.constant 640 : i32
    %mul3A_0 = arith.muli %arg1, %mul3A : i32
    %mul3A_1 = arith.constant 640 : i32
    %mul3A_2 = arith.muli %arg1, %mul3A_1 : i32
    "tpu.region"() ({
      %run_scoped3A = tpu.sem_alloc : memref<!tpu.dma_semaphore, #tpu.memory_space<semaphore_mem>>
      %dma_start3A = arith.constant 0 : i32
      %dma_start3A_16 = tpu.memref_slice %arg6[%mul3A_2, %dma_start3A] : memref<10240x16xf32, #tpu.memory_space<vmem_shared>> -> memref<640x16xf32, #tpu.memory_space<vmem_shared>>
      %dma_start3A_17 = arith.constant 0 : i32
      %dma_start3A_18 = tpu.memref_slice %arg4[%mul3A_0, %dma_start3A_17] : memref<10240x16xf32, #tpu.memory_space<hbm>> -> memref<640x16xf32, #tpu.memory_space<hbm>>
      tpu.enqueue_dma source(%dma_start3A_18 : memref<640x16xf32, #tpu.memory_space<hbm>>) target(%dma_start3A_16 : memref<640x16xf32, #tpu.memory_space<vmem_shared>>) target_semaphore(%run_scoped3A : memref<!tpu.dma_semaphore, #tpu.memory_space<semaphore_mem>>)
      %dma_wait3A = arith.constant 0 : i32
      %dma_wait3A_19 = tpu.memref_slice %arg6[%mul3A_2, %dma_wait3A] : memref<10240x16xf32, #tpu.memory_space<vmem_shared>> -> memref<640x16xf32, #tpu.memory_space<vmem_shared>>
      %dma_wait3A_20 = arith.constant 0 : i32
      %dma_wait3A_21 = tpu.memref_slice %arg4[%mul3A_0, %dma_wait3A_20] : memref<10240x16xf32, #tpu.memory_space<hbm>> -> memref<640x16xf32, #tpu.memory_space<hbm>>
      tpu.wait_dma2 semaphore(%run_scoped3A : memref<!tpu.dma_semaphore, #tpu.memory_space<semaphore_mem>>) src(%dma_wait3A_21 : memref<640x16xf32, #tpu.memory_space<hbm>>) dst(%dma_wait3A_19 : memref<640x16xf32, #tpu.memory_space<vmem_shared>>)
      tpu.yield
    }) : () -> ()
    %barrier3A = arith.constant 0 : index
    tpu.barrier barrier_id(%barrier3A)
    %mul3A_3 = arith.constant 2 : i32
    %mul3A_4 = arith.muli %arg1, %mul3A_3 : i32
    %add3A = arith.addi %mul3A_4, %arg0 : i32
    %mul3A_5 = arith.constant 10000 : i32
    %mul3A_6 = arith.muli %add3A, %mul3A_5 : i32
    %scan3A = arith.constant 0 : i32
    %scan3A_7 = arith.constant 125 : i32
    %scan3A_8 = arith.addi %scan3A, %scan3A_7 : i32
    %scan3A_9 = arith.constant 1 : i32
    scf.for %scan3A_16 = %scan3A to %scan3A_8 step %scan3A_9  : i32 {
      %mul3A_17 = arith.constant 1 : i32
      %mul3A_18 = arith.muli %scan3A_16, %mul3A_17 : i32
      %add3A_19 = arith.constant 0 : i32
      %add3A_20 = arith.addi %add3A_19, %mul3A_18 : i32
      %mul3A_21 = arith.constant 80 : i32
      %mul3A_22 = arith.muli %add3A_20, %mul3A_21 : i32
      %add3A_23 = arith.addi %mul3A_6, %mul3A_22 : i32
      "tpu.region"() ({
        %run_scoped3A = tpu.sem_alloc : memref<!tpu.dma_semaphore, #tpu.memory_space<semaphore_mem>>
        %dma_start3A = tpu.memref_slice %arg3[%add3A_23] : memref<320000xi32, #tpu.memory_space<hbm>> -> memref<80xi32, #tpu.memory_space<hbm>>
        %dma_start3A_24 = tpu.memref_slice %arg3[%add3A_23] : memref<320000xi32, #tpu.memory_space<hbm>> -> memref<80xi32, #tpu.memory_space<hbm>>
        tpu.enqueue_dma source(%dma_start3A_24 : memref<80xi32, #tpu.memory_space<hbm>>) target(%arg7 : memref<80xi32, #tpu.memory_space<vmem>>) target_semaphore(%run_scoped3A : memref<!tpu.dma_semaphore, #tpu.memory_space<semaphore_mem>>)
        %dma_wait3A = tpu.memref_slice %arg3[%add3A_23] : memref<320000xi32, #tpu.memory_space<hbm>> -> memref<80xi32, #tpu.memory_space<hbm>>
        %dma_wait3A_25 = tpu.memref_slice %arg3[%add3A_23] : memref<320000xi32, #tpu.memory_space<hbm>> -> memref<80xi32, #tpu.memory_space<hbm>>
        tpu.wait_dma2 semaphore(%run_scoped3A : memref<!tpu.dma_semaphore, #tpu.memory_space<semaphore_mem>>) src(%dma_wait3A_25 : memref<80xi32, #tpu.memory_space<hbm>>) dst(%arg7 : memref<80xi32, #tpu.memory_space<vmem>>)
        tpu.yield
      }) : () -> ()
      "tpu.region"() ({
        %run_scoped3A = tpu.sem_alloc : memref<!tpu.dma_semaphore, #tpu.memory_space<semaphore_mem>>
        %dma_start3A = arith.constant 0 : i32
        %dma_start3A_24 = tpu.memref_slice %arg2[%add3A_23, %dma_start3A] : memref<320000x16xf32, #tpu.memory_space<hbm>> -> memref<80x16xf32, #tpu.memory_space<hbm>>
        %dma_start3A_25 = arith.constant 0 : i32
        %dma_start3A_26 = tpu.memref_slice %arg2[%add3A_23, %dma_start3A_25] : memref<320000x16xf32, #tpu.memory_space<hbm>> -> memref<80x16xf32, #tpu.memory_space<hbm>>
        tpu.enqueue_dma source(%dma_start3A_26 : memref<80x16xf32, #tpu.memory_space<hbm>>) target(%arg8 : memref<80x16xf32, #tpu.memory_space<vmem>>) target_semaphore(%run_scoped3A : memref<!tpu.dma_semaphore, #tpu.memory_space<semaphore_mem>>)
        %dma_wait3A = arith.constant 0 : i32
        %dma_wait3A_27 = tpu.memref_slice %arg2[%add3A_23, %dma_wait3A] : memref<320000x16xf32, #tpu.memory_space<hbm>> -> memref<80x16xf32, #tpu.memory_space<hbm>>
        %dma_wait3A_28 = arith.constant 0 : i32
        %dma_wait3A_29 = tpu.memref_slice %arg2[%add3A_23, %dma_wait3A_28] : memref<320000x16xf32, #tpu.memory_space<hbm>> -> memref<80x16xf32, #tpu.memory_space<hbm>>
        tpu.wait_dma2 semaphore(%run_scoped3A : memref<!tpu.dma_semaphore, #tpu.memory_space<semaphore_mem>>) src(%dma_wait3A_29 : memref<80x16xf32, #tpu.memory_space<hbm>>) dst(%arg8 : memref<80x16xf32, #tpu.memory_space<vmem>>)
        tpu.yield
      }) : () -> ()
      "tpu.region"() ({
        %run_scoped3A = tpu.sem_alloc : memref<!tpu.dma_semaphore, #tpu.memory_space<semaphore_mem>>
        %dma_start3A = arith.constant 0 : i32
        %dma_start3A_24 = arith.constant 0 : i32
        %dma_start3A_25 = tpu.memref_slice %arg6[%dma_start3A, %dma_start3A_24] : memref<10240x16xf32, #tpu.memory_space<vmem_shared>> -> memref<10240x16xf32, #tpu.memory_space<vmem_shared>>
        tpu.enqueue_indirect_dma source(%arg8 : memref<80x16xf32, #tpu.memory_space<vmem>>) target(%dma_start3A_25 : memref<10240x16xf32, #tpu.memory_space<vmem_shared>>) offsets(%arg7 : memref<80xi32, #tpu.memory_space<vmem>>) semaphore(%run_scoped3A : memref<!tpu.dma_semaphore, #tpu.memory_space<semaphore_mem>>) {add = true}
        %dma_wait3A = arith.constant 0 : i32
        %dma_wait3A_26 = arith.constant 0 : i32
        %dma_wait3A_27 = tpu.memref_slice %arg6[%dma_wait3A, %dma_wait3A_26] : memref<10240x16xf32, #tpu.memory_space<vmem_shared>> -> memref<10240x16xf32, #tpu.memory_space<vmem_shared>>
        tpu.wait_indirect_dma semaphore(%run_scoped3A : memref<!tpu.dma_semaphore, #tpu.memory_space<semaphore_mem>>) src(%arg8 : memref<80x16xf32, #tpu.memory_space<vmem>>) dst(%dma_wait3A_27 : memref<10240x16xf32, #tpu.memory_space<vmem_shared>>)
        tpu.yield
      }) : () -> ()
    }
    %scan3A_10 = arith.constant 125 : i32
    %barrier3A_11 = arith.constant 0 : index
    tpu.barrier barrier_id(%barrier3A_11)
    %mul3A_12 = arith.constant 640 : i32
    %mul3A_13 = arith.muli %arg1, %mul3A_12 : i32
    %mul3A_14 = arith.constant 640 : i32
    %mul3A_15 = arith.muli %arg1, %mul3A_14 : i32
    "tpu.region"() ({
      %run_scoped3A = tpu.sem_alloc : memref<!tpu.dma_semaphore, #tpu.memory_space<semaphore_mem>>
      %dma_start3A = arith.constant 0 : i32
      %dma_start3A_16 = tpu.memref_slice %arg5[%arg0, %mul3A_15, %dma_start3A] : memref<2x10240x16xf32, #tpu.memory_space<hbm>> -> memref<1x640x16xf32, #tpu.memory_space<hbm>>
      %dma_start3A_17 = tpu.memref_squeeze %dma_start3A_16 : memref<1x640x16xf32, #tpu.memory_space<hbm>> -> memref<640x16xf32, #tpu.memory_space<hbm>>
      %dma_start3A_18 = arith.constant 0 : i32
      %dma_start3A_19 = tpu.memref_slice %arg6[%mul3A_13, %dma_start3A_18] : memref<10240x16xf32, #tpu.memory_space<vmem_shared>> -> memref<640x16xf32, #tpu.memory_space<vmem_shared>>
      tpu.enqueue_dma source(%dma_start3A_19 : memref<640x16xf32, #tpu.memory_space<vmem_shared>>) target(%dma_start3A_17 : memref<640x16xf32, #tpu.memory_space<hbm>>) target_semaphore(%run_scoped3A : memref<!tpu.dma_semaphore, #tpu.memory_space<semaphore_mem>>)
      %dma_wait3A = arith.constant 0 : i32
      %dma_wait3A_20 = tpu.memref_slice %arg5[%arg0, %mul3A_15, %dma_wait3A] : memref<2x10240x16xf32, #tpu.memory_space<hbm>> -> memref<1x640x16xf32, #tpu.memory_space<hbm>>
      %dma_wait3A_21 = tpu.memref_squeeze %dma_wait3A_20 : memref<1x640x16xf32, #tpu.memory_space<hbm>> -> memref<640x16xf32, #tpu.memory_space<hbm>>
      %dma_wait3A_22 = arith.constant 0 : i32
      %dma_wait3A_23 = tpu.memref_slice %arg6[%mul3A_13, %dma_wait3A_22] : memref<10240x16xf32, #tpu.memory_space<vmem_shared>> -> memref<640x16xf32, #tpu.memory_space<vmem_shared>>
      tpu.wait_dma2 semaphore(%run_scoped3A : memref<!tpu.dma_semaphore, #tpu.memory_space<semaphore_mem>>) src(%dma_wait3A_23 : memref<640x16xf32, #tpu.memory_space<vmem_shared>>) dst(%dma_wait3A_21 : memref<640x16xf32, #tpu.memory_space<hbm>>)
      tpu.yield
    }) : () -> ()
    return
  }
}

module attributes {stable_mosaic.version = 14 : i64} {
  func.func @body(%arg0: i32, %arg1: memref<2000x1xi32, #tpu.memory_space<vmem>>, %arg2: memref<2000x1xi32, #tpu.memory_space<vmem>>, %arg3: memref<2000x1xi32, #tpu.memory_space<vmem>>, %arg4: memref<2000x1xi32, #tpu.memory_space<vmem>>, %arg5: memref<16x128xf32, #tpu.memory_space<vmem>>, %arg6: memref<16x128xf32, #tpu.memory_space<vmem>>, %arg7: memref<16x128xf32, #tpu.memory_space<vmem>>, %arg8: memref<16x128xf32, #tpu.memory_space<vmem>>, %arg9: memref<128x256xf32, #tpu.memory_space<vmem>>, %arg10: memref<128x256xf32, #tpu.memory_space<vmem>>, %arg11: memref<128x256xf32, #tpu.memory_space<vmem>>, %arg12: memref<128x256xf32, #tpu.memory_space<vmem>>, %arg13: memref<1x256xf32, #tpu.memory_space<vmem>>, %arg14: memref<256x128xf32, #tpu.memory_space<vmem>>, %arg15: memref<1x128xf32, #tpu.memory_space<vmem>>, %arg16: memref<128x128xf32, #tpu.memory_space<vmem>>, %arg17: memref<1x128xf32, #tpu.memory_space<vmem>>, %arg18: memref<2000x128xf32, #tpu.memory_space<vmem>>) attributes {dimension_semantics = [#tpu.dimension_semantics<arbitrary>], iteration_bounds = array<i64: 5>, scalar_prefetch = 0 : i64, scratch_operands = 0 : i64, tpu.core_type = #tpu.core_type<tc>, window_params = [{transform_indices = @transform_0, window_bounds = array<i64: 2000, 1>}, {transform_indices = @transform_1, window_bounds = array<i64: 2000, 1>}, {transform_indices = @transform_2, window_bounds = array<i64: 2000, 1>}, {transform_indices = @transform_3, window_bounds = array<i64: 2000, 1>}, {pipeline_mode = #tpu.pipeline_mode<synchronous>, transform_indices = @transform_4, window_bounds = array<i64: 16, 128>}, {pipeline_mode = #tpu.pipeline_mode<synchronous>, transform_indices = @transform_5, window_bounds = array<i64: 16, 128>}, {pipeline_mode = #tpu.pipeline_mode<synchronous>, transform_indices = @transform_6, window_bounds = array<i64: 16, 128>}, {pipeline_mode = #tpu.pipeline_mode<synchronous>, transform_indices = @transform_7, window_bounds = array<i64: 16, 128>}, {pipeline_mode = #tpu.pipeline_mode<synchronous>, transform_indices = @transform_8, window_bounds = array<i64: 128, 256>}, {pipeline_mode = #tpu.pipeline_mode<synchronous>, transform_indices = @transform_9, window_bounds = array<i64: 128, 256>}, {pipeline_mode = #tpu.pipeline_mode<synchronous>, transform_indices = @transform_10, window_bounds = array<i64: 128, 256>}, {pipeline_mode = #tpu.pipeline_mode<synchronous>, transform_indices = @transform_11, window_bounds = array<i64: 128, 256>}, {pipeline_mode = #tpu.pipeline_mode<synchronous>, transform_indices = @transform_12, window_bounds = array<i64: 1, 256>}, {pipeline_mode = #tpu.pipeline_mode<synchronous>, transform_indices = @transform_13, window_bounds = array<i64: 256, 128>}, {pipeline_mode = #tpu.pipeline_mode<synchronous>, transform_indices = @transform_14, window_bounds = array<i64: 1, 128>}, {pipeline_mode = #tpu.pipeline_mode<synchronous>, transform_indices = @transform_15, window_bounds = array<i64: 128, 128>}, {pipeline_mode = #tpu.pipeline_mode<synchronous>, transform_indices = @transform_16, window_bounds = array<i64: 1, 128>}, {transform_indices = @transform_17, window_bounds = array<i64: 2000, 128>}]} {
    %iota3A = tpu.iota {dimensions = array<i32: 1>} : vector<1x16xi32>
    %broadcast_in_dim3A = arith.constant 0.000000e+00 : f32
    %broadcast_in_dim3A_0 = vector.broadcast %broadcast_in_dim3A : f32 to vector<2000x256xf32>
    %get3A = arith.constant 0 : index
    %get3A_1 = arith.constant 0 : index
    %get3A_2 = vector.load %arg13[%get3A, %get3A_1] : memref<1x256xf32, #tpu.memory_space<vmem>>, vector<1x256xf32>
    %add3A = vector.broadcast %get3A_2 : vector<1x256xf32> to vector<2000x256xf32>
    %add3A_3 = arith.addf %broadcast_in_dim3A_0, %add3A : vector<2000x256xf32>
    %get3A_4 = arith.constant 0 : index
    %get3A_5 = arith.constant 0 : index
    %get3A_6 = vector.load %arg1[%get3A_4, %get3A_5] : memref<2000x1xi32, #tpu.memory_space<vmem>>, vector<2000x1xi32>
    %eq3A = vector.broadcast %get3A_6 : vector<2000x1xi32> to vector<2000x16xi32>
    %eq3A_7 = vector.broadcast %iota3A : vector<1x16xi32> to vector<2000x16xi32>
    %eq3A_8 = arith.cmpi eq, %eq3A, %eq3A_7 : vector<2000x16xi32>
    %convert_element_type3A = arith.extui %eq3A_8 : vector<2000x16xi1> to vector<2000x16xi32>
    %convert_element_type3A_9 = arith.sitofp %convert_element_type3A : vector<2000x16xi32> to vector<2000x16xf32>
    %get3A_10 = arith.constant 0 : index
    %get3A_11 = arith.constant 0 : index
    %get3A_12 = vector.load %arg5[%get3A_10, %get3A_11] : memref<16x128xf32, #tpu.memory_space<vmem>>, vector<16x128xf32>
    %dot_general3A = arith.constant dense<0.000000e+00> : vector<2000x128xf32>
    %dot_general3A_13 = tpu.matmul %convert_element_type3A_9, %get3A_12, %dot_general3A {dimension_numbers = #tpu.dot_dimension_numbers<[1], [0], [0], [1], [0, 0, 1, 1], [], []>, transpose_lhs_hint = false} : vector<2000x16xf32>, vector<16x128xf32>, vector<2000x128xf32> -> vector<2000x128xf32>
    %get3A_14 = arith.constant 0 : index
    %get3A_15 = arith.constant 0 : index
    %get3A_16 = vector.load %arg9[%get3A_14, %get3A_15] : memref<128x256xf32, #tpu.memory_space<vmem>>, vector<128x256xf32>
    %dot_general3A_17 = arith.constant dense<0.000000e+00> : vector<2000x256xf32>
    %dot_general3A_18 = tpu.matmul %dot_general3A_13, %get3A_16, %dot_general3A_17 {dimension_numbers = #tpu.dot_dimension_numbers<[1], [0], [0], [1], [0, 0, 1, 1], [], []>, transpose_lhs_hint = false} : vector<2000x128xf32>, vector<128x256xf32>, vector<2000x256xf32> -> vector<2000x256xf32>
    %add3A_19 = arith.addf %add3A_3, %dot_general3A_18 : vector<2000x256xf32>
    %get3A_20 = arith.constant 0 : index
    %get3A_21 = arith.constant 0 : index
    %get3A_22 = vector.load %arg2[%get3A_20, %get3A_21] : memref<2000x1xi32, #tpu.memory_space<vmem>>, vector<2000x1xi32>
    %eq3A_23 = vector.broadcast %get3A_22 : vector<2000x1xi32> to vector<2000x16xi32>
    %eq3A_24 = vector.broadcast %iota3A : vector<1x16xi32> to vector<2000x16xi32>
    %eq3A_25 = arith.cmpi eq, %eq3A_23, %eq3A_24 : vector<2000x16xi32>
    %convert_element_type3A_26 = arith.extui %eq3A_25 : vector<2000x16xi1> to vector<2000x16xi32>
    %convert_element_type3A_27 = arith.sitofp %convert_element_type3A_26 : vector<2000x16xi32> to vector<2000x16xf32>
    %get3A_28 = arith.constant 0 : index
    %get3A_29 = arith.constant 0 : index
    %get3A_30 = vector.load %arg6[%get3A_28, %get3A_29] : memref<16x128xf32, #tpu.memory_space<vmem>>, vector<16x128xf32>
    %dot_general3A_31 = arith.constant dense<0.000000e+00> : vector<2000x128xf32>
    %dot_general3A_32 = tpu.matmul %convert_element_type3A_27, %get3A_30, %dot_general3A_31 {dimension_numbers = #tpu.dot_dimension_numbers<[1], [0], [0], [1], [0, 0, 1, 1], [], []>, transpose_lhs_hint = false} : vector<2000x16xf32>, vector<16x128xf32>, vector<2000x128xf32> -> vector<2000x128xf32>
    %get3A_33 = arith.constant 0 : index
    %get3A_34 = arith.constant 0 : index
    %get3A_35 = vector.load %arg10[%get3A_33, %get3A_34] : memref<128x256xf32, #tpu.memory_space<vmem>>, vector<128x256xf32>
    %dot_general3A_36 = arith.constant dense<0.000000e+00> : vector<2000x256xf32>
    %dot_general3A_37 = tpu.matmul %dot_general3A_32, %get3A_35, %dot_general3A_36 {dimension_numbers = #tpu.dot_dimension_numbers<[1], [0], [0], [1], [0, 0, 1, 1], [], []>, transpose_lhs_hint = false} : vector<2000x128xf32>, vector<128x256xf32>, vector<2000x256xf32> -> vector<2000x256xf32>
    %add3A_38 = arith.addf %add3A_19, %dot_general3A_37 : vector<2000x256xf32>
    %get3A_39 = arith.constant 0 : index
    %get3A_40 = arith.constant 0 : index
    %get3A_41 = vector.load %arg3[%get3A_39, %get3A_40] : memref<2000x1xi32, #tpu.memory_space<vmem>>, vector<2000x1xi32>
    %eq3A_42 = vector.broadcast %get3A_41 : vector<2000x1xi32> to vector<2000x16xi32>
    %eq3A_43 = vector.broadcast %iota3A : vector<1x16xi32> to vector<2000x16xi32>
    %eq3A_44 = arith.cmpi eq, %eq3A_42, %eq3A_43 : vector<2000x16xi32>
    %convert_element_type3A_45 = arith.extui %eq3A_44 : vector<2000x16xi1> to vector<2000x16xi32>
    %convert_element_type3A_46 = arith.sitofp %convert_element_type3A_45 : vector<2000x16xi32> to vector<2000x16xf32>
    %get3A_47 = arith.constant 0 : index
    %get3A_48 = arith.constant 0 : index
    %get3A_49 = vector.load %arg7[%get3A_47, %get3A_48] : memref<16x128xf32, #tpu.memory_space<vmem>>, vector<16x128xf32>
    %dot_general3A_50 = arith.constant dense<0.000000e+00> : vector<2000x128xf32>
    %dot_general3A_51 = tpu.matmul %convert_element_type3A_46, %get3A_49, %dot_general3A_50 {dimension_numbers = #tpu.dot_dimension_numbers<[1], [0], [0], [1], [0, 0, 1, 1], [], []>, transpose_lhs_hint = false} : vector<2000x16xf32>, vector<16x128xf32>, vector<2000x128xf32> -> vector<2000x128xf32>
    %get3A_52 = arith.constant 0 : index
    %get3A_53 = arith.constant 0 : index
    %get3A_54 = vector.load %arg11[%get3A_52, %get3A_53] : memref<128x256xf32, #tpu.memory_space<vmem>>, vector<128x256xf32>
    %dot_general3A_55 = arith.constant dense<0.000000e+00> : vector<2000x256xf32>
    %dot_general3A_56 = tpu.matmul %dot_general3A_51, %get3A_54, %dot_general3A_55 {dimension_numbers = #tpu.dot_dimension_numbers<[1], [0], [0], [1], [0, 0, 1, 1], [], []>, transpose_lhs_hint = false} : vector<2000x128xf32>, vector<128x256xf32>, vector<2000x256xf32> -> vector<2000x256xf32>
    %add3A_57 = arith.addf %add3A_38, %dot_general3A_56 : vector<2000x256xf32>
    %get3A_58 = arith.constant 0 : index
    %get3A_59 = arith.constant 0 : index
    %get3A_60 = vector.load %arg4[%get3A_58, %get3A_59] : memref<2000x1xi32, #tpu.memory_space<vmem>>, vector<2000x1xi32>
    %eq3A_61 = vector.broadcast %get3A_60 : vector<2000x1xi32> to vector<2000x16xi32>
    %eq3A_62 = vector.broadcast %iota3A : vector<1x16xi32> to vector<2000x16xi32>
    %eq3A_63 = arith.cmpi eq, %eq3A_61, %eq3A_62 : vector<2000x16xi32>
    %convert_element_type3A_64 = arith.extui %eq3A_63 : vector<2000x16xi1> to vector<2000x16xi32>
    %convert_element_type3A_65 = arith.sitofp %convert_element_type3A_64 : vector<2000x16xi32> to vector<2000x16xf32>
    %get3A_66 = arith.constant 0 : index
    %get3A_67 = arith.constant 0 : index
    %get3A_68 = vector.load %arg8[%get3A_66, %get3A_67] : memref<16x128xf32, #tpu.memory_space<vmem>>, vector<16x128xf32>
    %dot_general3A_69 = arith.constant dense<0.000000e+00> : vector<2000x128xf32>
    %dot_general3A_70 = tpu.matmul %convert_element_type3A_65, %get3A_68, %dot_general3A_69 {dimension_numbers = #tpu.dot_dimension_numbers<[1], [0], [0], [1], [0, 0, 1, 1], [], []>, transpose_lhs_hint = false} : vector<2000x16xf32>, vector<16x128xf32>, vector<2000x128xf32> -> vector<2000x128xf32>
    %get3A_71 = arith.constant 0 : index
    %get3A_72 = arith.constant 0 : index
    %get3A_73 = vector.load %arg12[%get3A_71, %get3A_72] : memref<128x256xf32, #tpu.memory_space<vmem>>, vector<128x256xf32>
    %dot_general3A_74 = arith.constant dense<0.000000e+00> : vector<2000x256xf32>
    %dot_general3A_75 = tpu.matmul %dot_general3A_70, %get3A_73, %dot_general3A_74 {dimension_numbers = #tpu.dot_dimension_numbers<[1], [0], [0], [1], [0, 0, 1, 1], [], []>, transpose_lhs_hint = false} : vector<2000x128xf32>, vector<128x256xf32>, vector<2000x256xf32> -> vector<2000x256xf32>
    %add3A_76 = arith.addf %add3A_57, %dot_general3A_75 : vector<2000x256xf32>
    %logistic3A = arith.negf %add3A_76 : vector<2000x256xf32>
    %logistic3A_77 = math.exp %logistic3A : vector<2000x256xf32>
    %logistic3A_78 = arith.constant 1.000000e+00 : f32
    %logistic3A_79 = vector.broadcast %logistic3A_78 : f32 to vector<2000x256xf32>
    %logistic3A_80 = arith.addf %logistic3A_79, %logistic3A_77 : vector<2000x256xf32>
    %logistic3A_81 = arith.divf %logistic3A_79, %logistic3A_80 : vector<2000x256xf32>
    %mul3A = arith.mulf %add3A_76, %logistic3A_81 : vector<2000x256xf32>
    %get3A_82 = arith.constant 0 : index
    %get3A_83 = arith.constant 0 : index
    %get3A_84 = vector.load %arg14[%get3A_82, %get3A_83] : memref<256x128xf32, #tpu.memory_space<vmem>>, vector<256x128xf32>
    %dot_general3A_85 = arith.constant dense<0.000000e+00> : vector<2000x128xf32>
    %dot_general3A_86 = tpu.matmul %mul3A, %get3A_84, %dot_general3A_85 {dimension_numbers = #tpu.dot_dimension_numbers<[1], [0], [0], [1], [0, 0, 1, 1], [], []>, transpose_lhs_hint = false} : vector<2000x256xf32>, vector<256x128xf32>, vector<2000x128xf32> -> vector<2000x128xf32>
    %get3A_87 = arith.constant 0 : index
    %get3A_88 = arith.constant 0 : index
    %get3A_89 = vector.load %arg15[%get3A_87, %get3A_88] : memref<1x128xf32, #tpu.memory_space<vmem>>, vector<1x128xf32>
    %add3A_90 = vector.broadcast %get3A_89 : vector<1x128xf32> to vector<2000x128xf32>
    %add3A_91 = arith.addf %dot_general3A_86, %add3A_90 : vector<2000x128xf32>
    %logistic3A_92 = arith.negf %add3A_91 : vector<2000x128xf32>
    %logistic3A_93 = math.exp %logistic3A_92 : vector<2000x128xf32>
    %logistic3A_94 = arith.constant 1.000000e+00 : f32
    %logistic3A_95 = vector.broadcast %logistic3A_94 : f32 to vector<2000x128xf32>
    %logistic3A_96 = arith.addf %logistic3A_95, %logistic3A_93 : vector<2000x128xf32>
    %logistic3A_97 = arith.divf %logistic3A_95, %logistic3A_96 : vector<2000x128xf32>
    %mul3A_98 = arith.mulf %add3A_91, %logistic3A_97 : vector<2000x128xf32>
    %get3A_99 = arith.constant 0 : index
    %get3A_100 = arith.constant 0 : index
    %get3A_101 = vector.load %arg16[%get3A_99, %get3A_100] : memref<128x128xf32, #tpu.memory_space<vmem>>, vector<128x128xf32>
    %dot_general3A_102 = arith.constant dense<0.000000e+00> : vector<2000x128xf32>
    %dot_general3A_103 = tpu.matmul %mul3A_98, %get3A_101, %dot_general3A_102 {dimension_numbers = #tpu.dot_dimension_numbers<[1], [0], [0], [1], [0, 0, 1, 1], [], []>, transpose_lhs_hint = false} : vector<2000x128xf32>, vector<128x128xf32>, vector<2000x128xf32> -> vector<2000x128xf32>
    %get3A_104 = arith.constant 0 : index
    %get3A_105 = arith.constant 0 : index
    %get3A_106 = vector.load %arg17[%get3A_104, %get3A_105] : memref<1x128xf32, #tpu.memory_space<vmem>>, vector<1x128xf32>
    %add3A_107 = vector.broadcast %get3A_106 : vector<1x128xf32> to vector<2000x128xf32>
    %add3A_108 = arith.addf %dot_general3A_103, %add3A_107 : vector<2000x128xf32>
    %logistic3A_109 = arith.negf %add3A_108 : vector<2000x128xf32>
    %logistic3A_110 = math.exp %logistic3A_109 : vector<2000x128xf32>
    %logistic3A_111 = arith.constant 1.000000e+00 : f32
    %logistic3A_112 = vector.broadcast %logistic3A_111 : f32 to vector<2000x128xf32>
    %logistic3A_113 = arith.addf %logistic3A_112, %logistic3A_110 : vector<2000x128xf32>
    %logistic3A_114 = arith.divf %logistic3A_112, %logistic3A_113 : vector<2000x128xf32>
    %mul3A_115 = arith.mulf %add3A_108, %logistic3A_114 : vector<2000x128xf32>
    %swap3A = arith.constant 0 : index
    %swap3A_116 = arith.constant 0 : index
    %swap3A_117 = vector.load %arg18[%swap3A, %swap3A_116] : memref<2000x128xf32, #tpu.memory_space<vmem>>, vector<2000x128xf32>
    tpu.vector_store %arg18[%swap3A, %swap3A_116], %mul3A_115 {strides = array<i32>} : memref<2000x128xf32, #tpu.memory_space<vmem>>, vector<2000x128xf32>,
    return
  }
  func.func @transform_0(%arg0: i32) -> (i32, i32) {
    %c0_i32 = arith.constant 0 : i32
    %c0_i32_0 = arith.constant 0 : i32
    return %arg0, %c0_i32 : i32, i32
  }
  func.func @transform_1(%arg0: i32) -> (i32, i32) {
    %c0_i32 = arith.constant 0 : i32
    %c0_i32_0 = arith.constant 0 : i32
    return %arg0, %c0_i32 : i32, i32
  }
  func.func @transform_2(%arg0: i32) -> (i32, i32) {
    %c0_i32 = arith.constant 0 : i32
    %c0_i32_0 = arith.constant 0 : i32
    return %arg0, %c0_i32 : i32, i32
  }
  func.func @transform_3(%arg0: i32) -> (i32, i32) {
    %c0_i32 = arith.constant 0 : i32
    %c0_i32_0 = arith.constant 0 : i32
    return %arg0, %c0_i32 : i32, i32
  }
  func.func @transform_4(%arg0: i32) -> (i32, i32) {
    %c0_i32 = arith.constant 0 : i32
    %c0_i32_0 = arith.constant 0 : i32
    %c0_i32_1 = arith.constant 0 : i32
    return %c0_i32, %c0_i32_0 : i32, i32
  }
  func.func @transform_5(%arg0: i32) -> (i32, i32) {
    %c0_i32 = arith.constant 0 : i32
    %c0_i32_0 = arith.constant 0 : i32
    %c0_i32_1 = arith.constant 0 : i32
    return %c0_i32, %c0_i32_0 : i32, i32
  }
  func.func @transform_6(%arg0: i32) -> (i32, i32) {
    %c0_i32 = arith.constant 0 : i32
    %c0_i32_0 = arith.constant 0 : i32
    %c0_i32_1 = arith.constant 0 : i32
    return %c0_i32, %c0_i32_0 : i32, i32
  }
  func.func @transform_7(%arg0: i32) -> (i32, i32) {
    %c0_i32 = arith.constant 0 : i32
    %c0_i32_0 = arith.constant 0 : i32
    %c0_i32_1 = arith.constant 0 : i32
    return %c0_i32, %c0_i32_0 : i32, i32
  }
  func.func @transform_8(%arg0: i32) -> (i32, i32) {
    %c0_i32 = arith.constant 0 : i32
    %c0_i32_0 = arith.constant 0 : i32
    %c0_i32_1 = arith.constant 0 : i32
    return %c0_i32, %c0_i32_0 : i32, i32
  }
  func.func @transform_9(%arg0: i32) -> (i32, i32) {
    %c0_i32 = arith.constant 0 : i32
    %c0_i32_0 = arith.constant 0 : i32
    %c0_i32_1 = arith.constant 0 : i32
    return %c0_i32, %c0_i32_0 : i32, i32
  }
  func.func @transform_10(%arg0: i32) -> (i32, i32) {
    %c0_i32 = arith.constant 0 : i32
    %c0_i32_0 = arith.constant 0 : i32
    %c0_i32_1 = arith.constant 0 : i32
    return %c0_i32, %c0_i32_0 : i32, i32
  }
  func.func @transform_11(%arg0: i32) -> (i32, i32) {
    %c0_i32 = arith.constant 0 : i32
    %c0_i32_0 = arith.constant 0 : i32
    %c0_i32_1 = arith.constant 0 : i32
    return %c0_i32, %c0_i32_0 : i32, i32
  }
  func.func @transform_12(%arg0: i32) -> (i32, i32) {
    %c0_i32 = arith.constant 0 : i32
    %c0_i32_0 = arith.constant 0 : i32
    %c0_i32_1 = arith.constant 0 : i32
    return %c0_i32, %c0_i32_0 : i32, i32
  }
  func.func @transform_13(%arg0: i32) -> (i32, i32) {
    %c0_i32 = arith.constant 0 : i32
    %c0_i32_0 = arith.constant 0 : i32
    %c0_i32_1 = arith.constant 0 : i32
    return %c0_i32, %c0_i32_0 : i32, i32
  }
  func.func @transform_14(%arg0: i32) -> (i32, i32) {
    %c0_i32 = arith.constant 0 : i32
    %c0_i32_0 = arith.constant 0 : i32
    %c0_i32_1 = arith.constant 0 : i32
    return %c0_i32, %c0_i32_0 : i32, i32
  }
  func.func @transform_15(%arg0: i32) -> (i32, i32) {
    %c0_i32 = arith.constant 0 : i32
    %c0_i32_0 = arith.constant 0 : i32
    %c0_i32_1 = arith.constant 0 : i32
    return %c0_i32, %c0_i32_0 : i32, i32
  }
  func.func @transform_16(%arg0: i32) -> (i32, i32) {
    %c0_i32 = arith.constant 0 : i32
    %c0_i32_0 = arith.constant 0 : i32
    %c0_i32_1 = arith.constant 0 : i32
    return %c0_i32, %c0_i32_0 : i32, i32
  }
  func.func @transform_17(%arg0: i32) -> (i32, i32) {
    %c0_i32 = arith.constant 0 : i32
    %c0_i32_0 = arith.constant 0 : i32
    return %arg0, %c0_i32 : i32, i32
  }
}

module attributes {stable_mosaic.version = 14 : i64} {
  func.func @body(%arg0: i32, %arg1: memref<1280x256xf32, #tpu.memory_space<vmem>>, %arg2: memref<1280x1xf32, #tpu.memory_space<vmem>>, %arg3: memref<256x640xbf16, #tpu.memory_space<vmem>>, %arg4: memref<34x640xbf16, #tpu.memory_space<vmem>>, %arg5: memref<640x16xbf16, #tpu.memory_space<vmem>>, %arg6: memref<1x16xf32, #tpu.memory_space<vmem>>, %arg7: memref<1x16xf32, #tpu.memory_space<vmem>>, %arg8: memref<1x16xf32, #tpu.memory_space<vmem>>, %arg9: memref<1280x16xf32, #tpu.memory_space<vmem>>) attributes {dimension_semantics = [#tpu.dimension_semantics<arbitrary>], iteration_bounds = array<i64: 250>, scalar_prefetch = 0 : i64, scratch_operands = 0 : i64, tpu.core_type = #tpu.core_type<tc>, window_params = [{transform_indices = @transform_0, window_bounds = array<i64: 1280, 256>}, {transform_indices = @transform_1, window_bounds = array<i64: 1280, 1>}, {pipeline_mode = #tpu.pipeline_mode<synchronous>, transform_indices = @transform_2, window_bounds = array<i64: 256, 640>}, {pipeline_mode = #tpu.pipeline_mode<synchronous>, transform_indices = @transform_3, window_bounds = array<i64: 34, 640>}, {pipeline_mode = #tpu.pipeline_mode<synchronous>, transform_indices = @transform_4, window_bounds = array<i64: 640, 16>}, {pipeline_mode = #tpu.pipeline_mode<synchronous>, transform_indices = @transform_5, window_bounds = array<i64: 1, 16>}, {pipeline_mode = #tpu.pipeline_mode<synchronous>, transform_indices = @transform_6, window_bounds = array<i64: 1, 16>}, {pipeline_mode = #tpu.pipeline_mode<synchronous>, transform_indices = @transform_7, window_bounds = array<i64: 1, 16>}, {transform_indices = @transform_8, window_bounds = array<i64: 1280, 16>}]} {
    %get3A = arith.constant 0 : index
    %get3A_0 = arith.constant 0 : index
    %get3A_1 = vector.load %arg2[%get3A, %get3A_0] : memref<1280x1xf32, #tpu.memory_space<vmem>>, vector<1280x1xf32>
    %iota3A = tpu.iota {dimensions = array<i32: 1>} : vector<1x16xi32>
    %convert_element_type3A = arith.sitofp %iota3A : vector<1x16xi32> to vector<1x16xf32>
    %neg3A = arith.constant 0.000000e+00 : f32
    %neg3A_2 = vector.broadcast %neg3A : f32 to vector<1x16xf32>
    %neg3A_3 = arith.subf %neg3A_2, %convert_element_type3A : vector<1x16xf32>
    %pow3A = math.exp2 %neg3A_3 : vector<1x16xf32>
    %mul3A = vector.broadcast %get3A_1 : vector<1280x1xf32> to vector<1280x16xf32>
    %mul3A_4 = vector.broadcast %pow3A : vector<1x16xf32> to vector<1280x16xf32>
    %mul3A_5 = arith.mulf %mul3A, %mul3A_4 : vector<1280x16xf32>
    %mul3A_6 = arith.constant 3.906250e-03 : f32
    %mul3A_7 = vector.broadcast %mul3A_6 : f32 to vector<1280x16xf32>
    %mul3A_8 = arith.mulf %mul3A_5, %mul3A_7 : vector<1280x16xf32>
    %mul3A_9 = arith.mulf %mul3A_8, %mul3A_8 : vector<1280x16xf32>
    %mul3A_10 = arith.constant -1.98412701E-4 : f32
    %mul3A_11 = vector.broadcast %mul3A_10 : f32 to vector<1280x16xf32>
    %mul3A_12 = arith.mulf %mul3A_9, %mul3A_11 : vector<1280x16xf32>
    %add3A = arith.constant 0.00833333377 : f32
    %add3A_13 = vector.broadcast %add3A : f32 to vector<1280x16xf32>
    %add3A_14 = arith.addf %add3A_13, %mul3A_12 : vector<1280x16xf32>
    %mul3A_15 = arith.mulf %mul3A_9, %add3A_14 : vector<1280x16xf32>
    %add3A_16 = arith.constant -0.166666672 : f32
    %add3A_17 = vector.broadcast %add3A_16 : f32 to vector<1280x16xf32>
    %add3A_18 = arith.addf %add3A_17, %mul3A_15 : vector<1280x16xf32>
    %mul3A_19 = arith.mulf %mul3A_9, %add3A_18 : vector<1280x16xf32>
    %add3A_20 = arith.constant 1.000000e+00 : f32
    %add3A_21 = vector.broadcast %add3A_20 : f32 to vector<1280x16xf32>
    %add3A_22 = arith.addf %add3A_21, %mul3A_19 : vector<1280x16xf32>
    %mul3A_23 = arith.mulf %mul3A_8, %add3A_22 : vector<1280x16xf32>
    %mul3A_24 = arith.constant 2.48015876E-5 : f32
    %mul3A_25 = vector.broadcast %mul3A_24 : f32 to vector<1280x16xf32>
    %mul3A_26 = arith.mulf %mul3A_9, %mul3A_25 : vector<1280x16xf32>
    %add3A_27 = arith.constant -0.00138888892 : f32
    %add3A_28 = vector.broadcast %add3A_27 : f32 to vector<1280x16xf32>
    %add3A_29 = arith.addf %add3A_28, %mul3A_26 : vector<1280x16xf32>
    %mul3A_30 = arith.mulf %mul3A_9, %add3A_29 : vector<1280x16xf32>
    %add3A_31 = arith.constant 0.0416666679 : f32
    %add3A_32 = vector.broadcast %add3A_31 : f32 to vector<1280x16xf32>
    %add3A_33 = arith.addf %add3A_32, %mul3A_30 : vector<1280x16xf32>
    %mul3A_34 = arith.mulf %mul3A_9, %add3A_33 : vector<1280x16xf32>
    %add3A_35 = arith.constant -5.000000e-01 : f32
    %add3A_36 = vector.broadcast %add3A_35 : f32 to vector<1280x16xf32>
    %add3A_37 = arith.addf %add3A_36, %mul3A_34 : vector<1280x16xf32>
    %mul3A_38 = arith.mulf %mul3A_9, %add3A_37 : vector<1280x16xf32>
    %add3A_39 = arith.constant 1.000000e+00 : f32
    %add3A_40 = vector.broadcast %add3A_39 : f32 to vector<1280x16xf32>
    %add3A_41 = arith.addf %add3A_40, %mul3A_38 : vector<1280x16xf32>
    %mul3A_42 = arith.constant 2.000000e+00 : f32
    %mul3A_43 = vector.broadcast %mul3A_42 : f32 to vector<1280x16xf32>
    %mul3A_44 = arith.mulf %mul3A_43, %mul3A_23 : vector<1280x16xf32>
    %mul3A_45 = arith.mulf %mul3A_44, %add3A_41 : vector<1280x16xf32>
    %sub3A = arith.subf %add3A_41, %mul3A_23 : vector<1280x16xf32>
    %add3A_46 = arith.addf %add3A_41, %mul3A_23 : vector<1280x16xf32>
    %mul3A_47 = arith.mulf %sub3A, %add3A_46 : vector<1280x16xf32>
    %mul3A_48 = arith.constant 2.000000e+00 : f32
    %mul3A_49 = vector.broadcast %mul3A_48 : f32 to vector<1280x16xf32>
    %mul3A_50 = arith.mulf %mul3A_49, %mul3A_45 : vector<1280x16xf32>
    %mul3A_51 = arith.mulf %mul3A_50, %mul3A_47 : vector<1280x16xf32>
    %sub3A_52 = arith.subf %mul3A_47, %mul3A_45 : vector<1280x16xf32>
    %add3A_53 = arith.addf %mul3A_47, %mul3A_45 : vector<1280x16xf32>
    %mul3A_54 = arith.mulf %sub3A_52, %add3A_53 : vector<1280x16xf32>
    %mul3A_55 = arith.constant 2.000000e+00 : f32
    %mul3A_56 = vector.broadcast %mul3A_55 : f32 to vector<1280x16xf32>
    %mul3A_57 = arith.mulf %mul3A_56, %mul3A_51 : vector<1280x16xf32>
    %mul3A_58 = arith.mulf %mul3A_57, %mul3A_54 : vector<1280x16xf32>
    %sub3A_59 = arith.subf %mul3A_54, %mul3A_51 : vector<1280x16xf32>
    %add3A_60 = arith.addf %mul3A_54, %mul3A_51 : vector<1280x16xf32>
    %mul3A_61 = arith.mulf %sub3A_59, %add3A_60 : vector<1280x16xf32>
    %mul3A_62 = arith.constant 2.000000e+00 : f32
    %mul3A_63 = vector.broadcast %mul3A_62 : f32 to vector<1280x16xf32>
    %mul3A_64 = arith.mulf %mul3A_63, %mul3A_58 : vector<1280x16xf32>
    %mul3A_65 = arith.mulf %mul3A_64, %mul3A_61 : vector<1280x16xf32>
    %sub3A_66 = arith.subf %mul3A_61, %mul3A_58 : vector<1280x16xf32>
    %add3A_67 = arith.addf %mul3A_61, %mul3A_58 : vector<1280x16xf32>
    %mul3A_68 = arith.mulf %sub3A_66, %add3A_67 : vector<1280x16xf32>
    %mul3A_69 = arith.constant 2.000000e+00 : f32
    %mul3A_70 = vector.broadcast %mul3A_69 : f32 to vector<1280x16xf32>
    %mul3A_71 = arith.mulf %mul3A_70, %mul3A_65 : vector<1280x16xf32>
    %mul3A_72 = arith.mulf %mul3A_71, %mul3A_68 : vector<1280x16xf32>
    %sub3A_73 = arith.subf %mul3A_68, %mul3A_65 : vector<1280x16xf32>
    %add3A_74 = arith.addf %mul3A_68, %mul3A_65 : vector<1280x16xf32>
    %mul3A_75 = arith.mulf %sub3A_73, %add3A_74 : vector<1280x16xf32>
    %mul3A_76 = arith.constant 2.000000e+00 : f32
    %mul3A_77 = vector.broadcast %mul3A_76 : f32 to vector<1280x16xf32>
    %mul3A_78 = arith.mulf %mul3A_77, %mul3A_72 : vector<1280x16xf32>
    %mul3A_79 = arith.mulf %mul3A_78, %mul3A_75 : vector<1280x16xf32>
    %sub3A_80 = arith.subf %mul3A_75, %mul3A_72 : vector<1280x16xf32>
    %add3A_81 = arith.addf %mul3A_75, %mul3A_72 : vector<1280x16xf32>
    %mul3A_82 = arith.mulf %sub3A_80, %add3A_81 : vector<1280x16xf32>
    %mul3A_83 = arith.constant 2.000000e+00 : f32
    %mul3A_84 = vector.broadcast %mul3A_83 : f32 to vector<1280x16xf32>
    %mul3A_85 = arith.mulf %mul3A_84, %mul3A_79 : vector<1280x16xf32>
    %mul3A_86 = arith.mulf %mul3A_85, %mul3A_82 : vector<1280x16xf32>
    %sub3A_87 = arith.subf %mul3A_82, %mul3A_79 : vector<1280x16xf32>
    %add3A_88 = arith.addf %mul3A_82, %mul3A_79 : vector<1280x16xf32>
    %mul3A_89 = arith.mulf %sub3A_87, %add3A_88 : vector<1280x16xf32>
    %mul3A_90 = arith.constant 2.000000e+00 : f32
    %mul3A_91 = vector.broadcast %mul3A_90 : f32 to vector<1280x16xf32>
    %mul3A_92 = arith.mulf %mul3A_91, %mul3A_86 : vector<1280x16xf32>
    %mul3A_93 = arith.mulf %mul3A_92, %mul3A_89 : vector<1280x16xf32>
    %sub3A_94 = arith.subf %mul3A_89, %mul3A_86 : vector<1280x16xf32>
    %add3A_95 = arith.addf %mul3A_89, %mul3A_86 : vector<1280x16xf32>
    %mul3A_96 = arith.mulf %sub3A_94, %add3A_95 : vector<1280x16xf32>
    %broadcast_in_dim3A = arith.constant 1.000000e+00 : f32
    %broadcast_in_dim3A_97 = vector.broadcast %broadcast_in_dim3A : f32 to vector<1280x1xf32>
    %concatenate3A = tpu.concatenate %mul3A_93, %mul3A_96, %get3A_1, %broadcast_in_dim3A_97 in 1 : vector<1280x16xf32>, vector<1280x16xf32>, vector<1280x1xf32>, vector<1280x1xf32> -> vector<1280x34xf32>
    %convert_element_type3A_98 = arith.truncf %concatenate3A : vector<1280x34xf32> to vector<1280x34xbf16>
    %get3A_99 = arith.constant 0 : index
    %get3A_100 = arith.constant 0 : index
    %get3A_101 = vector.load %arg1[%get3A_99, %get3A_100] : memref<1280x256xf32, #tpu.memory_space<vmem>>, vector<1280x256xf32>
    %convert_element_type3A_102 = arith.truncf %get3A_101 : vector<1280x256xf32> to vector<1280x256xbf16>
    %get3A_103 = arith.constant 0 : index
    %get3A_104 = arith.constant 0 : index
    %get3A_105 = vector.load %arg3[%get3A_103, %get3A_104] : memref<256x640xbf16, #tpu.memory_space<vmem>>, vector<256x640xbf16>
    %dot_general3A = arith.constant dense<0.000000e+00> : vector<1280x640xf32>
    %dot_general3A_106 = tpu.matmul %convert_element_type3A_102, %get3A_105, %dot_general3A {dimension_numbers = #tpu.dot_dimension_numbers<[1], [0], [0], [1], [0, 0, 1, 1], [], []>, transpose_lhs_hint = false} : vector<1280x256xbf16>, vector<256x640xbf16>, vector<1280x640xf32> -> vector<1280x640xf32>
    %get3A_107 = arith.constant 0 : index
    %get3A_108 = arith.constant 0 : index
    %get3A_109 = vector.load %arg4[%get3A_107, %get3A_108] : memref<34x640xbf16, #tpu.memory_space<vmem>>, vector<34x640xbf16>
    %dot_general3A_110 = arith.constant dense<0.000000e+00> : vector<1280x640xf32>
    %dot_general3A_111 = tpu.matmul %convert_element_type3A_98, %get3A_109, %dot_general3A_110 {dimension_numbers = #tpu.dot_dimension_numbers<[1], [0], [0], [1], [0, 0, 1, 1], [], []>, transpose_lhs_hint = false} : vector<1280x34xbf16>, vector<34x640xbf16>, vector<1280x640xf32> -> vector<1280x640xf32>
    %add3A_112 = arith.addf %dot_general3A_106, %dot_general3A_111 : vector<1280x640xf32>
    %logistic3A = arith.negf %add3A_112 : vector<1280x640xf32>
    %logistic3A_113 = math.exp %logistic3A : vector<1280x640xf32>
    %logistic3A_114 = arith.constant 1.000000e+00 : f32
    %logistic3A_115 = vector.broadcast %logistic3A_114 : f32 to vector<1280x640xf32>
    %logistic3A_116 = arith.addf %logistic3A_115, %logistic3A_113 : vector<1280x640xf32>
    %logistic3A_117 = arith.divf %logistic3A_115, %logistic3A_116 : vector<1280x640xf32>
    %mul3A_118 = arith.mulf %add3A_112, %logistic3A_117 : vector<1280x640xf32>
    %convert_element_type3A_119 = arith.truncf %mul3A_118 : vector<1280x640xf32> to vector<1280x640xbf16>
    %get3A_120 = arith.constant 0 : index
    %get3A_121 = arith.constant 0 : index
    %get3A_122 = vector.load %arg5[%get3A_120, %get3A_121] : memref<640x16xbf16, #tpu.memory_space<vmem>>, vector<640x16xbf16>
    %dot_general3A_123 = arith.constant dense<0.000000e+00> : vector<1280x16xf32>
    %dot_general3A_124 = tpu.matmul %convert_element_type3A_119, %get3A_122, %dot_general3A_123 {dimension_numbers = #tpu.dot_dimension_numbers<[1], [0], [0], [1], [0, 0, 1, 1], [], []>, transpose_lhs_hint = false} : vector<1280x640xbf16>, vector<640x16xbf16>, vector<1280x16xf32> -> vector<1280x16xf32>
    %get3A_125 = arith.constant 0 : index
    %get3A_126 = arith.constant 0 : index
    %get3A_127 = vector.load %arg6[%get3A_125, %get3A_126] : memref<1x16xf32, #tpu.memory_space<vmem>>, vector<1x16xf32>
    %add3A_128 = vector.broadcast %get3A_127 : vector<1x16xf32> to vector<1280x16xf32>
    %add3A_129 = arith.addf %dot_general3A_124, %add3A_128 : vector<1280x16xf32>
    %logistic3A_130 = arith.negf %add3A_129 : vector<1280x16xf32>
    %logistic3A_131 = math.exp %logistic3A_130 : vector<1280x16xf32>
    %logistic3A_132 = arith.constant 1.000000e+00 : f32
    %logistic3A_133 = vector.broadcast %logistic3A_132 : f32 to vector<1280x16xf32>
    %logistic3A_134 = arith.addf %logistic3A_133, %logistic3A_131 : vector<1280x16xf32>
    %logistic3A_135 = arith.divf %logistic3A_133, %logistic3A_134 : vector<1280x16xf32>
    %mul3A_136 = arith.mulf %add3A_129, %logistic3A_135 : vector<1280x16xf32>
    %get3A_137 = arith.constant 0 : index
    %get3A_138 = arith.constant 0 : index
    %get3A_139 = vector.load %arg7[%get3A_137, %get3A_138] : memref<1x16xf32, #tpu.memory_space<vmem>>, vector<1x16xf32>
    %get3A_140 = arith.constant 0 : index
    %get3A_141 = arith.constant 0 : index
    %get3A_142 = vector.load %arg8[%get3A_140, %get3A_141] : memref<1x16xf32, #tpu.memory_space<vmem>>, vector<1x16xf32>
    %reduce_sum3A = arith.constant dense<0.000000e+00> : vector<1280xf32>
    %reduce_sum3A_143 = vector.multi_reduction <add>, %mul3A_136, %reduce_sum3A [1] : vector<1280x16xf32> to vector<1280xf32>
    %broadcast_in_dim3A_144 = vector.shape_cast %reduce_sum3A_143 : vector<1280xf32> to vector<1280x1xf32>
    %div3A = arith.constant 1.600000e+01 : f32
    %div3A_145 = vector.broadcast %div3A : f32 to vector<1280x1xf32>
    %div3A_146 = arith.divf %broadcast_in_dim3A_144, %div3A_145 : vector<1280x1xf32>
    %sub3A_147 = vector.broadcast %div3A_146 : vector<1280x1xf32> to vector<1280x16xf32>
    %sub3A_148 = arith.subf %mul3A_136, %sub3A_147 : vector<1280x16xf32>
    %integer_pow3A = arith.mulf %sub3A_148, %sub3A_148 : vector<1280x16xf32>
    %reduce_sum3A_149 = arith.constant dense<0.000000e+00> : vector<1280xf32>
    %reduce_sum3A_150 = vector.multi_reduction <add>, %integer_pow3A, %reduce_sum3A_149 [1] : vector<1280x16xf32> to vector<1280xf32>
    %broadcast_in_dim3A_151 = vector.shape_cast %reduce_sum3A_150 : vector<1280xf32> to vector<1280x1xf32>
    %div3A_152 = arith.constant 1.600000e+01 : f32
    %div3A_153 = vector.broadcast %div3A_152 : f32 to vector<1280x1xf32>
    %div3A_154 = arith.divf %broadcast_in_dim3A_151, %div3A_153 : vector<1280x1xf32>
    %sub3A_155 = vector.broadcast %div3A_146 : vector<1280x1xf32> to vector<1280x16xf32>
    %sub3A_156 = arith.subf %mul3A_136, %sub3A_155 : vector<1280x16xf32>
    %add3A_157 = arith.constant 9.99999974E-6 : f32
    %add3A_158 = vector.broadcast %add3A_157 : f32 to vector<1280x1xf32>
    %add3A_159 = arith.addf %div3A_154, %add3A_158 : vector<1280x1xf32>
    %rsqrt3A = math.rsqrt %add3A_159 : vector<1280x1xf32>
    %mul3A_160 = vector.broadcast %rsqrt3A : vector<1280x1xf32> to vector<1280x16xf32>
    %mul3A_161 = arith.mulf %sub3A_156, %mul3A_160 : vector<1280x16xf32>
    %mul3A_162 = vector.broadcast %get3A_139 : vector<1x16xf32> to vector<1280x16xf32>
    %mul3A_163 = arith.mulf %mul3A_161, %mul3A_162 : vector<1280x16xf32>
    %add3A_164 = vector.broadcast %get3A_142 : vector<1x16xf32> to vector<1280x16xf32>
    %add3A_165 = arith.addf %mul3A_163, %add3A_164 : vector<1280x16xf32>
    %swap3A = arith.constant 0 : index
    %swap3A_166 = arith.constant 0 : index
    %swap3A_167 = vector.load %arg9[%swap3A, %swap3A_166] : memref<1280x16xf32, #tpu.memory_space<vmem>>, vector<1280x16xf32>
    tpu.vector_store %arg9[%swap3A, %swap3A_166], %add3A_165 {strides = array<i32>} : memref<1280x16xf32, #tpu.memory_space<vmem>>, vector<1280x16xf32>,
    return
  }
  func.func @transform_0(%arg0: i32) -> (i32, i32) {
    %c0_i32 = arith.constant 0 : i32
    %c0_i32_0 = arith.constant 0 : i32
    return %arg0, %c0_i32 : i32, i32
  }
  func.func @transform_1(%arg0: i32) -> (i32, i32) {
    %c0_i32 = arith.constant 0 : i32
    %c0_i32_0 = arith.constant 0 : i32
    return %arg0, %c0_i32 : i32, i32
  }
  func.func @transform_2(%arg0: i32) -> (i32, i32) {
    %c0_i32 = arith.constant 0 : i32
    %c0_i32_0 = arith.constant 0 : i32
    %c0_i32_1 = arith.constant 0 : i32
    return %c0_i32, %c0_i32_0 : i32, i32
  }
  func.func @transform_3(%arg0: i32) -> (i32, i32) {
    %c0_i32 = arith.constant 0 : i32
    %c0_i32_0 = arith.constant 0 : i32
    %c0_i32_1 = arith.constant 0 : i32
    return %c0_i32, %c0_i32_0 : i32, i32
  }
  func.func @transform_4(%arg0: i32) -> (i32, i32) {
    %c0_i32 = arith.constant 0 : i32
    %c0_i32_0 = arith.constant 0 : i32
    %c0_i32_1 = arith.constant 0 : i32
    return %c0_i32, %c0_i32_0 : i32, i32
  }
  func.func @transform_5(%arg0: i32) -> (i32, i32) {
    %c0_i32 = arith.constant 0 : i32
    %c0_i32_0 = arith.constant 0 : i32
    %c0_i32_1 = arith.constant 0 : i32
    return %c0_i32, %c0_i32_0 : i32, i32
  }
  func.func @transform_6(%arg0: i32) -> (i32, i32) {
    %c0_i32 = arith.constant 0 : i32
    %c0_i32_0 = arith.constant 0 : i32
    %c0_i32_1 = arith.constant 0 : i32
    return %c0_i32, %c0_i32_0 : i32, i32
  }
  func.func @transform_7(%arg0: i32) -> (i32, i32) {
    %c0_i32 = arith.constant 0 : i32
    %c0_i32_0 = arith.constant 0 : i32
    %c0_i32_1 = arith.constant 0 : i32
    return %c0_i32, %c0_i32_0 : i32, i32
  }
  func.func @transform_8(%arg0: i32) -> (i32, i32) {
    %c0_i32 = arith.constant 0 : i32
    %c0_i32_0 = arith.constant 0 : i32
    return %arg0, %c0_i32 : i32, i32
  }
}

module attributes {stable_mosaic.version = 14 : i64} {
  func.func @body(%arg0: i32, %arg1: memref<2000x128xf32, #tpu.memory_space<vmem>>, %arg2: memref<2000x16xf32, #tpu.memory_space<vmem>>, %arg3: memref<2000x16xf32, #tpu.memory_space<vmem>>, %arg4: memref<1x16xf32, #tpu.memory_space<vmem>>, %arg5: memref<1x16xf32, #tpu.memory_space<vmem>>, %arg6: memref<1x128xf32, #tpu.memory_space<vmem>>, %arg7: memref<1x128xf32, #tpu.memory_space<vmem>>, %arg8: memref<128x256xf32, #tpu.memory_space<vmem>>, %arg9: memref<16x256xf32, #tpu.memory_space<vmem>>, %arg10: memref<1x256xf32, #tpu.memory_space<vmem>>, %arg11: memref<256x128xf32, #tpu.memory_space<vmem>>, %arg12: memref<1x128xf32, #tpu.memory_space<vmem>>, %arg13: memref<1x128xf32, #tpu.memory_space<vmem>>, %arg14: memref<1x128xf32, #tpu.memory_space<vmem>>, %arg15: memref<2000x128xf32, #tpu.memory_space<vmem>>) attributes {dimension_semantics = [#tpu.dimension_semantics<arbitrary>], iteration_bounds = array<i64: 5>, scalar_prefetch = 0 : i64, scratch_operands = 0 : i64, tpu.core_type = #tpu.core_type<tc>, window_params = [{transform_indices = @transform_0, window_bounds = array<i64: 2000, 128>}, {transform_indices = @transform_1, window_bounds = array<i64: 2000, 16>}, {transform_indices = @transform_2, window_bounds = array<i64: 2000, 16>}, {pipeline_mode = #tpu.pipeline_mode<synchronous>, transform_indices = @transform_3, window_bounds = array<i64: 1, 16>}, {pipeline_mode = #tpu.pipeline_mode<synchronous>, transform_indices = @transform_4, window_bounds = array<i64: 1, 16>}, {pipeline_mode = #tpu.pipeline_mode<synchronous>, transform_indices = @transform_5, window_bounds = array<i64: 1, 128>}, {pipeline_mode = #tpu.pipeline_mode<synchronous>, transform_indices = @transform_6, window_bounds = array<i64: 1, 128>}, {pipeline_mode = #tpu.pipeline_mode<synchronous>, transform_indices = @transform_7, window_bounds = array<i64: 128, 256>}, {pipeline_mode = #tpu.pipeline_mode<synchronous>, transform_indices = @transform_8, window_bounds = array<i64: 16, 256>}, {pipeline_mode = #tpu.pipeline_mode<synchronous>, transform_indices = @transform_9, window_bounds = array<i64: 1, 256>}, {pipeline_mode = #tpu.pipeline_mode<synchronous>, transform_indices = @transform_10, window_bounds = array<i64: 256, 128>}, {pipeline_mode = #tpu.pipeline_mode<synchronous>, transform_indices = @transform_11, window_bounds = array<i64: 1, 128>}, {pipeline_mode = #tpu.pipeline_mode<synchronous>, transform_indices = @transform_12, window_bounds = array<i64: 1, 128>}, {pipeline_mode = #tpu.pipeline_mode<synchronous>, transform_indices = @transform_13, window_bounds = array<i64: 1, 128>}, {transform_indices = @transform_14, window_bounds = array<i64: 2000, 128>}]} {
    %get3A = arith.constant 0 : index
    %get3A_0 = arith.constant 0 : index
    %get3A_1 = vector.load %arg1[%get3A, %get3A_0] : memref<2000x128xf32, #tpu.memory_space<vmem>>, vector<2000x128xf32>
    %get3A_2 = arith.constant 0 : index
    %get3A_3 = arith.constant 0 : index
    %get3A_4 = vector.load %arg2[%get3A_2, %get3A_3] : memref<2000x16xf32, #tpu.memory_space<vmem>>, vector<2000x16xf32>
    %get3A_5 = arith.constant 0 : index
    %get3A_6 = arith.constant 0 : index
    %get3A_7 = vector.load %arg3[%get3A_5, %get3A_6] : memref<2000x16xf32, #tpu.memory_space<vmem>>, vector<2000x16xf32>
    %add3A = arith.addf %get3A_4, %get3A_7 : vector<2000x16xf32>
    %get3A_8 = arith.constant 0 : index
    %get3A_9 = arith.constant 0 : index
    %get3A_10 = vector.load %arg4[%get3A_8, %get3A_9] : memref<1x16xf32, #tpu.memory_space<vmem>>, vector<1x16xf32>
    %get3A_11 = arith.constant 0 : index
    %get3A_12 = arith.constant 0 : index
    %get3A_13 = vector.load %arg5[%get3A_11, %get3A_12] : memref<1x16xf32, #tpu.memory_space<vmem>>, vector<1x16xf32>
    %reduce_sum3A = arith.constant dense<0.000000e+00> : vector<2000xf32>
    %reduce_sum3A_14 = vector.multi_reduction <add>, %add3A, %reduce_sum3A [1] : vector<2000x16xf32> to vector<2000xf32>
    %broadcast_in_dim3A = vector.shape_cast %reduce_sum3A_14 : vector<2000xf32> to vector<2000x1xf32>
    %div3A = arith.constant 1.600000e+01 : f32
    %div3A_15 = vector.broadcast %div3A : f32 to vector<2000x1xf32>
    %div3A_16 = arith.divf %broadcast_in_dim3A, %div3A_15 : vector<2000x1xf32>
    %sub3A = vector.broadcast %div3A_16 : vector<2000x1xf32> to vector<2000x16xf32>
    %sub3A_17 = arith.subf %add3A, %sub3A : vector<2000x16xf32>
    %integer_pow3A = arith.mulf %sub3A_17, %sub3A_17 : vector<2000x16xf32>
    %reduce_sum3A_18 = arith.constant dense<0.000000e+00> : vector<2000xf32>
    %reduce_sum3A_19 = vector.multi_reduction <add>, %integer_pow3A, %reduce_sum3A_18 [1] : vector<2000x16xf32> to vector<2000xf32>
    %broadcast_in_dim3A_20 = vector.shape_cast %reduce_sum3A_19 : vector<2000xf32> to vector<2000x1xf32>
    %div3A_21 = arith.constant 1.600000e+01 : f32
    %div3A_22 = vector.broadcast %div3A_21 : f32 to vector<2000x1xf32>
    %div3A_23 = arith.divf %broadcast_in_dim3A_20, %div3A_22 : vector<2000x1xf32>
    %sub3A_24 = vector.broadcast %div3A_16 : vector<2000x1xf32> to vector<2000x16xf32>
    %sub3A_25 = arith.subf %add3A, %sub3A_24 : vector<2000x16xf32>
    %add3A_26 = arith.constant 9.99999974E-6 : f32
    %add3A_27 = vector.broadcast %add3A_26 : f32 to vector<2000x1xf32>
    %add3A_28 = arith.addf %div3A_23, %add3A_27 : vector<2000x1xf32>
    %rsqrt3A = math.rsqrt %add3A_28 : vector<2000x1xf32>
    %mul3A = vector.broadcast %rsqrt3A : vector<2000x1xf32> to vector<2000x16xf32>
    %mul3A_29 = arith.mulf %sub3A_25, %mul3A : vector<2000x16xf32>
    %mul3A_30 = vector.broadcast %get3A_10 : vector<1x16xf32> to vector<2000x16xf32>
    %mul3A_31 = arith.mulf %mul3A_29, %mul3A_30 : vector<2000x16xf32>
    %add3A_32 = vector.broadcast %get3A_13 : vector<1x16xf32> to vector<2000x16xf32>
    %add3A_33 = arith.addf %mul3A_31, %add3A_32 : vector<2000x16xf32>
    %get3A_34 = arith.constant 0 : index
    %get3A_35 = arith.constant 0 : index
    %get3A_36 = vector.load %arg6[%get3A_34, %get3A_35] : memref<1x128xf32, #tpu.memory_space<vmem>>, vector<1x128xf32>
    %get3A_37 = arith.constant 0 : index
    %get3A_38 = arith.constant 0 : index
    %get3A_39 = vector.load %arg7[%get3A_37, %get3A_38] : memref<1x128xf32, #tpu.memory_space<vmem>>, vector<1x128xf32>
    %reduce_sum3A_40 = arith.constant dense<0.000000e+00> : vector<2000xf32>
    %reduce_sum3A_41 = vector.multi_reduction <add>, %get3A_1, %reduce_sum3A_40 [1] : vector<2000x128xf32> to vector<2000xf32>
    %broadcast_in_dim3A_42 = vector.shape_cast %reduce_sum3A_41 : vector<2000xf32> to vector<2000x1xf32>
    %div3A_43 = arith.constant 1.280000e+02 : f32
    %div3A_44 = vector.broadcast %div3A_43 : f32 to vector<2000x1xf32>
    %div3A_45 = arith.divf %broadcast_in_dim3A_42, %div3A_44 : vector<2000x1xf32>
    %sub3A_46 = vector.broadcast %div3A_45 : vector<2000x1xf32> to vector<2000x128xf32>
    %sub3A_47 = arith.subf %get3A_1, %sub3A_46 : vector<2000x128xf32>
    %integer_pow3A_48 = arith.mulf %sub3A_47, %sub3A_47 : vector<2000x128xf32>
    %reduce_sum3A_49 = arith.constant dense<0.000000e+00> : vector<2000xf32>
    %reduce_sum3A_50 = vector.multi_reduction <add>, %integer_pow3A_48, %reduce_sum3A_49 [1] : vector<2000x128xf32> to vector<2000xf32>
    %broadcast_in_dim3A_51 = vector.shape_cast %reduce_sum3A_50 : vector<2000xf32> to vector<2000x1xf32>
    %div3A_52 = arith.constant 1.280000e+02 : f32
    %div3A_53 = vector.broadcast %div3A_52 : f32 to vector<2000x1xf32>
    %div3A_54 = arith.divf %broadcast_in_dim3A_51, %div3A_53 : vector<2000x1xf32>
    %sub3A_55 = vector.broadcast %div3A_45 : vector<2000x1xf32> to vector<2000x128xf32>
    %sub3A_56 = arith.subf %get3A_1, %sub3A_55 : vector<2000x128xf32>
    %add3A_57 = arith.constant 9.99999974E-6 : f32
    %add3A_58 = vector.broadcast %add3A_57 : f32 to vector<2000x1xf32>
    %add3A_59 = arith.addf %div3A_54, %add3A_58 : vector<2000x1xf32>
    %rsqrt3A_60 = math.rsqrt %add3A_59 : vector<2000x1xf32>
    %mul3A_61 = vector.broadcast %rsqrt3A_60 : vector<2000x1xf32> to vector<2000x128xf32>
    %mul3A_62 = arith.mulf %sub3A_56, %mul3A_61 : vector<2000x128xf32>
    %mul3A_63 = vector.broadcast %get3A_36 : vector<1x128xf32> to vector<2000x128xf32>
    %mul3A_64 = arith.mulf %mul3A_62, %mul3A_63 : vector<2000x128xf32>
    %add3A_65 = vector.broadcast %get3A_39 : vector<1x128xf32> to vector<2000x128xf32>
    %add3A_66 = arith.addf %mul3A_64, %add3A_65 : vector<2000x128xf32>
    %get3A_67 = arith.constant 0 : index
    %get3A_68 = arith.constant 0 : index
    %get3A_69 = vector.load %arg8[%get3A_67, %get3A_68] : memref<128x256xf32, #tpu.memory_space<vmem>>, vector<128x256xf32>
    %dot_general3A = arith.constant dense<0.000000e+00> : vector<2000x256xf32>
    %dot_general3A_70 = tpu.matmul %add3A_66, %get3A_69, %dot_general3A {dimension_numbers = #tpu.dot_dimension_numbers<[1], [0], [0], [1], [0, 0, 1, 1], [], []>, transpose_lhs_hint = false} : vector<2000x128xf32>, vector<128x256xf32>, vector<2000x256xf32> -> vector<2000x256xf32>
    %get3A_71 = arith.constant 0 : index
    %get3A_72 = arith.constant 0 : index
    %get3A_73 = vector.load %arg9[%get3A_71, %get3A_72] : memref<16x256xf32, #tpu.memory_space<vmem>>, vector<16x256xf32>
    %dot_general3A_74 = arith.constant dense<0.000000e+00> : vector<2000x256xf32>
    %dot_general3A_75 = tpu.matmul %add3A_33, %get3A_73, %dot_general3A_74 {dimension_numbers = #tpu.dot_dimension_numbers<[1], [0], [0], [1], [0, 0, 1, 1], [], []>, transpose_lhs_hint = false} : vector<2000x16xf32>, vector<16x256xf32>, vector<2000x256xf32> -> vector<2000x256xf32>
    %add3A_76 = arith.addf %dot_general3A_70, %dot_general3A_75 : vector<2000x256xf32>
    %get3A_77 = arith.constant 0 : index
    %get3A_78 = arith.constant 0 : index
    %get3A_79 = vector.load %arg10[%get3A_77, %get3A_78] : memref<1x256xf32, #tpu.memory_space<vmem>>, vector<1x256xf32>
    %add3A_80 = vector.broadcast %get3A_79 : vector<1x256xf32> to vector<2000x256xf32>
    %add3A_81 = arith.addf %add3A_76, %add3A_80 : vector<2000x256xf32>
    %logistic3A = arith.negf %add3A_81 : vector<2000x256xf32>
    %logistic3A_82 = math.exp %logistic3A : vector<2000x256xf32>
    %logistic3A_83 = arith.constant 1.000000e+00 : f32
    %logistic3A_84 = vector.broadcast %logistic3A_83 : f32 to vector<2000x256xf32>
    %logistic3A_85 = arith.addf %logistic3A_84, %logistic3A_82 : vector<2000x256xf32>
    %logistic3A_86 = arith.divf %logistic3A_84, %logistic3A_85 : vector<2000x256xf32>
    %mul3A_87 = arith.mulf %add3A_81, %logistic3A_86 : vector<2000x256xf32>
    %get3A_88 = arith.constant 0 : index
    %get3A_89 = arith.constant 0 : index
    %get3A_90 = vector.load %arg11[%get3A_88, %get3A_89] : memref<256x128xf32, #tpu.memory_space<vmem>>, vector<256x128xf32>
    %dot_general3A_91 = arith.constant dense<0.000000e+00> : vector<2000x128xf32>
    %dot_general3A_92 = tpu.matmul %mul3A_87, %get3A_90, %dot_general3A_91 {dimension_numbers = #tpu.dot_dimension_numbers<[1], [0], [0], [1], [0, 0, 1, 1], [], []>, transpose_lhs_hint = false} : vector<2000x256xf32>, vector<256x128xf32>, vector<2000x128xf32> -> vector<2000x128xf32>
    %get3A_93 = arith.constant 0 : index
    %get3A_94 = arith.constant 0 : index
    %get3A_95 = vector.load %arg12[%get3A_93, %get3A_94] : memref<1x128xf32, #tpu.memory_space<vmem>>, vector<1x128xf32>
    %add3A_96 = vector.broadcast %get3A_95 : vector<1x128xf32> to vector<2000x128xf32>
    %add3A_97 = arith.addf %dot_general3A_92, %add3A_96 : vector<2000x128xf32>
    %get3A_98 = arith.constant 0 : index
    %get3A_99 = arith.constant 0 : index
    %get3A_100 = vector.load %arg13[%get3A_98, %get3A_99] : memref<1x128xf32, #tpu.memory_space<vmem>>, vector<1x128xf32>
    %get3A_101 = arith.constant 0 : index
    %get3A_102 = arith.constant 0 : index
    %get3A_103 = vector.load %arg14[%get3A_101, %get3A_102] : memref<1x128xf32, #tpu.memory_space<vmem>>, vector<1x128xf32>
    %reduce_sum3A_104 = arith.constant dense<0.000000e+00> : vector<2000xf32>
    %reduce_sum3A_105 = vector.multi_reduction <add>, %add3A_97, %reduce_sum3A_104 [1] : vector<2000x128xf32> to vector<2000xf32>
    %broadcast_in_dim3A_106 = vector.shape_cast %reduce_sum3A_105 : vector<2000xf32> to vector<2000x1xf32>
    %div3A_107 = arith.constant 1.280000e+02 : f32
    %div3A_108 = vector.broadcast %div3A_107 : f32 to vector<2000x1xf32>
    %div3A_109 = arith.divf %broadcast_in_dim3A_106, %div3A_108 : vector<2000x1xf32>
    %sub3A_110 = vector.broadcast %div3A_109 : vector<2000x1xf32> to vector<2000x128xf32>
    %sub3A_111 = arith.subf %add3A_97, %sub3A_110 : vector<2000x128xf32>
    %integer_pow3A_112 = arith.mulf %sub3A_111, %sub3A_111 : vector<2000x128xf32>
    %reduce_sum3A_113 = arith.constant dense<0.000000e+00> : vector<2000xf32>
    %reduce_sum3A_114 = vector.multi_reduction <add>, %integer_pow3A_112, %reduce_sum3A_113 [1] : vector<2000x128xf32> to vector<2000xf32>
    %broadcast_in_dim3A_115 = vector.shape_cast %reduce_sum3A_114 : vector<2000xf32> to vector<2000x1xf32>
    %div3A_116 = arith.constant 1.280000e+02 : f32
    %div3A_117 = vector.broadcast %div3A_116 : f32 to vector<2000x1xf32>
    %div3A_118 = arith.divf %broadcast_in_dim3A_115, %div3A_117 : vector<2000x1xf32>
    %sub3A_119 = vector.broadcast %div3A_109 : vector<2000x1xf32> to vector<2000x128xf32>
    %sub3A_120 = arith.subf %add3A_97, %sub3A_119 : vector<2000x128xf32>
    %add3A_121 = arith.constant 9.99999974E-6 : f32
    %add3A_122 = vector.broadcast %add3A_121 : f32 to vector<2000x1xf32>
    %add3A_123 = arith.addf %div3A_118, %add3A_122 : vector<2000x1xf32>
    %rsqrt3A_124 = math.rsqrt %add3A_123 : vector<2000x1xf32>
    %mul3A_125 = vector.broadcast %rsqrt3A_124 : vector<2000x1xf32> to vector<2000x128xf32>
    %mul3A_126 = arith.mulf %sub3A_120, %mul3A_125 : vector<2000x128xf32>
    %mul3A_127 = vector.broadcast %get3A_100 : vector<1x128xf32> to vector<2000x128xf32>
    %mul3A_128 = arith.mulf %mul3A_126, %mul3A_127 : vector<2000x128xf32>
    %add3A_129 = vector.broadcast %get3A_103 : vector<1x128xf32> to vector<2000x128xf32>
    %add3A_130 = arith.addf %mul3A_128, %add3A_129 : vector<2000x128xf32>
    %add3A_131 = arith.addf %get3A_1, %add3A_130 : vector<2000x128xf32>
    %swap3A = arith.constant 0 : index
    %swap3A_132 = arith.constant 0 : index
    %swap3A_133 = vector.load %arg15[%swap3A, %swap3A_132] : memref<2000x128xf32, #tpu.memory_space<vmem>>, vector<2000x128xf32>
    tpu.vector_store %arg15[%swap3A, %swap3A_132], %add3A_131 {strides = array<i32>} : memref<2000x128xf32, #tpu.memory_space<vmem>>, vector<2000x128xf32>,
    return
  }
  func.func @transform_0(%arg0: i32) -> (i32, i32) {
    %c0_i32 = arith.constant 0 : i32
    %c0_i32_0 = arith.constant 0 : i32
    return %arg0, %c0_i32 : i32, i32
  }
  func.func @transform_1(%arg0: i32) -> (i32, i32) {
    %c0_i32 = arith.constant 0 : i32
    %c0_i32_0 = arith.constant 0 : i32
    return %arg0, %c0_i32 : i32, i32
  }
  func.func @transform_2(%arg0: i32) -> (i32, i32) {
    %c0_i32 = arith.constant 0 : i32
    %c0_i32_0 = arith.constant 0 : i32
    return %arg0, %c0_i32 : i32, i32
  }
  func.func @transform_3(%arg0: i32) -> (i32, i32) {
    %c0_i32 = arith.constant 0 : i32
    %c0_i32_0 = arith.constant 0 : i32
    %c0_i32_1 = arith.constant 0 : i32
    return %c0_i32, %c0_i32_0 : i32, i32
  }
  func.func @transform_4(%arg0: i32) -> (i32, i32) {
    %c0_i32 = arith.constant 0 : i32
    %c0_i32_0 = arith.constant 0 : i32
    %c0_i32_1 = arith.constant 0 : i32
    return %c0_i32, %c0_i32_0 : i32, i32
  }
  func.func @transform_5(%arg0: i32) -> (i32, i32) {
    %c0_i32 = arith.constant 0 : i32
    %c0_i32_0 = arith.constant 0 : i32
    %c0_i32_1 = arith.constant 0 : i32
    return %c0_i32, %c0_i32_0 : i32, i32
  }
  func.func @transform_6(%arg0: i32) -> (i32, i32) {
    %c0_i32 = arith.constant 0 : i32
    %c0_i32_0 = arith.constant 0 : i32
    %c0_i32_1 = arith.constant 0 : i32
    return %c0_i32, %c0_i32_0 : i32, i32
  }
  func.func @transform_7(%arg0: i32) -> (i32, i32) {
    %c0_i32 = arith.constant 0 : i32
    %c0_i32_0 = arith.constant 0 : i32
    %c0_i32_1 = arith.constant 0 : i32
    return %c0_i32, %c0_i32_0 : i32, i32
  }
  func.func @transform_8(%arg0: i32) -> (i32, i32) {
    %c0_i32 = arith.constant 0 : i32
    %c0_i32_0 = arith.constant 0 : i32
    %c0_i32_1 = arith.constant 0 : i32
    return %c0_i32, %c0_i32_0 : i32, i32
  }
  func.func @transform_9(%arg0: i32) -> (i32, i32) {
    %c0_i32 = arith.constant 0 : i32
    %c0_i32_0 = arith.constant 0 : i32
    %c0_i32_1 = arith.constant 0 : i32
    return %c0_i32, %c0_i32_0 : i32, i32
  }
  func.func @transform_10(%arg0: i32) -> (i32, i32) {
    %c0_i32 = arith.constant 0 : i32
    %c0_i32_0 = arith.constant 0 : i32
    %c0_i32_1 = arith.constant 0 : i32
    return %c0_i32, %c0_i32_0 : i32, i32
  }
  func.func @transform_11(%arg0: i32) -> (i32, i32) {
    %c0_i32 = arith.constant 0 : i32
    %c0_i32_0 = arith.constant 0 : i32
    %c0_i32_1 = arith.constant 0 : i32
    return %c0_i32, %c0_i32_0 : i32, i32
  }
  func.func @transform_12(%arg0: i32) -> (i32, i32) {
    %c0_i32 = arith.constant 0 : i32
    %c0_i32_0 = arith.constant 0 : i32
    %c0_i32_1 = arith.constant 0 : i32
    return %c0_i32, %c0_i32_0 : i32, i32
  }
  func.func @transform_13(%arg0: i32) -> (i32, i32) {
    %c0_i32 = arith.constant 0 : i32
    %c0_i32_0 = arith.constant 0 : i32
    %c0_i32_1 = arith.constant 0 : i32
    return %c0_i32, %c0_i32_0 : i32, i32
  }
  func.func @transform_14(%arg0: i32) -> (i32, i32) {
    %c0_i32 = arith.constant 0 : i32
    %c0_i32_0 = arith.constant 0 : i32
    return %arg0, %c0_i32 : i32, i32
  }
}

module attributes {stable_mosaic.version = 14 : i64} {
  func.func @body(%arg0: i32, %arg1: memref<2000x512xf32, #tpu.memory_space<vmem>>, %arg2: memref<1x1x2000xi32, #tpu.memory_space<vmem>>, %arg3: memref<512x128xf32, #tpu.memory_space<vmem>>, %arg4: memref<1x128xf32, #tpu.memory_space<vmem>>, %arg5: memref<128x128xf32, #tpu.memory_space<vmem>>, %arg6: memref<1x128xf32, #tpu.memory_space<vmem>>, %arg7: memref<128x128xf32, #tpu.memory_space<vmem>>, %arg8: memref<1x128xf32, #tpu.memory_space<vmem>>, %arg9: memref<64x128xf32, #tpu.memory_space<vmem>>, %arg10: memref<64x128xf32, #tpu.memory_space<vmem>>, %arg11: memref<64x128xf32, #tpu.memory_space<vmem>>) attributes {dimension_semantics = [#tpu.dimension_semantics<arbitrary>], iteration_bounds = array<i64: 5>, scalar_prefetch = 0 : i64, scratch_operands = 2 : i64, tpu.core_type = #tpu.core_type<tc>, window_params = [{transform_indices = @transform_0, window_bounds = array<i64: 2000, 512>}, {transform_indices = @transform_1, window_bounds = array<i64: 1, 1, 2000>}, {pipeline_mode = #tpu.pipeline_mode<synchronous>, transform_indices = @transform_2, window_bounds = array<i64: 512, 128>}, {pipeline_mode = #tpu.pipeline_mode<synchronous>, transform_indices = @transform_3, window_bounds = array<i64: 1, 128>}, {pipeline_mode = #tpu.pipeline_mode<synchronous>, transform_indices = @transform_4, window_bounds = array<i64: 128, 128>}, {pipeline_mode = #tpu.pipeline_mode<synchronous>, transform_indices = @transform_5, window_bounds = array<i64: 1, 128>}, {pipeline_mode = #tpu.pipeline_mode<synchronous>, transform_indices = @transform_6, window_bounds = array<i64: 128, 128>}, {pipeline_mode = #tpu.pipeline_mode<synchronous>, transform_indices = @transform_7, window_bounds = array<i64: 1, 128>}, {pipeline_mode = #tpu.pipeline_mode<synchronous>, transform_indices = @transform_8, window_bounds = array<i64: 64, 128>}]} {
    %get3A = arith.constant 0 : index
    %get3A_0 = arith.constant 0 : index
    %get3A_1 = vector.load %arg1[%get3A, %get3A_0] : memref<2000x512xf32, #tpu.memory_space<vmem>>, vector<2000x512xf32>
    %get3A_2 = arith.constant 0 : index
    %get3A_3 = arith.constant 0 : index
    %get3A_4 = vector.load %arg3[%get3A_2, %get3A_3] : memref<512x128xf32, #tpu.memory_space<vmem>>, vector<512x128xf32>
    %dot_general3A = arith.constant dense<0.000000e+00> : vector<2000x128xf32>
    %dot_general3A_5 = tpu.matmul %get3A_1, %get3A_4, %dot_general3A {dimension_numbers = #tpu.dot_dimension_numbers<[1], [0], [0], [1], [0, 0, 1, 1], [], []>, transpose_lhs_hint = false} : vector<2000x512xf32>, vector<512x128xf32>, vector<2000x128xf32> -> vector<2000x128xf32>
    %get3A_6 = arith.constant 0 : index
    %get3A_7 = arith.constant 0 : index
    %get3A_8 = vector.load %arg4[%get3A_6, %get3A_7] : memref<1x128xf32, #tpu.memory_space<vmem>>, vector<1x128xf32>
    %add3A = vector.broadcast %get3A_8 : vector<1x128xf32> to vector<2000x128xf32>
    %add3A_9 = arith.addf %dot_general3A_5, %add3A : vector<2000x128xf32>
    %logistic3A = arith.negf %add3A_9 : vector<2000x128xf32>
    %logistic3A_10 = math.exp %logistic3A : vector<2000x128xf32>
    %logistic3A_11 = arith.constant 1.000000e+00 : f32
    %logistic3A_12 = vector.broadcast %logistic3A_11 : f32 to vector<2000x128xf32>
    %logistic3A_13 = arith.addf %logistic3A_12, %logistic3A_10 : vector<2000x128xf32>
    %logistic3A_14 = arith.divf %logistic3A_12, %logistic3A_13 : vector<2000x128xf32>
    %mul3A = arith.mulf %add3A_9, %logistic3A_14 : vector<2000x128xf32>
    %get3A_15 = arith.constant 0 : index
    %get3A_16 = arith.constant 0 : index
    %get3A_17 = vector.load %arg5[%get3A_15, %get3A_16] : memref<128x128xf32, #tpu.memory_space<vmem>>, vector<128x128xf32>
    %dot_general3A_18 = arith.constant dense<0.000000e+00> : vector<2000x128xf32>
    %dot_general3A_19 = tpu.matmul %mul3A, %get3A_17, %dot_general3A_18 {dimension_numbers = #tpu.dot_dimension_numbers<[1], [0], [0], [1], [0, 0, 1, 1], [], []>, transpose_lhs_hint = false} : vector<2000x128xf32>, vector<128x128xf32>, vector<2000x128xf32> -> vector<2000x128xf32>
    %get3A_20 = arith.constant 0 : index
    %get3A_21 = arith.constant 0 : index
    %get3A_22 = vector.load %arg6[%get3A_20, %get3A_21] : memref<1x128xf32, #tpu.memory_space<vmem>>, vector<1x128xf32>
    %add3A_23 = vector.broadcast %get3A_22 : vector<1x128xf32> to vector<2000x128xf32>
    %add3A_24 = arith.addf %dot_general3A_19, %add3A_23 : vector<2000x128xf32>
    %logistic3A_25 = arith.negf %add3A_24 : vector<2000x128xf32>
    %logistic3A_26 = math.exp %logistic3A_25 : vector<2000x128xf32>
    %logistic3A_27 = arith.constant 1.000000e+00 : f32
    %logistic3A_28 = vector.broadcast %logistic3A_27 : f32 to vector<2000x128xf32>
    %logistic3A_29 = arith.addf %logistic3A_28, %logistic3A_26 : vector<2000x128xf32>
    %logistic3A_30 = arith.divf %logistic3A_28, %logistic3A_29 : vector<2000x128xf32>
    %mul3A_31 = arith.mulf %add3A_24, %logistic3A_30 : vector<2000x128xf32>
    %get3A_32 = arith.constant 0 : index
    %get3A_33 = arith.constant 0 : index
    %get3A_34 = vector.load %arg7[%get3A_32, %get3A_33] : memref<128x128xf32, #tpu.memory_space<vmem>>, vector<128x128xf32>
    %dot_general3A_35 = arith.constant dense<0.000000e+00> : vector<2000x128xf32>
    %dot_general3A_36 = tpu.matmul %mul3A_31, %get3A_34, %dot_general3A_35 {dimension_numbers = #tpu.dot_dimension_numbers<[1], [0], [0], [1], [0, 0, 1, 1], [], []>, transpose_lhs_hint = false} : vector<2000x128xf32>, vector<128x128xf32>, vector<2000x128xf32> -> vector<2000x128xf32>
    %get3A_37 = arith.constant 0 : index
    %get3A_38 = arith.constant 0 : index
    %get3A_39 = vector.load %arg8[%get3A_37, %get3A_38] : memref<1x128xf32, #tpu.memory_space<vmem>>, vector<1x128xf32>
    %add3A_40 = vector.broadcast %get3A_39 : vector<1x128xf32> to vector<2000x128xf32>
    %add3A_41 = arith.addf %dot_general3A_36, %add3A_40 : vector<2000x128xf32>
    %logistic3A_42 = arith.negf %add3A_41 : vector<2000x128xf32>
    %logistic3A_43 = math.exp %logistic3A_42 : vector<2000x128xf32>
    %logistic3A_44 = arith.constant 1.000000e+00 : f32
    %logistic3A_45 = vector.broadcast %logistic3A_44 : f32 to vector<2000x128xf32>
    %logistic3A_46 = arith.addf %logistic3A_45, %logistic3A_43 : vector<2000x128xf32>
    %logistic3A_47 = arith.divf %logistic3A_45, %logistic3A_46 : vector<2000x128xf32>
    %mul3A_48 = arith.mulf %add3A_41, %logistic3A_47 : vector<2000x128xf32>
    %get3A_49 = arith.constant 0 : index
    %get3A_50 = arith.constant 0 : index
    %get3A_51 = arith.constant 0 : index
    %get3A_52 = vector.load %arg2[%get3A_49, %get3A_50, %get3A_51] : memref<1x1x2000xi32, #tpu.memory_space<vmem>>, vector<1x1x2000xi32>
    %reshape3A = vector.shape_cast %get3A_52 : vector<1x1x2000xi32> to vector<1x2000xi32>
    %iota3A = tpu.iota {dimensions = array<i32: 0>} : vector<64x1xi32>
    %eq3A = vector.broadcast %iota3A : vector<64x1xi32> to vector<64x2000xi32>
    %eq3A_53 = vector.broadcast %reshape3A : vector<1x2000xi32> to vector<64x2000xi32>
    %eq3A_54 = arith.cmpi eq, %eq3A, %eq3A_53 : vector<64x2000xi32>
    %convert_element_type3A = arith.extui %eq3A_54 : vector<64x2000xi1> to vector<64x2000xi32>
    %convert_element_type3A_55 = arith.sitofp %convert_element_type3A : vector<64x2000xi32> to vector<64x2000xf32>
    %dot_general3A_56 = arith.constant dense<0.000000e+00> : vector<64x128xf32>
    %dot_general3A_57 = tpu.matmul %convert_element_type3A_55, %mul3A_48, %dot_general3A_56 {dimension_numbers = #tpu.dot_dimension_numbers<[1], [0], [0], [1], [0, 0, 1, 1], [], []>, transpose_lhs_hint = false} : vector<64x2000xf32>, vector<2000x128xf32>, vector<64x128xf32> -> vector<64x128xf32>
    %broadcast_in_dim3A = arith.constant 1.000000e+00 : f32
    %broadcast_in_dim3A_58 = vector.broadcast %broadcast_in_dim3A : f32 to vector<2000x128xf32>
    %dot_general3A_59 = arith.constant dense<0.000000e+00> : vector<64x128xf32>
    %dot_general3A_60 = tpu.matmul %convert_element_type3A_55, %broadcast_in_dim3A_58, %dot_general3A_59 {dimension_numbers = #tpu.dot_dimension_numbers<[1], [0], [0], [1], [0, 0, 1, 1], [], []>, transpose_lhs_hint = false} : vector<64x2000xf32>, vector<2000x128xf32>, vector<64x128xf32> -> vector<64x128xf32>
    %eq3A_61 = arith.constant 0 : i32
    %eq3A_62 = arith.cmpi eq, %arg0, %eq3A_61 : i32
    %convert_element_type3A_63 = arith.extui %eq3A_62 : i1 to i32
    %cond3A = arith.constant 0 : i32
    %cond3A_64 = arith.cmpi ne, %convert_element_type3A_63, %cond3A : i32
    scf.if %cond3A_64 {
      %swap3A = arith.constant 0 : index
      %swap3A_74 = arith.constant 0 : index
      %swap3A_75 = vector.load %arg10[%swap3A, %swap3A_74] : memref<64x128xf32, #tpu.memory_space<vmem>>, vector<64x128xf32>
      tpu.vector_store %arg10[%swap3A, %swap3A_74], %dot_general3A_57 {strides = array<i32>} : memref<64x128xf32, #tpu.memory_space<vmem>>, vector<64x128xf32>,
      %swap3A_76 = arith.constant 0 : index
      %swap3A_77 = arith.constant 0 : index
      %swap3A_78 = vector.load %arg11[%swap3A_76, %swap3A_77] : memref<64x128xf32, #tpu.memory_space<vmem>>, vector<64x128xf32>
      tpu.vector_store %arg11[%swap3A_76, %swap3A_77], %dot_general3A_60 {strides = array<i32>} : memref<64x128xf32, #tpu.memory_space<vmem>>, vector<64x128xf32>,
    } else {
    }
    %gt3A = arith.constant 0 : i32
    %gt3A_65 = arith.cmpi sgt, %arg0, %gt3A : i32
    %convert_element_type3A_66 = arith.extui %gt3A_65 : i1 to i32
    %cond3A_67 = arith.constant 0 : i32
    %cond3A_68 = arith.cmpi ne, %convert_element_type3A_66, %cond3A_67 : i32
    scf.if %cond3A_68 {
      %get3A_74 = arith.constant 0 : index
      %get3A_75 = arith.constant 0 : index
      %get3A_76 = vector.load %arg10[%get3A_74, %get3A_75] : memref<64x128xf32, #tpu.memory_space<vmem>>, vector<64x128xf32>
      %add3A_77 = arith.addf %get3A_76, %dot_general3A_57 : vector<64x128xf32>
      %swap3A = arith.constant 0 : index
      %swap3A_78 = arith.constant 0 : index
      %swap3A_79 = vector.load %arg10[%swap3A, %swap3A_78] : memref<64x128xf32, #tpu.memory_space<vmem>>, vector<64x128xf32>
      tpu.vector_store %arg10[%swap3A, %swap3A_78], %add3A_77 {strides = array<i32>} : memref<64x128xf32, #tpu.memory_space<vmem>>, vector<64x128xf32>,
      %get3A_80 = arith.constant 0 : index
      %get3A_81 = arith.constant 0 : index
      %get3A_82 = vector.load %arg11[%get3A_80, %get3A_81] : memref<64x128xf32, #tpu.memory_space<vmem>>, vector<64x128xf32>
      %add3A_83 = arith.addf %get3A_82, %dot_general3A_60 : vector<64x128xf32>
      %swap3A_84 = arith.constant 0 : index
      %swap3A_85 = arith.constant 0 : index
      %swap3A_86 = vector.load %arg11[%swap3A_84, %swap3A_85] : memref<64x128xf32, #tpu.memory_space<vmem>>, vector<64x128xf32>
      tpu.vector_store %arg11[%swap3A_84, %swap3A_85], %add3A_83 {strides = array<i32>} : memref<64x128xf32, #tpu.memory_space<vmem>>, vector<64x128xf32>,
    } else {
    }
    %eq3A_69 = arith.constant 4 : i32
    %eq3A_70 = arith.cmpi eq, %arg0, %eq3A_69 : i32
    %convert_element_type3A_71 = arith.extui %eq3A_70 : i1 to i32
    %cond3A_72 = arith.constant 0 : i32
    %cond3A_73 = arith.cmpi ne, %convert_element_type3A_71, %cond3A_72 : i32
    scf.if %cond3A_73 {
      %get3A_74 = arith.constant 0 : index
      %get3A_75 = arith.constant 0 : index
      %get3A_76 = vector.load %arg10[%get3A_74, %get3A_75] : memref<64x128xf32, #tpu.memory_space<vmem>>, vector<64x128xf32>
      %get3A_77 = arith.constant 0 : index
      %get3A_78 = arith.constant 0 : index
      %get3A_79 = vector.load %arg11[%get3A_77, %get3A_78] : memref<64x128xf32, #tpu.memory_space<vmem>>, vector<64x128xf32>
      %max3A = arith.constant 1.000000e+00 : f32
      %max3A_80 = vector.broadcast %max3A : f32 to vector<64x128xf32>
      %max3A_81 = arith.maximumf %get3A_79, %max3A_80 : vector<64x128xf32>
      %div3A = arith.divf %get3A_76, %max3A_81 : vector<64x128xf32>
      %swap3A = arith.constant 0 : index
      %swap3A_82 = arith.constant 0 : index
      %swap3A_83 = vector.load %arg9[%swap3A, %swap3A_82] : memref<64x128xf32, #tpu.memory_space<vmem>>, vector<64x128xf32>
      tpu.vector_store %arg9[%swap3A, %swap3A_82], %div3A {strides = array<i32>} : memref<64x128xf32, #tpu.memory_space<vmem>>, vector<64x128xf32>,
    } else {
    }
    return
  }
  func.func @transform_0(%arg0: i32) -> (i32, i32) {
    %c0_i32 = arith.constant 0 : i32
    %c0_i32_0 = arith.constant 0 : i32
    return %arg0, %c0_i32 : i32, i32
  }
  func.func @transform_1(%arg0: i32) -> (i32, i32, i32) {
    %c0_i32 = arith.constant 0 : i32
    %c0_i32_0 = arith.constant 0 : i32
    %c0_i32_1 = arith.constant 0 : i32
    return %arg0, %c0_i32, %c0_i32_0 : i32, i32, i32
  }
  func.func @transform_2(%arg0: i32) -> (i32, i32) {
    %c0_i32 = arith.constant 0 : i32
    %c0_i32_0 = arith.constant 0 : i32
    %c0_i32_1 = arith.constant 0 : i32
    return %c0_i32, %c0_i32_0 : i32, i32
  }
  func.func @transform_3(%arg0: i32) -> (i32, i32) {
    %c0_i32 = arith.constant 0 : i32
    %c0_i32_0 = arith.constant 0 : i32
    %c0_i32_1 = arith.constant 0 : i32
    return %c0_i32, %c0_i32_0 : i32, i32
  }
  func.func @transform_4(%arg0: i32) -> (i32, i32) {
    %c0_i32 = arith.constant 0 : i32
    %c0_i32_0 = arith.constant 0 : i32
    %c0_i32_1 = arith.constant 0 : i32
    return %c0_i32, %c0_i32_0 : i32, i32
  }
  func.func @transform_5(%arg0: i32) -> (i32, i32) {
    %c0_i32 = arith.constant 0 : i32
    %c0_i32_0 = arith.constant 0 : i32
    %c0_i32_1 = arith.constant 0 : i32
    return %c0_i32, %c0_i32_0 : i32, i32
  }
  func.func @transform_6(%arg0: i32) -> (i32, i32) {
    %c0_i32 = arith.constant 0 : i32
    %c0_i32_0 = arith.constant 0 : i32
    %c0_i32_1 = arith.constant 0 : i32
    return %c0_i32, %c0_i32_0 : i32, i32
  }
  func.func @transform_7(%arg0: i32) -> (i32, i32) {
    %c0_i32 = arith.constant 0 : i32
    %c0_i32_0 = arith.constant 0 : i32
    %c0_i32_1 = arith.constant 0 : i32
    return %c0_i32, %c0_i32_0 : i32, i32
  }
  func.func @transform_8(%arg0: i32) -> (i32, i32) {
    %c0_i32 = arith.constant 0 : i32
    %c0_i32_0 = arith.constant 0 : i32
    %c0_i32_1 = arith.constant 0 : i32
    return %c0_i32, %c0_i32_0 : i32, i32
  }
}

</mosaic_0001>

<sc_bundles>
// kernel: kernel.17.cloned.1.call-start
scs
__scs_entry_jumppad:
0x0: {  	(pc) =	sbr.rel $0x88, $3  }
0x1: {  	(tag) =	ssettag $0x0;
	lr =	simm.s32 $0x1  }
0x2: {  	[smem:$0x3F5A] =	sst lr;
	_ =	strace $0xD0000000  }
0x3: {  	_ = 	snop  }
0x4: {  	_ = 	snop  }
0x5: {  	_ = 	snop  }
0x6: {  	_ = 	snop  }
0x7: {  	_ = 	snop  }
__scs_overlays_trampoline_lowered:
0x8: {  	[smem:$0x3F69] =	sst s0  }
0x9: {  	[smem:$0x3F6A] =	sst s1  }
0xa: {  	[smem:$0x3F6B] =	sst s2  }
0xb: {  	[smem:$0x3F6C] =	sst s3  }
0xc: {  	[smem:$0x3F6D] =	sst s4  }
0xd: {  	[smem:$0x3F6E] =	sst s5  }
0xe: {  	[smem:$0x3F6F] =	sst s6  }
0xf: {  	[smem:$0x3F70] =	sst s7  }
0x10: {  	[smem:$0x3F71] =	sst s8  }
0x11: {  	[smem:$0x3F72] =	sst s9;
	s0 =	simm.s32 @!p0 $0x0  }
0x12: {  	s1 =	sld [smem:$0x3F58];
	s0 =	simm.s32 @p0 $0x1  }
0x13: {  	[smem:$0x3F73] =	sst s0;
	s0 =	simm.s32 @!p1 $0x0  }
0x14: {  	s2 =	sld [smem:$0x3F57];
	s0 =	simm.s32 @p1 $0x1  }
0x15: {  	[smem:$0x3F74] =	sst s0;
	s0 =	simm.s32 @!p2 $0x0  }
0x16: {  	s3 =	sld [smem:$0x3FDB];
	s0 =	simm.s32 @p2 $0x1  }
0x17: {  	s4 =	simm.s32 $0x1BF5;
	[smem:$0x3F76] =	sst s0  }
0x18: {  	s0 =	sld [smem:$0x3F59];
	_ =	swait.ge [sflag:s4], $0x0  }
0x19: {  	s7 =	sld [smem:$0x3F5A]  }
0x1a: {  	s8 =	sadd.s32 $0xFFFFE003, lr  }
0x1b: {  	s9 =	sadd.s32 $0xFFFFFEF7, lr;
	s5 =	simm.s32 $0xFFFFFFFF;
	p2 =	slt.u32 s8, $0xFFFFF086  }
0x1c: {  	p1 =	slt.u32 s9, $0xF7A;
	s5 =	simm.s32 @!p2 $0x0  }
0x1d: {  	s5 =	simm.s32 @p1 $0x1;
	p0 =	seq.s32 s7, s2  }
0x1e: {  	s7 =	smul.u32 @!p0 $0xF7A, s2;
	p2 =	seq.s32 @!p0 s5, $0x0  }
0x1f: {  	s9 =	smul.u32 $0xF7A, s1;
	s8 =	simm.s32 @!p0 $0x1BF5;
	p2 =	por !p2, p0  }
0x20: {  	[sflag:s8] =	ssyncset.s32 @!p0 $0xFFFFF086;
	s6 =	sadd.s32 @!p0 s3, s7;
	s7 =	simm.s32 @!p0 $0x108  }
0x21: {  	s3 =	sadd.s32 s3, s9;
	s6 =	sadd.s32 @!p0 $0x88, s6;
	s7 =	simm.s32 @p2 $0x1082  }
0x22: {  	[simem:s7], [sflag:s8] =	dma.local @!p0 [hbm:s6], $0xF7A  }
0x23: {  	s9 =	sor.u32 $0xD0000000, s2;
	s6 =	simm.s32 $0x108;
	_ =	swait.ge @!p0 [sflag:s8], $0x0  }
0x24: {  	s3 =	sadd.s32 $0x88, s3;
	s6 =	simm.s32 @!p1 $0x1082;
	[sflag:s4] =	ssyncset.s32 $0xFFFFF086  }
0x25: {  	[simem:s6], [sflag:s4] =	dma.local [hbm:s3], $0xF7A  }
0x26: {  	[smem:$0x3F5A] =	sst s1;
	(tag) =	ssettag s2;
	_ =	strace s9  }
0x27: {  	s1 =	sld [smem:$0x3F6A]  }
0x28: {  	s2 =	sld [smem:$0x3F6B]  }
0x29: {  	s4 =	sld [smem:$0x3F6D]  }
0x2a: {  	p0 =	seq.s32 s5, $0x0;
	s5 =	sld [smem:$0x3F6E]  }
0x2b: {  	s6 =	sld [smem:$0x3F6F]  }
0x2c: {  	s7 =	sld [smem:$0x3F70]  }
0x2d: {  	s3 =	simm.s32 $0x108;
	s8 =	sld [smem:$0x3F71]  }
0x2e: {  	s3 =	simm.s32 @!p0 $0x1082;
	s9 =	sld [smem:$0x3F72]  }
0x2f: {  	lr =	sadd.s32 s0, s3;
	s0 =	sld [smem:$0x3F69]  }
0x30: {  	s3 =	sld [smem:$0x3F6C]  }
0x31: {  	[smem:$0x3F75] =	sst s10  }
0x32: {  	s10 =	sld [smem:$0x3F73];
	_ =	sdelay $0x3  }
0x33: {  	p0 =	seq.s32 s10, $0x1;
	s10 =	sld [smem:$0x3F75];
	_ =	sdelay $0x3  }
0x34: {  	[smem:$0x3F75] =	sst s10  }
0x35: {  	s10 =	sld [smem:$0x3F74];
	_ =	sdelay $0x3  }
0x36: {  	p1 =	seq.s32 s10, $0x1;
	s10 =	sld [smem:$0x3F75];
	_ =	sdelay $0x3  }
0x37: {  	[smem:$0x3F75] =	sst s10  }
0x38: {  	s10 =	sld [smem:$0x3F76]  }
0x39: {  	_ = 	snop;
	(pc) =	sbr.ind lr, $3  }
0x3a: {  	_ = 	snop  }
0x3b: {  	_ = 	snop  }
0x3c: {  	p2 =	seq.s32 s10, $0x1;
	s10 =	sld [smem:$0x3F75]  }
0x3d: {  	_ =	shalt  }
0x3e: {  	_ =	shalt  }
0x3f: {  	_ =	shalt  }
0x40: {  	_ =	shalt  }
0x41: {  	_ =	shalt  }
0x42: {  	_ =	shalt  }
0x43: {  	_ =	shalt  }
0x44: {  	_ =	shalt  }
0x45: {  	_ =	shalt  }
0x46: {  	_ =	shalt  }
0x47: {  	_ =	shalt  }
0x48: {  	_ =	shalt  }
0x49: {  	_ =	shalt  }
0x4a: {  	_ =	shalt  }
0x4b: {  	_ =	shalt  }
0x4c: {  	_ =	shalt  }
0x4d: {  	_ =	shalt  }
0x4e: {  	_ =	shalt  }
0x4f: {  	_ =	shalt  }
0x50: {  	_ =	shalt  }
0x51: {  	_ =	shalt  }
0x52: {  	_ =	shalt  }
0x53: {  	_ =	shalt  }
0x54: {  	_ =	shalt  }
0x55: {  	_ =	shalt  }
0x56: {  	_ =	shalt  }
0x57: {  	_ =	shalt  }
0x58: {  	_ =	shalt  }
0x59: {  	_ =	shalt  }
0x5a: {  	_ =	shalt  }
0x5b: {  	_ =	shalt  }
0x5c: {  	_ =	shalt  }
0x5d: {  	_ =	shalt  }
0x5e: {  	_ =	shalt  }
0x5f: {  	_ =	shalt  }
0x60: {  	_ =	shalt  }
0x61: {  	_ =	shalt  }
0x62: {  	_ =	shalt  }
0x63: {  	_ =	shalt  }
0x64: {  	_ =	shalt  }
0x65: {  	_ =	shalt  }
0x66: {  	_ =	shalt  }
0x67: {  	_ =	shalt  }
0x68: {  	_ =	shalt  }
0x69: {  	_ =	shalt  }
0x6a: {  	_ =	shalt  }
0x6b: {  	_ =	shalt  }
0x6c: {  	_ =	shalt  }
0x6d: {  	_ =	shalt  }
0x6e: {  	_ =	shalt  }
0x6f: {  	_ =	shalt  }
0x70: {  	_ =	shalt  }
0x71: {  	_ =	shalt  }
0x72: {  	_ =	shalt  }
0x73: {  	_ =	shalt  }
0x74: {  	_ =	shalt  }
0x75: {  	_ =	shalt  }
0x76: {  	_ =	shalt  }
0x77: {  	_ =	shalt  }
0x78: {  	_ =	shalt  }
0x79: {  	_ =	shalt  }
0x7a: {  	_ =	shalt  }
0x7b: {  	_ =	shalt  }
0x7c: {  	_ =	shalt  }
0x7d: {  	_ =	shalt  }
0x7e: {  	_ =	shalt  }
0x7f: {  	_ =	shalt  }
0x80: {  	_ =	shalt  }
0x81: {  	_ =	shalt  }
0x82: {  	_ =	shalt  }
0x83: {  	_ =	shalt  }
0x84: {  	_ =	shalt  }
0x85: {  	_ =	shalt  }
0x86: {  	_ =	shalt  }
0x87: {  	_ =	shalt  }
.Lfunc_end0:
.L_simem_size_0:
called_computation_lowered:
.L_overlay_start_0:
0x88: {  	s2 =	sld [smem:$0x3FD9]  }
0x89: {  	s3 =	sld [smem:$0x3FFE];
	_ =	sdelay $0x1  }
0x8a: {  	s1 =	srdreg.scid  }
0x8b: {  	s0 =	sand.u32 $0x1, s1  }
0x8c: {  	s16 =	sshll.u32 s0, $0xA;
	s2 =	sadd.s32 s3, s2  }
0x8d: {  	s2 =	sadd.s32 s2, s16  }
0x8e: {  	[smem:$0x3F81] =	sst s2  }
0x8f: {  	_ = 	snop  }
0x90: {  	(tm) =	ssettm $0x1  }
0x91: {  	s17 =	sld [smem:$0x3FFB];
	_ =	sdelay $0x3  }
0x92: {  	_ =	strace s17  }
0x93: {  	s2 =	sld [smem:$0x3FFC];
	_ =	sdelay $0x3  }
0x94: {  	_ =	strace s2  }
0x95: {  	s2 =	sld [smem:$0x3FFD];
	_ =	sdelay $0x3  }
0x96: {  	_ =	strace s2  }
0x97: {  	_ =	strace $0x8FFFFFFF  }
0x98: {  	s18 =	sld [smem:$0x3FDB];
	_ =	sdelay $0x1  }
0x99: {  	s19 =	simm.s32 $_scs_section_size  }
0x9a: {  	s4 =	simm.s32 $_size__tile_overlayer_lowered;
	s5 =	simm.s32 $_tile_overlayer_lowered  }
0x9b: {  	s22 =	simm.s32 $0x1BFF;
	s21 =	sshll.u32 s5, $0x1;
	s2 =	sadd.s32 s19, s18  }
0x9c: {  	s6 =	simm.s32 $0x0;
	s20 =	sshll.u32 s4, $0x1;
	s4 =	sadd.s32 s21, s2  }
0x9d: {  	[timem:s6], [sflag:s22] =	dma.local [hbm:s4], s20  }
0x9e: {  	_ =	swait.ge [sflag:s22], s20  }
0x9f: {  	s3 =	ssub.s32 $0x0, s20;
	[sflag:s22] =	ssyncset.done $0x0  }
0xa0: {  	[sflag:s22] =	ssyncadd.s32 s3;
	_ =	sdelay $0x1  }
0xa1: {  	s23 =	simm.s32 $0x1B8B  }
0xa2: {  	_ =	swait.ge [sflag:s23], $0x1  }
0xa3: {  	[sflag:s23] =	ssyncset.done $0x0  }
0xa4: {  	s25 =	simm.s32 $0x1B8E;
	s24 =	sld [smem:$0x3FFE];
	[sflag:s23] =	ssyncadd.s32 $0xFFFFFFFF  }
0xa5: {  	s26 =	simm.s32 $execute0_lowered;
	[smem:$0x3FD2] =	sst s25  }
0xa6: {  	s4 =	sshll.u32 s26, $0x1;
	_ =	strace $0x80000046;
	[dreg:$0x1] =	wrdreg $0xFFFFFFFF  }
0xa7: {  	s28 =	simm.s32 $_size_execute0_lowered;
	s2 =	sadd.s32 s2, s4;
	[dreg:$0x0] =	wrdreg $0x0  }
0xa8: {  	s4 =	sshll.u32 s28, $0x1;
	[dreg:$0x2] =	wrdreg s2  }
0xa9: {  	[dreg:$0x3] =	wrdreg s4  }
0xaa: {  	[dreg:$0x4] =	wrdreg $0xC0  }
0xab: {  	_ =	task [dreg:s6], $0x5FFFF  }
0xac: {  	[dreg:$0x1] =	wrdreg $0xFFFFFFFF  }
0xad: {  	[dreg:$0x0] =	wrdreg $0x60  }
0xae: {  	[dreg:$0x2] =	wrdreg s24  }
0xaf: {  	[dreg:$0x3] =	wrdreg $0x9  }
0xb0: {  	_ =	task.clear_ibuf [dreg:s6], $0x4FFFF;
	_ =	strace $0x90000046  }
0xb1: {  	s29 =	simm.s32 $0x9;
	_ =	strace $0x80000048  }
0xb2: {  	_ =	swait.ge [sflag:s29], $0x1  }
0xb3: {  	[sflag:s29] =	ssyncadd.s32 $0xFFFFFFFF  }
0xb4: {  	_ =	strace $0x90000048  }
0xb5: {  	_ =	sfence  }
0xb6: {  	s30 =	sld [smem:$0x0];
	_ =	sdelay $0x2  }
0xb7: {  	s31 =	sshll.u32 s1, $0xD;
	s1 =	sshrl.u32 s1, $0x2  }
0xb8: {  	s3 =	sand.u32 $0x4000, s31;
	s1 =	sadd.s32 s1, s30  }
0xb9: {  	s0 =	sor.u32 s3, s0;
	s1 =	sshll.u32 s1, $0x11  }
0xba: {  	s0 =	sor.u32 s1, s0  }
0xbb: {  	s0 =	sadd.s32 $0x8F2B, s0  }
0xbc: {  	[sflag:s0] =	ssyncadd.remote.s32 $0x1  }
0xbd: {  	_ =	sfence.sel $0xFFFF  }
0xbe: {  	[dreg:$0x0] =	wrdreg $0xFFFFFFFF;
	(pc) =	sbr.abs _section_cstart, $3  }
0xbf: {  	[dreg:$0x1] =	wrdreg $0xFFFFFFFF  }
0xc0: {  	_ =	task.clear_ibuf [dreg:s6], $0x2FFFF;
	_ =	strace $0x9FFFFFFF  }
0xc1: {  	(tm) =	ssettm $0x7FFFFFFF  }
tec
execute0_lowered:
.L_overlay_start_1:
0x0: {  	(tag) =	ssettag $0x1  }
0x1: {  	s6 =	rddreg [dreg:$0x0]  }
0x2: {  	s0 =	rddreg [dreg:$0x1]  }
0x3: {  	s3 =	srdreg.scid;
	s1 =	stileid.u32;
	s2 =	simm.s32 $0x0  }
0x4: {  	s11 =	simm.s32 $0x2780;
	s12 =	simm.s32 $0x4F00;
	s13 =	simm.s32 $0x7680  }
0x5: {  	s14 =	simm.s32 $0x9E00;
	s5 =	sand.u32 $0x1, s3;
	s30 =	sshll.u32 s1, $0x1  }
0x6: {  	s15 =	simm.s32 $0xC580;
	s16 =	simm.s32 $0x0;
	s3 =	sor.u32 s5, s30  }
0x7: {  	[smem:$0x7FF] =	sst s2;
	s4 =	sadd.s32 $0x21600, s6;
	s7 =	smul.u32 $0x4E2, s3  }
0x8: {  	_ =	strace $0x80000047;
	s8 =	ssub.s32 $0x2, s5;
	s5 =	sadd.s32 $0x21000, s6  }
0x9: {  	s3 =	sadd.s32 $0x21C00, s6;
	s31 =	sshrl.u32 s8, $0x1;
	s9 =	sadd.s32 s7, s6  }
0xa: {  	s10 =	ssub.s32 s8, s31;
	s6 =	sadd.s32 $0xD400, s9;
	s7 =	sadd.s32 $0x17200, s9  }
0xb: {  	s8 =	sadd.s32 $0x22200, s9;
	s9 =	smax.u32 s10, $0x1;
	s10 =	simm.s32 $0x1  }
.LBB2_1:
0xc: {  	[tilespmem:s2], [sflag:$0x1] =	stream.linear.gather [hbm4b:s3+s2], $0x2780, $0x38;
	[tilespmem:$0xED00] =	vst v63  }
0xd: {  	_ =	swait.ge [sflag:s10], $0x2780  }
0xe: {  	[sflag:s10] =	ssyncset.done $0x0  }
0xf: {  	[sflag:s10] =	ssyncadd.s32 $0xFFFFD880  }
0x10: {  	[tilespmem:s11], [sflag:$0x1] =	stream.linear.gather [hbm4b:s4+s2], $0x2780, $0x38;
	[tilespmem:$0xED00] =	vst v63  }
0x11: {  	_ =	swait.ge [sflag:s10], $0x2780  }
0x12: {  	[sflag:s10] =	ssyncset.done $0x0  }
0x13: {  	[sflag:s10] =	ssyncadd.s32 $0xFFFFD880  }
0x14: {  	[tilespmem:s12], [sflag:$0x1] =	stream.linear.gather [hbm4b:s5+s2], $0x2780, $0x38;
	[tilespmem:$0xED00] =	vst v63  }
0x15: {  	_ =	swait.ge [sflag:s10], $0x2780  }
0x16: {  	[sflag:s10] =	ssyncset.done $0x0  }
0x17: {  	[sflag:s10] =	ssyncadd.s32 $0xFFFFD880  }
0x18: {  	[tilespmem:s13], [sflag:$0x1] =	stream.linear.gather [hbm4b:s6+s2], $0x2710, $0x38;
	[tilespmem:$0xED00] =	vst v63  }
0x19: {  	_ =	swait.ge [sflag:s10], $0x2710  }
0x1a: {  	[sflag:s10] =	ssyncset.done $0x0  }
0x1b: {  	[sflag:s10] =	ssyncadd.s32 $0xFFFFD8F0  }
0x1c: {  	[tilespmem:s14], [sflag:$0x1] =	stream.linear.gather [hbm4b:s7+s2], $0x2710, $0x38;
	[tilespmem:$0xED00] =	vst v63  }
0x1d: {  	_ =	swait.ge [sflag:s10], $0x2710  }
0x1e: {  	[sflag:s10] =	ssyncset.done $0x0  }
0x1f: {  	s17 =	simm.s32 $0x0;
	[sflag:s10] =	ssyncadd.s32 $0xFFFFD8F0  }
0x20: {  	v0 =	vld [tilespmem:s17+$0x9E00]  }
0x21: {  	v1 =	vld [tilespmem:s17+$0x7680];
	_ =	sdelay $0x6  }
0x22: {  	v2 =	vld.idx.msk [tilespmem:v0+s2+$0x0], $0xffff  }
0x23: {  	v3 =	vld.idx.msk [tilespmem:v1+s2+$0x0], $0xffff  }
0x24: {  	v4 =	vld.idx.msk [tilespmem:v1+s11+$0x0], $0xffff  }
0x25: {  	v5 =	vld.idx.msk [tilespmem:v0+s11+$0x0], $0xffff  }
0x26: {  	v6 =	vld.idx.msk [tilespmem:v1+s12+$0x0], $0xffff  }
0x27: {  	v7 =	vld.idx.msk [tilespmem:v0+s12+$0x0], $0xffff;
	_ =	sdelay $0x2  }
0x28: {  	s18 =	simm.s32 $0x10;
	v3 =	vsub.f32 v3, v2;
	v4 =	vsub.f32 v4, v5  }
0x29: {  	v0 =	vld [tilespmem:s18+$0x9E00]  }
0x2a: {  	v1 =	vld [tilespmem:s18+$0x7680];
	v2 =	vsub.f32 v6, v7;
	v3 =	vmul.f32 v3, v3;
	v4 =	vmul.f32 v4, v4  }
0x2b: {  	s19 =	simm.s32 $0x80  }
.LBB2_2:
0x2c: {  	p0 =	sne.s32 s19, $0x9C00;
	v3 =	vadd.f32 v4, v3;
	v2 =	vmul.f32 v2, v2;
	_ =	sdelay $0x1  }
0x2d: {  	v2 =	vadd.f32 v2, v3;
	_ =	sdelay $0x1  }
0x2e: {  	[tilespmem:s17+$0xC580] =	vst v2;
	s17 =	smov.u32 s18  }
0x2f: {  	v2 =	vld.idx.msk [tilespmem:v0+s2+$0x0], $0xffff  }
0x30: {  	v3 =	vld.idx.msk [tilespmem:v1+s2+$0x0], $0xffff  }
0x31: {  	v4 =	vld.idx.msk [tilespmem:v1+s11+$0x0], $0xffff  }
0x32: {  	v5 =	vld.idx.msk [tilespmem:v0+s11+$0x0], $0xffff  }
0x33: {  	v6 =	vld.idx.msk [tilespmem:v1+s12+$0x0], $0xffff  }
0x34: {  	v7 =	vld.idx.msk [tilespmem:v0+s12+$0x0], $0xffff;
	_ =	sdelay $0x2  }
.Ltmp0:
0x35: {  	(pc) =	sbr.rel @p0 .LBB2_2-.Ltmp0, $4  }
0x36: {  	s18 =	sshra.s32 s19, $0x2;
	v3 =	vsub.f32 v3, v2;
	v4 =	vsub.f32 v4, v5  }
0x37: {  	v0 =	vld [tilespmem:s18+$0x9E00]  }
0x38: {  	v3 =	vmul.f32 v3, v3;
	v2 =	vsub.f32 v6, v7;
	v4 =	vmul.f32 v4, v4;
	v1 =	vld [tilespmem:s18+$0x7680]  }
0x39: {  	s19 =	sadd.s32 $0x40, s19  }
0x3a: {  	_ = 	snop  }
0x3b: {  	v3 =	vadd.f32 v4, v3;
	v2 =	vmul.f32 v2, v2;
	_ =	sdelay $0x1  }
0x3c: {  	v2 =	vadd.f32 v2, v3;
	_ =	sdelay $0x1  }
0x3d: {  	[tilespmem:s17+$0xC580] =	vst v2  }
0x3e: {  	v2 =	vld.idx.msk [tilespmem:v0+s2+$0x0], $0xffff  }
0x3f: {  	v57 =	vld.idx.msk [tilespmem:v1+s2+$0x0], $0xffff  }
0x40: {  	v58 =	vld.idx.msk [tilespmem:v1+s11+$0x0], $0xffff  }
0x41: {  	v5 =	vld.idx.msk [tilespmem:v0+s11+$0x0], $0xffff  }
0x42: {  	v59 =	vld.idx.msk [tilespmem:v1+s12+$0x0], $0xffff  }
0x43: {  	v60 =	vld.idx.msk [tilespmem:v0+s12+$0x0], $0xffff;
	_ =	sdelay $0x2  }
0x44: {  	v2 =	vsub.f32 v57, v2;
	v61 =	vsub.f32 v58, v5;
	_ =	sdelay $0x1  }
0x45: {  	v0 =	vsub.f32 v59, v60;
	v62 =	vmul.f32 v2, v2;
	v63 =	vmul.f32 v61, v61;
	_ =	sdelay $0x1  }
0x46: {  	v0 =	vmul.f32 v0, v0;
	v1 =	vadd.f32 v63, v62;
	_ =	sdelay $0x1  }
0x47: {  	s16 =	sadd.s32 $0x1, s16;
	v0 =	vadd.f32 v0, v1  }
0x48: {  	p0 =	sne.s32 s16, s9  }
.Ltmp1:
0x49: {  	[tilespmem:s18+$0xC580] =	vst v0;
	(pc) =	sbr.rel @p0 .LBB2_1-.Ltmp1, $4  }
0x4a: {  	[hbm4b:s8+s2] =	stream.linear.scatter [tilespmem:s15], [sflag:$0x1], $0x2710, $0x38;
	[tilespmem:$0xED00] =	vst v63  }
0x4b: {  	_ =	swait.ge [sflag:s10], $0x2710  }
0x4c: {  	[sflag:s10] =	ssyncset.done $0x0  }
0x4d: {  	[sflag:s10] =	ssyncadd.s32 $0xFFFFD8F0  }
0x4e: {  	_ =	sfence.sel $0x180000  }
0x4f: {  	[bflag:$0x0] =	sbarrier.arrive $0xFFFF  }
0x50: {  	p0 =	sne.s32 s1, $0x0;
	_ =	strace $0x90000047  }
0x51: {  	s0 =	sadd.s32 @!p0 $0x100000, s0;
	[bflag:$0x2] =	sbarrier.arrive $0xFFFF  }
0x52: {  	[sflag:s0] =	ssyncadd.tile.s32 @!p0 $0x1;
	_ =	shalt  }
.Lfunc_end2:
_tile_overlayer_lowered:
.L_overlay_start_2:
0x53: {  	(tag) =	ssettag $0x2  }
0x54: {  	s0 =	rddreg [dreg:$0x0];
	s2 =	stileid.u32  }
0x55: {  	s1 =	rddreg [dreg:$0x1];
	p0 =	sne.s32 s2, $0x0  }
0x56: {  	s3 =	rddreg [dreg:$0x2];
	[bflag:$0x3] =	sbarrier.arrive $0xFFFF;
	s2 =	simm.s32 @!p0 $0x1C01  }
0x57: {  	[timem:s3], [sflag:s2] =	dma.local @!p0 [hbm:s0], s1  }
0x58: {  	s0 =	simm.s32 @!p0 $0x1  }
0x59: {  	_ =	swait.ge @!p0 [sflag:s0], s1  }
0x5a: {  	s1 =	ssub.s32 @!p0 $0x0, s1;
	[sflag:s0] =	ssyncset.done @!p0 $0x0  }
0x5b: {  	[sflag:s0] =	ssyncadd.s32 @!p0 s1  }
0x5c: {  	[bflag:$0x3] =	sbarrier.arrive $0xFFFF  }
0x5d: {  	_ =	shalt  }

// kernel: kernel.20.cloned.1.call-start
scs
__scs_entry_jumppad:
0x0: {  	(pc) =	sbr.rel $0x88, $3  }
0x1: {  	(tag) =	ssettag $0x0;
	lr =	simm.s32 $0x1  }
0x2: {  	[smem:$0x3F5A] =	sst lr;
	_ =	strace $0xD0000000  }
0x3: {  	_ = 	snop  }
0x4: {  	_ = 	snop  }
0x5: {  	_ = 	snop  }
0x6: {  	_ = 	snop  }
0x7: {  	_ = 	snop  }
__scs_overlays_trampoline_lowered:
0x8: {  	[smem:$0x3F69] =	sst s0  }
0x9: {  	[smem:$0x3F6A] =	sst s1  }
0xa: {  	[smem:$0x3F6B] =	sst s2  }
0xb: {  	[smem:$0x3F6C] =	sst s3  }
0xc: {  	[smem:$0x3F6D] =	sst s4  }
0xd: {  	[smem:$0x3F6E] =	sst s5  }
0xe: {  	[smem:$0x3F6F] =	sst s6  }
0xf: {  	[smem:$0x3F70] =	sst s7  }
0x10: {  	[smem:$0x3F71] =	sst s8  }
0x11: {  	[smem:$0x3F72] =	sst s9;
	s0 =	simm.s32 @!p0 $0x0  }
0x12: {  	s1 =	sld [smem:$0x3F58];
	s0 =	simm.s32 @p0 $0x1  }
0x13: {  	[smem:$0x3F73] =	sst s0;
	s0 =	simm.s32 @!p1 $0x0  }
0x14: {  	s2 =	sld [smem:$0x3F57];
	s0 =	simm.s32 @p1 $0x1  }
0x15: {  	[smem:$0x3F74] =	sst s0;
	s0 =	simm.s32 @!p2 $0x0  }
0x16: {  	s3 =	sld [smem:$0x3FDB];
	s0 =	simm.s32 @p2 $0x1  }
0x17: {  	s4 =	simm.s32 $0x1BF5;
	[smem:$0x3F76] =	sst s0  }
0x18: {  	s0 =	sld [smem:$0x3F59];
	_ =	swait.ge [sflag:s4], $0x0  }
0x19: {  	s7 =	sld [smem:$0x3F5A]  }
0x1a: {  	s8 =	sadd.s32 $0xFFFFE003, lr  }
0x1b: {  	s9 =	sadd.s32 $0xFFFFFEF7, lr;
	s5 =	simm.s32 $0xFFFFFFFF;
	p2 =	slt.u32 s8, $0xFFFFF086  }
0x1c: {  	p1 =	slt.u32 s9, $0xF7A;
	s5 =	simm.s32 @!p2 $0x0  }
0x1d: {  	s5 =	simm.s32 @p1 $0x1;
	p0 =	seq.s32 s7, s2  }
0x1e: {  	s7 =	smul.u32 @!p0 $0xF7A, s2;
	p2 =	seq.s32 @!p0 s5, $0x0  }
0x1f: {  	s9 =	smul.u32 $0xF7A, s1;
	s8 =	simm.s32 @!p0 $0x1BF5;
	p2 =	por !p2, p0  }
0x20: {  	[sflag:s8] =	ssyncset.s32 @!p0 $0xFFFFF086;
	s6 =	sadd.s32 @!p0 s3, s7;
	s7 =	simm.s32 @!p0 $0x108  }
0x21: {  	s3 =	sadd.s32 s3, s9;
	s6 =	sadd.s32 @!p0 $0x88, s6;
	s7 =	simm.s32 @p2 $0x1082  }
0x22: {  	[simem:s7], [sflag:s8] =	dma.local @!p0 [hbm:s6], $0xF7A  }
0x23: {  	s9 =	sor.u32 $0xD0000000, s2;
	s6 =	simm.s32 $0x108;
	_ =	swait.ge @!p0 [sflag:s8], $0x0  }
0x24: {  	s3 =	sadd.s32 $0x88, s3;
	s6 =	simm.s32 @!p1 $0x1082;
	[sflag:s4] =	ssyncset.s32 $0xFFFFF086  }
0x25: {  	[simem:s6], [sflag:s4] =	dma.local [hbm:s3], $0xF7A  }
0x26: {  	[smem:$0x3F5A] =	sst s1;
	(tag) =	ssettag s2;
	_ =	strace s9  }
0x27: {  	s1 =	sld [smem:$0x3F6A]  }
0x28: {  	s2 =	sld [smem:$0x3F6B]  }
0x29: {  	s4 =	sld [smem:$0x3F6D]  }
0x2a: {  	p0 =	seq.s32 s5, $0x0;
	s5 =	sld [smem:$0x3F6E]  }
0x2b: {  	s6 =	sld [smem:$0x3F6F]  }
0x2c: {  	s7 =	sld [smem:$0x3F70]  }
0x2d: {  	s3 =	simm.s32 $0x108;
	s8 =	sld [smem:$0x3F71]  }
0x2e: {  	s3 =	simm.s32 @!p0 $0x1082;
	s9 =	sld [smem:$0x3F72]  }
0x2f: {  	lr =	sadd.s32 s0, s3;
	s0 =	sld [smem:$0x3F69]  }
0x30: {  	s3 =	sld [smem:$0x3F6C]  }
0x31: {  	[smem:$0x3F75] =	sst s10  }
0x32: {  	s10 =	sld [smem:$0x3F73];
	_ =	sdelay $0x3  }
0x33: {  	p0 =	seq.s32 s10, $0x1;
	s10 =	sld [smem:$0x3F75];
	_ =	sdelay $0x3  }
0x34: {  	[smem:$0x3F75] =	sst s10  }
0x35: {  	s10 =	sld [smem:$0x3F74];
	_ =	sdelay $0x3  }
0x36: {  	p1 =	seq.s32 s10, $0x1;
	s10 =	sld [smem:$0x3F75];
	_ =	sdelay $0x3  }
0x37: {  	[smem:$0x3F75] =	sst s10  }
0x38: {  	s10 =	sld [smem:$0x3F76]  }
0x39: {  	_ = 	snop;
	(pc) =	sbr.ind lr, $3  }
0x3a: {  	_ = 	snop  }
0x3b: {  	_ = 	snop  }
0x3c: {  	p2 =	seq.s32 s10, $0x1;
	s10 =	sld [smem:$0x3F75]  }
0x3d: {  	_ =	shalt  }
0x3e: {  	_ =	shalt  }
0x3f: {  	_ =	shalt  }
0x40: {  	_ =	shalt  }
0x41: {  	_ =	shalt  }
0x42: {  	_ =	shalt  }
0x43: {  	_ =	shalt  }
0x44: {  	_ =	shalt  }
0x45: {  	_ =	shalt  }
0x46: {  	_ =	shalt  }
0x47: {  	_ =	shalt  }
0x48: {  	_ =	shalt  }
0x49: {  	_ =	shalt  }
0x4a: {  	_ =	shalt  }
0x4b: {  	_ =	shalt  }
0x4c: {  	_ =	shalt  }
0x4d: {  	_ =	shalt  }
0x4e: {  	_ =	shalt  }
0x4f: {  	_ =	shalt  }
0x50: {  	_ =	shalt  }
0x51: {  	_ =	shalt  }
0x52: {  	_ =	shalt  }
0x53: {  	_ =	shalt  }
0x54: {  	_ =	shalt  }
0x55: {  	_ =	shalt  }
0x56: {  	_ =	shalt  }
0x57: {  	_ =	shalt  }
0x58: {  	_ =	shalt  }
0x59: {  	_ =	shalt  }
0x5a: {  	_ =	shalt  }
0x5b: {  	_ =	shalt  }
0x5c: {  	_ =	shalt  }
0x5d: {  	_ =	shalt  }
0x5e: {  	_ =	shalt  }
0x5f: {  	_ =	shalt  }
0x60: {  	_ =	shalt  }
0x61: {  	_ =	shalt  }
0x62: {  	_ =	shalt  }
0x63: {  	_ =	shalt  }
0x64: {  	_ =	shalt  }
0x65: {  	_ =	shalt  }
0x66: {  	_ =	shalt  }
0x67: {  	_ =	shalt  }
0x68: {  	_ =	shalt  }
0x69: {  	_ =	shalt  }
0x6a: {  	_ =	shalt  }
0x6b: {  	_ =	shalt  }
0x6c: {  	_ =	shalt  }
0x6d: {  	_ =	shalt  }
0x6e: {  	_ =	shalt  }
0x6f: {  	_ =	shalt  }
0x70: {  	_ =	shalt  }
0x71: {  	_ =	shalt  }
0x72: {  	_ =	shalt  }
0x73: {  	_ =	shalt  }
0x74: {  	_ =	shalt  }
0x75: {  	_ =	shalt  }
0x76: {  	_ =	shalt  }
0x77: {  	_ =	shalt  }
0x78: {  	_ =	shalt  }
0x79: {  	_ =	shalt  }
0x7a: {  	_ =	shalt  }
0x7b: {  	_ =	shalt  }
0x7c: {  	_ =	shalt  }
0x7d: {  	_ =	shalt  }
0x7e: {  	_ =	shalt  }
0x7f: {  	_ =	shalt  }
0x80: {  	_ =	shalt  }
0x81: {  	_ =	shalt  }
0x82: {  	_ =	shalt  }
0x83: {  	_ =	shalt  }
0x84: {  	_ =	shalt  }
0x85: {  	_ =	shalt  }
0x86: {  	_ =	shalt  }
0x87: {  	_ =	shalt  }
.Lfunc_end0:
.L_simem_size_0:
called_computation.1_lowered:
.L_overlay_start_0:
0x88: {  	s2 =	sld [smem:$0x3FD9]  }
0x89: {  	s3 =	sld [smem:$0x3FFE];
	_ =	sdelay $0x1  }
0x8a: {  	s1 =	srdreg.scid  }
0x8b: {  	s0 =	sand.u32 $0x1, s1  }
0x8c: {  	s17 =	sshll.u32 s0, $0xA;
	s2 =	sadd.s32 s3, s2  }
0x8d: {  	s2 =	sadd.s32 s2, s17  }
0x8e: {  	[smem:$0x3F81] =	sst s2  }
0x8f: {  	_ = 	snop  }
0x90: {  	(tm) =	ssettm $0x1  }
0x91: {  	s18 =	sld [smem:$0x3FFB];
	_ =	sdelay $0x3  }
0x92: {  	_ =	strace s18  }
0x93: {  	s2 =	sld [smem:$0x3FFC];
	_ =	sdelay $0x3  }
0x94: {  	_ =	strace s2  }
0x95: {  	s2 =	sld [smem:$0x3FFD];
	_ =	sdelay $0x3  }
0x96: {  	_ =	strace s2  }
0x97: {  	_ =	strace $0x8FFFFFFF  }
0x98: {  	s19 =	sld [smem:$0x3FDB];
	_ =	sdelay $0x1  }
0x99: {  	s20 =	simm.s32 $_scs_section_size  }
0x9a: {  	s4 =	simm.s32 $_size__tile_overlayer_lowered;
	s5 =	simm.s32 $_tile_overlayer_lowered  }
0x9b: {  	s6 =	simm.s32 $0x1BFF;
	s21 =	sshll.u32 s5, $0x1;
	s3 =	sadd.s32 s20, s19  }
0x9c: {  	s22 =	simm.s32 $0x0;
	s4 =	sshll.u32 s4, $0x1;
	s5 =	sadd.s32 s21, s3  }
0x9d: {  	[timem:s22], [sflag:s6] =	dma.local [hbm:s5], s4  }
0x9e: {  	_ =	swait.ge [sflag:s6], s4  }
0x9f: {  	s4 =	ssub.s32 $0x0, s4;
	[sflag:s6] =	ssyncset.done $0x0  }
0xa0: {  	[sflag:s6] =	ssyncadd.s32 s4;
	_ =	sdelay $0x1  }
0xa1: {  	s23 =	simm.s32 $0x1B8B  }
0xa2: {  	_ =	swait.ge [sflag:s23], $0x1  }
0xa3: {  	[sflag:s23] =	ssyncset.done $0x0  }
0xa4: {  	[sflag:s23] =	ssyncadd.s32 $0xFFFFFFFF  }
0xa5: {  	s4 =	sld [smem:$0x0]  }
0xa6: {  	s5 =	sand.u32 $0xFFFFFFFE, s1  }
0xa7: {  	p0 =	sne.s32 s1, s5  }
0xa8: {  	s5 =	sshll.u32 @p0 s5, $0xE  }
0xa9: {  	s5 =	sadd.s32 @p0 $0x11B8D, s5;
	s6 =	sshll.u32 @p0 s4, $0x11  }
0xaa: {  	s5 =	sor.u32 @p0 s6, s5  }
0xab: {  	[sflag:s5] =	ssyncadd.remote.s32 @p0 $0x1;
	_ =	sdelay $0x1  }
0xac: {  	s5 =	simm.s32 @p0 $0x1B8D  }
0xad: {  	_ =	swait.eq @p0 [sflag:s5], $0x1  }
0xae: {  	[sflag:s5] =	ssyncadd.s32 @p0 $0xFFFFFFFF  }
0xaf: {  	s6 =	sshll.u32 @!p0 s1, $0xE  }
0xb0: {  	s6 =	sor.u32 @!p0 $0x4000, s6;
	s5 =	simm.s32 @!p0 $0x1B8D  }
0xb1: {  	s4 =	sshll.u32 @!p0 s4, $0x11;
	s6 =	sadd.s32 @!p0 $0x11B8D, s6;
	_ =	swait.eq @!p0 [sflag:s5], $0x1  }
0xb2: {  	s4 =	sor.u32 @!p0 s4, s6;
	[sflag:s5] =	ssyncadd.s32 @!p0 $0xFFFFFFFF  }
0xb3: {  	s25 =	simm.s32 $0x1B8E;
	s24 =	sld [smem:$0x3FFE];
	[sflag:s4] =	ssyncadd.remote.s32 @!p0 $0x1  }
0xb4: {  	s26 =	simm.s32 $execute0_lowered;
	[smem:$0x3FD2] =	sst s25  }
0xb5: {  	s5 =	sshll.u32 s26, $0x1;
	_ =	strace $0x80000049;
	[dreg:$0x1] =	wrdreg $0xFFFFFFFF  }
0xb6: {  	s28 =	simm.s32 $_size_execute0_lowered;
	s3 =	sadd.s32 s3, s5;
	[dreg:$0x0] =	wrdreg $0x0  }
0xb7: {  	s5 =	sshll.u32 s28, $0x1;
	[dreg:$0x2] =	wrdreg s3  }
0xb8: {  	[dreg:$0x3] =	wrdreg s5  }
0xb9: {  	[dreg:$0x4] =	wrdreg $0xC0  }
0xba: {  	_ =	task [dreg:s22], $0x5FFFF  }
0xbb: {  	[dreg:$0x1] =	wrdreg $0xFFFFFFFF  }
0xbc: {  	[dreg:$0x0] =	wrdreg $0x60  }
0xbd: {  	[dreg:$0x2] =	wrdreg s24  }
0xbe: {  	[dreg:$0x3] =	wrdreg $0xA  }
0xbf: {  	_ =	task.clear_ibuf [dreg:s22], $0x4FFFF;
	_ =	strace $0x90000049  }
0xc0: {  	s29 =	simm.s32 $0xA;
	_ =	strace $0x8000004B  }
0xc1: {  	_ =	swait.ge [sflag:s29], $0x1  }
0xc2: {  	[sflag:s29] =	ssyncadd.s32 $0xFFFFFFFF  }
0xc3: {  	_ =	strace $0x9000004B  }
0xc4: {  	_ =	sfence  }
0xc5: {  	s30 =	sld [smem:$0x0];
	_ =	sdelay $0x2  }
0xc6: {  	s31 =	sshll.u32 s1, $0xD;
	s1 =	sshrl.u32 s1, $0x2  }
0xc7: {  	s4 =	sand.u32 $0x4000, s31;
	s1 =	sadd.s32 s1, s30  }
0xc8: {  	s0 =	sor.u32 s4, s0;
	s1 =	sshll.u32 s1, $0x11  }
0xc9: {  	s0 =	sor.u32 s1, s0  }
0xca: {  	s0 =	sadd.s32 $0x8F2B, s0  }
0xcb: {  	[sflag:s0] =	ssyncadd.remote.s32 $0x1  }
0xcc: {  	_ =	sfence.sel $0xFFFF  }
0xcd: {  	[dreg:$0x0] =	wrdreg $0xFFFFFFFF;
	(pc) =	sbr.abs _section_cstart, $3  }
0xce: {  	[dreg:$0x1] =	wrdreg $0xFFFFFFFF  }
0xcf: {  	_ =	task.clear_ibuf [dreg:s22], $0x2FFFF;
	_ =	strace $0x9FFFFFFF  }
0xd0: {  	(tm) =	ssettm $0x7FFFFFFF  }
0xd1: {  	_ =	shalt  }
tec
execute0_lowered:
.L_overlay_start_1:
0x0: {  	(tag) =	ssettag $0x1  }
0x1: {  	s0 =	rddreg [dreg:$0x0]  }
0x2: {  	s2 =	simm.s32 $0x0;
	s1 =	srdreg.scid;
	s11 =	stileid.u32  }
0x3: {  	s14 =	simm.s32 $0x9;
	s15 =	simm.s32 $0x100;
	s16 =	simm.s32 $0x50  }
0x4: {  	s17 =	simm.s32 $0x200;
	s18 =	simm.s32 $0x5200;
	s28 =	simm.s32 $0x7  }
0x5: {  	s29 =	simm.s32 $0x5;
	s30 =	simm.s32 $0x2;
	s31 =	simm.s32 $0x4  }
0x6: {  	[smem:$0x7FF] =	sst s2;
	s1 =	sand.u32 $0x1, s1;
	s19 =	smul.u32 $0x4E20, s11  }
0x7: {  	s5 =	sshll.u32 s11, $0x1;
	s3 =	sadd.s32 $0x2C000, s0;
	s21 =	smul.u32 $0x9C400, s11  }
0x8: {  	s4 =	sadd.s32 $0xD400, s0;
	_ =	strace $0x8000004A;
	s20 =	smul.u32 $0x2710, s1  }
0x9: {  	s6 =	sor.u32 s1, s5;
	s7 =	ssub.s32 $0x2, s1;
	s1 =	smul.u32 $0x4E200, s1  }
0xa: {  	s5 =	sadd.s32 $0x17200, s0;
	s8 =	smul.u32 $0x2710, s6;
	s9 =	sshrl.u32 s7, $0x1  }
0xb: {  	s0 =	sadd.s32 $0x53200, s0;
	s6 =	smul.u32 $0x271000, s6;
	s7 =	ssub.s32 s7, s9  }
0xc: {  	s9 =	sadd.s32 s20, s19;
	s19 =	simm.s32 $0x80;
	s20 =	simm.s32 $0x180  }
0xd: {  	s8 =	sshrl.u32 s8, $0x3;
	s6 =	sshrl.u32 s6, $0x3;
	s7 =	smax.u32 s7, $0x1  }
0xe: {  	s23 =	sadd.s32 $0x50, s9;
	s10 =	sadd.s32 s4, s8;
	[dreg:$0x7] =	wrdreg s7  }
0xf: {  	s8 =	sadd.s32 s5, s8;
	s6 =	sadd.s32 s0, s6;
	[dreg:$0x3] =	wrdreg s10  }
0x10: {  	s0 =	sadd.s32 s21, s0;
	[dreg:$0x4] =	wrdreg s8;
	s22 =	sadd.s32 $0x4D800, s6  }
0x11: {  	s24 =	sshrl.u32 s23, $0x3;
	s6 =	sadd.s32 $0x4D880, s6;
	[dreg:$0x5] =	wrdreg s22  }
0x12: {  	s7 =	sadd.s32 $0xA0, s9;
	s0 =	sadd.s32 s1, s0;
	[dreg:$0x6] =	wrdreg s6  }
0x13: {  	s21 =	simm.s32 $0x2A00;
	s25 =	sadd.s32 s24, s5;
	[dreg:$0x2] =	wrdreg s0  }
0x14: {  	s23 =	simm.s32 $0x1;
	s26 =	sadd.s32 s24, s4;
	[dreg:$0x8] =	wrdreg s25  }
0x15: {  	s24 =	simm.s32 $0x3;
	[dreg:$0x9] =	wrdreg s26;
	s22 =	simm.s32 $0x7A00  }
0x16: {  	s25 =	simm.s32 $0x400;
	s26 =	simm.s32 $0x800;
	s6 =	simm.s32 $0x0  }
.LBB2_1:
0x17: {  	s0 =	rddreg [dreg:$0x3]  }
0x18: {  	[tilespmem:s2], [sflag:$0x9] =	stream.linear.gather [hbm4b:s0+s2], $0x50, $0x38;
	[tilespmem:$0xA200] =	vst v63  }
0x19: {  	_ =	swait.ge [sflag:s14], $0x50  }
0x1a: {  	[sflag:s14] =	ssyncset.done $0x0  }
0x1b: {  	s10 =	rddreg [dreg:$0x4];
	[sflag:s14] =	ssyncadd.s32 $0xFFFFFFB0  }
0x1c: {  	[tilespmem:s15], [sflag:$0x9] =	stream.linear.gather [hbm4b:s10+s2], $0x50, $0x38;
	[tilespmem:$0xA200] =	vst v63  }
0x1d: {  	_ =	swait.ge [sflag:s14], $0x50  }
0x1e: {  	[sflag:s14] =	ssyncset.done $0x0  }
0x1f: {  	p0 =	por $0x1, $0x1;
	[sflag:s14] =	ssyncadd.s32 $0xFFFFFFB0  }
0x20: {  	[tilespmem:s17], [sflag:$0x1] =	stream.indirect.gather [hbm4b:s3+s16], $0x80, s2, s16, $0xb8;
	[tilespmem:$0xA200] =	vst v63  }
0x21: {  	s0 =	simm.s32 @!p0 $0x8  }
0x22: {  	[tilespmem:s18], [sflag:$0x3] =	stream.indirect.gather [hbm4b:s3+s16], $0x80, s15, s16, $0xb8;
	[tilespmem:$0xA200] =	vst v63  }
0x23: {  	_ =	swait.ge @!p0 [sflag:s0], $0x2800  }
0x24: {  	[sflag:s0] =	ssyncset.done @!p0 $0x0  }
0x25: {  	[sflag:s0] =	ssyncadd.s32 @!p0 $0xFFFFD800;
	s0 =	simm.s32 @!p0 $0x6  }
0x26: {  	_ =	swait.ge @!p0 [sflag:s0], $0x2800  }
0x27: {  	[sflag:s0] =	ssyncset.done @!p0 $0x0  }
0x28: {  	s10 =	rddreg [dreg:$0x9];
	[sflag:s0] =	ssyncadd.s32 @!p0 $0xFFFFD800  }
0x29: {  	[tilespmem:s19], [sflag:$0x9] =	stream.linear.gather [hbm4b:s10+s2], $0x50, $0x38;
	[tilespmem:$0xA200] =	vst v63  }
0x2a: {  	_ =	swait.ge [sflag:s14], $0x50  }
0x2b: {  	[sflag:s14] =	ssyncset.done $0x0  }
0x2c: {  	s9 =	rddreg [dreg:$0x8];
	[sflag:s14] =	ssyncadd.s32 $0xFFFFFFB0  }
0x2d: {  	[tilespmem:s20], [sflag:$0x9] =	stream.linear.gather [hbm4b:s9+s2], $0x50, $0x38;
	[tilespmem:$0xA200] =	vst v63  }
0x2e: {  	_ =	swait.ge [sflag:s14], $0x50  }
0x2f: {  	[sflag:s14] =	ssyncset.done $0x0  }
0x30: {  	[sflag:s14] =	ssyncadd.s32 $0xFFFFFFB0  }
0x31: {  	[tilespmem:s21], [sflag:$0x2] =	stream.indirect.gather [hbm4b:s3+s16], $0x80, s19, s16, $0xb8;
	[tilespmem:$0xA200] =	vst v63  }
0x32: {  	_ = 	snop  }
0x33: {  	[tilespmem:s22], [sflag:$0x4] =	stream.indirect.gather [hbm4b:s3+s16], $0x80, s20, s16, $0xb8;
	[tilespmem:$0xA200] =	vst v63  }
0x34: {  	_ =	swait.ge [sflag:s23], $0x2800  }
0x35: {  	[sflag:s23] =	ssyncset.done $0x0  }
0x36: {  	[sflag:s23] =	ssyncadd.s32 $0xFFFFD800  }
0x37: {  	_ =	swait.ge [sflag:s24], $0x2800  }
0x38: {  	s11 =	rddreg [dreg:$0x2];
	[sflag:s24] =	ssyncset.done $0x0  }
0x39: {  	[sflag:s24] =	ssyncadd.s32 $0xFFFFD800;
	s1 =	sadd.s32 $0x0, s11  }
0x3a: {  	[hbm4b:s1+s25] =	stream.strided.scatter [tilespmem:s18], [sflag:$0x7], $0x2800, s26, s25, $0x38;
	[tilespmem:$0xA200] =	vst v63  }
0x3b: {  	s0 =	sadd.s32 $0x80, s1  }
0x3c: {  	[hbm4b:s0+s25] =	stream.strided.scatter [tilespmem:s17], [sflag:$0x5], $0x2800, s26, s25, $0x38;
	[tilespmem:$0xA200] =	vst v63  }
0x3d: {  	_ =	swait.ge [sflag:s28], $0x2800  }
0x3e: {  	[sflag:s28] =	ssyncset.done $0x0  }
0x3f: {  	[sflag:s28] =	ssyncadd.s32 $0xFFFFD800  }
0x40: {  	_ =	swait.ge [sflag:s29], $0x2800  }
0x41: {  	s12 =	sshrl.u32 s7, $0x3;
	[sflag:s29] =	ssyncset.done $0x0  }
0x42: {  	s8 =	sadd.s32 s4, s12;
	[sflag:s29] =	ssyncadd.s32 $0xFFFFD800  }
0x43: {  	[tilespmem:s2], [sflag:$0x9] =	stream.linear.gather [hbm4b:s8+s2], $0x50, $0x38;
	[tilespmem:$0xA200] =	vst v63  }
0x44: {  	_ =	swait.ge [sflag:s14], $0x50  }
0x45: {  	[sflag:s14] =	ssyncset.done $0x0  }
0x46: {  	s0 =	sadd.s32 s5, s12;
	[sflag:s14] =	ssyncadd.s32 $0xFFFFFFB0  }
0x47: {  	[tilespmem:s15], [sflag:$0x9] =	stream.linear.gather [hbm4b:s0+s2], $0x50, $0x38;
	[tilespmem:$0xA200] =	vst v63  }
0x48: {  	_ =	swait.ge [sflag:s14], $0x50  }
0x49: {  	[sflag:s14] =	ssyncset.done $0x0  }
0x4a: {  	[sflag:s14] =	ssyncadd.s32 $0xFFFFFFB0  }
0x4b: {  	[tilespmem:s17], [sflag:$0x1] =	stream.indirect.gather [hbm4b:s3+s16], $0x80, s2, s16, $0xb8;
	[tilespmem:$0xA200] =	vst v63  }
0x4c: {  	_ = 	snop  }
0x4d: {  	[tilespmem:s18], [sflag:$0x3] =	stream.indirect.gather [hbm4b:s3+s16], $0x80, s15, s16, $0xb8;
	[tilespmem:$0xA200] =	vst v63  }
0x4e: {  	_ =	swait.ge [sflag:s30], $0x2800  }
0x4f: {  	[sflag:s30] =	ssyncset.done $0x0  }
0x50: {  	p1 =	por $0x0, $0x0;
	s10 =	sadd.s32 $0x14, s10;
	[sflag:s30] =	ssyncadd.s32 $0xFFFFD800  }
0x51: {  	s9 =	sadd.s32 $0x14, s9;
	s11 =	smov.u32 s7;
	_ =	swait.ge [sflag:s31], $0x2800  }
0x52: {  	s13 =	sadd.s32 $0xA00, s1;
	s1 =	sadd.s32 $0xA80, s1;
	[sflag:s31] =	ssyncset.done $0x0  }
0x53: {  	s8 =	simm.s32 $0x1400;
	s0 =	simm.s32 $0x2800;
	[sflag:s31] =	ssyncadd.s32 $0xFFFFD800  }
0x54: {  	[hbm4b:s13+s25] =	stream.strided.scatter [tilespmem:s22], [sflag:$0x8], $0x2800, s26, s25, $0x38;
	[tilespmem:$0xA200] =	vst v63  }
.LBB2_2:
0x55: {  	s12 =	simm.s32 @!p1 $0x8  }
0x56: {  	[hbm4b:s1+s25] =	stream.strided.scatter [tilespmem:s21], [sflag:$0x6], $0x2800, s26, s25, $0x38;
	[tilespmem:$0xA200] =	vst v63  }
0x57: {  	_ =	swait.ge @!p1 [sflag:s12], $0x2800  }
0x58: {  	[sflag:s12] =	ssyncset.done @!p1 $0x0  }
0x59: {  	s1 =	simm.s32 @!p1 $0x6;
	[sflag:s12] =	ssyncadd.s32 @!p1 $0xFFFFD800  }
0x5a: {  	_ =	swait.ge @!p1 [sflag:s1], $0x2800  }
0x5b: {  	[sflag:s1] =	ssyncset.done @!p1 $0x0  }
0x5c: {  	[sflag:s1] =	ssyncadd.s32 @!p1 $0xFFFFD800  }
0x5d: {  	[tilespmem:s19], [sflag:$0x9] =	stream.linear.gather [hbm4b:s10+s2], $0x50, $0x38;
	[tilespmem:$0xA200] =	vst v63  }
0x5e: {  	_ =	swait.ge [sflag:s14], $0x50  }
0x5f: {  	[sflag:s14] =	ssyncset.done $0x0  }
0x60: {  	[sflag:s14] =	ssyncadd.s32 $0xFFFFFFB0  }
0x61: {  	[tilespmem:s20], [sflag:$0x9] =	stream.linear.gather [hbm4b:s9+s2], $0x50, $0x38;
	[tilespmem:$0xA200] =	vst v63  }
0x62: {  	_ =	swait.ge [sflag:s14], $0x50  }
0x63: {  	[sflag:s14] =	ssyncset.done $0x0  }
0x64: {  	[sflag:s14] =	ssyncadd.s32 $0xFFFFFFB0  }
0x65: {  	[tilespmem:s21], [sflag:$0x2] =	stream.indirect.gather [hbm4b:s3+s16], $0x80, s19, s16, $0xb8;
	[tilespmem:$0xA200] =	vst v63  }
0x66: {  	_ = 	snop  }
0x67: {  	[tilespmem:s22], [sflag:$0x4] =	stream.indirect.gather [hbm4b:s3+s16], $0x80, s20, s16, $0xb8;
	[tilespmem:$0xA200] =	vst v63  }
0x68: {  	_ =	swait.ge [sflag:s23], $0x2800  }
0x69: {  	[sflag:s23] =	ssyncset.done $0x0  }
0x6a: {  	[sflag:s23] =	ssyncadd.s32 $0xFFFFD800  }
0x6b: {  	_ =	swait.ge [sflag:s24], $0x2800  }
0x6c: {  	s12 =	rddreg [dreg:$0x2];
	[sflag:s24] =	ssyncset.done $0x0  }
0x6d: {  	s13 =	smov.u32 s0;
	[sflag:s24] =	ssyncadd.s32 $0xFFFFD800;
	s1 =	sadd.s32 s8, s12  }
0x6e: {  	[hbm4b:s1+s25] =	stream.strided.scatter [tilespmem:s18], [sflag:$0x7], $0x2800, s26, s25, $0x38;
	[tilespmem:$0xA200] =	vst v63  }
0x6f: {  	s8 =	smov.u32 s13;
	s13 =	sadd.s32 $0x80, s1  }
0x70: {  	[hbm4b:s13+s25] =	stream.strided.scatter [tilespmem:s17], [sflag:$0x5], $0x2800, s26, s25, $0x38;
	[tilespmem:$0xA200] =	vst v63  }
0x71: {  	_ =	swait.ge [sflag:s28], $0x2800  }
0x72: {  	[sflag:s28] =	ssyncset.done $0x0  }
0x73: {  	[sflag:s28] =	ssyncadd.s32 $0xFFFFD800  }
0x74: {  	s11 =	sadd.s32 $0xA0, s11;
	_ =	swait.ge [sflag:s29], $0x2800  }
0x75: {  	s12 =	sshrl.u32 s11, $0x3;
	[sflag:s29] =	ssyncset.done $0x0  }
0x76: {  	s13 =	sadd.s32 s4, s12;
	[sflag:s29] =	ssyncadd.s32 $0xFFFFD800  }
0x77: {  	[tilespmem:s2], [sflag:$0x9] =	stream.linear.gather [hbm4b:s13+s2], $0x50, $0x38;
	[tilespmem:$0xA200] =	vst v63  }
0x78: {  	_ =	swait.ge [sflag:s14], $0x50  }
0x79: {  	[sflag:s14] =	ssyncset.done $0x0  }
0x7a: {  	s12 =	sadd.s32 s5, s12;
	[sflag:s14] =	ssyncadd.s32 $0xFFFFFFB0  }
0x7b: {  	[tilespmem:s15], [sflag:$0x9] =	stream.linear.gather [hbm4b:s12+s2], $0x50, $0x38;
	[tilespmem:$0xA200] =	vst v63  }
0x7c: {  	_ =	swait.ge [sflag:s14], $0x50  }
0x7d: {  	[sflag:s14] =	ssyncset.done $0x0  }
0x7e: {  	[sflag:s14] =	ssyncadd.s32 $0xFFFFFFB0  }
0x7f: {  	[tilespmem:s17], [sflag:$0x1] =	stream.indirect.gather [hbm4b:s3+s16], $0x80, s2, s16, $0xb8;
	[tilespmem:$0xA200] =	vst v63  }
0x80: {  	_ = 	snop  }
0x81: {  	[tilespmem:s18], [sflag:$0x3] =	stream.indirect.gather [hbm4b:s3+s16], $0x80, s15, s16, $0xb8;
	[tilespmem:$0xA200] =	vst v63  }
0x82: {  	s0 =	sadd.s32 $0x1400, s0;
	_ =	swait.ge [sflag:s30], $0x2800  }
0x83: {  	p0 =	sne.s32 s0, $0x4D800;
	[sflag:s30] =	ssyncset.done $0x0  }
.Ltmp0:
0x84: {  	[sflag:s30] =	ssyncadd.s32 $0xFFFFD800;
	(pc) =	sbr.rel @p0 .LBB2_2-.Ltmp0, $4  }
0x85: {  	s10 =	sadd.s32 $0x14, s10;
	_ =	swait.ge [sflag:s31], $0x2800  }
0x86: {  	s9 =	sadd.s32 $0x14, s9;
	p1 =	seq.s32 s8, $0x0;
	[sflag:s31] =	ssyncset.done $0x0  }
0x87: {  	s13 =	sadd.s32 $0xA00, s1;
	s1 =	sadd.s32 $0xA80, s1;
	[sflag:s31] =	ssyncadd.s32 $0xFFFFD800  }
0x88: {  	[hbm4b:s13+s25] =	stream.strided.scatter [tilespmem:s22], [sflag:$0x8], $0x2800, s26, s25, $0x38;
	[tilespmem:$0xA200] =	vst v63  }
0x89: {  	[hbm4b:s1+s25] =	stream.strided.scatter [tilespmem:s21], [sflag:$0x6], $0x2800, s26, s25, $0x38;
	[tilespmem:$0xA200] =	vst v63  }
0x8a: {  	s0 =	simm.s32 @!p1 $0x8  }
0x8b: {  	_ =	swait.ge @!p1 [sflag:s0], $0x2800  }
0x8c: {  	[sflag:s0] =	ssyncset.done @!p1 $0x0  }
0x8d: {  	[sflag:s0] =	ssyncadd.s32 @!p1 $0xFFFFD800;
	s0 =	simm.s32 @!p1 $0x6  }
0x8e: {  	_ =	swait.ge @!p1 [sflag:s0], $0x2800  }
0x8f: {  	[sflag:s0] =	ssyncset.done @!p1 $0x0  }
0x90: {  	[sflag:s0] =	ssyncadd.s32 @!p1 $0xFFFFD800  }
0x91: {  	[tilespmem:s19], [sflag:$0x9] =	stream.linear.gather [hbm4b:s10+s2], $0x50, $0x38;
	[tilespmem:$0xA200] =	vst v63  }
0x92: {  	_ =	swait.ge [sflag:s14], $0x50  }
0x93: {  	[sflag:s14] =	ssyncset.done $0x0  }
0x94: {  	[sflag:s14] =	ssyncadd.s32 $0xFFFFFFB0  }
0x95: {  	[tilespmem:s20], [sflag:$0x9] =	stream.linear.gather [hbm4b:s9+s2], $0x50, $0x38;
	[tilespmem:$0xA200] =	vst v63  }
0x96: {  	_ =	swait.ge [sflag:s14], $0x50  }
0x97: {  	[sflag:s14] =	ssyncset.done $0x0  }
0x98: {  	[sflag:s14] =	ssyncadd.s32 $0xFFFFFFB0  }
0x99: {  	[tilespmem:s21], [sflag:$0x2] =	stream.indirect.gather [hbm4b:s3+s16], $0x80, s19, s16, $0xb8;
	[tilespmem:$0xA200] =	vst v63  }
0x9a: {  	_ = 	snop  }
0x9b: {  	[tilespmem:s22], [sflag:$0x4] =	stream.indirect.gather [hbm4b:s3+s16], $0x80, s20, s16, $0xb8;
	[tilespmem:$0xA200] =	vst v63  }
0x9c: {  	_ =	swait.ge [sflag:s23], $0x2800  }
0x9d: {  	[sflag:s23] =	ssyncset.done $0x0  }
0x9e: {  	[sflag:s23] =	ssyncadd.s32 $0xFFFFD800  }
0x9f: {  	_ =	swait.ge [sflag:s24], $0x2800  }
0xa0: {  	s9 =	rddreg [dreg:$0x2];
	[sflag:s24] =	ssyncset.done $0x0  }
0xa1: {  	[sflag:s24] =	ssyncadd.s32 $0xFFFFD800;
	s0 =	sadd.s32 s8, s9  }
0xa2: {  	[hbm4b:s0+s25] =	stream.strided.scatter [tilespmem:s18], [sflag:$0x7], $0x2800, s26, s25, $0x38;
	[tilespmem:$0xA200] =	vst v63  }
0xa3: {  	s10 =	sadd.s32 $0x80, s0  }
0xa4: {  	[hbm4b:s10+s25] =	stream.strided.scatter [tilespmem:s17], [sflag:$0x5], $0x2800, s26, s25, $0x38;
	[tilespmem:$0xA200] =	vst v63  }
0xa5: {  	_ =	swait.ge [sflag:s28], $0x2800  }
0xa6: {  	[sflag:s28] =	ssyncset.done $0x0  }
0xa7: {  	[sflag:s28] =	ssyncadd.s32 $0xFFFFD800  }
0xa8: {  	s12 =	sadd.s32 $0xA0, s11;
	_ =	swait.ge [sflag:s29], $0x2800  }
0xa9: {  	s1 =	sshrl.u32 s12, $0x3;
	[sflag:s29] =	ssyncset.done $0x0  }
0xaa: {  	s13 =	sadd.s32 s4, s1;
	[sflag:s29] =	ssyncadd.s32 $0xFFFFD800  }
0xab: {  	[tilespmem:s2], [sflag:$0x9] =	stream.linear.gather [hbm4b:s13+s2], $0x50, $0x38;
	[tilespmem:$0xA200] =	vst v63  }
0xac: {  	_ =	swait.ge [sflag:s14], $0x50  }
0xad: {  	[sflag:s14] =	ssyncset.done $0x0  }
0xae: {  	s1 =	sadd.s32 s5, s1;
	[sflag:s14] =	ssyncadd.s32 $0xFFFFFFB0  }
0xaf: {  	[tilespmem:s15], [sflag:$0x9] =	stream.linear.gather [hbm4b:s1+s2], $0x50, $0x38;
	[tilespmem:$0xA200] =	vst v63  }
0xb0: {  	_ =	swait.ge [sflag:s14], $0x50  }
0xb1: {  	[sflag:s14] =	ssyncset.done $0x0  }
0xb2: {  	[sflag:s14] =	ssyncadd.s32 $0xFFFFFFB0  }
0xb3: {  	[tilespmem:s17], [sflag:$0x1] =	stream.indirect.gather [hbm4b:s3+s16], $0x80, s2, s16, $0xb8;
	[tilespmem:$0xA200] =	vst v63  }
0xb4: {  	_ = 	snop  }
0xb5: {  	[tilespmem:s18], [sflag:$0x3] =	stream.indirect.gather [hbm4b:s3+s16], $0x80, s15, s16, $0xb8;
	[tilespmem:$0xA200] =	vst v63  }
0xb6: {  	_ =	swait.ge [sflag:s30], $0x2800  }
0xb7: {  	[sflag:s30] =	ssyncset.done $0x0  }
0xb8: {  	[sflag:s30] =	ssyncadd.s32 $0xFFFFD800  }
0xb9: {  	_ =	swait.ge [sflag:s31], $0x2800  }
0xba: {  	[sflag:s31] =	ssyncset.done $0x0  }
0xbb: {  	s8 =	sadd.s32 $0xA00, s0;
	[sflag:s31] =	ssyncadd.s32 $0xFFFFD800  }
0xbc: {  	[hbm4b:s8+s25] =	stream.strided.scatter [tilespmem:s22], [sflag:$0x8], $0x2800, s26, s25, $0x38;
	[tilespmem:$0xA200] =	vst v63  }
0xbd: {  	s0 =	sadd.s32 $0xA80, s0  }
0xbe: {  	[hbm4b:s0+s25] =	stream.strided.scatter [tilespmem:s21], [sflag:$0x6], $0x2800, s26, s25, $0x38;
	[tilespmem:$0xA200] =	vst v63  }
0xbf: {  	_ =	swait.ge [sflag:s23], $0x2800  }
0xc0: {  	[sflag:s23] =	ssyncset.done $0x0  }
0xc1: {  	[sflag:s23] =	ssyncadd.s32 $0xFFFFD800  }
0xc2: {  	_ =	swait.ge [sflag:s24], $0x2800  }
0xc3: {  	[sflag:s24] =	ssyncset.done $0x0  }
0xc4: {  	s9 =	rddreg [dreg:$0x5];
	[sflag:s24] =	ssyncadd.s32 $0xFFFFD800  }
0xc5: {  	[hbm4b:s9+s25] =	stream.strided.scatter [tilespmem:s18], [sflag:$0x7], $0x2800, s26, s25, $0x38;
	[tilespmem:$0xA200] =	vst v63  }
0xc6: {  	s11 =	simm.s32 $0x8;
	s10 =	rddreg [dreg:$0x6]  }
0xc7: {  	[hbm4b:s10+s25] =	stream.strided.scatter [tilespmem:s17], [sflag:$0x5], $0x2800, s26, s25, $0x38;
	[tilespmem:$0xA200] =	vst v63  }
0xc8: {  	_ =	swait.ge [sflag:s11], $0x2800  }
0xc9: {  	[sflag:s11] =	ssyncset.done $0x0  }
0xca: {  	s12 =	simm.s32 $0x6;
	[sflag:s11] =	ssyncadd.s32 $0xFFFFD800  }
0xcb: {  	_ =	swait.ge [sflag:s12], $0x2800  }
0xcc: {  	[sflag:s12] =	ssyncset.done $0x0  }
0xcd: {  	[sflag:s12] =	ssyncadd.s32 $0xFFFFD800  }
0xce: {  	_ =	swait.ge [sflag:s28], $0x2800  }
0xcf: {  	[sflag:s28] =	ssyncset.done $0x0  }
0xd0: {  	[sflag:s28] =	ssyncadd.s32 $0xFFFFD800  }
0xd1: {  	_ =	swait.ge [sflag:s29], $0x2800  }
0xd2: {  	s6 =	sadd.s32 $0x1, s6;
	s13 =	rddreg [dreg:$0x7]  }
0xd3: {  	p0 =	sne.s32 s6, s13  }
.Ltmp1:
0xd4: {  	_ = 	snop;
	(pc) =	sbr.rel @p0 .LBB2_1-.Ltmp1, $3  }
0xd5: {  	_ =	sdelay $0x1  }
0xd6: {  	[sflag:s29] =	ssyncset.done $0x0  }
0xd7: {  	[sflag:s29] =	ssyncadd.s32 $0xFFFFD800  }
0xd8: {  	_ =	sfence.sel $0x180000  }
0xd9: {  	[bflag:$0x0] =	sbarrier.arrive $0xFFFF  }
0xda: {  	_ =	strace $0x9000004A  }
0xdb: {  	s0 =	stileid.u32;
	[bflag:$0x2] =	sbarrier.arrive $0xFFFF  }
0xdc: {  	p0 =	sne.s32 s0, $0x0;
	s0 =	rddreg [dreg:$0x1]  }
0xdd: {  	s0 =	sadd.s32 @!p0 $0x100000, s0  }
0xde: {  	[sflag:s0] =	ssyncadd.tile.s32 @!p0 $0x1;
	_ =	shalt  }
.Lfunc_end2:
_tile_overlayer_lowered:
.L_overlay_start_2:
0xdf: {  	(tag) =	ssettag $0x2  }
0xe0: {  	s0 =	rddreg [dreg:$0x0];
	s2 =	stileid.u32  }
0xe1: {  	s1 =	rddreg [dreg:$0x1];
	p0 =	sne.s32 s2, $0x0  }
0xe2: {  	s3 =	rddreg [dreg:$0x2];
	[bflag:$0x3] =	sbarrier.arrive $0xFFFF;
	s2 =	simm.s32 @!p0 $0x1C09  }
0xe3: {  	[timem:s3], [sflag:s2] =	dma.local @!p0 [hbm:s0], s1  }
0xe4: {  	s0 =	simm.s32 @!p0 $0x9  }
0xe5: {  	_ =	swait.ge @!p0 [sflag:s0], s1  }
0xe6: {  	s1 =	ssub.s32 @!p0 $0x0, s1;
	[sflag:s0] =	ssyncset.done @!p0 $0x0  }
0xe7: {  	[sflag:s0] =	ssyncadd.s32 @!p0 s1  }
0xe8: {  	[bflag:$0x3] =	sbarrier.arrive $0xFFFF  }
0xe9: {  	_ =	shalt  }

// kernel: kernel.23.cloned.1.call-start
scs
__scs_entry_jumppad:
0x0: {  	(pc) =	sbr.rel $0x88, $3  }
0x1: {  	(tag) =	ssettag $0x0;
	lr =	simm.s32 $0x1  }
0x2: {  	[smem:$0x3F5A] =	sst lr;
	_ =	strace $0xD0000000  }
0x3: {  	_ = 	snop  }
0x4: {  	_ = 	snop  }
0x5: {  	_ = 	snop  }
0x6: {  	_ = 	snop  }
0x7: {  	_ = 	snop  }
__scs_overlays_trampoline_lowered:
0x8: {  	[smem:$0x3F69] =	sst s0  }
0x9: {  	[smem:$0x3F6A] =	sst s1  }
0xa: {  	[smem:$0x3F6B] =	sst s2  }
0xb: {  	[smem:$0x3F6C] =	sst s3  }
0xc: {  	[smem:$0x3F6D] =	sst s4  }
0xd: {  	[smem:$0x3F6E] =	sst s5  }
0xe: {  	[smem:$0x3F6F] =	sst s6  }
0xf: {  	[smem:$0x3F70] =	sst s7  }
0x10: {  	[smem:$0x3F71] =	sst s8  }
0x11: {  	[smem:$0x3F72] =	sst s9;
	s0 =	simm.s32 @!p0 $0x0  }
0x12: {  	s1 =	sld [smem:$0x3F58];
	s0 =	simm.s32 @p0 $0x1  }
0x13: {  	[smem:$0x3F73] =	sst s0;
	s0 =	simm.s32 @!p1 $0x0  }
0x14: {  	s2 =	sld [smem:$0x3F57];
	s0 =	simm.s32 @p1 $0x1  }
0x15: {  	[smem:$0x3F74] =	sst s0;
	s0 =	simm.s32 @!p2 $0x0  }
0x16: {  	s3 =	sld [smem:$0x3FDB];
	s0 =	simm.s32 @p2 $0x1  }
0x17: {  	s4 =	simm.s32 $0x1BF5;
	[smem:$0x3F76] =	sst s0  }
0x18: {  	s0 =	sld [smem:$0x3F59];
	_ =	swait.ge [sflag:s4], $0x0  }
0x19: {  	s7 =	sld [smem:$0x3F5A]  }
0x1a: {  	s8 =	sadd.s32 $0xFFFFE003, lr  }
0x1b: {  	s9 =	sadd.s32 $0xFFFFFEF7, lr;
	s5 =	simm.s32 $0xFFFFFFFF;
	p2 =	slt.u32 s8, $0xFFFFF086  }
0x1c: {  	p1 =	slt.u32 s9, $0xF7A;
	s5 =	simm.s32 @!p2 $0x0  }
0x1d: {  	s5 =	simm.s32 @p1 $0x1;
	p0 =	seq.s32 s7, s2  }
0x1e: {  	s7 =	smul.u32 @!p0 $0xF7A, s2;
	p2 =	seq.s32 @!p0 s5, $0x0  }
0x1f: {  	s9 =	smul.u32 $0xF7A, s1;
	s8 =	simm.s32 @!p0 $0x1BF5;
	p2 =	por !p2, p0  }
0x20: {  	[sflag:s8] =	ssyncset.s32 @!p0 $0xFFFFF086;
	s6 =	sadd.s32 @!p0 s3, s7;
	s7 =	simm.s32 @!p0 $0x108  }
0x21: {  	s3 =	sadd.s32 s3, s9;
	s6 =	sadd.s32 @!p0 $0x88, s6;
	s7 =	simm.s32 @p2 $0x1082  }
0x22: {  	[simem:s7], [sflag:s8] =	dma.local @!p0 [hbm:s6], $0xF7A  }
0x23: {  	s9 =	sor.u32 $0xD0000000, s2;
	s6 =	simm.s32 $0x108;
	_ =	swait.ge @!p0 [sflag:s8], $0x0  }
0x24: {  	s3 =	sadd.s32 $0x88, s3;
	s6 =	simm.s32 @!p1 $0x1082;
	[sflag:s4] =	ssyncset.s32 $0xFFFFF086  }
0x25: {  	[simem:s6], [sflag:s4] =	dma.local [hbm:s3], $0xF7A  }
0x26: {  	[smem:$0x3F5A] =	sst s1;
	(tag) =	ssettag s2;
	_ =	strace s9  }
0x27: {  	s1 =	sld [smem:$0x3F6A]  }
0x28: {  	s2 =	sld [smem:$0x3F6B]  }
0x29: {  	s4 =	sld [smem:$0x3F6D]  }
0x2a: {  	p0 =	seq.s32 s5, $0x0;
	s5 =	sld [smem:$0x3F6E]  }
0x2b: {  	s6 =	sld [smem:$0x3F6F]  }
0x2c: {  	s7 =	sld [smem:$0x3F70]  }
0x2d: {  	s3 =	simm.s32 $0x108;
	s8 =	sld [smem:$0x3F71]  }
0x2e: {  	s3 =	simm.s32 @!p0 $0x1082;
	s9 =	sld [smem:$0x3F72]  }
0x2f: {  	lr =	sadd.s32 s0, s3;
	s0 =	sld [smem:$0x3F69]  }
0x30: {  	s3 =	sld [smem:$0x3F6C]  }
0x31: {  	[smem:$0x3F75] =	sst s10  }
0x32: {  	s10 =	sld [smem:$0x3F73];
	_ =	sdelay $0x3  }
0x33: {  	p0 =	seq.s32 s10, $0x1;
	s10 =	sld [smem:$0x3F75];
	_ =	sdelay $0x3  }
0x34: {  	[smem:$0x3F75] =	sst s10  }
0x35: {  	s10 =	sld [smem:$0x3F74];
	_ =	sdelay $0x3  }
0x36: {  	p1 =	seq.s32 s10, $0x1;
	s10 =	sld [smem:$0x3F75];
	_ =	sdelay $0x3  }
0x37: {  	[smem:$0x3F75] =	sst s10  }
0x38: {  	s10 =	sld [smem:$0x3F76]  }
0x39: {  	_ = 	snop;
	(pc) =	sbr.ind lr, $3  }
0x3a: {  	_ = 	snop  }
0x3b: {  	_ = 	snop  }
0x3c: {  	p2 =	seq.s32 s10, $0x1;
	s10 =	sld [smem:$0x3F75]  }
0x3d: {  	_ =	shalt  }
0x3e: {  	_ =	shalt  }
0x3f: {  	_ =	shalt  }
0x40: {  	_ =	shalt  }
0x41: {  	_ =	shalt  }
0x42: {  	_ =	shalt  }
0x43: {  	_ =	shalt  }
0x44: {  	_ =	shalt  }
0x45: {  	_ =	shalt  }
0x46: {  	_ =	shalt  }
0x47: {  	_ =	shalt  }
0x48: {  	_ =	shalt  }
0x49: {  	_ =	shalt  }
0x4a: {  	_ =	shalt  }
0x4b: {  	_ =	shalt  }
0x4c: {  	_ =	shalt  }
0x4d: {  	_ =	shalt  }
0x4e: {  	_ =	shalt  }
0x4f: {  	_ =	shalt  }
0x50: {  	_ =	shalt  }
0x51: {  	_ =	shalt  }
0x52: {  	_ =	shalt  }
0x53: {  	_ =	shalt  }
0x54: {  	_ =	shalt  }
0x55: {  	_ =	shalt  }
0x56: {  	_ =	shalt  }
0x57: {  	_ =	shalt  }
0x58: {  	_ =	shalt  }
0x59: {  	_ =	shalt  }
0x5a: {  	_ =	shalt  }
0x5b: {  	_ =	shalt  }
0x5c: {  	_ =	shalt  }
0x5d: {  	_ =	shalt  }
0x5e: {  	_ =	shalt  }
0x5f: {  	_ =	shalt  }
0x60: {  	_ =	shalt  }
0x61: {  	_ =	shalt  }
0x62: {  	_ =	shalt  }
0x63: {  	_ =	shalt  }
0x64: {  	_ =	shalt  }
0x65: {  	_ =	shalt  }
0x66: {  	_ =	shalt  }
0x67: {  	_ =	shalt  }
0x68: {  	_ =	shalt  }
0x69: {  	_ =	shalt  }
0x6a: {  	_ =	shalt  }
0x6b: {  	_ =	shalt  }
0x6c: {  	_ =	shalt  }
0x6d: {  	_ =	shalt  }
0x6e: {  	_ =	shalt  }
0x6f: {  	_ =	shalt  }
0x70: {  	_ =	shalt  }
0x71: {  	_ =	shalt  }
0x72: {  	_ =	shalt  }
0x73: {  	_ =	shalt  }
0x74: {  	_ =	shalt  }
0x75: {  	_ =	shalt  }
0x76: {  	_ =	shalt  }
0x77: {  	_ =	shalt  }
0x78: {  	_ =	shalt  }
0x79: {  	_ =	shalt  }
0x7a: {  	_ =	shalt  }
0x7b: {  	_ =	shalt  }
0x7c: {  	_ =	shalt  }
0x7d: {  	_ =	shalt  }
0x7e: {  	_ =	shalt  }
0x7f: {  	_ =	shalt  }
0x80: {  	_ =	shalt  }
0x81: {  	_ =	shalt  }
0x82: {  	_ =	shalt  }
0x83: {  	_ =	shalt  }
0x84: {  	_ =	shalt  }
0x85: {  	_ =	shalt  }
0x86: {  	_ =	shalt  }
0x87: {  	_ =	shalt  }
.Lfunc_end0:
.L_simem_size_0:
called_computation.2_lowered:
.L_overlay_start_0:
0x88: {  	s2 =	sld [smem:$0x3FD9]  }
0x89: {  	s3 =	sld [smem:$0x3FFE];
	_ =	sdelay $0x1  }
0x8a: {  	s1 =	srdreg.scid  }
0x8b: {  	s0 =	sand.u32 $0x1, s1  }
0x8c: {  	s16 =	sshll.u32 s0, $0xA;
	s2 =	sadd.s32 s3, s2  }
0x8d: {  	s2 =	sadd.s32 s2, s16  }
0x8e: {  	[smem:$0x3F81] =	sst s2  }
0x8f: {  	_ = 	snop  }
0x90: {  	(tm) =	ssettm $0x1  }
0x91: {  	s17 =	sld [smem:$0x3FFB];
	_ =	sdelay $0x3  }
0x92: {  	_ =	strace s17  }
0x93: {  	s2 =	sld [smem:$0x3FFC];
	_ =	sdelay $0x3  }
0x94: {  	_ =	strace s2  }
0x95: {  	s2 =	sld [smem:$0x3FFD];
	_ =	sdelay $0x3  }
0x96: {  	_ =	strace s2  }
0x97: {  	_ =	strace $0x8FFFFFFF  }
0x98: {  	s18 =	sld [smem:$0x3FDB];
	_ =	sdelay $0x1  }
0x99: {  	s19 =	simm.s32 $_scs_section_size  }
0x9a: {  	s4 =	simm.s32 $_size__tile_overlayer_lowered;
	s5 =	simm.s32 $_tile_overlayer_lowered  }
0x9b: {  	s22 =	simm.s32 $0x1BFF;
	s21 =	sshll.u32 s5, $0x1;
	s2 =	sadd.s32 s19, s18  }
0x9c: {  	s6 =	simm.s32 $0x0;
	s20 =	sshll.u32 s4, $0x1;
	s4 =	sadd.s32 s21, s2  }
0x9d: {  	[timem:s6], [sflag:s22] =	dma.local [hbm:s4], s20  }
0x9e: {  	_ =	swait.ge [sflag:s22], s20  }
0x9f: {  	s3 =	ssub.s32 $0x0, s20;
	[sflag:s22] =	ssyncset.done $0x0  }
0xa0: {  	[sflag:s22] =	ssyncadd.s32 s3;
	_ =	sdelay $0x1  }
0xa1: {  	s23 =	simm.s32 $0x1B8B  }
0xa2: {  	_ =	swait.ge [sflag:s23], $0x1  }
0xa3: {  	[sflag:s23] =	ssyncset.done $0x0  }
0xa4: {  	s25 =	simm.s32 $0x1B8E;
	s24 =	sld [smem:$0x3FFE];
	[sflag:s23] =	ssyncadd.s32 $0xFFFFFFFF  }
0xa5: {  	s26 =	simm.s32 $execute0_lowered;
	[smem:$0x3FD2] =	sst s25  }
0xa6: {  	s4 =	sshll.u32 s26, $0x1;
	_ =	strace $0x8000004C;
	[dreg:$0x1] =	wrdreg $0xFFFFFFFF  }
0xa7: {  	s28 =	simm.s32 $_size_execute0_lowered;
	s2 =	sadd.s32 s2, s4;
	[dreg:$0x0] =	wrdreg $0x0  }
0xa8: {  	s4 =	sshll.u32 s28, $0x1;
	[dreg:$0x2] =	wrdreg s2  }
0xa9: {  	[dreg:$0x3] =	wrdreg s4  }
0xaa: {  	[dreg:$0x4] =	wrdreg $0xC0  }
0xab: {  	_ =	task [dreg:s6], $0x5FFFF  }
0xac: {  	[dreg:$0x1] =	wrdreg $0xFFFFFFFF  }
0xad: {  	[dreg:$0x0] =	wrdreg $0x60  }
0xae: {  	[dreg:$0x2] =	wrdreg s24  }
0xaf: {  	[dreg:$0x3] =	wrdreg $0x0  }
0xb0: {  	[dreg:$0x4] =	wrdreg $0x9  }
0xb1: {  	_ =	task.clear_ibuf [dreg:s6], $0x5FFFF;
	_ =	strace $0x9000004C  }
0xb2: {  	s29 =	simm.s32 $0x9;
	_ =	strace $0x8000004E  }
0xb3: {  	_ =	swait.ge [sflag:s29], $0x1  }
0xb4: {  	[sflag:s29] =	ssyncadd.s32 $0xFFFFFFFF  }
0xb5: {  	_ =	strace $0x9000004E  }
0xb6: {  	_ =	sfence  }
0xb7: {  	s30 =	sld [smem:$0x0];
	_ =	sdelay $0x2  }
0xb8: {  	s31 =	sshll.u32 s1, $0xD;
	s1 =	sshrl.u32 s1, $0x2  }
0xb9: {  	s3 =	sand.u32 $0x4000, s31;
	s1 =	sadd.s32 s1, s30  }
0xba: {  	s0 =	sor.u32 s3, s0;
	s1 =	sshll.u32 s1, $0x11  }
0xbb: {  	s0 =	sor.u32 s1, s0  }
0xbc: {  	s0 =	sadd.s32 $0x8F2B, s0  }
0xbd: {  	[sflag:s0] =	ssyncadd.remote.s32 $0x1  }
0xbe: {  	_ =	sfence.sel $0xFFFF  }
0xbf: {  	[dreg:$0x0] =	wrdreg $0xFFFFFFFF;
	(pc) =	sbr.abs _section_cstart, $3  }
0xc0: {  	[dreg:$0x1] =	wrdreg $0xFFFFFFFF  }
0xc1: {  	_ =	task.clear_ibuf [dreg:s6], $0x2FFFF;
	_ =	strace $0x9FFFFFFF  }
0xc2: {  	(tm) =	ssettm $0x7FFFFFFF  }
0xc3: {  	_ =	shalt  }
tec
execute0_lowered:
.L_overlay_start_1:
0x0: {  	(tag) =	ssettag $0x1  }
0x1: {  	s0 =	stileid.u32  }
0x2: {  	s1 =	srdreg.scid;
	s4 =	rddreg [dreg:$0x0]  }
0x3: {  	s2 =	rddreg [dreg:$0x1];
	s3 =	simm.s32 $0x0;
	s6 =	smul.u32 $0x4E20, s0  }
0x4: {  	s14 =	simm.s32 $0x50;
	s15 =	simm.s32 $0x0;
	s8 =	smul.u32 $0x9C40, s0  }
0x5: {  	s5 =	sand.u32 $0x1, s1;
	s1 =	rddreg [dreg:$0x2];
	s28 =	smul.u32 $0x2800, s0  }
0x6: {  	[smem:$0x7FF] =	sst s3;
	s31 =	sshll.u32 s0, $0x6;
	s7 =	smul.u32 $0x2710, s5  }
0x7: {  	s9 =	smul.u32 $0x28000, s5;
	_ =	strace $0x8000004D;
	s11 =	ssub.s32 $0x2, s5  }
0x8: {  	s30 =	smul.u32 $0x4E20, s5;
	s5 =	sor.u32 $0x1C01, s31;
	s8 =	sadd.s32 s8, s4  }
0x9: {  	s29 =	sshrl.u32 s28, $0x3;
	s12 =	sshrl.u32 s11, $0x1;
	s13 =	sadd.s32 s28, s2  }
0xa: {  	s6 =	sadd.s32 s7, s6;
	s9 =	sadd.s32 s28, s9;
	s11 =	ssub.s32 s11, s12  }
0xb: {  	s8 =	sadd.s32 s30, s8;
	s12 =	simm.s32 $0x2800;
	s6 =	sshrl.u32 s6, $0x3  }
0xc: {  	s9 =	sshrl.u32 s9, $0x3;
	s7 =	smax.u32 s11, $0x1;
	s8 =	sadd.s32 $0x53200, s8  }
0xd: {  	s10 =	sadd.s32 s6, s4;
	s6 =	sadd.s32 s29, s4;
	s9 =	sadd.s32 s9, s4  }
0xe: {  	s11 =	simm.s32 $0x1;
	s4 =	sadd.s32 $0x21000, s6;
	s6 =	sadd.s32 $0xEF600, s9  }
0xf: {  	s9 =	sadd.s32 $0x17200, s10;
	s10 =	sshrl.u32 s13, $0x3;
	s13 =	simm.s32 $0x2850  }
.LBB2_1:
0x10: {  	[spmem:s10], [sflag:s5] =	dma.local [hbm:s4], $0x500  }
0x11: {  	_ =	swait.ge [sflag:s11], $0x500  }
0x12: {  	[sflag:s11] =	ssyncset.done $0x0  }
0x13: {  	[sflag:s11] =	ssyncadd.s32 $0xFFFFFB00  }
0x14: {  	s16 =	sadd.s32 $0x0, s9;
	[bflag:$0x0] =	sbarrier.arrive $0xFFFF  }
0x15: {  	[tilespmem:s12], [sflag:$0x1] =	stream.linear.gather [hbm4b:s16+s3], $0x50, $0x38;
	[tilespmem:$0x2D50] =	vst v63  }
0x16: {  	_ =	swait.ge [sflag:s11], $0x50  }
0x17: {  	[sflag:s11] =	ssyncset.done $0x0  }
0x18: {  	[sflag:s11] =	ssyncadd.s32 $0xFFFFFFB0  }
0x19: {  	[tilespmem:s13], [sflag:$0x1] =	stream.linear.gather [hbm4b:s8+s3], $0x500, $0x38;
	[tilespmem:$0x2D50] =	vst v63  }
0x1a: {  	_ =	swait.ge [sflag:s11], $0x500  }
0x1b: {  	[sflag:s11] =	ssyncset.done $0x0  }
0x1c: {  	[sflag:s11] =	ssyncadd.s32 $0xFFFFFB00  }
0x1d: {  	[spmem:s2] =	stream.indirect.scatter.add.f32 [tilespmem:s13], [sflag:$0x1], $0x10, s12, s14, $0xb8;
	[tilespmem:$0x2D50] =	vst v63  }
0x1e: {  	s17 =	simm.s32 $0xA;
	_ =	swait.ge [sflag:s11], $0x500  }
0x1f: {  	s18 =	simm.s32 $0x14;
	s16 =	sadd.s32 $0xA0, s8;
	[sflag:s11] =	ssyncset.done $0x0  }
.LBB2_2:
0x20: {  	s19 =	sadd.s32 s17, s9  }
0x21: {  	[sflag:s11] =	ssyncadd.s32 $0xFFFFFB00;
	s17 =	smov.u32 s18;
	s20 =	sadd.s32 $0xA, s18  }
0x22: {  	[tilespmem:s12], [sflag:$0x1] =	stream.linear.gather [hbm4b:s19+s3], $0x50, $0x38;
	[tilespmem:$0x2D50] =	vst v63  }
0x23: {  	p0 =	sne.s32 s18, $0x4D8;
	_ =	swait.ge [sflag:s11], $0x50  }
0x24: {  	[sflag:s11] =	ssyncset.done $0x0  }
0x25: {  	[sflag:s11] =	ssyncadd.s32 $0xFFFFFFB0  }
0x26: {  	[tilespmem:s13], [sflag:$0x1] =	stream.linear.gather [hbm4b:s16+s3], $0x500, $0x38;
	[tilespmem:$0x2D50] =	vst v63  }
0x27: {  	_ =	swait.ge [sflag:s11], $0x500  }
.Ltmp0:
0x28: {  	[sflag:s11] =	ssyncset.done $0x0;
	(pc) =	sbr.rel @p0 .LBB2_2-.Ltmp0, $4  }
0x29: {  	[sflag:s11] =	ssyncadd.s32 $0xFFFFFB00  }
0x2a: {  	[spmem:s2] =	stream.indirect.scatter.add.f32 [tilespmem:s13], [sflag:$0x1], $0x10, s12, s14, $0xb8;
	[tilespmem:$0x2D50] =	vst v63  }
0x2b: {  	_ =	swait.ge [sflag:s11], $0x500  }
0x2c: {  	s18 =	smov.u32 s20;
	s16 =	sadd.s32 $0xA0, s16;
	[sflag:s11] =	ssyncset.done $0x0  }
0x2d: {  	s17 =	sadd.s32 s17, s9;
	[sflag:s11] =	ssyncadd.s32 $0xFFFFFB00  }
0x2e: {  	[tilespmem:s12], [sflag:$0x1] =	stream.linear.gather [hbm4b:s17+s3], $0x50, $0x38;
	[tilespmem:$0x2D50] =	vst v63  }
0x2f: {  	_ =	swait.ge [sflag:s11], $0x50  }
0x30: {  	[sflag:s11] =	ssyncset.done $0x0  }
0x31: {  	[sflag:s11] =	ssyncadd.s32 $0xFFFFFFB0  }
0x32: {  	[tilespmem:s13], [sflag:$0x1] =	stream.linear.gather [hbm4b:s16+s3], $0x500, $0x38;
	[tilespmem:$0x2D50] =	vst v63  }
0x33: {  	_ =	swait.ge [sflag:s11], $0x500  }
0x34: {  	[sflag:s11] =	ssyncset.done $0x0  }
0x35: {  	[sflag:s11] =	ssyncadd.s32 $0xFFFFFB00  }
0x36: {  	[spmem:s2] =	stream.indirect.scatter.add.f32 [tilespmem:s13], [sflag:$0x1], $0x10, s12, s14, $0xb8;
	[tilespmem:$0x2D50] =	vst v63  }
0x37: {  	_ =	swait.ge [sflag:s11], $0x500  }
0x38: {  	s15 =	sadd.s32 $0x1, s15;
	[sflag:s11] =	ssyncset.done $0x0  }
0x39: {  	p0 =	sne.s32 s15, s7;
	[sflag:s11] =	ssyncadd.s32 $0xFFFFFB00  }
.Ltmp1:
0x3a: {  	[bflag:$0x0] =	sbarrier.arrive $0xFFFF;
	(pc) =	sbr.rel @p0 .LBB2_1-.Ltmp1, $4  }
0x3b: {  	[hbm:s6], [sflag:s5] =	dma.local [spmem:s10], $0x500  }
0x3c: {  	_ =	swait.ge [sflag:s11], $0x500  }
0x3d: {  	[sflag:s11] =	ssyncset.done $0x0  }
0x3e: {  	[sflag:s11] =	ssyncadd.s32 $0xFFFFFB00  }
0x3f: {  	_ =	sfence.sel $0x180000  }
0x40: {  	[bflag:$0x0] =	sbarrier.arrive $0xFFFF  }
0x41: {  	p0 =	sne.s32 s0, $0x0;
	_ =	strace $0x9000004D  }
0x42: {  	s0 =	sadd.s32 @!p0 $0x100000, s1;
	[bflag:$0x2] =	sbarrier.arrive $0xFFFF  }
0x43: {  	[sflag:s0] =	ssyncadd.tile.s32 @!p0 $0x1;
	_ =	shalt  }
.Lfunc_end2:
_tile_overlayer_lowered:
.L_overlay_start_2:
0x44: {  	(tag) =	ssettag $0x2  }
0x45: {  	s0 =	rddreg [dreg:$0x0];
	s2 =	stileid.u32  }
0x46: {  	s1 =	rddreg [dreg:$0x1];
	p0 =	sne.s32 s2, $0x0  }
0x47: {  	s3 =	rddreg [dreg:$0x2];
	[bflag:$0x3] =	sbarrier.arrive $0xFFFF;
	s2 =	simm.s32 @!p0 $0x1C01  }
0x48: {  	[timem:s3], [sflag:s2] =	dma.local @!p0 [hbm:s0], s1  }
0x49: {  	s0 =	simm.s32 @!p0 $0x1  }
0x4a: {  	_ =	swait.ge @!p0 [sflag:s0], s1  }
0x4b: {  	s1 =	ssub.s32 @!p0 $0x0, s1;
	[sflag:s0] =	ssyncset.done @!p0 $0x0  }
0x4c: {  	[sflag:s0] =	ssyncadd.s32 @!p0 s1  }
0x4d: {  	[bflag:$0x3] =	sbarrier.arrive $0xFFFF  }
0x4e: {  	_ =	shalt  }

// kernel: kernel.26.cloned.1.call-start
scs
__scs_entry_jumppad:
0x0: {  	(pc) =	sbr.rel $0x88, $3  }
0x1: {  	(tag) =	ssettag $0x0;
	lr =	simm.s32 $0x1  }
0x2: {  	[smem:$0x3F5A] =	sst lr;
	_ =	strace $0xD0000000  }
0x3: {  	_ = 	snop  }
0x4: {  	_ = 	snop  }
0x5: {  	_ = 	snop  }
0x6: {  	_ = 	snop  }
0x7: {  	_ = 	snop  }
__scs_overlays_trampoline_lowered:
0x8: {  	[smem:$0x3F69] =	sst s0  }
0x9: {  	[smem:$0x3F6A] =	sst s1  }
0xa: {  	[smem:$0x3F6B] =	sst s2  }
0xb: {  	[smem:$0x3F6C] =	sst s3  }
0xc: {  	[smem:$0x3F6D] =	sst s4  }
0xd: {  	[smem:$0x3F6E] =	sst s5  }
0xe: {  	[smem:$0x3F6F] =	sst s6  }
0xf: {  	[smem:$0x3F70] =	sst s7  }
0x10: {  	[smem:$0x3F71] =	sst s8  }
0x11: {  	[smem:$0x3F72] =	sst s9;
	s0 =	simm.s32 @!p0 $0x0  }
0x12: {  	s1 =	sld [smem:$0x3F58];
	s0 =	simm.s32 @p0 $0x1  }
0x13: {  	[smem:$0x3F73] =	sst s0;
	s0 =	simm.s32 @!p1 $0x0  }
0x14: {  	s2 =	sld [smem:$0x3F57];
	s0 =	simm.s32 @p1 $0x1  }
0x15: {  	[smem:$0x3F74] =	sst s0;
	s0 =	simm.s32 @!p2 $0x0  }
0x16: {  	s3 =	sld [smem:$0x3FDB];
	s0 =	simm.s32 @p2 $0x1  }
0x17: {  	s4 =	simm.s32 $0x1BF5;
	[smem:$0x3F76] =	sst s0  }
0x18: {  	s0 =	sld [smem:$0x3F59];
	_ =	swait.ge [sflag:s4], $0x0  }
0x19: {  	s7 =	sld [smem:$0x3F5A]  }
0x1a: {  	s8 =	sadd.s32 $0xFFFFE003, lr  }
0x1b: {  	s9 =	sadd.s32 $0xFFFFFEF7, lr;
	s5 =	simm.s32 $0xFFFFFFFF;
	p2 =	slt.u32 s8, $0xFFFFF086  }
0x1c: {  	p1 =	slt.u32 s9, $0xF7A;
	s5 =	simm.s32 @!p2 $0x0  }
0x1d: {  	s5 =	simm.s32 @p1 $0x1;
	p0 =	seq.s32 s7, s2  }
0x1e: {  	s7 =	smul.u32 @!p0 $0xF7A, s2;
	p2 =	seq.s32 @!p0 s5, $0x0  }
0x1f: {  	s9 =	smul.u32 $0xF7A, s1;
	s8 =	simm.s32 @!p0 $0x1BF5;
	p2 =	por !p2, p0  }
0x20: {  	[sflag:s8] =	ssyncset.s32 @!p0 $0xFFFFF086;
	s6 =	sadd.s32 @!p0 s3, s7;
	s7 =	simm.s32 @!p0 $0x108  }
0x21: {  	s3 =	sadd.s32 s3, s9;
	s6 =	sadd.s32 @!p0 $0x88, s6;
	s7 =	simm.s32 @p2 $0x1082  }
0x22: {  	[simem:s7], [sflag:s8] =	dma.local @!p0 [hbm:s6], $0xF7A  }
0x23: {  	s9 =	sor.u32 $0xD0000000, s2;
	s6 =	simm.s32 $0x108;
	_ =	swait.ge @!p0 [sflag:s8], $0x0  }
0x24: {  	s3 =	sadd.s32 $0x88, s3;
	s6 =	simm.s32 @!p1 $0x1082;
	[sflag:s4] =	ssyncset.s32 $0xFFFFF086  }
0x25: {  	[simem:s6], [sflag:s4] =	dma.local [hbm:s3], $0xF7A  }
0x26: {  	[smem:$0x3F5A] =	sst s1;
	(tag) =	ssettag s2;
	_ =	strace s9  }
0x27: {  	s1 =	sld [smem:$0x3F6A]  }
0x28: {  	s2 =	sld [smem:$0x3F6B]  }
0x29: {  	s4 =	sld [smem:$0x3F6D]  }
0x2a: {  	p0 =	seq.s32 s5, $0x0;
	s5 =	sld [smem:$0x3F6E]  }
0x2b: {  	s6 =	sld [smem:$0x3F6F]  }
0x2c: {  	s7 =	sld [smem:$0x3F70]  }
0x2d: {  	s3 =	simm.s32 $0x108;
	s8 =	sld [smem:$0x3F71]  }
0x2e: {  	s3 =	simm.s32 @!p0 $0x1082;
	s9 =	sld [smem:$0x3F72]  }
0x2f: {  	lr =	sadd.s32 s0, s3;
	s0 =	sld [smem:$0x3F69]  }
0x30: {  	s3 =	sld [smem:$0x3F6C]  }
0x31: {  	[smem:$0x3F75] =	sst s10  }
0x32: {  	s10 =	sld [smem:$0x3F73];
	_ =	sdelay $0x3  }
0x33: {  	p0 =	seq.s32 s10, $0x1;
	s10 =	sld [smem:$0x3F75];
	_ =	sdelay $0x3  }
0x34: {  	[smem:$0x3F75] =	sst s10  }
0x35: {  	s10 =	sld [smem:$0x3F74];
	_ =	sdelay $0x3  }
0x36: {  	p1 =	seq.s32 s10, $0x1;
	s10 =	sld [smem:$0x3F75];
	_ =	sdelay $0x3  }
0x37: {  	[smem:$0x3F75] =	sst s10  }
0x38: {  	s10 =	sld [smem:$0x3F76]  }
0x39: {  	_ = 	snop;
	(pc) =	sbr.ind lr, $3  }
0x3a: {  	_ = 	snop  }
0x3b: {  	_ = 	snop  }
0x3c: {  	p2 =	seq.s32 s10, $0x1;
	s10 =	sld [smem:$0x3F75]  }
0x3d: {  	_ =	shalt  }
0x3e: {  	_ =	shalt  }
0x3f: {  	_ =	shalt  }
0x40: {  	_ =	shalt  }
0x41: {  	_ =	shalt  }
0x42: {  	_ =	shalt  }
0x43: {  	_ =	shalt  }
0x44: {  	_ =	shalt  }
0x45: {  	_ =	shalt  }
0x46: {  	_ =	shalt  }
0x47: {  	_ =	shalt  }
0x48: {  	_ =	shalt  }
0x49: {  	_ =	shalt  }
0x4a: {  	_ =	shalt  }
0x4b: {  	_ =	shalt  }
0x4c: {  	_ =	shalt  }
0x4d: {  	_ =	shalt  }
0x4e: {  	_ =	shalt  }
0x4f: {  	_ =	shalt  }
0x50: {  	_ =	shalt  }
0x51: {  	_ =	shalt  }
0x52: {  	_ =	shalt  }
0x53: {  	_ =	shalt  }
0x54: {  	_ =	shalt  }
0x55: {  	_ =	shalt  }
0x56: {  	_ =	shalt  }
0x57: {  	_ =	shalt  }
0x58: {  	_ =	shalt  }
0x59: {  	_ =	shalt  }
0x5a: {  	_ =	shalt  }
0x5b: {  	_ =	shalt  }
0x5c: {  	_ =	shalt  }
0x5d: {  	_ =	shalt  }
0x5e: {  	_ =	shalt  }
0x5f: {  	_ =	shalt  }
0x60: {  	_ =	shalt  }
0x61: {  	_ =	shalt  }
0x62: {  	_ =	shalt  }
0x63: {  	_ =	shalt  }
0x64: {  	_ =	shalt  }
0x65: {  	_ =	shalt  }
0x66: {  	_ =	shalt  }
0x67: {  	_ =	shalt  }
0x68: {  	_ =	shalt  }
0x69: {  	_ =	shalt  }
0x6a: {  	_ =	shalt  }
0x6b: {  	_ =	shalt  }
0x6c: {  	_ =	shalt  }
0x6d: {  	_ =	shalt  }
0x6e: {  	_ =	shalt  }
0x6f: {  	_ =	shalt  }
0x70: {  	_ =	shalt  }
0x71: {  	_ =	shalt  }
0x72: {  	_ =	shalt  }
0x73: {  	_ =	shalt  }
0x74: {  	_ =	shalt  }
0x75: {  	_ =	shalt  }
0x76: {  	_ =	shalt  }
0x77: {  	_ =	shalt  }
0x78: {  	_ =	shalt  }
0x79: {  	_ =	shalt  }
0x7a: {  	_ =	shalt  }
0x7b: {  	_ =	shalt  }
0x7c: {  	_ =	shalt  }
0x7d: {  	_ =	shalt  }
0x7e: {  	_ =	shalt  }
0x7f: {  	_ =	shalt  }
0x80: {  	_ =	shalt  }
0x81: {  	_ =	shalt  }
0x82: {  	_ =	shalt  }
0x83: {  	_ =	shalt  }
0x84: {  	_ =	shalt  }
0x85: {  	_ =	shalt  }
0x86: {  	_ =	shalt  }
0x87: {  	_ =	shalt  }
.Lfunc_end0:
.L_simem_size_0:
called_computation.3_lowered:
.L_overlay_start_0:
0x88: {  	s2 =	sld [smem:$0x3FD9]  }
0x89: {  	s3 =	sld [smem:$0x3FFE];
	_ =	sdelay $0x1  }
0x8a: {  	s1 =	srdreg.scid  }
0x8b: {  	s0 =	sand.u32 $0x1, s1  }
0x8c: {  	s16 =	sshll.u32 s0, $0xA;
	s2 =	sadd.s32 s3, s2  }
0x8d: {  	s2 =	sadd.s32 s2, s16  }
0x8e: {  	[smem:$0x3F81] =	sst s2  }
0x8f: {  	_ = 	snop  }
0x90: {  	(tm) =	ssettm $0x1  }
0x91: {  	s17 =	sld [smem:$0x3FFB];
	_ =	sdelay $0x3  }
0x92: {  	_ =	strace s17  }
0x93: {  	s2 =	sld [smem:$0x3FFC];
	_ =	sdelay $0x3  }
0x94: {  	_ =	strace s2  }
0x95: {  	s2 =	sld [smem:$0x3FFD];
	_ =	sdelay $0x3  }
0x96: {  	_ =	strace s2  }
0x97: {  	_ =	strace $0x8FFFFFFF  }
0x98: {  	s18 =	sld [smem:$0x3FDB];
	_ =	sdelay $0x1  }
0x99: {  	s19 =	simm.s32 $_scs_section_size  }
0x9a: {  	s4 =	simm.s32 $_size__tile_overlayer_lowered;
	s5 =	simm.s32 $_tile_overlayer_lowered  }
0x9b: {  	s22 =	simm.s32 $0x1BFF;
	s21 =	sshll.u32 s5, $0x1;
	s2 =	sadd.s32 s19, s18  }
0x9c: {  	s6 =	simm.s32 $0x0;
	s20 =	sshll.u32 s4, $0x1;
	s4 =	sadd.s32 s21, s2  }
0x9d: {  	[timem:s6], [sflag:s22] =	dma.local [hbm:s4], s20  }
0x9e: {  	_ =	swait.ge [sflag:s22], s20  }
0x9f: {  	s3 =	ssub.s32 $0x0, s20;
	[sflag:s22] =	ssyncset.done $0x0  }
0xa0: {  	[sflag:s22] =	ssyncadd.s32 s3;
	_ =	sdelay $0x1  }
0xa1: {  	s23 =	simm.s32 $0x1B8B  }
0xa2: {  	_ =	swait.ge [sflag:s23], $0x1  }
0xa3: {  	[sflag:s23] =	ssyncset.done $0x0  }
0xa4: {  	s25 =	simm.s32 $0x1B8E;
	s24 =	sld [smem:$0x3FFE];
	[sflag:s23] =	ssyncadd.s32 $0xFFFFFFFF  }
0xa5: {  	s26 =	simm.s32 $execute0_lowered;
	[smem:$0x3FD2] =	sst s25  }
0xa6: {  	s4 =	sshll.u32 s26, $0x1;
	_ =	strace $0x8000004F;
	[dreg:$0x1] =	wrdreg $0xFFFFFFFF  }
0xa7: {  	s28 =	simm.s32 $_size_execute0_lowered;
	s2 =	sadd.s32 s2, s4;
	[dreg:$0x0] =	wrdreg $0x0  }
0xa8: {  	s4 =	sshll.u32 s28, $0x1;
	[dreg:$0x2] =	wrdreg s2  }
0xa9: {  	[dreg:$0x3] =	wrdreg s4  }
0xaa: {  	[dreg:$0x4] =	wrdreg $0xC0  }
0xab: {  	_ =	task [dreg:s6], $0x5FFFF  }
0xac: {  	[dreg:$0x1] =	wrdreg $0xFFFFFFFF  }
0xad: {  	[dreg:$0x0] =	wrdreg $0x60  }
0xae: {  	[dreg:$0x2] =	wrdreg s24  }
0xaf: {  	[dreg:$0x3] =	wrdreg $0x9  }
0xb0: {  	_ =	task.clear_ibuf [dreg:s6], $0x4FFFF;
	_ =	strace $0x9000004F  }
0xb1: {  	s29 =	simm.s32 $0x9;
	_ =	strace $0x80000051  }
0xb2: {  	_ =	swait.ge [sflag:s29], $0x1  }
0xb3: {  	[sflag:s29] =	ssyncadd.s32 $0xFFFFFFFF  }
0xb4: {  	_ =	strace $0x90000051  }
0xb5: {  	_ =	sfence  }
0xb6: {  	s30 =	sld [smem:$0x0];
	_ =	sdelay $0x2  }
0xb7: {  	s31 =	sshll.u32 s1, $0xD;
	s1 =	sshrl.u32 s1, $0x2  }
0xb8: {  	s3 =	sand.u32 $0x4000, s31;
	s1 =	sadd.s32 s1, s30  }
0xb9: {  	s0 =	sor.u32 s3, s0;
	s1 =	sshll.u32 s1, $0x11  }
0xba: {  	s0 =	sor.u32 s1, s0  }
0xbb: {  	s0 =	sadd.s32 $0x8F2B, s0  }
0xbc: {  	[sflag:s0] =	ssyncadd.remote.s32 $0x1  }
0xbd: {  	_ =	sfence.sel $0xFFFF  }
0xbe: {  	[dreg:$0x0] =	wrdreg $0xFFFFFFFF;
	(pc) =	sbr.abs _section_cstart, $3  }
0xbf: {  	[dreg:$0x1] =	wrdreg $0xFFFFFFFF  }
0xc0: {  	_ =	task.clear_ibuf [dreg:s6], $0x2FFFF;
	_ =	strace $0x9FFFFFFF  }
0xc1: {  	(tm) =	ssettm $0x7FFFFFFF  }
tec
execute0_lowered:
.L_overlay_start_1:
0x0: {  	(tag) =	ssettag $0x1  }
0x1: {  	s0 =	rddreg [dreg:$0x0]  }
0x2: {  	s2 =	simm.s32 $0x0;
	s1 =	srdreg.scid;
	s11 =	stileid.u32  }
0x3: {  	s14 =	simm.s32 $0x9;
	s15 =	simm.s32 $0x100;
	s16 =	simm.s32 $0x50  }
0x4: {  	s17 =	simm.s32 $0x200;
	s18 =	simm.s32 $0x5200;
	s28 =	simm.s32 $0x7  }
0x5: {  	s29 =	simm.s32 $0x5;
	s30 =	simm.s32 $0x2;
	s31 =	simm.s32 $0x4  }
0x6: {  	[smem:$0x7FF] =	sst s2;
	s1 =	sand.u32 $0x1, s1;
	s19 =	smul.u32 $0x4E20, s11  }
0x7: {  	s5 =	sshll.u32 s11, $0x1;
	s3 =	sadd.s32 $0x53200, s0;
	s21 =	smul.u32 $0x9C400, s11  }
0x8: {  	s4 =	sadd.s32 $0xD400, s0;
	_ =	strace $0x80000050;
	s20 =	smul.u32 $0x2710, s1  }
0x9: {  	s6 =	sor.u32 s1, s5;
	s7 =	ssub.s32 $0x2, s1;
	s1 =	smul.u32 $0x4E200, s1  }
0xa: {  	s5 =	sadd.s32 $0x17200, s0;
	s8 =	smul.u32 $0x2710, s6;
	s9 =	sshrl.u32 s7, $0x1  }
0xb: {  	s0 =	sadd.s32 $0xEF9200, s0;
	s6 =	smul.u32 $0x271000, s6;
	s7 =	ssub.s32 s7, s9  }
0xc: {  	s9 =	sadd.s32 s20, s19;
	s19 =	simm.s32 $0x80;
	s20 =	simm.s32 $0x180  }
0xd: {  	s8 =	sshrl.u32 s8, $0x3;
	s6 =	sshrl.u32 s6, $0x3;
	s7 =	smax.u32 s7, $0x1  }
0xe: {  	s23 =	sadd.s32 $0x50, s9;
	s10 =	sadd.s32 s4, s8;
	[dreg:$0x7] =	wrdreg s7  }
0xf: {  	s8 =	sadd.s32 s5, s8;
	s6 =	sadd.s32 s0, s6;
	[dreg:$0x3] =	wrdreg s10  }
0x10: {  	s0 =	sadd.s32 s21, s0;
	[dreg:$0x4] =	wrdreg s8;
	s22 =	sadd.s32 $0x4D800, s6  }
0x11: {  	s24 =	sshrl.u32 s23, $0x3;
	s6 =	sadd.s32 $0x4D880, s6;
	[dreg:$0x5] =	wrdreg s22  }
0x12: {  	s7 =	sadd.s32 $0xA0, s9;
	s0 =	sadd.s32 s1, s0;
	[dreg:$0x6] =	wrdreg s6  }
0x13: {  	s21 =	simm.s32 $0x2A00;
	s25 =	sadd.s32 s24, s5;
	[dreg:$0x2] =	wrdreg s0  }
0x14: {  	s23 =	simm.s32 $0x1;
	s26 =	sadd.s32 s24, s4;
	[dreg:$0x8] =	wrdreg s25  }
0x15: {  	s24 =	simm.s32 $0x3;
	[dreg:$0x9] =	wrdreg s26;
	s22 =	simm.s32 $0x7A00  }
0x16: {  	s25 =	simm.s32 $0x400;
	s26 =	simm.s32 $0x800;
	s6 =	simm.s32 $0x0  }
.LBB2_1:
0x17: {  	s0 =	rddreg [dreg:$0x3]  }
0x18: {  	[tilespmem:s2], [sflag:$0x9] =	stream.linear.gather [hbm4b:s0+s2], $0x50, $0x38;
	[tilespmem:$0xA200] =	vst v63  }
0x19: {  	_ =	swait.ge [sflag:s14], $0x50  }
0x1a: {  	[sflag:s14] =	ssyncset.done $0x0  }
0x1b: {  	s10 =	rddreg [dreg:$0x4];
	[sflag:s14] =	ssyncadd.s32 $0xFFFFFFB0  }
0x1c: {  	[tilespmem:s15], [sflag:$0x9] =	stream.linear.gather [hbm4b:s10+s2], $0x50, $0x38;
	[tilespmem:$0xA200] =	vst v63  }
0x1d: {  	_ =	swait.ge [sflag:s14], $0x50  }
0x1e: {  	[sflag:s14] =	ssyncset.done $0x0  }
0x1f: {  	p0 =	por $0x1, $0x1;
	[sflag:s14] =	ssyncadd.s32 $0xFFFFFFB0  }
0x20: {  	[tilespmem:s17], [sflag:$0x1] =	stream.indirect.gather [hbm4b:s3+s16], $0x80, s2, s16, $0xb8;
	[tilespmem:$0xA200] =	vst v63  }
0x21: {  	s0 =	simm.s32 @!p0 $0x8  }
0x22: {  	[tilespmem:s18], [sflag:$0x3] =	stream.indirect.gather [hbm4b:s3+s16], $0x80, s15, s16, $0xb8;
	[tilespmem:$0xA200] =	vst v63  }
0x23: {  	_ =	swait.ge @!p0 [sflag:s0], $0x2800  }
0x24: {  	[sflag:s0] =	ssyncset.done @!p0 $0x0  }
0x25: {  	[sflag:s0] =	ssyncadd.s32 @!p0 $0xFFFFD800;
	s0 =	simm.s32 @!p0 $0x6  }
0x26: {  	_ =	swait.ge @!p0 [sflag:s0], $0x2800  }
0x27: {  	[sflag:s0] =	ssyncset.done @!p0 $0x0  }
0x28: {  	s10 =	rddreg [dreg:$0x9];
	[sflag:s0] =	ssyncadd.s32 @!p0 $0xFFFFD800  }
0x29: {  	[tilespmem:s19], [sflag:$0x9] =	stream.linear.gather [hbm4b:s10+s2], $0x50, $0x38;
	[tilespmem:$0xA200] =	vst v63  }
0x2a: {  	_ =	swait.ge [sflag:s14], $0x50  }
0x2b: {  	[sflag:s14] =	ssyncset.done $0x0  }
0x2c: {  	s9 =	rddreg [dreg:$0x8];
	[sflag:s14] =	ssyncadd.s32 $0xFFFFFFB0  }
0x2d: {  	[tilespmem:s20], [sflag:$0x9] =	stream.linear.gather [hbm4b:s9+s2], $0x50, $0x38;
	[tilespmem:$0xA200] =	vst v63  }
0x2e: {  	_ =	swait.ge [sflag:s14], $0x50  }
0x2f: {  	[sflag:s14] =	ssyncset.done $0x0  }
0x30: {  	[sflag:s14] =	ssyncadd.s32 $0xFFFFFFB0  }
0x31: {  	[tilespmem:s21], [sflag:$0x2] =	stream.indirect.gather [hbm4b:s3+s16], $0x80, s19, s16, $0xb8;
	[tilespmem:$0xA200] =	vst v63  }
0x32: {  	_ = 	snop  }
0x33: {  	[tilespmem:s22], [sflag:$0x4] =	stream.indirect.gather [hbm4b:s3+s16], $0x80, s20, s16, $0xb8;
	[tilespmem:$0xA200] =	vst v63  }
0x34: {  	_ =	swait.ge [sflag:s23], $0x2800  }
0x35: {  	[sflag:s23] =	ssyncset.done $0x0  }
0x36: {  	[sflag:s23] =	ssyncadd.s32 $0xFFFFD800  }
0x37: {  	_ =	swait.ge [sflag:s24], $0x2800  }
0x38: {  	s11 =	rddreg [dreg:$0x2];
	[sflag:s24] =	ssyncset.done $0x0  }
0x39: {  	[sflag:s24] =	ssyncadd.s32 $0xFFFFD800;
	s1 =	sadd.s32 $0x0, s11  }
0x3a: {  	[hbm4b:s1+s25] =	stream.strided.scatter [tilespmem:s18], [sflag:$0x7], $0x2800, s26, s25, $0x38;
	[tilespmem:$0xA200] =	vst v63  }
0x3b: {  	s0 =	sadd.s32 $0x80, s1  }
0x3c: {  	[hbm4b:s0+s25] =	stream.strided.scatter [tilespmem:s17], [sflag:$0x5], $0x2800, s26, s25, $0x38;
	[tilespmem:$0xA200] =	vst v63  }
0x3d: {  	_ =	swait.ge [sflag:s28], $0x2800  }
0x3e: {  	[sflag:s28] =	ssyncset.done $0x0  }
0x3f: {  	[sflag:s28] =	ssyncadd.s32 $0xFFFFD800  }
0x40: {  	_ =	swait.ge [sflag:s29], $0x2800  }
0x41: {  	s12 =	sshrl.u32 s7, $0x3;
	[sflag:s29] =	ssyncset.done $0x0  }
0x42: {  	s8 =	sadd.s32 s4, s12;
	[sflag:s29] =	ssyncadd.s32 $0xFFFFD800  }
0x43: {  	[tilespmem:s2], [sflag:$0x9] =	stream.linear.gather [hbm4b:s8+s2], $0x50, $0x38;
	[tilespmem:$0xA200] =	vst v63  }
0x44: {  	_ =	swait.ge [sflag:s14], $0x50  }
0x45: {  	[sflag:s14] =	ssyncset.done $0x0  }
0x46: {  	s0 =	sadd.s32 s5, s12;
	[sflag:s14] =	ssyncadd.s32 $0xFFFFFFB0  }
0x47: {  	[tilespmem:s15], [sflag:$0x9] =	stream.linear.gather [hbm4b:s0+s2], $0x50, $0x38;
	[tilespmem:$0xA200] =	vst v63  }
0x48: {  	_ =	swait.ge [sflag:s14], $0x50  }
0x49: {  	[sflag:s14] =	ssyncset.done $0x0  }
0x4a: {  	[sflag:s14] =	ssyncadd.s32 $0xFFFFFFB0  }
0x4b: {  	[tilespmem:s17], [sflag:$0x1] =	stream.indirect.gather [hbm4b:s3+s16], $0x80, s2, s16, $0xb8;
	[tilespmem:$0xA200] =	vst v63  }
0x4c: {  	_ = 	snop  }
0x4d: {  	[tilespmem:s18], [sflag:$0x3] =	stream.indirect.gather [hbm4b:s3+s16], $0x80, s15, s16, $0xb8;
	[tilespmem:$0xA200] =	vst v63  }
0x4e: {  	_ =	swait.ge [sflag:s30], $0x2800  }
0x4f: {  	[sflag:s30] =	ssyncset.done $0x0  }
0x50: {  	p1 =	por $0x0, $0x0;
	s10 =	sadd.s32 $0x14, s10;
	[sflag:s30] =	ssyncadd.s32 $0xFFFFD800  }
0x51: {  	s9 =	sadd.s32 $0x14, s9;
	s11 =	smov.u32 s7;
	_ =	swait.ge [sflag:s31], $0x2800  }
0x52: {  	s13 =	sadd.s32 $0xA00, s1;
	s1 =	sadd.s32 $0xA80, s1;
	[sflag:s31] =	ssyncset.done $0x0  }
0x53: {  	s8 =	simm.s32 $0x1400;
	s0 =	simm.s32 $0x2800;
	[sflag:s31] =	ssyncadd.s32 $0xFFFFD800  }
0x54: {  	[hbm4b:s13+s25] =	stream.strided.scatter [tilespmem:s22], [sflag:$0x8], $0x2800, s26, s25, $0x38;
	[tilespmem:$0xA200] =	vst v63  }
.LBB2_2:
0x55: {  	s12 =	simm.s32 @!p1 $0x8  }
0x56: {  	[hbm4b:s1+s25] =	stream.strided.scatter [tilespmem:s21], [sflag:$0x6], $0x2800, s26, s25, $0x38;
	[tilespmem:$0xA200] =	vst v63  }
0x57: {  	_ =	swait.ge @!p1 [sflag:s12], $0x2800  }
0x58: {  	[sflag:s12] =	ssyncset.done @!p1 $0x0  }
0x59: {  	s1 =	simm.s32 @!p1 $0x6;
	[sflag:s12] =	ssyncadd.s32 @!p1 $0xFFFFD800  }
0x5a: {  	_ =	swait.ge @!p1 [sflag:s1], $0x2800  }
0x5b: {  	[sflag:s1] =	ssyncset.done @!p1 $0x0  }
0x5c: {  	[sflag:s1] =	ssyncadd.s32 @!p1 $0xFFFFD800  }
0x5d: {  	[tilespmem:s19], [sflag:$0x9] =	stream.linear.gather [hbm4b:s10+s2], $0x50, $0x38;
	[tilespmem:$0xA200] =	vst v63  }
0x5e: {  	_ =	swait.ge [sflag:s14], $0x50  }
0x5f: {  	[sflag:s14] =	ssyncset.done $0x0  }
0x60: {  	[sflag:s14] =	ssyncadd.s32 $0xFFFFFFB0  }
0x61: {  	[tilespmem:s20], [sflag:$0x9] =	stream.linear.gather [hbm4b:s9+s2], $0x50, $0x38;
	[tilespmem:$0xA200] =	vst v63  }
0x62: {  	_ =	swait.ge [sflag:s14], $0x50  }
0x63: {  	[sflag:s14] =	ssyncset.done $0x0  }
0x64: {  	[sflag:s14] =	ssyncadd.s32 $0xFFFFFFB0  }
0x65: {  	[tilespmem:s21], [sflag:$0x2] =	stream.indirect.gather [hbm4b:s3+s16], $0x80, s19, s16, $0xb8;
	[tilespmem:$0xA200] =	vst v63  }
0x66: {  	_ = 	snop  }
0x67: {  	[tilespmem:s22], [sflag:$0x4] =	stream.indirect.gather [hbm4b:s3+s16], $0x80, s20, s16, $0xb8;
	[tilespmem:$0xA200] =	vst v63  }
0x68: {  	_ =	swait.ge [sflag:s23], $0x2800  }
0x69: {  	[sflag:s23] =	ssyncset.done $0x0  }
0x6a: {  	[sflag:s23] =	ssyncadd.s32 $0xFFFFD800  }
0x6b: {  	_ =	swait.ge [sflag:s24], $0x2800  }
0x6c: {  	s12 =	rddreg [dreg:$0x2];
	[sflag:s24] =	ssyncset.done $0x0  }
0x6d: {  	s13 =	smov.u32 s0;
	[sflag:s24] =	ssyncadd.s32 $0xFFFFD800;
	s1 =	sadd.s32 s8, s12  }
0x6e: {  	[hbm4b:s1+s25] =	stream.strided.scatter [tilespmem:s18], [sflag:$0x7], $0x2800, s26, s25, $0x38;
	[tilespmem:$0xA200] =	vst v63  }
0x6f: {  	s8 =	smov.u32 s13;
	s13 =	sadd.s32 $0x80, s1  }
0x70: {  	[hbm4b:s13+s25] =	stream.strided.scatter [tilespmem:s17], [sflag:$0x5], $0x2800, s26, s25, $0x38;
	[tilespmem:$0xA200] =	vst v63  }
0x71: {  	_ =	swait.ge [sflag:s28], $0x2800  }
0x72: {  	[sflag:s28] =	ssyncset.done $0x0  }
0x73: {  	[sflag:s28] =	ssyncadd.s32 $0xFFFFD800  }
0x74: {  	s11 =	sadd.s32 $0xA0, s11;
	_ =	swait.ge [sflag:s29], $0x2800  }
0x75: {  	s12 =	sshrl.u32 s11, $0x3;
	[sflag:s29] =	ssyncset.done $0x0  }
0x76: {  	s13 =	sadd.s32 s4, s12;
	[sflag:s29] =	ssyncadd.s32 $0xFFFFD800  }
0x77: {  	[tilespmem:s2], [sflag:$0x9] =	stream.linear.gather [hbm4b:s13+s2], $0x50, $0x38;
	[tilespmem:$0xA200] =	vst v63  }
0x78: {  	_ =	swait.ge [sflag:s14], $0x50  }
0x79: {  	[sflag:s14] =	ssyncset.done $0x0  }
0x7a: {  	s12 =	sadd.s32 s5, s12;
	[sflag:s14] =	ssyncadd.s32 $0xFFFFFFB0  }
0x7b: {  	[tilespmem:s15], [sflag:$0x9] =	stream.linear.gather [hbm4b:s12+s2], $0x50, $0x38;
	[tilespmem:$0xA200] =	vst v63  }
0x7c: {  	_ =	swait.ge [sflag:s14], $0x50  }
0x7d: {  	[sflag:s14] =	ssyncset.done $0x0  }
0x7e: {  	[sflag:s14] =	ssyncadd.s32 $0xFFFFFFB0  }
0x7f: {  	[tilespmem:s17], [sflag:$0x1] =	stream.indirect.gather [hbm4b:s3+s16], $0x80, s2, s16, $0xb8;
	[tilespmem:$0xA200] =	vst v63  }
0x80: {  	_ = 	snop  }
0x81: {  	[tilespmem:s18], [sflag:$0x3] =	stream.indirect.gather [hbm4b:s3+s16], $0x80, s15, s16, $0xb8;
	[tilespmem:$0xA200] =	vst v63  }
0x82: {  	s0 =	sadd.s32 $0x1400, s0;
	_ =	swait.ge [sflag:s30], $0x2800  }
0x83: {  	p0 =	sne.s32 s0, $0x4D800;
	[sflag:s30] =	ssyncset.done $0x0  }
.Ltmp0:
0x84: {  	[sflag:s30] =	ssyncadd.s32 $0xFFFFD800;
	(pc) =	sbr.rel @p0 .LBB2_2-.Ltmp0, $4  }
0x85: {  	s10 =	sadd.s32 $0x14, s10;
	_ =	swait.ge [sflag:s31], $0x2800  }
0x86: {  	s9 =	sadd.s32 $0x14, s9;
	p1 =	seq.s32 s8, $0x0;
	[sflag:s31] =	ssyncset.done $0x0  }
0x87: {  	s13 =	sadd.s32 $0xA00, s1;
	s1 =	sadd.s32 $0xA80, s1;
	[sflag:s31] =	ssyncadd.s32 $0xFFFFD800  }
0x88: {  	[hbm4b:s13+s25] =	stream.strided.scatter [tilespmem:s22], [sflag:$0x8], $0x2800, s26, s25, $0x38;
	[tilespmem:$0xA200] =	vst v63  }
0x89: {  	[hbm4b:s1+s25] =	stream.strided.scatter [tilespmem:s21], [sflag:$0x6], $0x2800, s26, s25, $0x38;
	[tilespmem:$0xA200] =	vst v63  }
0x8a: {  	s0 =	simm.s32 @!p1 $0x8  }
0x8b: {  	_ =	swait.ge @!p1 [sflag:s0], $0x2800  }
0x8c: {  	[sflag:s0] =	ssyncset.done @!p1 $0x0  }
0x8d: {  	[sflag:s0] =	ssyncadd.s32 @!p1 $0xFFFFD800;
	s0 =	simm.s32 @!p1 $0x6  }
0x8e: {  	_ =	swait.ge @!p1 [sflag:s0], $0x2800  }
0x8f: {  	[sflag:s0] =	ssyncset.done @!p1 $0x0  }
0x90: {  	[sflag:s0] =	ssyncadd.s32 @!p1 $0xFFFFD800  }
0x91: {  	[tilespmem:s19], [sflag:$0x9] =	stream.linear.gather [hbm4b:s10+s2], $0x50, $0x38;
	[tilespmem:$0xA200] =	vst v63  }
0x92: {  	_ =	swait.ge [sflag:s14], $0x50  }
0x93: {  	[sflag:s14] =	ssyncset.done $0x0  }
0x94: {  	[sflag:s14] =	ssyncadd.s32 $0xFFFFFFB0  }
0x95: {  	[tilespmem:s20], [sflag:$0x9] =	stream.linear.gather [hbm4b:s9+s2], $0x50, $0x38;
	[tilespmem:$0xA200] =	vst v63  }
0x96: {  	_ =	swait.ge [sflag:s14], $0x50  }
0x97: {  	[sflag:s14] =	ssyncset.done $0x0  }
0x98: {  	[sflag:s14] =	ssyncadd.s32 $0xFFFFFFB0  }
0x99: {  	[tilespmem:s21], [sflag:$0x2] =	stream.indirect.gather [hbm4b:s3+s16], $0x80, s19, s16, $0xb8;
	[tilespmem:$0xA200] =	vst v63  }
0x9a: {  	_ = 	snop  }
0x9b: {  	[tilespmem:s22], [sflag:$0x4] =	stream.indirect.gather [hbm4b:s3+s16], $0x80, s20, s16, $0xb8;
	[tilespmem:$0xA200] =	vst v63  }
0x9c: {  	_ =	swait.ge [sflag:s23], $0x2800  }
0x9d: {  	[sflag:s23] =	ssyncset.done $0x0  }
0x9e: {  	[sflag:s23] =	ssyncadd.s32 $0xFFFFD800  }
0x9f: {  	_ =	swait.ge [sflag:s24], $0x2800  }
0xa0: {  	s9 =	rddreg [dreg:$0x2];
	[sflag:s24] =	ssyncset.done $0x0  }
0xa1: {  	[sflag:s24] =	ssyncadd.s32 $0xFFFFD800;
	s0 =	sadd.s32 s8, s9  }
0xa2: {  	[hbm4b:s0+s25] =	stream.strided.scatter [tilespmem:s18], [sflag:$0x7], $0x2800, s26, s25, $0x38;
	[tilespmem:$0xA200] =	vst v63  }
0xa3: {  	s10 =	sadd.s32 $0x80, s0  }
0xa4: {  	[hbm4b:s10+s25] =	stream.strided.scatter [tilespmem:s17], [sflag:$0x5], $0x2800, s26, s25, $0x38;
	[tilespmem:$0xA200] =	vst v63  }
0xa5: {  	_ =	swait.ge [sflag:s28], $0x2800  }
0xa6: {  	[sflag:s28] =	ssyncset.done $0x0  }
0xa7: {  	[sflag:s28] =	ssyncadd.s32 $0xFFFFD800  }
0xa8: {  	s12 =	sadd.s32 $0xA0, s11;
	_ =	swait.ge [sflag:s29], $0x2800  }
0xa9: {  	s1 =	sshrl.u32 s12, $0x3;
	[sflag:s29] =	ssyncset.done $0x0  }
0xaa: {  	s13 =	sadd.s32 s4, s1;
	[sflag:s29] =	ssyncadd.s32 $0xFFFFD800  }
0xab: {  	[tilespmem:s2], [sflag:$0x9] =	stream.linear.gather [hbm4b:s13+s2], $0x50, $0x38;
	[tilespmem:$0xA200] =	vst v63  }
0xac: {  	_ =	swait.ge [sflag:s14], $0x50  }
0xad: {  	[sflag:s14] =	ssyncset.done $0x0  }
0xae: {  	s1 =	sadd.s32 s5, s1;
	[sflag:s14] =	ssyncadd.s32 $0xFFFFFFB0  }
0xaf: {  	[tilespmem:s15], [sflag:$0x9] =	stream.linear.gather [hbm4b:s1+s2], $0x50, $0x38;
	[tilespmem:$0xA200] =	vst v63  }
0xb0: {  	_ =	swait.ge [sflag:s14], $0x50  }
0xb1: {  	[sflag:s14] =	ssyncset.done $0x0  }
0xb2: {  	[sflag:s14] =	ssyncadd.s32 $0xFFFFFFB0  }
0xb3: {  	[tilespmem:s17], [sflag:$0x1] =	stream.indirect.gather [hbm4b:s3+s16], $0x80, s2, s16, $0xb8;
	[tilespmem:$0xA200] =	vst v63  }
0xb4: {  	_ = 	snop  }
0xb5: {  	[tilespmem:s18], [sflag:$0x3] =	stream.indirect.gather [hbm4b:s3+s16], $0x80, s15, s16, $0xb8;
	[tilespmem:$0xA200] =	vst v63  }
0xb6: {  	_ =	swait.ge [sflag:s30], $0x2800  }
0xb7: {  	[sflag:s30] =	ssyncset.done $0x0  }
0xb8: {  	[sflag:s30] =	ssyncadd.s32 $0xFFFFD800  }
0xb9: {  	_ =	swait.ge [sflag:s31], $0x2800  }
0xba: {  	[sflag:s31] =	ssyncset.done $0x0  }
0xbb: {  	s8 =	sadd.s32 $0xA00, s0;
	[sflag:s31] =	ssyncadd.s32 $0xFFFFD800  }
0xbc: {  	[hbm4b:s8+s25] =	stream.strided.scatter [tilespmem:s22], [sflag:$0x8], $0x2800, s26, s25, $0x38;
	[tilespmem:$0xA200] =	vst v63  }
0xbd: {  	s0 =	sadd.s32 $0xA80, s0  }
0xbe: {  	[hbm4b:s0+s25] =	stream.strided.scatter [tilespmem:s21], [sflag:$0x6], $0x2800, s26, s25, $0x38;
	[tilespmem:$0xA200] =	vst v63  }
0xbf: {  	_ =	swait.ge [sflag:s23], $0x2800  }
0xc0: {  	[sflag:s23] =	ssyncset.done $0x0  }
0xc1: {  	[sflag:s23] =	ssyncadd.s32 $0xFFFFD800  }
0xc2: {  	_ =	swait.ge [sflag:s24], $0x2800  }
0xc3: {  	[sflag:s24] =	ssyncset.done $0x0  }
0xc4: {  	s9 =	rddreg [dreg:$0x5];
	[sflag:s24] =	ssyncadd.s32 $0xFFFFD800  }
0xc5: {  	[hbm4b:s9+s25] =	stream.strided.scatter [tilespmem:s18], [sflag:$0x7], $0x2800, s26, s25, $0x38;
	[tilespmem:$0xA200] =	vst v63  }
0xc6: {  	s11 =	simm.s32 $0x8;
	s10 =	rddreg [dreg:$0x6]  }
0xc7: {  	[hbm4b:s10+s25] =	stream.strided.scatter [tilespmem:s17], [sflag:$0x5], $0x2800, s26, s25, $0x38;
	[tilespmem:$0xA200] =	vst v63  }
0xc8: {  	_ =	swait.ge [sflag:s11], $0x2800  }
0xc9: {  	[sflag:s11] =	ssyncset.done $0x0  }
0xca: {  	s12 =	simm.s32 $0x6;
	[sflag:s11] =	ssyncadd.s32 $0xFFFFD800  }
0xcb: {  	_ =	swait.ge [sflag:s12], $0x2800  }
0xcc: {  	[sflag:s12] =	ssyncset.done $0x0  }
0xcd: {  	[sflag:s12] =	ssyncadd.s32 $0xFFFFD800  }
0xce: {  	_ =	swait.ge [sflag:s28], $0x2800  }
0xcf: {  	[sflag:s28] =	ssyncset.done $0x0  }
0xd0: {  	[sflag:s28] =	ssyncadd.s32 $0xFFFFD800  }
0xd1: {  	_ =	swait.ge [sflag:s29], $0x2800  }
0xd2: {  	s6 =	sadd.s32 $0x1, s6;
	s13 =	rddreg [dreg:$0x7]  }
0xd3: {  	p0 =	sne.s32 s6, s13  }
.Ltmp1:
0xd4: {  	_ = 	snop;
	(pc) =	sbr.rel @p0 .LBB2_1-.Ltmp1, $3  }
0xd5: {  	_ =	sdelay $0x1  }
0xd6: {  	[sflag:s29] =	ssyncset.done $0x0  }
0xd7: {  	[sflag:s29] =	ssyncadd.s32 $0xFFFFD800  }
0xd8: {  	_ =	sfence.sel $0x180000  }
0xd9: {  	[bflag:$0x0] =	sbarrier.arrive $0xFFFF  }
0xda: {  	_ =	strace $0x90000050  }
0xdb: {  	s0 =	stileid.u32;
	[bflag:$0x2] =	sbarrier.arrive $0xFFFF  }
0xdc: {  	p0 =	sne.s32 s0, $0x0;
	s0 =	rddreg [dreg:$0x1]  }
0xdd: {  	s0 =	sadd.s32 @!p0 $0x100000, s0  }
0xde: {  	[sflag:s0] =	ssyncadd.tile.s32 @!p0 $0x1;
	_ =	shalt  }
.Lfunc_end2:
_tile_overlayer_lowered:
.L_overlay_start_2:
0xdf: {  	(tag) =	ssettag $0x2  }
0xe0: {  	s0 =	rddreg [dreg:$0x0];
	s2 =	stileid.u32  }
0xe1: {  	s1 =	rddreg [dreg:$0x1];
	p0 =	sne.s32 s2, $0x0  }
0xe2: {  	s3 =	rddreg [dreg:$0x2];
	[bflag:$0x3] =	sbarrier.arrive $0xFFFF;
	s2 =	simm.s32 @!p0 $0x1C09  }
0xe3: {  	[timem:s3], [sflag:s2] =	dma.local @!p0 [hbm:s0], s1  }
0xe4: {  	s0 =	simm.s32 @!p0 $0x9  }
0xe5: {  	_ =	swait.ge @!p0 [sflag:s0], s1  }
0xe6: {  	s1 =	ssub.s32 @!p0 $0x0, s1;
	[sflag:s0] =	ssyncset.done @!p0 $0x0  }
0xe7: {  	[sflag:s0] =	ssyncadd.s32 @!p0 s1  }
0xe8: {  	[bflag:$0x3] =	sbarrier.arrive $0xFFFF  }
0xe9: {  	_ =	shalt  }

// kernel: kernel.29.cloned.1.call-start
scs
__scs_entry_jumppad:
0x0: {  	(pc) =	sbr.rel $0x88, $3  }
0x1: {  	(tag) =	ssettag $0x0;
	lr =	simm.s32 $0x1  }
0x2: {  	[smem:$0x3F5A] =	sst lr;
	_ =	strace $0xD0000000  }
0x3: {  	_ = 	snop  }
0x4: {  	_ = 	snop  }
0x5: {  	_ = 	snop  }
0x6: {  	_ = 	snop  }
0x7: {  	_ = 	snop  }
__scs_overlays_trampoline_lowered:
0x8: {  	[smem:$0x3F69] =	sst s0  }
0x9: {  	[smem:$0x3F6A] =	sst s1  }
0xa: {  	[smem:$0x3F6B] =	sst s2  }
0xb: {  	[smem:$0x3F6C] =	sst s3  }
0xc: {  	[smem:$0x3F6D] =	sst s4  }
0xd: {  	[smem:$0x3F6E] =	sst s5  }
0xe: {  	[smem:$0x3F6F] =	sst s6  }
0xf: {  	[smem:$0x3F70] =	sst s7  }
0x10: {  	[smem:$0x3F71] =	sst s8  }
0x11: {  	[smem:$0x3F72] =	sst s9;
	s0 =	simm.s32 @!p0 $0x0  }
0x12: {  	s1 =	sld [smem:$0x3F58];
	s0 =	simm.s32 @p0 $0x1  }
0x13: {  	[smem:$0x3F73] =	sst s0;
	s0 =	simm.s32 @!p1 $0x0  }
0x14: {  	s2 =	sld [smem:$0x3F57];
	s0 =	simm.s32 @p1 $0x1  }
0x15: {  	[smem:$0x3F74] =	sst s0;
	s0 =	simm.s32 @!p2 $0x0  }
0x16: {  	s3 =	sld [smem:$0x3FDB];
	s0 =	simm.s32 @p2 $0x1  }
0x17: {  	s4 =	simm.s32 $0x1BF5;
	[smem:$0x3F76] =	sst s0  }
0x18: {  	s0 =	sld [smem:$0x3F59];
	_ =	swait.ge [sflag:s4], $0x0  }
0x19: {  	s7 =	sld [smem:$0x3F5A]  }
0x1a: {  	s8 =	sadd.s32 $0xFFFFE003, lr  }
0x1b: {  	s9 =	sadd.s32 $0xFFFFFEF7, lr;
	s5 =	simm.s32 $0xFFFFFFFF;
	p2 =	slt.u32 s8, $0xFFFFF086  }
0x1c: {  	p1 =	slt.u32 s9, $0xF7A;
	s5 =	simm.s32 @!p2 $0x0  }
0x1d: {  	s5 =	simm.s32 @p1 $0x1;
	p0 =	seq.s32 s7, s2  }
0x1e: {  	s7 =	smul.u32 @!p0 $0xF7A, s2;
	p2 =	seq.s32 @!p0 s5, $0x0  }
0x1f: {  	s9 =	smul.u32 $0xF7A, s1;
	s8 =	simm.s32 @!p0 $0x1BF5;
	p2 =	por !p2, p0  }
0x20: {  	[sflag:s8] =	ssyncset.s32 @!p0 $0xFFFFF086;
	s6 =	sadd.s32 @!p0 s3, s7;
	s7 =	simm.s32 @!p0 $0x108  }
0x21: {  	s3 =	sadd.s32 s3, s9;
	s6 =	sadd.s32 @!p0 $0x88, s6;
	s7 =	simm.s32 @p2 $0x1082  }
0x22: {  	[simem:s7], [sflag:s8] =	dma.local @!p0 [hbm:s6], $0xF7A  }
0x23: {  	s9 =	sor.u32 $0xD0000000, s2;
	s6 =	simm.s32 $0x108;
	_ =	swait.ge @!p0 [sflag:s8], $0x0  }
0x24: {  	s3 =	sadd.s32 $0x88, s3;
	s6 =	simm.s32 @!p1 $0x1082;
	[sflag:s4] =	ssyncset.s32 $0xFFFFF086  }
0x25: {  	[simem:s6], [sflag:s4] =	dma.local [hbm:s3], $0xF7A  }
0x26: {  	[smem:$0x3F5A] =	sst s1;
	(tag) =	ssettag s2;
	_ =	strace s9  }
0x27: {  	s1 =	sld [smem:$0x3F6A]  }
0x28: {  	s2 =	sld [smem:$0x3F6B]  }
0x29: {  	s4 =	sld [smem:$0x3F6D]  }
0x2a: {  	p0 =	seq.s32 s5, $0x0;
	s5 =	sld [smem:$0x3F6E]  }
0x2b: {  	s6 =	sld [smem:$0x3F6F]  }
0x2c: {  	s7 =	sld [smem:$0x3F70]  }
0x2d: {  	s3 =	simm.s32 $0x108;
	s8 =	sld [smem:$0x3F71]  }
0x2e: {  	s3 =	simm.s32 @!p0 $0x1082;
	s9 =	sld [smem:$0x3F72]  }
0x2f: {  	lr =	sadd.s32 s0, s3;
	s0 =	sld [smem:$0x3F69]  }
0x30: {  	s3 =	sld [smem:$0x3F6C]  }
0x31: {  	[smem:$0x3F75] =	sst s10  }
0x32: {  	s10 =	sld [smem:$0x3F73];
	_ =	sdelay $0x3  }
0x33: {  	p0 =	seq.s32 s10, $0x1;
	s10 =	sld [smem:$0x3F75];
	_ =	sdelay $0x3  }
0x34: {  	[smem:$0x3F75] =	sst s10  }
0x35: {  	s10 =	sld [smem:$0x3F74];
	_ =	sdelay $0x3  }
0x36: {  	p1 =	seq.s32 s10, $0x1;
	s10 =	sld [smem:$0x3F75];
	_ =	sdelay $0x3  }
0x37: {  	[smem:$0x3F75] =	sst s10  }
0x38: {  	s10 =	sld [smem:$0x3F76]  }
0x39: {  	_ = 	snop;
	(pc) =	sbr.ind lr, $3  }
0x3a: {  	_ = 	snop  }
0x3b: {  	_ = 	snop  }
0x3c: {  	p2 =	seq.s32 s10, $0x1;
	s10 =	sld [smem:$0x3F75]  }
0x3d: {  	_ =	shalt  }
0x3e: {  	_ =	shalt  }
0x3f: {  	_ =	shalt  }
0x40: {  	_ =	shalt  }
0x41: {  	_ =	shalt  }
0x42: {  	_ =	shalt  }
0x43: {  	_ =	shalt  }
0x44: {  	_ =	shalt  }
0x45: {  	_ =	shalt  }
0x46: {  	_ =	shalt  }
0x47: {  	_ =	shalt  }
0x48: {  	_ =	shalt  }
0x49: {  	_ =	shalt  }
0x4a: {  	_ =	shalt  }
0x4b: {  	_ =	shalt  }
0x4c: {  	_ =	shalt  }
0x4d: {  	_ =	shalt  }
0x4e: {  	_ =	shalt  }
0x4f: {  	_ =	shalt  }
0x50: {  	_ =	shalt  }
0x51: {  	_ =	shalt  }
0x52: {  	_ =	shalt  }
0x53: {  	_ =	shalt  }
0x54: {  	_ =	shalt  }
0x55: {  	_ =	shalt  }
0x56: {  	_ =	shalt  }
0x57: {  	_ =	shalt  }
0x58: {  	_ =	shalt  }
0x59: {  	_ =	shalt  }
0x5a: {  	_ =	shalt  }
0x5b: {  	_ =	shalt  }
0x5c: {  	_ =	shalt  }
0x5d: {  	_ =	shalt  }
0x5e: {  	_ =	shalt  }
0x5f: {  	_ =	shalt  }
0x60: {  	_ =	shalt  }
0x61: {  	_ =	shalt  }
0x62: {  	_ =	shalt  }
0x63: {  	_ =	shalt  }
0x64: {  	_ =	shalt  }
0x65: {  	_ =	shalt  }
0x66: {  	_ =	shalt  }
0x67: {  	_ =	shalt  }
0x68: {  	_ =	shalt  }
0x69: {  	_ =	shalt  }
0x6a: {  	_ =	shalt  }
0x6b: {  	_ =	shalt  }
0x6c: {  	_ =	shalt  }
0x6d: {  	_ =	shalt  }
0x6e: {  	_ =	shalt  }
0x6f: {  	_ =	shalt  }
0x70: {  	_ =	shalt  }
0x71: {  	_ =	shalt  }
0x72: {  	_ =	shalt  }
0x73: {  	_ =	shalt  }
0x74: {  	_ =	shalt  }
0x75: {  	_ =	shalt  }
0x76: {  	_ =	shalt  }
0x77: {  	_ =	shalt  }
0x78: {  	_ =	shalt  }
0x79: {  	_ =	shalt  }
0x7a: {  	_ =	shalt  }
0x7b: {  	_ =	shalt  }
0x7c: {  	_ =	shalt  }
0x7d: {  	_ =	shalt  }
0x7e: {  	_ =	shalt  }
0x7f: {  	_ =	shalt  }
0x80: {  	_ =	shalt  }
0x81: {  	_ =	shalt  }
0x82: {  	_ =	shalt  }
0x83: {  	_ =	shalt  }
0x84: {  	_ =	shalt  }
0x85: {  	_ =	shalt  }
0x86: {  	_ =	shalt  }
0x87: {  	_ =	shalt  }
.Lfunc_end0:
.L_simem_size_0:
called_computation.4_lowered:
.L_overlay_start_0:
0x88: {  	s2 =	sld [smem:$0x3FD9]  }
0x89: {  	s3 =	sld [smem:$0x3FFE];
	_ =	sdelay $0x1  }
0x8a: {  	s1 =	srdreg.scid  }
0x8b: {  	s0 =	sand.u32 $0x1, s1  }
0x8c: {  	s16 =	sshll.u32 s0, $0xA;
	s2 =	sadd.s32 s3, s2  }
0x8d: {  	s2 =	sadd.s32 s2, s16  }
0x8e: {  	[smem:$0x3F81] =	sst s2  }
0x8f: {  	_ = 	snop  }
0x90: {  	(tm) =	ssettm $0x1  }
0x91: {  	s17 =	sld [smem:$0x3FFB];
	_ =	sdelay $0x3  }
0x92: {  	_ =	strace s17  }
0x93: {  	s2 =	sld [smem:$0x3FFC];
	_ =	sdelay $0x3  }
0x94: {  	_ =	strace s2  }
0x95: {  	s2 =	sld [smem:$0x3FFD];
	_ =	sdelay $0x3  }
0x96: {  	_ =	strace s2  }
0x97: {  	_ =	strace $0x8FFFFFFF  }
0x98: {  	s18 =	sld [smem:$0x3FDB];
	_ =	sdelay $0x1  }
0x99: {  	s19 =	simm.s32 $_scs_section_size  }
0x9a: {  	s4 =	simm.s32 $_size__tile_overlayer_lowered;
	s5 =	simm.s32 $_tile_overlayer_lowered  }
0x9b: {  	s22 =	simm.s32 $0x1BFF;
	s21 =	sshll.u32 s5, $0x1;
	s2 =	sadd.s32 s19, s18  }
0x9c: {  	s6 =	simm.s32 $0x0;
	s20 =	sshll.u32 s4, $0x1;
	s4 =	sadd.s32 s21, s2  }
0x9d: {  	[timem:s6], [sflag:s22] =	dma.local [hbm:s4], s20  }
0x9e: {  	_ =	swait.ge [sflag:s22], s20  }
0x9f: {  	s3 =	ssub.s32 $0x0, s20;
	[sflag:s22] =	ssyncset.done $0x0  }
0xa0: {  	[sflag:s22] =	ssyncadd.s32 s3;
	_ =	sdelay $0x1  }
0xa1: {  	s23 =	simm.s32 $0x1B8B  }
0xa2: {  	_ =	swait.ge [sflag:s23], $0x1  }
0xa3: {  	[sflag:s23] =	ssyncset.done $0x0  }
0xa4: {  	s25 =	simm.s32 $0x1B8E;
	s24 =	sld [smem:$0x3FFE];
	[sflag:s23] =	ssyncadd.s32 $0xFFFFFFFF  }
0xa5: {  	s26 =	simm.s32 $execute0_lowered;
	[smem:$0x3FD2] =	sst s25  }
0xa6: {  	s4 =	sshll.u32 s26, $0x1;
	_ =	strace $0x80000052;
	[dreg:$0x1] =	wrdreg $0xFFFFFFFF  }
0xa7: {  	s28 =	simm.s32 $_size_execute0_lowered;
	s2 =	sadd.s32 s2, s4;
	[dreg:$0x0] =	wrdreg $0x0  }
0xa8: {  	s4 =	sshll.u32 s28, $0x1;
	[dreg:$0x2] =	wrdreg s2  }
0xa9: {  	[dreg:$0x3] =	wrdreg s4  }
0xaa: {  	[dreg:$0x4] =	wrdreg $0xC0  }
0xab: {  	_ =	task [dreg:s6], $0x5FFFF  }
0xac: {  	[dreg:$0x1] =	wrdreg $0xFFFFFFFF  }
0xad: {  	[dreg:$0x0] =	wrdreg $0x60  }
0xae: {  	[dreg:$0x2] =	wrdreg s24  }
0xaf: {  	[dreg:$0x3] =	wrdreg $0x0  }
0xb0: {  	[dreg:$0x4] =	wrdreg $0x9  }
0xb1: {  	_ =	task.clear_ibuf [dreg:s6], $0x5FFFF;
	_ =	strace $0x90000052  }
0xb2: {  	s29 =	simm.s32 $0x9;
	_ =	strace $0x80000054  }
0xb3: {  	_ =	swait.ge [sflag:s29], $0x1  }
0xb4: {  	[sflag:s29] =	ssyncadd.s32 $0xFFFFFFFF  }
0xb5: {  	_ =	strace $0x90000054  }
0xb6: {  	_ =	sfence  }
0xb7: {  	s30 =	sld [smem:$0x0];
	_ =	sdelay $0x2  }
0xb8: {  	s31 =	sshll.u32 s1, $0xD;
	s1 =	sshrl.u32 s1, $0x2  }
0xb9: {  	s3 =	sand.u32 $0x4000, s31;
	s1 =	sadd.s32 s1, s30  }
0xba: {  	s0 =	sor.u32 s3, s0;
	s1 =	sshll.u32 s1, $0x11  }
0xbb: {  	s0 =	sor.u32 s1, s0  }
0xbc: {  	s0 =	sadd.s32 $0x8F2B, s0  }
0xbd: {  	[sflag:s0] =	ssyncadd.remote.s32 $0x1  }
0xbe: {  	_ =	sfence.sel $0xFFFF  }
0xbf: {  	[dreg:$0x0] =	wrdreg $0xFFFFFFFF;
	(pc) =	sbr.abs _section_cstart, $3  }
0xc0: {  	[dreg:$0x1] =	wrdreg $0xFFFFFFFF  }
0xc1: {  	_ =	task.clear_ibuf [dreg:s6], $0x2FFFF;
	_ =	strace $0x9FFFFFFF  }
0xc2: {  	(tm) =	ssettm $0x7FFFFFFF  }
0xc3: {  	_ =	shalt  }
tec
execute0_lowered:
.L_overlay_start_1:
0x0: {  	(tag) =	ssettag $0x1  }
0x1: {  	s0 =	stileid.u32  }
0x2: {  	s1 =	srdreg.scid;
	s4 =	rddreg [dreg:$0x0]  }
0x3: {  	s2 =	rddreg [dreg:$0x1];
	s3 =	simm.s32 $0x0;
	s6 =	smul.u32 $0x4E20, s0  }
0x4: {  	s14 =	simm.s32 $0x50;
	s15 =	simm.s32 $0x0;
	s8 =	smul.u32 $0x9C40, s0  }
0x5: {  	s5 =	sand.u32 $0x1, s1;
	s1 =	rddreg [dreg:$0x2];
	s28 =	smul.u32 $0x2800, s0  }
0x6: {  	[smem:$0x7FF] =	sst s3;
	s31 =	sshll.u32 s0, $0x6;
	s7 =	smul.u32 $0x2710, s5  }
0x7: {  	s9 =	smul.u32 $0x28000, s5;
	_ =	strace $0x80000053;
	s11 =	ssub.s32 $0x2, s5  }
0x8: {  	s30 =	smul.u32 $0x4E20, s5;
	s5 =	sor.u32 $0x1C01, s31;
	s8 =	sadd.s32 s8, s4  }
0x9: {  	s29 =	sshrl.u32 s28, $0x3;
	s12 =	sshrl.u32 s11, $0x1;
	s13 =	sadd.s32 s28, s2  }
0xa: {  	s6 =	sadd.s32 s7, s6;
	s9 =	sadd.s32 s28, s9;
	s11 =	ssub.s32 s11, s12  }
0xb: {  	s8 =	sadd.s32 s30, s8;
	s12 =	simm.s32 $0x2800;
	s6 =	sshrl.u32 s6, $0x3  }
0xc: {  	s9 =	sshrl.u32 s9, $0x3;
	s7 =	smax.u32 s11, $0x1;
	s8 =	sadd.s32 $0x55C400, s8  }
0xd: {  	s10 =	sadd.s32 s6, s4;
	s6 =	sadd.s32 s29, s4;
	s9 =	sadd.s32 s9, s4  }
0xe: {  	s11 =	simm.s32 $0x1;
	s4 =	sadd.s32 $0x21000, s6;
	s6 =	sadd.s32 $0x5F8800, s9  }
0xf: {  	s9 =	sadd.s32 $0x17200, s10;
	s10 =	sshrl.u32 s13, $0x3;
	s13 =	simm.s32 $0x2850  }
.LBB2_1:
0x10: {  	[spmem:s10], [sflag:s5] =	dma.local [hbm:s4], $0x500  }
0x11: {  	_ =	swait.ge [sflag:s11], $0x500  }
0x12: {  	[sflag:s11] =	ssyncset.done $0x0  }
0x13: {  	[sflag:s11] =	ssyncadd.s32 $0xFFFFFB00  }
0x14: {  	s16 =	sadd.s32 $0x0, s9;
	[bflag:$0x0] =	sbarrier.arrive $0xFFFF  }
0x15: {  	[tilespmem:s12], [sflag:$0x1] =	stream.linear.gather [hbm4b:s16+s3], $0x50, $0x38;
	[tilespmem:$0x2D50] =	vst v63  }
0x16: {  	_ =	swait.ge [sflag:s11], $0x50  }
0x17: {  	[sflag:s11] =	ssyncset.done $0x0  }
0x18: {  	[sflag:s11] =	ssyncadd.s32 $0xFFFFFFB0  }
0x19: {  	[tilespmem:s13], [sflag:$0x1] =	stream.linear.gather [hbm4b:s8+s3], $0x500, $0x38;
	[tilespmem:$0x2D50] =	vst v63  }
0x1a: {  	_ =	swait.ge [sflag:s11], $0x500  }
0x1b: {  	[sflag:s11] =	ssyncset.done $0x0  }
0x1c: {  	[sflag:s11] =	ssyncadd.s32 $0xFFFFFB00  }
0x1d: {  	[spmem:s2] =	stream.indirect.scatter.add.f32 [tilespmem:s13], [sflag:$0x1], $0x10, s12, s14, $0xb8;
	[tilespmem:$0x2D50] =	vst v63  }
0x1e: {  	s17 =	simm.s32 $0xA;
	_ =	swait.ge [sflag:s11], $0x500  }
0x1f: {  	s18 =	simm.s32 $0x14;
	s16 =	sadd.s32 $0xA0, s8;
	[sflag:s11] =	ssyncset.done $0x0  }
.LBB2_2:
0x20: {  	s19 =	sadd.s32 s17, s9  }
0x21: {  	[sflag:s11] =	ssyncadd.s32 $0xFFFFFB00;
	s17 =	smov.u32 s18;
	s20 =	sadd.s32 $0xA, s18  }
0x22: {  	[tilespmem:s12], [sflag:$0x1] =	stream.linear.gather [hbm4b:s19+s3], $0x50, $0x38;
	[tilespmem:$0x2D50] =	vst v63  }
0x23: {  	p0 =	sne.s32 s18, $0x4D8;
	_ =	swait.ge [sflag:s11], $0x50  }
0x24: {  	[sflag:s11] =	ssyncset.done $0x0  }
0x25: {  	[sflag:s11] =	ssyncadd.s32 $0xFFFFFFB0  }
0x26: {  	[tilespmem:s13], [sflag:$0x1] =	stream.linear.gather [hbm4b:s16+s3], $0x500, $0x38;
	[tilespmem:$0x2D50] =	vst v63  }
0x27: {  	_ =	swait.ge [sflag:s11], $0x500  }
.Ltmp0:
0x28: {  	[sflag:s11] =	ssyncset.done $0x0;
	(pc) =	sbr.rel @p0 .LBB2_2-.Ltmp0, $4  }
0x29: {  	[sflag:s11] =	ssyncadd.s32 $0xFFFFFB00  }
0x2a: {  	[spmem:s2] =	stream.indirect.scatter.add.f32 [tilespmem:s13], [sflag:$0x1], $0x10, s12, s14, $0xb8;
	[tilespmem:$0x2D50] =	vst v63  }
0x2b: {  	_ =	swait.ge [sflag:s11], $0x500  }
0x2c: {  	s18 =	smov.u32 s20;
	s16 =	sadd.s32 $0xA0, s16;
	[sflag:s11] =	ssyncset.done $0x0  }
0x2d: {  	s17 =	sadd.s32 s17, s9;
	[sflag:s11] =	ssyncadd.s32 $0xFFFFFB00  }
0x2e: {  	[tilespmem:s12], [sflag:$0x1] =	stream.linear.gather [hbm4b:s17+s3], $0x50, $0x38;
	[tilespmem:$0x2D50] =	vst v63  }
0x2f: {  	_ =	swait.ge [sflag:s11], $0x50  }
0x30: {  	[sflag:s11] =	ssyncset.done $0x0  }
0x31: {  	[sflag:s11] =	ssyncadd.s32 $0xFFFFFFB0  }
0x32: {  	[tilespmem:s13], [sflag:$0x1] =	stream.linear.gather [hbm4b:s16+s3], $0x500, $0x38;
	[tilespmem:$0x2D50] =	vst v63  }
0x33: {  	_ =	swait.ge [sflag:s11], $0x500  }
0x34: {  	[sflag:s11] =	ssyncset.done $0x0  }
0x35: {  	[sflag:s11] =	ssyncadd.s32 $0xFFFFFB00  }
0x36: {  	[spmem:s2] =	stream.indirect.scatter.add.f32 [tilespmem:s13], [sflag:$0x1], $0x10, s12, s14, $0xb8;
	[tilespmem:$0x2D50] =	vst v63  }
0x37: {  	_ =	swait.ge [sflag:s11], $0x500  }
0x38: {  	s15 =	sadd.s32 $0x1, s15;
	[sflag:s11] =	ssyncset.done $0x0  }
0x39: {  	p0 =	sne.s32 s15, s7;
	[sflag:s11] =	ssyncadd.s32 $0xFFFFFB00  }
.Ltmp1:
0x3a: {  	[bflag:$0x0] =	sbarrier.arrive $0xFFFF;
	(pc) =	sbr.rel @p0 .LBB2_1-.Ltmp1, $4  }
0x3b: {  	[hbm:s6], [sflag:s5] =	dma.local [spmem:s10], $0x500  }
0x3c: {  	_ =	swait.ge [sflag:s11], $0x500  }
0x3d: {  	[sflag:s11] =	ssyncset.done $0x0  }
0x3e: {  	[sflag:s11] =	ssyncadd.s32 $0xFFFFFB00  }
0x3f: {  	_ =	sfence.sel $0x180000  }
0x40: {  	[bflag:$0x0] =	sbarrier.arrive $0xFFFF  }
0x41: {  	p0 =	sne.s32 s0, $0x0;
	_ =	strace $0x90000053  }
0x42: {  	s0 =	sadd.s32 @!p0 $0x100000, s1;
	[bflag:$0x2] =	sbarrier.arrive $0xFFFF  }
0x43: {  	[sflag:s0] =	ssyncadd.tile.s32 @!p0 $0x1;
	_ =	shalt  }
.Lfunc_end2:
_tile_overlayer_lowered:
.L_overlay_start_2:
0x44: {  	(tag) =	ssettag $0x2  }
0x45: {  	s0 =	rddreg [dreg:$0x0];
	s2 =	stileid.u32  }
0x46: {  	s1 =	rddreg [dreg:$0x1];
	p0 =	sne.s32 s2, $0x0  }
0x47: {  	s3 =	rddreg [dreg:$0x2];
	[bflag:$0x3] =	sbarrier.arrive $0xFFFF;
	s2 =	simm.s32 @!p0 $0x1C01  }
0x48: {  	[timem:s3], [sflag:s2] =	dma.local @!p0 [hbm:s0], s1  }
0x49: {  	s0 =	simm.s32 @!p0 $0x1  }
0x4a: {  	_ =	swait.ge @!p0 [sflag:s0], s1  }
0x4b: {  	s1 =	ssub.s32 @!p0 $0x0, s1;
	[sflag:s0] =	ssyncset.done @!p0 $0x0  }
0x4c: {  	[sflag:s0] =	ssyncadd.s32 @!p0 s1  }
0x4d: {  	[bflag:$0x3] =	sbarrier.arrive $0xFFFF  }
0x4e: {  	_ =	shalt  }

// kernel: kernel.32.cloned.1.call-start
scs
__scs_entry_jumppad:
0x0: {  	(pc) =	sbr.rel $0x88, $3  }
0x1: {  	(tag) =	ssettag $0x0;
	lr =	simm.s32 $0x1  }
0x2: {  	[smem:$0x3F5A] =	sst lr;
	_ =	strace $0xD0000000  }
0x3: {  	_ = 	snop  }
0x4: {  	_ = 	snop  }
0x5: {  	_ = 	snop  }
0x6: {  	_ = 	snop  }
0x7: {  	_ = 	snop  }
__scs_overlays_trampoline_lowered:
0x8: {  	[smem:$0x3F69] =	sst s0  }
0x9: {  	[smem:$0x3F6A] =	sst s1  }
0xa: {  	[smem:$0x3F6B] =	sst s2  }
0xb: {  	[smem:$0x3F6C] =	sst s3  }
0xc: {  	[smem:$0x3F6D] =	sst s4  }
0xd: {  	[smem:$0x3F6E] =	sst s5  }
0xe: {  	[smem:$0x3F6F] =	sst s6  }
0xf: {  	[smem:$0x3F70] =	sst s7  }
0x10: {  	[smem:$0x3F71] =	sst s8  }
0x11: {  	[smem:$0x3F72] =	sst s9;
	s0 =	simm.s32 @!p0 $0x0  }
0x12: {  	s1 =	sld [smem:$0x3F58];
	s0 =	simm.s32 @p0 $0x1  }
0x13: {  	[smem:$0x3F73] =	sst s0;
	s0 =	simm.s32 @!p1 $0x0  }
0x14: {  	s2 =	sld [smem:$0x3F57];
	s0 =	simm.s32 @p1 $0x1  }
0x15: {  	[smem:$0x3F74] =	sst s0;
	s0 =	simm.s32 @!p2 $0x0  }
0x16: {  	s3 =	sld [smem:$0x3FDB];
	s0 =	simm.s32 @p2 $0x1  }
0x17: {  	s4 =	simm.s32 $0x1BF5;
	[smem:$0x3F76] =	sst s0  }
0x18: {  	s0 =	sld [smem:$0x3F59];
	_ =	swait.ge [sflag:s4], $0x0  }
0x19: {  	s7 =	sld [smem:$0x3F5A]  }
0x1a: {  	s8 =	sadd.s32 $0xFFFFE003, lr  }
0x1b: {  	s9 =	sadd.s32 $0xFFFFFEF7, lr;
	s5 =	simm.s32 $0xFFFFFFFF;
	p2 =	slt.u32 s8, $0xFFFFF086  }
0x1c: {  	p1 =	slt.u32 s9, $0xF7A;
	s5 =	simm.s32 @!p2 $0x0  }
0x1d: {  	s5 =	simm.s32 @p1 $0x1;
	p0 =	seq.s32 s7, s2  }
0x1e: {  	s7 =	smul.u32 @!p0 $0xF7A, s2;
	p2 =	seq.s32 @!p0 s5, $0x0  }
0x1f: {  	s9 =	smul.u32 $0xF7A, s1;
	s8 =	simm.s32 @!p0 $0x1BF5;
	p2 =	por !p2, p0  }
0x20: {  	[sflag:s8] =	ssyncset.s32 @!p0 $0xFFFFF086;
	s6 =	sadd.s32 @!p0 s3, s7;
	s7 =	simm.s32 @!p0 $0x108  }
0x21: {  	s3 =	sadd.s32 s3, s9;
	s6 =	sadd.s32 @!p0 $0x88, s6;
	s7 =	simm.s32 @p2 $0x1082  }
0x22: {  	[simem:s7], [sflag:s8] =	dma.local @!p0 [hbm:s6], $0xF7A  }
0x23: {  	s9 =	sor.u32 $0xD0000000, s2;
	s6 =	simm.s32 $0x108;
	_ =	swait.ge @!p0 [sflag:s8], $0x0  }
0x24: {  	s3 =	sadd.s32 $0x88, s3;
	s6 =	simm.s32 @!p1 $0x1082;
	[sflag:s4] =	ssyncset.s32 $0xFFFFF086  }
0x25: {  	[simem:s6], [sflag:s4] =	dma.local [hbm:s3], $0xF7A  }
0x26: {  	[smem:$0x3F5A] =	sst s1;
	(tag) =	ssettag s2;
	_ =	strace s9  }
0x27: {  	s1 =	sld [smem:$0x3F6A]  }
0x28: {  	s2 =	sld [smem:$0x3F6B]  }
0x29: {  	s4 =	sld [smem:$0x3F6D]  }
0x2a: {  	p0 =	seq.s32 s5, $0x0;
	s5 =	sld [smem:$0x3F6E]  }
0x2b: {  	s6 =	sld [smem:$0x3F6F]  }
0x2c: {  	s7 =	sld [smem:$0x3F70]  }
0x2d: {  	s3 =	simm.s32 $0x108;
	s8 =	sld [smem:$0x3F71]  }
0x2e: {  	s3 =	simm.s32 @!p0 $0x1082;
	s9 =	sld [smem:$0x3F72]  }
0x2f: {  	lr =	sadd.s32 s0, s3;
	s0 =	sld [smem:$0x3F69]  }
0x30: {  	s3 =	sld [smem:$0x3F6C]  }
0x31: {  	[smem:$0x3F75] =	sst s10  }
0x32: {  	s10 =	sld [smem:$0x3F73];
	_ =	sdelay $0x3  }
0x33: {  	p0 =	seq.s32 s10, $0x1;
	s10 =	sld [smem:$0x3F75];
	_ =	sdelay $0x3  }
0x34: {  	[smem:$0x3F75] =	sst s10  }
0x35: {  	s10 =	sld [smem:$0x3F74];
	_ =	sdelay $0x3  }
0x36: {  	p1 =	seq.s32 s10, $0x1;
	s10 =	sld [smem:$0x3F75];
	_ =	sdelay $0x3  }
0x37: {  	[smem:$0x3F75] =	sst s10  }
0x38: {  	s10 =	sld [smem:$0x3F76]  }
0x39: {  	_ = 	snop;
	(pc) =	sbr.ind lr, $3  }
0x3a: {  	_ = 	snop  }
0x3b: {  	_ = 	snop  }
0x3c: {  	p2 =	seq.s32 s10, $0x1;
	s10 =	sld [smem:$0x3F75]  }
0x3d: {  	_ =	shalt  }
0x3e: {  	_ =	shalt  }
0x3f: {  	_ =	shalt  }
0x40: {  	_ =	shalt  }
0x41: {  	_ =	shalt  }
0x42: {  	_ =	shalt  }
0x43: {  	_ =	shalt  }
0x44: {  	_ =	shalt  }
0x45: {  	_ =	shalt  }
0x46: {  	_ =	shalt  }
0x47: {  	_ =	shalt  }
0x48: {  	_ =	shalt  }
0x49: {  	_ =	shalt  }
0x4a: {  	_ =	shalt  }
0x4b: {  	_ =	shalt  }
0x4c: {  	_ =	shalt  }
0x4d: {  	_ =	shalt  }
0x4e: {  	_ =	shalt  }
0x4f: {  	_ =	shalt  }
0x50: {  	_ =	shalt  }
0x51: {  	_ =	shalt  }
0x52: {  	_ =	shalt  }
0x53: {  	_ =	shalt  }
0x54: {  	_ =	shalt  }
0x55: {  	_ =	shalt  }
0x56: {  	_ =	shalt  }
0x57: {  	_ =	shalt  }
0x58: {  	_ =	shalt  }
0x59: {  	_ =	shalt  }
0x5a: {  	_ =	shalt  }
0x5b: {  	_ =	shalt  }
0x5c: {  	_ =	shalt  }
0x5d: {  	_ =	shalt  }
0x5e: {  	_ =	shalt  }
0x5f: {  	_ =	shalt  }
0x60: {  	_ =	shalt  }
0x61: {  	_ =	shalt  }
0x62: {  	_ =	shalt  }
0x63: {  	_ =	shalt  }
0x64: {  	_ =	shalt  }
0x65: {  	_ =	shalt  }
0x66: {  	_ =	shalt  }
0x67: {  	_ =	shalt  }
0x68: {  	_ =	shalt  }
0x69: {  	_ =	shalt  }
0x6a: {  	_ =	shalt  }
0x6b: {  	_ =	shalt  }
0x6c: {  	_ =	shalt  }
0x6d: {  	_ =	shalt  }
0x6e: {  	_ =	shalt  }
0x6f: {  	_ =	shalt  }
0x70: {  	_ =	shalt  }
0x71: {  	_ =	shalt  }
0x72: {  	_ =	shalt  }
0x73: {  	_ =	shalt  }
0x74: {  	_ =	shalt  }
0x75: {  	_ =	shalt  }
0x76: {  	_ =	shalt  }
0x77: {  	_ =	shalt  }
0x78: {  	_ =	shalt  }
0x79: {  	_ =	shalt  }
0x7a: {  	_ =	shalt  }
0x7b: {  	_ =	shalt  }
0x7c: {  	_ =	shalt  }
0x7d: {  	_ =	shalt  }
0x7e: {  	_ =	shalt  }
0x7f: {  	_ =	shalt  }
0x80: {  	_ =	shalt  }
0x81: {  	_ =	shalt  }
0x82: {  	_ =	shalt  }
0x83: {  	_ =	shalt  }
0x84: {  	_ =	shalt  }
0x85: {  	_ =	shalt  }
0x86: {  	_ =	shalt  }
0x87: {  	_ =	shalt  }
.Lfunc_end0:
.L_simem_size_0:
called_computation.5_lowered:
.L_overlay_start_0:
0x88: {  	s2 =	sld [smem:$0x3FD9]  }
0x89: {  	s3 =	sld [smem:$0x3FFE];
	_ =	sdelay $0x1  }
0x8a: {  	s1 =	srdreg.scid  }
0x8b: {  	s0 =	sand.u32 $0x1, s1  }
0x8c: {  	s16 =	sshll.u32 s0, $0xA;
	s2 =	sadd.s32 s3, s2  }
0x8d: {  	s2 =	sadd.s32 s2, s16  }
0x8e: {  	[smem:$0x3F81] =	sst s2  }
0x8f: {  	_ = 	snop  }
0x90: {  	(tm) =	ssettm $0x1  }
0x91: {  	s17 =	sld [smem:$0x3FFB];
	_ =	sdelay $0x3  }
0x92: {  	_ =	strace s17  }
0x93: {  	s2 =	sld [smem:$0x3FFC];
	_ =	sdelay $0x3  }
0x94: {  	_ =	strace s2  }
0x95: {  	s2 =	sld [smem:$0x3FFD];
	_ =	sdelay $0x3  }
0x96: {  	_ =	strace s2  }
0x97: {  	_ =	strace $0x8FFFFFFF  }
0x98: {  	s18 =	sld [smem:$0x3FDB];
	_ =	sdelay $0x1  }
0x99: {  	s19 =	simm.s32 $_scs_section_size  }
0x9a: {  	s4 =	simm.s32 $_size__tile_overlayer_lowered;
	s5 =	simm.s32 $_tile_overlayer_lowered  }
0x9b: {  	s22 =	simm.s32 $0x1BFF;
	s21 =	sshll.u32 s5, $0x1;
	s2 =	sadd.s32 s19, s18  }
0x9c: {  	s6 =	simm.s32 $0x0;
	s20 =	sshll.u32 s4, $0x1;
	s4 =	sadd.s32 s21, s2  }
0x9d: {  	[timem:s6], [sflag:s22] =	dma.local [hbm:s4], s20  }
0x9e: {  	_ =	swait.ge [sflag:s22], s20  }
0x9f: {  	s3 =	ssub.s32 $0x0, s20;
	[sflag:s22] =	ssyncset.done $0x0  }
0xa0: {  	[sflag:s22] =	ssyncadd.s32 s3;
	_ =	sdelay $0x1  }
0xa1: {  	s23 =	simm.s32 $0x1B8B  }
0xa2: {  	_ =	swait.ge [sflag:s23], $0x1  }
0xa3: {  	[sflag:s23] =	ssyncset.done $0x0  }
0xa4: {  	s25 =	simm.s32 $0x1B8E;
	s24 =	sld [smem:$0x3FFE];
	[sflag:s23] =	ssyncadd.s32 $0xFFFFFFFF  }
0xa5: {  	s26 =	simm.s32 $execute0_lowered;
	[smem:$0x3FD2] =	sst s25  }
0xa6: {  	s4 =	sshll.u32 s26, $0x1;
	_ =	strace $0x80000055;
	[dreg:$0x1] =	wrdreg $0xFFFFFFFF  }
0xa7: {  	s28 =	simm.s32 $_size_execute0_lowered;
	s2 =	sadd.s32 s2, s4;
	[dreg:$0x0] =	wrdreg $0x0  }
0xa8: {  	s4 =	sshll.u32 s28, $0x1;
	[dreg:$0x2] =	wrdreg s2  }
0xa9: {  	[dreg:$0x3] =	wrdreg s4  }
0xaa: {  	[dreg:$0x4] =	wrdreg $0xC0  }
0xab: {  	_ =	task [dreg:s6], $0x5FFFF  }
0xac: {  	[dreg:$0x1] =	wrdreg $0xFFFFFFFF  }
0xad: {  	[dreg:$0x0] =	wrdreg $0x60  }
0xae: {  	[dreg:$0x2] =	wrdreg s24  }
0xaf: {  	[dreg:$0x3] =	wrdreg $0x9  }
0xb0: {  	_ =	task.clear_ibuf [dreg:s6], $0x4FFFF;
	_ =	strace $0x90000055  }
0xb1: {  	s29 =	simm.s32 $0x9;
	_ =	strace $0x80000057  }
0xb2: {  	_ =	swait.ge [sflag:s29], $0x1  }
0xb3: {  	[sflag:s29] =	ssyncadd.s32 $0xFFFFFFFF  }
0xb4: {  	_ =	strace $0x90000057  }
0xb5: {  	_ =	sfence  }
0xb6: {  	s30 =	sld [smem:$0x0];
	_ =	sdelay $0x2  }
0xb7: {  	s31 =	sshll.u32 s1, $0xD;
	s1 =	sshrl.u32 s1, $0x2  }
0xb8: {  	s3 =	sand.u32 $0x4000, s31;
	s1 =	sadd.s32 s1, s30  }
0xb9: {  	s0 =	sor.u32 s3, s0;
	s1 =	sshll.u32 s1, $0x11  }
0xba: {  	s0 =	sor.u32 s1, s0  }
0xbb: {  	s0 =	sadd.s32 $0x8F2B, s0  }
0xbc: {  	[sflag:s0] =	ssyncadd.remote.s32 $0x1  }
0xbd: {  	_ =	sfence.sel $0xFFFF  }
0xbe: {  	[dreg:$0x0] =	wrdreg $0xFFFFFFFF;
	(pc) =	sbr.abs _section_cstart, $3  }
0xbf: {  	[dreg:$0x1] =	wrdreg $0xFFFFFFFF  }
0xc0: {  	_ =	task.clear_ibuf [dreg:s6], $0x2FFFF;
	_ =	strace $0x9FFFFFFF  }
0xc1: {  	(tm) =	ssettm $0x7FFFFFFF  }
tec
execute0_lowered:
.L_overlay_start_1:
0x0: {  	(tag) =	ssettag $0x1  }
0x1: {  	s0 =	rddreg [dreg:$0x0]  }
0x2: {  	s2 =	simm.s32 $0x0;
	s1 =	srdreg.scid;
	s11 =	stileid.u32  }
0x3: {  	s14 =	simm.s32 $0x9;
	s15 =	simm.s32 $0x100;
	s16 =	simm.s32 $0x50  }
0x4: {  	s17 =	simm.s32 $0x200;
	s18 =	simm.s32 $0x5200;
	s28 =	simm.s32 $0x7  }
0x5: {  	s29 =	simm.s32 $0x5;
	s30 =	simm.s32 $0x2;
	s31 =	simm.s32 $0x4  }
0x6: {  	[smem:$0x7FF] =	sst s2;
	s1 =	sand.u32 $0x1, s1;
	s19 =	smul.u32 $0x4E20, s11  }
0x7: {  	s5 =	sshll.u32 s11, $0x1;
	s3 =	sadd.s32 $0x7A400, s0;
	s21 =	smul.u32 $0x9C400, s11  }
0x8: {  	s4 =	sadd.s32 $0xD400, s0;
	_ =	strace $0x80000056;
	s20 =	smul.u32 $0x2710, s1  }
0x9: {  	s6 =	sor.u32 s1, s5;
	s7 =	ssub.s32 $0x2, s1;
	s1 =	smul.u32 $0x4E200, s1  }
0xa: {  	s5 =	sadd.s32 $0x17200, s0;
	s8 =	smul.u32 $0x2710, s6;
	s9 =	sshrl.u32 s7, $0x1  }
0xb: {  	s0 =	sadd.s32 $0xEF9200, s0;
	s6 =	smul.u32 $0x271000, s6;
	s7 =	ssub.s32 s7, s9  }
0xc: {  	s9 =	sadd.s32 s20, s19;
	s19 =	simm.s32 $0x80;
	s20 =	simm.s32 $0x180  }
0xd: {  	s8 =	sshrl.u32 s8, $0x3;
	s6 =	sshrl.u32 s6, $0x3;
	s7 =	smax.u32 s7, $0x1  }
0xe: {  	s23 =	sadd.s32 $0x50, s9;
	s10 =	sadd.s32 s4, s8;
	[dreg:$0x7] =	wrdreg s7  }
0xf: {  	s8 =	sadd.s32 s5, s8;
	s6 =	sadd.s32 s0, s6;
	[dreg:$0x3] =	wrdreg s10  }
0x10: {  	s0 =	sadd.s32 s21, s0;
	[dreg:$0x4] =	wrdreg s8;
	s22 =	sadd.s32 $0x4D800, s6  }
0x11: {  	s24 =	sshrl.u32 s23, $0x3;
	s6 =	sadd.s32 $0x4D880, s6;
	[dreg:$0x5] =	wrdreg s22  }
0x12: {  	s7 =	sadd.s32 $0xA0, s9;
	s0 =	sadd.s32 s1, s0;
	[dreg:$0x6] =	wrdreg s6  }
0x13: {  	s21 =	simm.s32 $0x2A00;
	s25 =	sadd.s32 s24, s5;
	[dreg:$0x2] =	wrdreg s0  }
0x14: {  	s23 =	simm.s32 $0x1;
	s26 =	sadd.s32 s24, s4;
	[dreg:$0x8] =	wrdreg s25  }
0x15: {  	s24 =	simm.s32 $0x3;
	[dreg:$0x9] =	wrdreg s26;
	s22 =	simm.s32 $0x7A00  }
0x16: {  	s25 =	simm.s32 $0x400;
	s26 =	simm.s32 $0x800;
	s6 =	simm.s32 $0x0  }
.LBB2_1:
0x17: {  	s0 =	rddreg [dreg:$0x3]  }
0x18: {  	[tilespmem:s2], [sflag:$0x9] =	stream.linear.gather [hbm4b:s0+s2], $0x50, $0x38;
	[tilespmem:$0xA200] =	vst v63  }
0x19: {  	_ =	swait.ge [sflag:s14], $0x50  }
0x1a: {  	[sflag:s14] =	ssyncset.done $0x0  }
0x1b: {  	s10 =	rddreg [dreg:$0x4];
	[sflag:s14] =	ssyncadd.s32 $0xFFFFFFB0  }
0x1c: {  	[tilespmem:s15], [sflag:$0x9] =	stream.linear.gather [hbm4b:s10+s2], $0x50, $0x38;
	[tilespmem:$0xA200] =	vst v63  }
0x1d: {  	_ =	swait.ge [sflag:s14], $0x50  }
0x1e: {  	[sflag:s14] =	ssyncset.done $0x0  }
0x1f: {  	p0 =	por $0x1, $0x1;
	[sflag:s14] =	ssyncadd.s32 $0xFFFFFFB0  }
0x20: {  	[tilespmem:s17], [sflag:$0x1] =	stream.indirect.gather [hbm4b:s3+s16], $0x80, s2, s16, $0xb8;
	[tilespmem:$0xA200] =	vst v63  }
0x21: {  	s0 =	simm.s32 @!p0 $0x8  }
0x22: {  	[tilespmem:s18], [sflag:$0x3] =	stream.indirect.gather [hbm4b:s3+s16], $0x80, s15, s16, $0xb8;
	[tilespmem:$0xA200] =	vst v63  }
0x23: {  	_ =	swait.ge @!p0 [sflag:s0], $0x2800  }
0x24: {  	[sflag:s0] =	ssyncset.done @!p0 $0x0  }
0x25: {  	[sflag:s0] =	ssyncadd.s32 @!p0 $0xFFFFD800;
	s0 =	simm.s32 @!p0 $0x6  }
0x26: {  	_ =	swait.ge @!p0 [sflag:s0], $0x2800  }
0x27: {  	[sflag:s0] =	ssyncset.done @!p0 $0x0  }
0x28: {  	s10 =	rddreg [dreg:$0x9];
	[sflag:s0] =	ssyncadd.s32 @!p0 $0xFFFFD800  }
0x29: {  	[tilespmem:s19], [sflag:$0x9] =	stream.linear.gather [hbm4b:s10+s2], $0x50, $0x38;
	[tilespmem:$0xA200] =	vst v63  }
0x2a: {  	_ =	swait.ge [sflag:s14], $0x50  }
0x2b: {  	[sflag:s14] =	ssyncset.done $0x0  }
0x2c: {  	s9 =	rddreg [dreg:$0x8];
	[sflag:s14] =	ssyncadd.s32 $0xFFFFFFB0  }
0x2d: {  	[tilespmem:s20], [sflag:$0x9] =	stream.linear.gather [hbm4b:s9+s2], $0x50, $0x38;
	[tilespmem:$0xA200] =	vst v63  }
0x2e: {  	_ =	swait.ge [sflag:s14], $0x50  }
0x2f: {  	[sflag:s14] =	ssyncset.done $0x0  }
0x30: {  	[sflag:s14] =	ssyncadd.s32 $0xFFFFFFB0  }
0x31: {  	[tilespmem:s21], [sflag:$0x2] =	stream.indirect.gather [hbm4b:s3+s16], $0x80, s19, s16, $0xb8;
	[tilespmem:$0xA200] =	vst v63  }
0x32: {  	_ = 	snop  }
0x33: {  	[tilespmem:s22], [sflag:$0x4] =	stream.indirect.gather [hbm4b:s3+s16], $0x80, s20, s16, $0xb8;
	[tilespmem:$0xA200] =	vst v63  }
0x34: {  	_ =	swait.ge [sflag:s23], $0x2800  }
0x35: {  	[sflag:s23] =	ssyncset.done $0x0  }
0x36: {  	[sflag:s23] =	ssyncadd.s32 $0xFFFFD800  }
0x37: {  	_ =	swait.ge [sflag:s24], $0x2800  }
0x38: {  	s11 =	rddreg [dreg:$0x2];
	[sflag:s24] =	ssyncset.done $0x0  }
0x39: {  	[sflag:s24] =	ssyncadd.s32 $0xFFFFD800;
	s1 =	sadd.s32 $0x0, s11  }
0x3a: {  	[hbm4b:s1+s25] =	stream.strided.scatter [tilespmem:s18], [sflag:$0x7], $0x2800, s26, s25, $0x38;
	[tilespmem:$0xA200] =	vst v63  }
0x3b: {  	s0 =	sadd.s32 $0x80, s1  }
0x3c: {  	[hbm4b:s0+s25] =	stream.strided.scatter [tilespmem:s17], [sflag:$0x5], $0x2800, s26, s25, $0x38;
	[tilespmem:$0xA200] =	vst v63  }
0x3d: {  	_ =	swait.ge [sflag:s28], $0x2800  }
0x3e: {  	[sflag:s28] =	ssyncset.done $0x0  }
0x3f: {  	[sflag:s28] =	ssyncadd.s32 $0xFFFFD800  }
0x40: {  	_ =	swait.ge [sflag:s29], $0x2800  }
0x41: {  	s12 =	sshrl.u32 s7, $0x3;
	[sflag:s29] =	ssyncset.done $0x0  }
0x42: {  	s8 =	sadd.s32 s4, s12;
	[sflag:s29] =	ssyncadd.s32 $0xFFFFD800  }
0x43: {  	[tilespmem:s2], [sflag:$0x9] =	stream.linear.gather [hbm4b:s8+s2], $0x50, $0x38;
	[tilespmem:$0xA200] =	vst v63  }
0x44: {  	_ =	swait.ge [sflag:s14], $0x50  }
0x45: {  	[sflag:s14] =	ssyncset.done $0x0  }
0x46: {  	s0 =	sadd.s32 s5, s12;
	[sflag:s14] =	ssyncadd.s32 $0xFFFFFFB0  }
0x47: {  	[tilespmem:s15], [sflag:$0x9] =	stream.linear.gather [hbm4b:s0+s2], $0x50, $0x38;
	[tilespmem:$0xA200] =	vst v63  }
0x48: {  	_ =	swait.ge [sflag:s14], $0x50  }
0x49: {  	[sflag:s14] =	ssyncset.done $0x0  }
0x4a: {  	[sflag:s14] =	ssyncadd.s32 $0xFFFFFFB0  }
0x4b: {  	[tilespmem:s17], [sflag:$0x1] =	stream.indirect.gather [hbm4b:s3+s16], $0x80, s2, s16, $0xb8;
	[tilespmem:$0xA200] =	vst v63  }
0x4c: {  	_ = 	snop  }
0x4d: {  	[tilespmem:s18], [sflag:$0x3] =	stream.indirect.gather [hbm4b:s3+s16], $0x80, s15, s16, $0xb8;
	[tilespmem:$0xA200] =	vst v63  }
0x4e: {  	_ =	swait.ge [sflag:s30], $0x2800  }
0x4f: {  	[sflag:s30] =	ssyncset.done $0x0  }
0x50: {  	p1 =	por $0x0, $0x0;
	s10 =	sadd.s32 $0x14, s10;
	[sflag:s30] =	ssyncadd.s32 $0xFFFFD800  }
0x51: {  	s9 =	sadd.s32 $0x14, s9;
	s11 =	smov.u32 s7;
	_ =	swait.ge [sflag:s31], $0x2800  }
0x52: {  	s13 =	sadd.s32 $0xA00, s1;
	s1 =	sadd.s32 $0xA80, s1;
	[sflag:s31] =	ssyncset.done $0x0  }
0x53: {  	s8 =	simm.s32 $0x1400;
	s0 =	simm.s32 $0x2800;
	[sflag:s31] =	ssyncadd.s32 $0xFFFFD800  }
0x54: {  	[hbm4b:s13+s25] =	stream.strided.scatter [tilespmem:s22], [sflag:$0x8], $0x2800, s26, s25, $0x38;
	[tilespmem:$0xA200] =	vst v63  }
.LBB2_2:
0x55: {  	s12 =	simm.s32 @!p1 $0x8  }
0x56: {  	[hbm4b:s1+s25] =	stream.strided.scatter [tilespmem:s21], [sflag:$0x6], $0x2800, s26, s25, $0x38;
	[tilespmem:$0xA200] =	vst v63  }
0x57: {  	_ =	swait.ge @!p1 [sflag:s12], $0x2800  }
0x58: {  	[sflag:s12] =	ssyncset.done @!p1 $0x0  }
0x59: {  	s1 =	simm.s32 @!p1 $0x6;
	[sflag:s12] =	ssyncadd.s32 @!p1 $0xFFFFD800  }
0x5a: {  	_ =	swait.ge @!p1 [sflag:s1], $0x2800  }
0x5b: {  	[sflag:s1] =	ssyncset.done @!p1 $0x0  }
0x5c: {  	[sflag:s1] =	ssyncadd.s32 @!p1 $0xFFFFD800  }
0x5d: {  	[tilespmem:s19], [sflag:$0x9] =	stream.linear.gather [hbm4b:s10+s2], $0x50, $0x38;
	[tilespmem:$0xA200] =	vst v63  }
0x5e: {  	_ =	swait.ge [sflag:s14], $0x50  }
0x5f: {  	[sflag:s14] =	ssyncset.done $0x0  }
0x60: {  	[sflag:s14] =	ssyncadd.s32 $0xFFFFFFB0  }
0x61: {  	[tilespmem:s20], [sflag:$0x9] =	stream.linear.gather [hbm4b:s9+s2], $0x50, $0x38;
	[tilespmem:$0xA200] =	vst v63  }
0x62: {  	_ =	swait.ge [sflag:s14], $0x50  }
0x63: {  	[sflag:s14] =	ssyncset.done $0x0  }
0x64: {  	[sflag:s14] =	ssyncadd.s32 $0xFFFFFFB0  }
0x65: {  	[tilespmem:s21], [sflag:$0x2] =	stream.indirect.gather [hbm4b:s3+s16], $0x80, s19, s16, $0xb8;
	[tilespmem:$0xA200] =	vst v63  }
0x66: {  	_ = 	snop  }
0x67: {  	[tilespmem:s22], [sflag:$0x4] =	stream.indirect.gather [hbm4b:s3+s16], $0x80, s20, s16, $0xb8;
	[tilespmem:$0xA200] =	vst v63  }
0x68: {  	_ =	swait.ge [sflag:s23], $0x2800  }
0x69: {  	[sflag:s23] =	ssyncset.done $0x0  }
0x6a: {  	[sflag:s23] =	ssyncadd.s32 $0xFFFFD800  }
0x6b: {  	_ =	swait.ge [sflag:s24], $0x2800  }
0x6c: {  	s12 =	rddreg [dreg:$0x2];
	[sflag:s24] =	ssyncset.done $0x0  }
0x6d: {  	s13 =	smov.u32 s0;
	[sflag:s24] =	ssyncadd.s32 $0xFFFFD800;
	s1 =	sadd.s32 s8, s12  }
0x6e: {  	[hbm4b:s1+s25] =	stream.strided.scatter [tilespmem:s18], [sflag:$0x7], $0x2800, s26, s25, $0x38;
	[tilespmem:$0xA200] =	vst v63  }
0x6f: {  	s8 =	smov.u32 s13;
	s13 =	sadd.s32 $0x80, s1  }
0x70: {  	[hbm4b:s13+s25] =	stream.strided.scatter [tilespmem:s17], [sflag:$0x5], $0x2800, s26, s25, $0x38;
	[tilespmem:$0xA200] =	vst v63  }
0x71: {  	_ =	swait.ge [sflag:s28], $0x2800  }
0x72: {  	[sflag:s28] =	ssyncset.done $0x0  }
0x73: {  	[sflag:s28] =	ssyncadd.s32 $0xFFFFD800  }
0x74: {  	s11 =	sadd.s32 $0xA0, s11;
	_ =	swait.ge [sflag:s29], $0x2800  }
0x75: {  	s12 =	sshrl.u32 s11, $0x3;
	[sflag:s29] =	ssyncset.done $0x0  }
0x76: {  	s13 =	sadd.s32 s4, s12;
	[sflag:s29] =	ssyncadd.s32 $0xFFFFD800  }
0x77: {  	[tilespmem:s2], [sflag:$0x9] =	stream.linear.gather [hbm4b:s13+s2], $0x50, $0x38;
	[tilespmem:$0xA200] =	vst v63  }
0x78: {  	_ =	swait.ge [sflag:s14], $0x50  }
0x79: {  	[sflag:s14] =	ssyncset.done $0x0  }
0x7a: {  	s12 =	sadd.s32 s5, s12;
	[sflag:s14] =	ssyncadd.s32 $0xFFFFFFB0  }
0x7b: {  	[tilespmem:s15], [sflag:$0x9] =	stream.linear.gather [hbm4b:s12+s2], $0x50, $0x38;
	[tilespmem:$0xA200] =	vst v63  }
0x7c: {  	_ =	swait.ge [sflag:s14], $0x50  }
0x7d: {  	[sflag:s14] =	ssyncset.done $0x0  }
0x7e: {  	[sflag:s14] =	ssyncadd.s32 $0xFFFFFFB0  }
0x7f: {  	[tilespmem:s17], [sflag:$0x1] =	stream.indirect.gather [hbm4b:s3+s16], $0x80, s2, s16, $0xb8;
	[tilespmem:$0xA200] =	vst v63  }
0x80: {  	_ = 	snop  }
0x81: {  	[tilespmem:s18], [sflag:$0x3] =	stream.indirect.gather [hbm4b:s3+s16], $0x80, s15, s16, $0xb8;
	[tilespmem:$0xA200] =	vst v63  }
0x82: {  	s0 =	sadd.s32 $0x1400, s0;
	_ =	swait.ge [sflag:s30], $0x2800  }
0x83: {  	p0 =	sne.s32 s0, $0x4D800;
	[sflag:s30] =	ssyncset.done $0x0  }
.Ltmp0:
0x84: {  	[sflag:s30] =	ssyncadd.s32 $0xFFFFD800;
	(pc) =	sbr.rel @p0 .LBB2_2-.Ltmp0, $4  }
0x85: {  	s10 =	sadd.s32 $0x14, s10;
	_ =	swait.ge [sflag:s31], $0x2800  }
0x86: {  	s9 =	sadd.s32 $0x14, s9;
	p1 =	seq.s32 s8, $0x0;
	[sflag:s31] =	ssyncset.done $0x0  }
0x87: {  	s13 =	sadd.s32 $0xA00, s1;
	s1 =	sadd.s32 $0xA80, s1;
	[sflag:s31] =	ssyncadd.s32 $0xFFFFD800  }
0x88: {  	[hbm4b:s13+s25] =	stream.strided.scatter [tilespmem:s22], [sflag:$0x8], $0x2800, s26, s25, $0x38;
	[tilespmem:$0xA200] =	vst v63  }
0x89: {  	[hbm4b:s1+s25] =	stream.strided.scatter [tilespmem:s21], [sflag:$0x6], $0x2800, s26, s25, $0x38;
	[tilespmem:$0xA200] =	vst v63  }
0x8a: {  	s0 =	simm.s32 @!p1 $0x8  }
0x8b: {  	_ =	swait.ge @!p1 [sflag:s0], $0x2800  }
0x8c: {  	[sflag:s0] =	ssyncset.done @!p1 $0x0  }
0x8d: {  	[sflag:s0] =	ssyncadd.s32 @!p1 $0xFFFFD800;
	s0 =	simm.s32 @!p1 $0x6  }
0x8e: {  	_ =	swait.ge @!p1 [sflag:s0], $0x2800  }
0x8f: {  	[sflag:s0] =	ssyncset.done @!p1 $0x0  }
0x90: {  	[sflag:s0] =	ssyncadd.s32 @!p1 $0xFFFFD800  }
0x91: {  	[tilespmem:s19], [sflag:$0x9] =	stream.linear.gather [hbm4b:s10+s2], $0x50, $0x38;
	[tilespmem:$0xA200] =	vst v63  }
0x92: {  	_ =	swait.ge [sflag:s14], $0x50  }
0x93: {  	[sflag:s14] =	ssyncset.done $0x0  }
0x94: {  	[sflag:s14] =	ssyncadd.s32 $0xFFFFFFB0  }
0x95: {  	[tilespmem:s20], [sflag:$0x9] =	stream.linear.gather [hbm4b:s9+s2], $0x50, $0x38;
	[tilespmem:$0xA200] =	vst v63  }
0x96: {  	_ =	swait.ge [sflag:s14], $0x50  }
0x97: {  	[sflag:s14] =	ssyncset.done $0x0  }
0x98: {  	[sflag:s14] =	ssyncadd.s32 $0xFFFFFFB0  }
0x99: {  	[tilespmem:s21], [sflag:$0x2] =	stream.indirect.gather [hbm4b:s3+s16], $0x80, s19, s16, $0xb8;
	[tilespmem:$0xA200] =	vst v63  }
0x9a: {  	_ = 	snop  }
0x9b: {  	[tilespmem:s22], [sflag:$0x4] =	stream.indirect.gather [hbm4b:s3+s16], $0x80, s20, s16, $0xb8;
	[tilespmem:$0xA200] =	vst v63  }
0x9c: {  	_ =	swait.ge [sflag:s23], $0x2800  }
0x9d: {  	[sflag:s23] =	ssyncset.done $0x0  }
0x9e: {  	[sflag:s23] =	ssyncadd.s32 $0xFFFFD800  }
0x9f: {  	_ =	swait.ge [sflag:s24], $0x2800  }
0xa0: {  	s9 =	rddreg [dreg:$0x2];
	[sflag:s24] =	ssyncset.done $0x0  }
0xa1: {  	[sflag:s24] =	ssyncadd.s32 $0xFFFFD800;
	s0 =	sadd.s32 s8, s9  }
0xa2: {  	[hbm4b:s0+s25] =	stream.strided.scatter [tilespmem:s18], [sflag:$0x7], $0x2800, s26, s25, $0x38;
	[tilespmem:$0xA200] =	vst v63  }
0xa3: {  	s10 =	sadd.s32 $0x80, s0  }
0xa4: {  	[hbm4b:s10+s25] =	stream.strided.scatter [tilespmem:s17], [sflag:$0x5], $0x2800, s26, s25, $0x38;
	[tilespmem:$0xA200] =	vst v63  }
0xa5: {  	_ =	swait.ge [sflag:s28], $0x2800  }
0xa6: {  	[sflag:s28] =	ssyncset.done $0x0  }
0xa7: {  	[sflag:s28] =	ssyncadd.s32 $0xFFFFD800  }
0xa8: {  	s12 =	sadd.s32 $0xA0, s11;
	_ =	swait.ge [sflag:s29], $0x2800  }
0xa9: {  	s1 =	sshrl.u32 s12, $0x3;
	[sflag:s29] =	ssyncset.done $0x0  }
0xaa: {  	s13 =	sadd.s32 s4, s1;
	[sflag:s29] =	ssyncadd.s32 $0xFFFFD800  }
0xab: {  	[tilespmem:s2], [sflag:$0x9] =	stream.linear.gather [hbm4b:s13+s2], $0x50, $0x38;
	[tilespmem:$0xA200] =	vst v63  }
0xac: {  	_ =	swait.ge [sflag:s14], $0x50  }
0xad: {  	[sflag:s14] =	ssyncset.done $0x0  }
0xae: {  	s1 =	sadd.s32 s5, s1;
	[sflag:s14] =	ssyncadd.s32 $0xFFFFFFB0  }
0xaf: {  	[tilespmem:s15], [sflag:$0x9] =	stream.linear.gather [hbm4b:s1+s2], $0x50, $0x38;
	[tilespmem:$0xA200] =	vst v63  }
0xb0: {  	_ =	swait.ge [sflag:s14], $0x50  }
0xb1: {  	[sflag:s14] =	ssyncset.done $0x0  }
0xb2: {  	[sflag:s14] =	ssyncadd.s32 $0xFFFFFFB0  }
0xb3: {  	[tilespmem:s17], [sflag:$0x1] =	stream.indirect.gather [hbm4b:s3+s16], $0x80, s2, s16, $0xb8;
	[tilespmem:$0xA200] =	vst v63  }
0xb4: {  	_ = 	snop  }
0xb5: {  	[tilespmem:s18], [sflag:$0x3] =	stream.indirect.gather [hbm4b:s3+s16], $0x80, s15, s16, $0xb8;
	[tilespmem:$0xA200] =	vst v63  }
0xb6: {  	_ =	swait.ge [sflag:s30], $0x2800  }
0xb7: {  	[sflag:s30] =	ssyncset.done $0x0  }
0xb8: {  	[sflag:s30] =	ssyncadd.s32 $0xFFFFD800  }
0xb9: {  	_ =	swait.ge [sflag:s31], $0x2800  }
0xba: {  	[sflag:s31] =	ssyncset.done $0x0  }
0xbb: {  	s8 =	sadd.s32 $0xA00, s0;
	[sflag:s31] =	ssyncadd.s32 $0xFFFFD800  }
0xbc: {  	[hbm4b:s8+s25] =	stream.strided.scatter [tilespmem:s22], [sflag:$0x8], $0x2800, s26, s25, $0x38;
	[tilespmem:$0xA200] =	vst v63  }
0xbd: {  	s0 =	sadd.s32 $0xA80, s0  }
0xbe: {  	[hbm4b:s0+s25] =	stream.strided.scatter [tilespmem:s21], [sflag:$0x6], $0x2800, s26, s25, $0x38;
	[tilespmem:$0xA200] =	vst v63  }
0xbf: {  	_ =	swait.ge [sflag:s23], $0x2800  }
0xc0: {  	[sflag:s23] =	ssyncset.done $0x0  }
0xc1: {  	[sflag:s23] =	ssyncadd.s32 $0xFFFFD800  }
0xc2: {  	_ =	swait.ge [sflag:s24], $0x2800  }
0xc3: {  	[sflag:s24] =	ssyncset.done $0x0  }
0xc4: {  	s9 =	rddreg [dreg:$0x5];
	[sflag:s24] =	ssyncadd.s32 $0xFFFFD800  }
0xc5: {  	[hbm4b:s9+s25] =	stream.strided.scatter [tilespmem:s18], [sflag:$0x7], $0x2800, s26, s25, $0x38;
	[tilespmem:$0xA200] =	vst v63  }
0xc6: {  	s11 =	simm.s32 $0x8;
	s10 =	rddreg [dreg:$0x6]  }
0xc7: {  	[hbm4b:s10+s25] =	stream.strided.scatter [tilespmem:s17], [sflag:$0x5], $0x2800, s26, s25, $0x38;
	[tilespmem:$0xA200] =	vst v63  }
0xc8: {  	_ =	swait.ge [sflag:s11], $0x2800  }
0xc9: {  	[sflag:s11] =	ssyncset.done $0x0  }
0xca: {  	s12 =	simm.s32 $0x6;
	[sflag:s11] =	ssyncadd.s32 $0xFFFFD800  }
0xcb: {  	_ =	swait.ge [sflag:s12], $0x2800  }
0xcc: {  	[sflag:s12] =	ssyncset.done $0x0  }
0xcd: {  	[sflag:s12] =	ssyncadd.s32 $0xFFFFD800  }
0xce: {  	_ =	swait.ge [sflag:s28], $0x2800  }
0xcf: {  	[sflag:s28] =	ssyncset.done $0x0  }
0xd0: {  	[sflag:s28] =	ssyncadd.s32 $0xFFFFD800  }
0xd1: {  	_ =	swait.ge [sflag:s29], $0x2800  }
0xd2: {  	s6 =	sadd.s32 $0x1, s6;
	s13 =	rddreg [dreg:$0x7]  }
0xd3: {  	p0 =	sne.s32 s6, s13  }
.Ltmp1:
0xd4: {  	_ = 	snop;
	(pc) =	sbr.rel @p0 .LBB2_1-.Ltmp1, $3  }
0xd5: {  	_ =	sdelay $0x1  }
0xd6: {  	[sflag:s29] =	ssyncset.done $0x0  }
0xd7: {  	[sflag:s29] =	ssyncadd.s32 $0xFFFFD800  }
0xd8: {  	_ =	sfence.sel $0x180000  }
0xd9: {  	[bflag:$0x0] =	sbarrier.arrive $0xFFFF  }
0xda: {  	_ =	strace $0x90000056  }
0xdb: {  	s0 =	stileid.u32;
	[bflag:$0x2] =	sbarrier.arrive $0xFFFF  }
0xdc: {  	p0 =	sne.s32 s0, $0x0;
	s0 =	rddreg [dreg:$0x1]  }
0xdd: {  	s0 =	sadd.s32 @!p0 $0x100000, s0  }
0xde: {  	[sflag:s0] =	ssyncadd.tile.s32 @!p0 $0x1;
	_ =	shalt  }
.Lfunc_end2:
_tile_overlayer_lowered:
.L_overlay_start_2:
0xdf: {  	(tag) =	ssettag $0x2  }
0xe0: {  	s0 =	rddreg [dreg:$0x0];
	s2 =	stileid.u32  }
0xe1: {  	s1 =	rddreg [dreg:$0x1];
	p0 =	sne.s32 s2, $0x0  }
0xe2: {  	s3 =	rddreg [dreg:$0x2];
	[bflag:$0x3] =	sbarrier.arrive $0xFFFF;
	s2 =	simm.s32 @!p0 $0x1C09  }
0xe3: {  	[timem:s3], [sflag:s2] =	dma.local @!p0 [hbm:s0], s1  }
0xe4: {  	s0 =	simm.s32 @!p0 $0x9  }
0xe5: {  	_ =	swait.ge @!p0 [sflag:s0], s1  }
0xe6: {  	s1 =	ssub.s32 @!p0 $0x0, s1;
	[sflag:s0] =	ssyncset.done @!p0 $0x0  }
0xe7: {  	[sflag:s0] =	ssyncadd.s32 @!p0 s1  }
0xe8: {  	[bflag:$0x3] =	sbarrier.arrive $0xFFFF  }
0xe9: {  	_ =	shalt  }

// kernel: kernel.35.cloned.1.call-start
scs
__scs_entry_jumppad:
0x0: {  	(pc) =	sbr.rel $0x88, $3  }
0x1: {  	(tag) =	ssettag $0x0;
	lr =	simm.s32 $0x1  }
0x2: {  	[smem:$0x3F5A] =	sst lr;
	_ =	strace $0xD0000000  }
0x3: {  	_ = 	snop  }
0x4: {  	_ = 	snop  }
0x5: {  	_ = 	snop  }
0x6: {  	_ = 	snop  }
0x7: {  	_ = 	snop  }
__scs_overlays_trampoline_lowered:
0x8: {  	[smem:$0x3F69] =	sst s0  }
0x9: {  	[smem:$0x3F6A] =	sst s1  }
0xa: {  	[smem:$0x3F6B] =	sst s2  }
0xb: {  	[smem:$0x3F6C] =	sst s3  }
0xc: {  	[smem:$0x3F6D] =	sst s4  }
0xd: {  	[smem:$0x3F6E] =	sst s5  }
0xe: {  	[smem:$0x3F6F] =	sst s6  }
0xf: {  	[smem:$0x3F70] =	sst s7  }
0x10: {  	[smem:$0x3F71] =	sst s8  }
0x11: {  	[smem:$0x3F72] =	sst s9;
	s0 =	simm.s32 @!p0 $0x0  }
0x12: {  	s1 =	sld [smem:$0x3F58];
	s0 =	simm.s32 @p0 $0x1  }
0x13: {  	[smem:$0x3F73] =	sst s0;
	s0 =	simm.s32 @!p1 $0x0  }
0x14: {  	s2 =	sld [smem:$0x3F57];
	s0 =	simm.s32 @p1 $0x1  }
0x15: {  	[smem:$0x3F74] =	sst s0;
	s0 =	simm.s32 @!p2 $0x0  }
0x16: {  	s3 =	sld [smem:$0x3FDB];
	s0 =	simm.s32 @p2 $0x1  }
0x17: {  	s4 =	simm.s32 $0x1BF5;
	[smem:$0x3F76] =	sst s0  }
0x18: {  	s0 =	sld [smem:$0x3F59];
	_ =	swait.ge [sflag:s4], $0x0  }
0x19: {  	s7 =	sld [smem:$0x3F5A]  }
0x1a: {  	s8 =	sadd.s32 $0xFFFFE003, lr  }
0x1b: {  	s9 =	sadd.s32 $0xFFFFFEF7, lr;
	s5 =	simm.s32 $0xFFFFFFFF;
	p2 =	slt.u32 s8, $0xFFFFF086  }
0x1c: {  	p1 =	slt.u32 s9, $0xF7A;
	s5 =	simm.s32 @!p2 $0x0  }
0x1d: {  	s5 =	simm.s32 @p1 $0x1;
	p0 =	seq.s32 s7, s2  }
0x1e: {  	s7 =	smul.u32 @!p0 $0xF7A, s2;
	p2 =	seq.s32 @!p0 s5, $0x0  }
0x1f: {  	s9 =	smul.u32 $0xF7A, s1;
	s8 =	simm.s32 @!p0 $0x1BF5;
	p2 =	por !p2, p0  }
0x20: {  	[sflag:s8] =	ssyncset.s32 @!p0 $0xFFFFF086;
	s6 =	sadd.s32 @!p0 s3, s7;
	s7 =	simm.s32 @!p0 $0x108  }
0x21: {  	s3 =	sadd.s32 s3, s9;
	s6 =	sadd.s32 @!p0 $0x88, s6;
	s7 =	simm.s32 @p2 $0x1082  }
0x22: {  	[simem:s7], [sflag:s8] =	dma.local @!p0 [hbm:s6], $0xF7A  }
0x23: {  	s9 =	sor.u32 $0xD0000000, s2;
	s6 =	simm.s32 $0x108;
	_ =	swait.ge @!p0 [sflag:s8], $0x0  }
0x24: {  	s3 =	sadd.s32 $0x88, s3;
	s6 =	simm.s32 @!p1 $0x1082;
	[sflag:s4] =	ssyncset.s32 $0xFFFFF086  }
0x25: {  	[simem:s6], [sflag:s4] =	dma.local [hbm:s3], $0xF7A  }
0x26: {  	[smem:$0x3F5A] =	sst s1;
	(tag) =	ssettag s2;
	_ =	strace s9  }
0x27: {  	s1 =	sld [smem:$0x3F6A]  }
0x28: {  	s2 =	sld [smem:$0x3F6B]  }
0x29: {  	s4 =	sld [smem:$0x3F6D]  }
0x2a: {  	p0 =	seq.s32 s5, $0x0;
	s5 =	sld [smem:$0x3F6E]  }
0x2b: {  	s6 =	sld [smem:$0x3F6F]  }
0x2c: {  	s7 =	sld [smem:$0x3F70]  }
0x2d: {  	s3 =	simm.s32 $0x108;
	s8 =	sld [smem:$0x3F71]  }
0x2e: {  	s3 =	simm.s32 @!p0 $0x1082;
	s9 =	sld [smem:$0x3F72]  }
0x2f: {  	lr =	sadd.s32 s0, s3;
	s0 =	sld [smem:$0x3F69]  }
0x30: {  	s3 =	sld [smem:$0x3F6C]  }
0x31: {  	[smem:$0x3F75] =	sst s10  }
0x32: {  	s10 =	sld [smem:$0x3F73];
	_ =	sdelay $0x3  }
0x33: {  	p0 =	seq.s32 s10, $0x1;
	s10 =	sld [smem:$0x3F75];
	_ =	sdelay $0x3  }
0x34: {  	[smem:$0x3F75] =	sst s10  }
0x35: {  	s10 =	sld [smem:$0x3F74];
	_ =	sdelay $0x3  }
0x36: {  	p1 =	seq.s32 s10, $0x1;
	s10 =	sld [smem:$0x3F75];
	_ =	sdelay $0x3  }
0x37: {  	[smem:$0x3F75] =	sst s10  }
0x38: {  	s10 =	sld [smem:$0x3F76]  }
0x39: {  	_ = 	snop;
	(pc) =	sbr.ind lr, $3  }
0x3a: {  	_ = 	snop  }
0x3b: {  	_ = 	snop  }
0x3c: {  	p2 =	seq.s32 s10, $0x1;
	s10 =	sld [smem:$0x3F75]  }
0x3d: {  	_ =	shalt  }
0x3e: {  	_ =	shalt  }
0x3f: {  	_ =	shalt  }
0x40: {  	_ =	shalt  }
0x41: {  	_ =	shalt  }
0x42: {  	_ =	shalt  }
0x43: {  	_ =	shalt  }
0x44: {  	_ =	shalt  }
0x45: {  	_ =	shalt  }
0x46: {  	_ =	shalt  }
0x47: {  	_ =	shalt  }
0x48: {  	_ =	shalt  }
0x49: {  	_ =	shalt  }
0x4a: {  	_ =	shalt  }
0x4b: {  	_ =	shalt  }
0x4c: {  	_ =	shalt  }
0x4d: {  	_ =	shalt  }
0x4e: {  	_ =	shalt  }
0x4f: {  	_ =	shalt  }
0x50: {  	_ =	shalt  }
0x51: {  	_ =	shalt  }
0x52: {  	_ =	shalt  }
0x53: {  	_ =	shalt  }
0x54: {  	_ =	shalt  }
0x55: {  	_ =	shalt  }
0x56: {  	_ =	shalt  }
0x57: {  	_ =	shalt  }
0x58: {  	_ =	shalt  }
0x59: {  	_ =	shalt  }
0x5a: {  	_ =	shalt  }
0x5b: {  	_ =	shalt  }
0x5c: {  	_ =	shalt  }
0x5d: {  	_ =	shalt  }
0x5e: {  	_ =	shalt  }
0x5f: {  	_ =	shalt  }
0x60: {  	_ =	shalt  }
0x61: {  	_ =	shalt  }
0x62: {  	_ =	shalt  }
0x63: {  	_ =	shalt  }
0x64: {  	_ =	shalt  }
0x65: {  	_ =	shalt  }
0x66: {  	_ =	shalt  }
0x67: {  	_ =	shalt  }
0x68: {  	_ =	shalt  }
0x69: {  	_ =	shalt  }
0x6a: {  	_ =	shalt  }
0x6b: {  	_ =	shalt  }
0x6c: {  	_ =	shalt  }
0x6d: {  	_ =	shalt  }
0x6e: {  	_ =	shalt  }
0x6f: {  	_ =	shalt  }
0x70: {  	_ =	shalt  }
0x71: {  	_ =	shalt  }
0x72: {  	_ =	shalt  }
0x73: {  	_ =	shalt  }
0x74: {  	_ =	shalt  }
0x75: {  	_ =	shalt  }
0x76: {  	_ =	shalt  }
0x77: {  	_ =	shalt  }
0x78: {  	_ =	shalt  }
0x79: {  	_ =	shalt  }
0x7a: {  	_ =	shalt  }
0x7b: {  	_ =	shalt  }
0x7c: {  	_ =	shalt  }
0x7d: {  	_ =	shalt  }
0x7e: {  	_ =	shalt  }
0x7f: {  	_ =	shalt  }
0x80: {  	_ =	shalt  }
0x81: {  	_ =	shalt  }
0x82: {  	_ =	shalt  }
0x83: {  	_ =	shalt  }
0x84: {  	_ =	shalt  }
0x85: {  	_ =	shalt  }
0x86: {  	_ =	shalt  }
0x87: {  	_ =	shalt  }
.Lfunc_end0:
.L_simem_size_0:
called_computation.6_lowered:
.L_overlay_start_0:
0x88: {  	s2 =	sld [smem:$0x3FD9]  }
0x89: {  	s3 =	sld [smem:$0x3FFE];
	_ =	sdelay $0x1  }
0x8a: {  	s1 =	srdreg.scid  }
0x8b: {  	s0 =	sand.u32 $0x1, s1  }
0x8c: {  	s16 =	sshll.u32 s0, $0xA;
	s2 =	sadd.s32 s3, s2  }
0x8d: {  	s2 =	sadd.s32 s2, s16  }
0x8e: {  	[smem:$0x3F81] =	sst s2  }
0x8f: {  	_ = 	snop  }
0x90: {  	(tm) =	ssettm $0x1  }
0x91: {  	s17 =	sld [smem:$0x3FFB];
	_ =	sdelay $0x3  }
0x92: {  	_ =	strace s17  }
0x93: {  	s2 =	sld [smem:$0x3FFC];
	_ =	sdelay $0x3  }
0x94: {  	_ =	strace s2  }
0x95: {  	s2 =	sld [smem:$0x3FFD];
	_ =	sdelay $0x3  }
0x96: {  	_ =	strace s2  }
0x97: {  	_ =	strace $0x8FFFFFFF  }
0x98: {  	s18 =	sld [smem:$0x3FDB];
	_ =	sdelay $0x1  }
0x99: {  	s19 =	simm.s32 $_scs_section_size  }
0x9a: {  	s4 =	simm.s32 $_size__tile_overlayer_lowered;
	s5 =	simm.s32 $_tile_overlayer_lowered  }
0x9b: {  	s22 =	simm.s32 $0x1BFF;
	s21 =	sshll.u32 s5, $0x1;
	s2 =	sadd.s32 s19, s18  }
0x9c: {  	s6 =	simm.s32 $0x0;
	s20 =	sshll.u32 s4, $0x1;
	s4 =	sadd.s32 s21, s2  }
0x9d: {  	[timem:s6], [sflag:s22] =	dma.local [hbm:s4], s20  }
0x9e: {  	_ =	swait.ge [sflag:s22], s20  }
0x9f: {  	s3 =	ssub.s32 $0x0, s20;
	[sflag:s22] =	ssyncset.done $0x0  }
0xa0: {  	[sflag:s22] =	ssyncadd.s32 s3;
	_ =	sdelay $0x1  }
0xa1: {  	s23 =	simm.s32 $0x1B8B  }
0xa2: {  	_ =	swait.ge [sflag:s23], $0x1  }
0xa3: {  	[sflag:s23] =	ssyncset.done $0x0  }
0xa4: {  	s25 =	simm.s32 $0x1B8E;
	s24 =	sld [smem:$0x3FFE];
	[sflag:s23] =	ssyncadd.s32 $0xFFFFFFFF  }
0xa5: {  	s26 =	simm.s32 $execute0_lowered;
	[smem:$0x3FD2] =	sst s25  }
0xa6: {  	s4 =	sshll.u32 s26, $0x1;
	_ =	strace $0x80000058;
	[dreg:$0x1] =	wrdreg $0xFFFFFFFF  }
0xa7: {  	s28 =	simm.s32 $_size_execute0_lowered;
	s2 =	sadd.s32 s2, s4;
	[dreg:$0x0] =	wrdreg $0x0  }
0xa8: {  	s4 =	sshll.u32 s28, $0x1;
	[dreg:$0x2] =	wrdreg s2  }
0xa9: {  	[dreg:$0x3] =	wrdreg s4  }
0xaa: {  	[dreg:$0x4] =	wrdreg $0xC0  }
0xab: {  	_ =	task [dreg:s6], $0x5FFFF  }
0xac: {  	[dreg:$0x1] =	wrdreg $0xFFFFFFFF  }
0xad: {  	[dreg:$0x0] =	wrdreg $0x60  }
0xae: {  	[dreg:$0x2] =	wrdreg s24  }
0xaf: {  	[dreg:$0x3] =	wrdreg $0x0  }
0xb0: {  	[dreg:$0x4] =	wrdreg $0x9  }
0xb1: {  	_ =	task.clear_ibuf [dreg:s6], $0x5FFFF;
	_ =	strace $0x90000058  }
0xb2: {  	s29 =	simm.s32 $0x9;
	_ =	strace $0x8000005A  }
0xb3: {  	_ =	swait.ge [sflag:s29], $0x1  }
0xb4: {  	[sflag:s29] =	ssyncadd.s32 $0xFFFFFFFF  }
0xb5: {  	_ =	strace $0x9000005A  }
0xb6: {  	_ =	sfence  }
0xb7: {  	s30 =	sld [smem:$0x0];
	_ =	sdelay $0x2  }
0xb8: {  	s31 =	sshll.u32 s1, $0xD;
	s1 =	sshrl.u32 s1, $0x2  }
0xb9: {  	s3 =	sand.u32 $0x4000, s31;
	s1 =	sadd.s32 s1, s30  }
0xba: {  	s0 =	sor.u32 s3, s0;
	s1 =	sshll.u32 s1, $0x11  }
0xbb: {  	s0 =	sor.u32 s1, s0  }
0xbc: {  	s0 =	sadd.s32 $0x8F2B, s0  }
0xbd: {  	[sflag:s0] =	ssyncadd.remote.s32 $0x1  }
0xbe: {  	_ =	sfence.sel $0xFFFF  }
0xbf: {  	[dreg:$0x0] =	wrdreg $0xFFFFFFFF;
	(pc) =	sbr.abs _section_cstart, $3  }
0xc0: {  	[dreg:$0x1] =	wrdreg $0xFFFFFFFF  }
0xc1: {  	_ =	task.clear_ibuf [dreg:s6], $0x2FFFF;
	_ =	strace $0x9FFFFFFF  }
0xc2: {  	(tm) =	ssettm $0x7FFFFFFF  }
0xc3: {  	_ =	shalt  }
tec
execute0_lowered:
.L_overlay_start_1:
0x0: {  	(tag) =	ssettag $0x1  }
0x1: {  	s0 =	stileid.u32  }
0x2: {  	s1 =	srdreg.scid;
	s4 =	rddreg [dreg:$0x0]  }
0x3: {  	s2 =	rddreg [dreg:$0x1];
	s3 =	simm.s32 $0x0;
	s6 =	smul.u32 $0x4E20, s0  }
0x4: {  	s14 =	simm.s32 $0x50;
	s15 =	simm.s32 $0x0;
	s8 =	smul.u32 $0x9C40, s0  }
0x5: {  	s5 =	sand.u32 $0x1, s1;
	s1 =	rddreg [dreg:$0x2];
	s28 =	smul.u32 $0x2800, s0  }
0x6: {  	[smem:$0x7FF] =	sst s3;
	s31 =	sshll.u32 s0, $0x6;
	s7 =	smul.u32 $0x2710, s5  }
0x7: {  	s9 =	smul.u32 $0x28000, s5;
	_ =	strace $0x80000059;
	s11 =	ssub.s32 $0x2, s5  }
0x8: {  	s30 =	smul.u32 $0x4E20, s5;
	s5 =	sor.u32 $0x1C01, s31;
	s8 =	sadd.s32 s8, s4  }
0x9: {  	s29 =	sshrl.u32 s28, $0x3;
	s12 =	sshrl.u32 s11, $0x1;
	s13 =	sadd.s32 s28, s2  }
0xa: {  	s6 =	sadd.s32 s7, s6;
	s9 =	sadd.s32 s28, s9;
	s11 =	ssub.s32 s11, s12  }
0xb: {  	s8 =	sadd.s32 s30, s8;
	s12 =	simm.s32 $0x2800;
	s6 =	sshrl.u32 s6, $0x3  }
0xc: {  	s9 =	sshrl.u32 s9, $0x3;
	s7 =	smax.u32 s11, $0x1;
	s8 =	sadd.s32 $0x583600, s8  }
0xd: {  	s10 =	sadd.s32 s6, s4;
	s6 =	sadd.s32 s29, s4;
	s9 =	sadd.s32 s9, s4  }
0xe: {  	s11 =	simm.s32 $0x1;
	s4 =	sadd.s32 $0x21000, s6;
	s6 =	sadd.s32 $0xA1600, s9  }
0xf: {  	s9 =	sadd.s32 $0x17200, s10;
	s10 =	sshrl.u32 s13, $0x3;
	s13 =	simm.s32 $0x2850  }
.LBB2_1:
0x10: {  	[spmem:s10], [sflag:s5] =	dma.local [hbm:s4], $0x500  }
0x11: {  	_ =	swait.ge [sflag:s11], $0x500  }
0x12: {  	[sflag:s11] =	ssyncset.done $0x0  }
0x13: {  	[sflag:s11] =	ssyncadd.s32 $0xFFFFFB00  }
0x14: {  	s16 =	sadd.s32 $0x0, s9;
	[bflag:$0x0] =	sbarrier.arrive $0xFFFF  }
0x15: {  	[tilespmem:s12], [sflag:$0x1] =	stream.linear.gather [hbm4b:s16+s3], $0x50, $0x38;
	[tilespmem:$0x2D50] =	vst v63  }
0x16: {  	_ =	swait.ge [sflag:s11], $0x50  }
0x17: {  	[sflag:s11] =	ssyncset.done $0x0  }
0x18: {  	[sflag:s11] =	ssyncadd.s32 $0xFFFFFFB0  }
0x19: {  	[tilespmem:s13], [sflag:$0x1] =	stream.linear.gather [hbm4b:s8+s3], $0x500, $0x38;
	[tilespmem:$0x2D50] =	vst v63  }
0x1a: {  	_ =	swait.ge [sflag:s11], $0x500  }
0x1b: {  	[sflag:s11] =	ssyncset.done $0x0  }
0x1c: {  	[sflag:s11] =	ssyncadd.s32 $0xFFFFFB00  }
0x1d: {  	[spmem:s2] =	stream.indirect.scatter.add.f32 [tilespmem:s13], [sflag:$0x1], $0x10, s12, s14, $0xb8;
	[tilespmem:$0x2D50] =	vst v63  }
0x1e: {  	s17 =	simm.s32 $0xA;
	_ =	swait.ge [sflag:s11], $0x500  }
0x1f: {  	s18 =	simm.s32 $0x14;
	s16 =	sadd.s32 $0xA0, s8;
	[sflag:s11] =	ssyncset.done $0x0  }
.LBB2_2:
0x20: {  	s19 =	sadd.s32 s17, s9  }
0x21: {  	[sflag:s11] =	ssyncadd.s32 $0xFFFFFB00;
	s17 =	smov.u32 s18;
	s20 =	sadd.s32 $0xA, s18  }
0x22: {  	[tilespmem:s12], [sflag:$0x1] =	stream.linear.gather [hbm4b:s19+s3], $0x50, $0x38;
	[tilespmem:$0x2D50] =	vst v63  }
0x23: {  	p0 =	sne.s32 s18, $0x4D8;
	_ =	swait.ge [sflag:s11], $0x50  }
0x24: {  	[sflag:s11] =	ssyncset.done $0x0  }
0x25: {  	[sflag:s11] =	ssyncadd.s32 $0xFFFFFFB0  }
0x26: {  	[tilespmem:s13], [sflag:$0x1] =	stream.linear.gather [hbm4b:s16+s3], $0x500, $0x38;
	[tilespmem:$0x2D50] =	vst v63  }
0x27: {  	_ =	swait.ge [sflag:s11], $0x500  }
.Ltmp0:
0x28: {  	[sflag:s11] =	ssyncset.done $0x0;
	(pc) =	sbr.rel @p0 .LBB2_2-.Ltmp0, $4  }
0x29: {  	[sflag:s11] =	ssyncadd.s32 $0xFFFFFB00  }
0x2a: {  	[spmem:s2] =	stream.indirect.scatter.add.f32 [tilespmem:s13], [sflag:$0x1], $0x10, s12, s14, $0xb8;
	[tilespmem:$0x2D50] =	vst v63  }
0x2b: {  	_ =	swait.ge [sflag:s11], $0x500  }
0x2c: {  	s18 =	smov.u32 s20;
	s16 =	sadd.s32 $0xA0, s16;
	[sflag:s11] =	ssyncset.done $0x0  }
0x2d: {  	s17 =	sadd.s32 s17, s9;
	[sflag:s11] =	ssyncadd.s32 $0xFFFFFB00  }
0x2e: {  	[tilespmem:s12], [sflag:$0x1] =	stream.linear.gather [hbm4b:s17+s3], $0x50, $0x38;
	[tilespmem:$0x2D50] =	vst v63  }
0x2f: {  	_ =	swait.ge [sflag:s11], $0x50  }
0x30: {  	[sflag:s11] =	ssyncset.done $0x0  }
0x31: {  	[sflag:s11] =	ssyncadd.s32 $0xFFFFFFB0  }
0x32: {  	[tilespmem:s13], [sflag:$0x1] =	stream.linear.gather [hbm4b:s16+s3], $0x500, $0x38;
	[tilespmem:$0x2D50] =	vst v63  }
0x33: {  	_ =	swait.ge [sflag:s11], $0x500  }
0x34: {  	[sflag:s11] =	ssyncset.done $0x0  }
0x35: {  	[sflag:s11] =	ssyncadd.s32 $0xFFFFFB00  }
0x36: {  	[spmem:s2] =	stream.indirect.scatter.add.f32 [tilespmem:s13], [sflag:$0x1], $0x10, s12, s14, $0xb8;
	[tilespmem:$0x2D50] =	vst v63  }
0x37: {  	_ =	swait.ge [sflag:s11], $0x500  }
0x38: {  	s15 =	sadd.s32 $0x1, s15;
	[sflag:s11] =	ssyncset.done $0x0  }
0x39: {  	p0 =	sne.s32 s15, s7;
	[sflag:s11] =	ssyncadd.s32 $0xFFFFFB00  }
.Ltmp1:
0x3a: {  	[bflag:$0x0] =	sbarrier.arrive $0xFFFF;
	(pc) =	sbr.rel @p0 .LBB2_1-.Ltmp1, $4  }
0x3b: {  	[hbm:s6], [sflag:s5] =	dma.local [spmem:s10], $0x500  }
0x3c: {  	_ =	swait.ge [sflag:s11], $0x500  }
0x3d: {  	[sflag:s11] =	ssyncset.done $0x0  }
0x3e: {  	[sflag:s11] =	ssyncadd.s32 $0xFFFFFB00  }
0x3f: {  	_ =	sfence.sel $0x180000  }
0x40: {  	[bflag:$0x0] =	sbarrier.arrive $0xFFFF  }
0x41: {  	p0 =	sne.s32 s0, $0x0;
	_ =	strace $0x90000059  }
0x42: {  	s0 =	sadd.s32 @!p0 $0x100000, s1;
	[bflag:$0x2] =	sbarrier.arrive $0xFFFF  }
0x43: {  	[sflag:s0] =	ssyncadd.tile.s32 @!p0 $0x1;
	_ =	shalt  }
.Lfunc_end2:
_tile_overlayer_lowered:
.L_overlay_start_2:
0x44: {  	(tag) =	ssettag $0x2  }
0x45: {  	s0 =	rddreg [dreg:$0x0];
	s2 =	stileid.u32  }
0x46: {  	s1 =	rddreg [dreg:$0x1];
	p0 =	sne.s32 s2, $0x0  }
0x47: {  	s3 =	rddreg [dreg:$0x2];
	[bflag:$0x3] =	sbarrier.arrive $0xFFFF;
	s2 =	simm.s32 @!p0 $0x1C01  }
0x48: {  	[timem:s3], [sflag:s2] =	dma.local @!p0 [hbm:s0], s1  }
0x49: {  	s0 =	simm.s32 @!p0 $0x1  }
0x4a: {  	_ =	swait.ge @!p0 [sflag:s0], s1  }
0x4b: {  	s1 =	ssub.s32 @!p0 $0x0, s1;
	[sflag:s0] =	ssyncset.done @!p0 $0x0  }
0x4c: {  	[sflag:s0] =	ssyncadd.s32 @!p0 s1  }
0x4d: {  	[bflag:$0x3] =	sbarrier.arrive $0xFFFF  }
0x4e: {  	_ =	shalt  }

</sc_bundles>
